<compile_context>
chip_gen: v7x
topology: tpu7x:2x2x1
jax: 0.10.2.dev20260603
libtpu: 0.0.44.dev20260713+nightly
codegen_flags: <defaults>
</compile_context>

<pallas_src>
import functools

import jax
import jax.numpy as jnp
from jax import lax
from jax.experimental import pallas as pl
from jax.experimental.pallas import tpu as pltpu
from jax.experimental.pallas import tpu_sc as plsc

N = 10000
E = 160000
D = 128
PD = 16
F = D + PD
CNT_LANE = 8
CH = 128
NCH = E // CH
NC = 2
NS = 16
NW = NC * NS
STRIPE = N // NS
DT = 0.001
DH = 0.001

BE = 4000
BN = 2000

_mesh = plsc.VectorSubcoreMesh(core_axis_name="c", subcore_axis_name="s")


def _make_gather(nch):
    ne = nch * CH

    @functools.partial(
        pl.kernel,
        out_type=(
            jax.ShapeDtypeStruct((ne, D), jnp.float32),
            jax.ShapeDtypeStruct((ne, D), jnp.float32),
            jax.ShapeDtypeStruct((ne, PD), jnp.float32),
        ),
        mesh=_mesh,
        scratch_types=[
            pltpu.VMEM((CH,), jnp.int32),
            pltpu.VMEM((CH,), jnp.int32),
            pltpu.VMEM((CH, D), jnp.float32),
            pltpu.VMEM((CH, D), jnp.float32),
            pltpu.VMEM((CH, PD), jnp.float32),
            pltpu.VMEM((CH, PD), jnp.float32),
            pltpu.SemaphoreType.DMA,
            pltpu.SemaphoreType.DMA,
            pltpu.SemaphoreType.DMA,
            pltpu.SemaphoreType.DMA,
        ],
        compiler_params=pltpu.CompilerParams(use_tc_tiling_on_sc=False),
    )
    def _g(a_hbm, b_hbm, posp_hbm, row_hbm, col_hbm, ar_hbm, bc_hbm,
           pd_hbm, idxr, idxc, av, bv, prv, pcv, s0, s1, s2, s3):
        wid = lax.axis_index("s") * NC + lax.axis_index("c")
        nck = (nch - wid + NW - 1) // NW

        def chunk(k, carry):
            j = wid + k * NW
            base = j * CH
            pltpu.sync_copy(row_hbm.at[j], idxr)
            pltpu.sync_copy(col_hbm.at[j], idxc)
            cp0 = pltpu.async_copy(a_hbm.at[idxr], av, s0)
            cp1 = pltpu.async_copy(b_hbm.at[idxc], bv, s1)
            cp2 = pltpu.async_copy(posp_hbm.at[idxr], prv, s2)
            cp3 = pltpu.async_copy(posp_hbm.at[idxc], pcv, s3)
            cp2.wait()
            cp3.wait()

            def drow(i, c2):
                prv[i, :] = prv[i, :] - pcv[i, :]
                return c2

            lax.fori_loop(0, CH, drow, 0, unroll=4)
            cp0.wait()
            cp1.wait()
            pltpu.sync_copy(av, ar_hbm.at[pl.ds(base, CH)])
            pltpu.sync_copy(bv, bc_hbm.at[pl.ds(base, CH)])
            pltpu.sync_copy(prv, pd_hbm.at[pl.ds(base, CH)])
            return carry

        lax.fori_loop(0, nck, chunk, 0)

    return _g


NSPLIT = 2
_gather_part = _make_gather(NCH // NSPLIT)


def _make_scatter(nch):
    @functools.partial(
        pl.kernel,
        out_type=(
            jax.ShapeDtypeStruct((NC, N, D), jnp.float32),
            jax.ShapeDtypeStruct((NC, N, PD), jnp.float32),
        ),
        mesh=_mesh,
        scratch_types=[
            pltpu.VMEM((CH, D), jnp.float32),
            pltpu.VMEM((CH, PD), jnp.float32),
            pltpu.VMEM((CH,), jnp.int32),
            pltpu.VMEM_SHARED((N, D), jnp.float32),
            pltpu.VMEM_SHARED((N, PD), jnp.float32),
        ],
        compiler_params=pltpu.CompilerParams(use_tc_tiling_on_sc=False),
    )
    def _s(e_hbm, tr_hbm, row_hbm, z_hbm, zt_hbm, parts_hbm, parts2_hbm,
           ev, trv, idxv, acc, acc2):
        cid = lax.axis_index("c")
        sid = lax.axis_index("s")
        wid = sid * NC + cid
        pltpu.sync_copy(z_hbm, acc.at[pl.ds(sid * STRIPE, STRIPE)])
        pltpu.sync_copy(zt_hbm, acc2.at[pl.ds(sid * STRIPE, STRIPE)])
        plsc.subcore_barrier()

        nck = (nch - wid + NW - 1) // NW

        def chunk(k, carry):
            j = wid + k * NW
            pltpu.sync_copy(row_hbm.at[j], idxv)
            pltpu.sync_copy(e_hbm.at[pl.ds(j * CH, CH)], ev)
            pltpu.sync_copy(tr_hbm.at[pl.ds(j * CH, CH)], trv)
            pltpu.sync_copy(ev, acc.at[idxv], add=True)
            pltpu.sync_copy(trv, acc2.at[idxv], add=True)
            return carry

        lax.fori_loop(0, nck, chunk, 0)
        plsc.subcore_barrier()
        pltpu.sync_copy(acc.at[pl.ds(sid * STRIPE, STRIPE)],
                        parts_hbm.at[cid, pl.ds(sid * STRIPE, STRIPE)])
        pltpu.sync_copy(acc2.at[pl.ds(sid * STRIPE, STRIPE)],
                        parts2_hbm.at[cid, pl.ds(sid * STRIPE, STRIPE)])

    return _s


_scatter_part = _make_scatter(NCH // NSPLIT)


def _prep_body(h, W1a, W1b, b1, a_out, b_out):
    hb = h[...].astype(jnp.bfloat16)
    a_out[...] = (jnp.dot(hb, W1a[...], preferred_element_type=jnp.float32)
                  + b1[...])
    b_out[...] = jnp.dot(hb, W1b[...], preferred_element_type=jnp.float32)


def _tc_prep(h, W1a, W1b, b1):
    nb = N // BN
    wspec = lambda shape: pl.BlockSpec(shape, lambda i: (0, 0))
    return pl.pallas_call(
        _prep_body,
        grid=(nb,),
        in_specs=[
            pl.BlockSpec((BN, D), lambda i: (i, 0)),
            wspec((D, D)), wspec((D, D)), wspec((1, D)),
        ],
        out_specs=[
            pl.BlockSpec((BN, D), lambda i: (i, 0)),
            pl.BlockSpec((BN, D), lambda i: (i, 0)),
        ],
        out_shape=[
            jax.ShapeDtypeStruct((N, D), jnp.float32),
            jax.ShapeDtypeStruct((N, D), jnp.float32),
        ],
        compiler_params=pltpu.CompilerParams(
            dimension_semantics=("arbitrary",)),
    )(h, W1a, W1b, b1)


def _edge_body(ar, bc, pd, w1r, W2, b2, Wc1, bc1, Wc2, out_e, out_tr):
    f32 = jnp.float32
    bf = jnp.bfloat16
    pdv = pd[...]
    radial = jnp.sum(pdv * pdv, axis=1, keepdims=True)
    x = ar[...] + bc[...] + radial * w1r[...]
    x = x * jax.nn.sigmoid(x)
    x = jnp.dot(x.astype(bf), W2[...], preferred_element_type=f32) + b2[...]
    e = x * jax.nn.sigmoid(x)
    eb = e.astype(bf)
    y = jnp.dot(eb, Wc1[...], preferred_element_type=f32) + bc1[...]
    y = y * jax.nn.sigmoid(y)
    cw = y @ Wc2[...]
    tr = jnp.clip(pdv * cw, -100.0, 100.0)
    lane = lax.broadcasted_iota(jnp.int32, (1, PD), 1)
    tr = jnp.where(lane == CNT_LANE, 1.0, tr)
    out_e[...] = e
    out_tr[...] = tr


def _tc_edge(ar, bc, pd, w1r, W2, b2, Wc1, bc1, Wc2):
    ne = ar.shape[0]
    nb = ne // BE
    wspec = lambda shape: pl.BlockSpec(shape, lambda i: (0, 0))
    return pl.pallas_call(
        _edge_body,
        grid=(nb,),
        in_specs=[
            pl.BlockSpec((BE, D), lambda i: (i, 0)),
            pl.BlockSpec((BE, D), lambda i: (i, 0)),
            pl.BlockSpec((BE, PD), lambda i: (i, 0)),
            wspec((1, D)),
            wspec((D, D)), wspec((1, D)),
            wspec((D, D)), wspec((1, D)), wspec((D, 1)),
        ],
        out_specs=[
            pl.BlockSpec((BE, D), lambda i: (i, 0)),
            pl.BlockSpec((BE, PD), lambda i: (i, 0)),
        ],
        out_shape=[
            jax.ShapeDtypeStruct((ne, D), jnp.float32),
            jax.ShapeDtypeStruct((ne, PD), jnp.float32),
        ],
        compiler_params=pltpu.CompilerParams(
            dimension_semantics=("arbitrary",)),
    )(ar, bc, pd, w1r, W2, b2, Wc1, bc1, Wc2)


def _node_body(h, g, velp, posp, parts, parts2,
               Wv1, bv1, Wv2, bv2,
               Wn1a, Wn1b, bn1, Wn2, bn2,
               h2, g2, velp2, posp2, ldj):
    agg = jnp.sum(parts[...], axis=0)
    st = jnp.sum(parts2[...], axis=0)
    lane = lax.broadcasted_iota(jnp.int32, (1, PD), 1)
    cnt = jnp.sum(jnp.where(lane == CNT_LANE, st, 0.0), axis=1, keepdims=True)
    force = st / jnp.clip(cnt, 1.0, None)
    force = jnp.where(lane < 3, force, 0.0)

    hv = h[...]
    sv = hv @ Wv1[...] + bv1[...]
    sv = sv * jax.nn.sigmoid(sv)
    sv = sv @ Wv2[...] + bv2[...]

    x = hv @ Wn1a[...] + agg @ Wn1b[...] + bn1[...]
    x = x * jax.nn.sigmoid(x)
    no = x @ Wn2[...] + bn2[...]

    vel_new = jnp.exp(sv) * velp[...] + force * DT
    posp2[...] = posp[...] + vel_new * DT
    velp2[...] = vel_new
    g_new = g[...] + no * DH
    g2[...] = g_new
    h2[...] = hv + g_new * DH

    @pl.when(pl.program_id(0) == 0)
    def _():
        ldj[...] = jnp.zeros_like(ldj)

    ldj[...] += jnp.sum(sv)


def _tc_node(h, g, velp, posp, parts, parts2,
             Wv1, bv1, Wv2, bv2, Wn1a, Wn1b, bn1, Wn2, bn2):
    np_ = parts.shape[0]
    nb = N // BN
    wspec = lambda shape: pl.BlockSpec(shape, lambda i: tuple(0 for _ in shape))
    return pl.pallas_call(
        _node_body,
        grid=(nb,),
        in_specs=[
            pl.BlockSpec((BN, D), lambda i: (i, 0)),
            pl.BlockSpec((BN, D), lambda i: (i, 0)),
            pl.BlockSpec((BN, PD), lambda i: (i, 0)),
            pl.BlockSpec((BN, PD), lambda i: (i, 0)),
            pl.BlockSpec((np_, BN, D), lambda i: (0, i, 0)),
            pl.BlockSpec((np_, BN, PD), lambda i: (0, i, 0)),
            wspec((D, D)), wspec((1, D)), wspec((D, 1)), wspec((1, 1)),
            wspec((D, D)), wspec((D, D)), wspec((1, D)),
            wspec((D, D)), wspec((1, D)),
        ],
        out_specs=[
            pl.BlockSpec((BN, D), lambda i: (i, 0)),
            pl.BlockSpec((BN, D), lambda i: (i, 0)),
            pl.BlockSpec((BN, PD), lambda i: (i, 0)),
            pl.BlockSpec((BN, PD), lambda i: (i, 0)),
            pl.BlockSpec((1, 1), lambda i: (0, 0)),
        ],
        out_shape=[
            jax.ShapeDtypeStruct((N, D), jnp.float32),
            jax.ShapeDtypeStruct((N, D), jnp.float32),
            jax.ShapeDtypeStruct((N, PD), jnp.float32),
            jax.ShapeDtypeStruct((N, PD), jnp.float32),
            jax.ShapeDtypeStruct((1, 1), jnp.float32),
        ],
        compiler_params=pltpu.CompilerParams(
            dimension_semantics=("arbitrary",)),
    )(h, g, velp, posp, parts, parts2,
      Wv1, bv1, Wv2, bv2, Wn1a, Wn1b, bn1, Wn2, bn2)


def kernel(h, pos, g, vel, edge_index, W_e1, b_e1, W_e2, b_e2, W_n1, b_n1,
           W_n2, b_n2, W_c1, b_c1, W_c2, W_v1, b_v1, W_v2, b_v2):
    bf = jnp.bfloat16
    NH = NCH // NSPLIT
    row2 = edge_index[0].reshape(NCH, CH)
    col2 = edge_index[1].reshape(NCH, CH)
    rowh = [row2[k * NH:(k + 1) * NH] for k in range(NSPLIT)]
    colh = [col2[k * NH:(k + 1) * NH] for k in range(NSPLIT)]
    zpad = jnp.zeros((N, PD - 3), jnp.float32)
    posp = jnp.concatenate([pos, zpad], axis=1)
    velp = jnp.concatenate([vel, zpad], axis=1)
    zz = jnp.zeros((STRIPE, D), jnp.float32)
    zzt = jnp.zeros((STRIPE, PD), jnp.float32)

    ldj = jnp.zeros((), jnp.float32)
    for i in range(2):
        W1a = W_e1[i, :D].astype(bf)
        W1b = W_e1[i, D:2 * D].astype(bf)
        w1r = W_e1[i, 2 * D:]
        b1 = b_e1[i].reshape(1, D)
        W2, b2 = W_e2[i].astype(bf), b_e2[i].reshape(1, D)
        Wc1, bc1, Wc2 = W_c1[i].astype(bf), b_c1[i].reshape(1, D), W_c2[i]
        Wv1, bv1 = W_v1[i], b_v1[i].reshape(1, D)
        Wv2, bv2 = W_v2[i], b_v2[i].reshape(1, 1)
        Wn1a, Wn1b = W_n1[i, :D], W_n1[i, D:]
        bn1, Wn2, bn2 = b_n1[i].reshape(1, D), W_n2[i], b_n2[i].reshape(1, D)

        av, bv_ = _tc_prep(h, W1a, W1b, b1)
        gs = [_gather_part(av, bv_, posp, rowh[k], colh[k])
              for k in range(NSPLIT)]
        es = [_tc_edge(gk[0], gk[1], gk[2], w1r, W2, b2, Wc1, bc1, Wc2)
              for gk in gs]
        ps = [_scatter_part(ek[0], ek[1], rowh[k], zz, zzt)
              for k, ek in enumerate(es)]
        pstack = jnp.concatenate([p for p, _ in ps], axis=0)
        qstack = jnp.concatenate([q for _, q in ps], axis=0)
        h, g, velp, posp, lds = _tc_node(h, g, velp, posp, pstack, qstack,
                                         Wv1, bv1, Wv2, bv2,
                                         Wn1a, Wn1b, bn1, Wn2, bn2)
        ldj = ldj + lds[0, 0]

    return (h, g, posp[:, :3], velp[:, :3], ldj)

# --- scband reference (transcript-rebuilt; emitter-appended) ---
"""Pipeline reference for scband-enflow-84980222919095 (READ-ONLY COPY).

The authoritative reference and input builder live on the scoring server;
editing this copy changes nothing except your own understanding.
"""

import jax, jax.numpy as jnp
import numpy as np

N = 10000
E = 160000
D = 128
L = 2
DT = 0.001
DH = 0.001

def _init_w(key, shape, scale):
    return jax.random.normal(key, shape, jnp.float32) * scale

def setup_inputs(seed: int = 0):
    key = jax.random.key(seed)
    ks = jax.random.split(key, 16)
    inp = {}
    inp["h"] = jax.random.normal(ks[0], (N, D), jnp.float32)
    inp["pos"] = jax.random.normal(ks[1], (N, 3), jnp.float32)
    inp["g"] = jax.random.normal(ks[2], (N, D), jnp.float32)
    inp["vel"] = jax.random.uniform(ks[3], (N, 3), jnp.float32)
    inp["edge_index"] = jax.random.randint(ks[4], (2, E), 0, N, jnp.int32)
    s_e1 = 1.0 / np.sqrt(2 * D + 1)
    s_d = 1.0 / np.sqrt(D)
    s_n1 = 1.0 / np.sqrt(2 * D)
    inp["W_e1"] = _init_w(ks[5], (L, 2 * D + 1, D), s_e1)
    inp["b_e1"] = jnp.zeros((L, D), jnp.float32)
    inp["W_e2"] = _init_w(ks[6], (L, D, D), s_d)
    inp["b_e2"] = jnp.zeros((L, D), jnp.float32)
    inp["W_n1"] = _init_w(ks[7], (L, 2 * D, D), s_n1)
    inp["b_n1"] = jnp.zeros((L, D), jnp.float32)
    inp["W_n2"] = _init_w(ks[8], (L, D, D), s_d)
    inp["b_n2"] = jnp.zeros((L, D), jnp.float32)
    inp["W_c1"] = _init_w(ks[9], (L, D, D), s_d)
    inp["b_c1"] = jnp.zeros((L, D), jnp.float32)
    inp["W_c2"] = _init_w(ks[10], (L, D, 1), 0.001)
    inp["W_v1"] = _init_w(ks[11], (L, D, D), s_d)
    inp["b_v1"] = jnp.zeros((L, D), jnp.float32)
    inp["W_v2"] = _init_w(ks[12], (L, D, 1), s_d)
    inp["b_v2"] = jnp.zeros((L, 1), jnp.float32)
    return inp

def reference(h, pos, g, vel, edge_index, W_e1, b_e1, W_e2, b_e2, W_n1, b_n1, W_n2, b_n2, W_c1, b_c1, W_c2, W_v1, b_v1, W_v2, b_v2):
    row = edge_index[0]
    col = edge_index[1]
    ldj = jnp.zeros((h.shape[0], 1), h.dtype)
    for i in range(L):
        coord_diff = pos[row] - pos[col]
        radial = jnp.sum(coord_diff ** 2, axis=1, keepdims=True)
        e = jnp.concatenate([h[row], h[col], radial], axis=1)
        e = jax.nn.silu(e @ W_e1[i] + b_e1[i])
        e = jax.nn.silu(e @ W_e2[i] + b_e2[i])
        s = jax.nn.silu(h @ W_v1[i] + b_v1[i]) @ W_v2[i] + b_v2[i]
        cw = jax.nn.silu(e @ W_c1[i] + b_c1[i]) @ W_c2[i]
        trans = jnp.clip(coord_diff * cw, -100.0, 100.0)
        sum_t = jax.ops.segment_sum(trans, row, num_segments=N)
        cnt = jax.ops.segment_sum(jnp.ones((trans.shape[0], 1), trans.dtype), row, num_segments=N)
        force = sum_t / jnp.clip(cnt, 1.0, None)
        agg = jax.ops.segment_sum(e, row, num_segments=N)
        node_out = jax.nn.silu(jnp.concatenate([h, agg], axis=1) @ W_n1[i] + b_n1[i]) @ W_n2[i] + b_n2[i]
        vel = jnp.exp(s) * vel + force * DT
        pos = pos + vel * DT
        g = g + node_out * DH
        h = h + g * DH
        ldj = ldj + s
    return (h, g, pos, vel, jnp.sum(ldj))

if __name__ == "__main__":
    import jax
    _d = setup_inputs()
    print(jax.jit(kernel)(*tuple(_d.values())))

</pallas_src>

<mosaic_0001>
#map = affine_map<(d0, d1) -> (0, 0)>
module attributes {stable_mosaic.version = 14 : i64} {
  func.func @_g(%arg0: i32, %arg1: i32, %arg2: memref<10000x128xf32, #tpu.memory_space<hbm>>, %arg3: memref<10000x128xf32, #tpu.memory_space<hbm>>, %arg4: memref<10000x16xf32, #tpu.memory_space<hbm>>, %arg5: memref<625x128xi32, #tpu.memory_space<hbm>>, %arg6: memref<625x128xi32, #tpu.memory_space<hbm>>, %arg7: memref<80000x128xf32, #tpu.memory_space<hbm>>, %arg8: memref<80000x128xf32, #tpu.memory_space<hbm>>, %arg9: memref<80000x16xf32, #tpu.memory_space<hbm>>, %arg10: memref<128xi32, #tpu.memory_space<vmem>>, %arg11: memref<128xi32, #tpu.memory_space<vmem>>, %arg12: memref<128x128xf32, #tpu.memory_space<vmem>>, %arg13: memref<128x128xf32, #tpu.memory_space<vmem>>, %arg14: memref<128x16xf32, #tpu.memory_space<vmem>>, %arg15: memref<128x16xf32, #tpu.memory_space<vmem>>, %arg16: memref<!tpu.dma_semaphore, #tpu.memory_space<semaphore_mem>>, %arg17: memref<!tpu.dma_semaphore, #tpu.memory_space<semaphore_mem>>, %arg18: memref<!tpu.dma_semaphore, #tpu.memory_space<semaphore_mem>>, %arg19: memref<!tpu.dma_semaphore, #tpu.memory_space<semaphore_mem>>) attributes {dimension_semantics = [#tpu.dimension_semantics<core_parallel>, #tpu.dimension_semantics<subcore_parallel>], iteration_bounds = array<i64: 2, 16>, scalar_prefetch = 0 : i64, scratch_operands = 10 : i64, tpu.core_type = #tpu.core_type<sc_vector_subcore>, window_params = [{transform_indices = #map}, {transform_indices = #map}, {transform_indices = #map}, {transform_indices = #map}, {transform_indices = #map}, {transform_indices = #map}, {transform_indices = #map}, {transform_indices = #map}]} {
    %mul3A = arith.constant 2 : i32
    %mul3A_0 = arith.muli %arg1, %mul3A : i32
    %add3A = arith.addi %mul3A_0, %arg0 : i32
    %sub3A = arith.constant 625 : i32
    %sub3A_1 = arith.subi %sub3A, %add3A : i32
    %add3A_2 = arith.constant 32 : i32
    %add3A_3 = arith.addi %sub3A_1, %add3A_2 : i32
    %sub3A_4 = arith.constant 1 : i32
    %sub3A_5 = arith.subi %add3A_3, %sub3A_4 : i32
    %jit3A = arith.constant 32 : i32
    %div3A = arith.divsi %sub3A_5, %jit3A : i32
    %sign3A = arith.constant 0 : i32
    %sign3A_6 = arith.cmpi sgt, %sub3A_5, %sign3A : i32
    %sign3A_7 = arith.extui %sign3A_6 : i1 to i32
    %sign3A_8 = arith.constant 0 : i32
    %sign3A_9 = arith.cmpi slt, %sub3A_5, %sign3A_8 : i32
    %sign3A_10 = arith.extui %sign3A_9 : i1 to i32
    %sign3A_11 = arith.subi %sign3A_7, %sign3A_10 : i32
    %sign3A_12 = arith.constant 0 : i32
    %sign3A_13 = arith.cmpi sgt, %jit3A, %sign3A_12 : i32
    %sign3A_14 = arith.extui %sign3A_13 : i1 to i32
    %sign3A_15 = arith.constant 0 : i32
    %sign3A_16 = arith.cmpi slt, %jit3A, %sign3A_15 : i32
    %sign3A_17 = arith.extui %sign3A_16 : i1 to i32
    %sign3A_18 = arith.subi %sign3A_14, %sign3A_17 : i32
    %ne3A = arith.cmpi ne, %sign3A_11, %sign3A_18 : i32
    %rem3A = arith.remsi %sub3A_5, %jit3A : i32
    %ne3A_19 = arith.constant 0 : i32
    %ne3A_20 = arith.cmpi ne, %rem3A, %ne3A_19 : i32
    %and3A = arith.andi %ne3A, %ne3A_20 : i1
    %sub3A_21 = arith.constant 1 : i32
    %sub3A_22 = arith.subi %div3A, %sub3A_21 : i32
    %select_n3A = arith.select %and3A, %sub3A_22, %div3A : i32
    %while3A = arith.constant 0 : i32
    %while3A_23 = arith.constant 0 : i32
    %while3A_24 = arith.subi %select_n3A, %while3A_23 : i32
    %while3A_25 = arith.addi %while3A_23, %while3A_24 : i32
    %while3A_26 = arith.constant 1 : i32
    %while3A_27 = arith.divsi %while3A_24, %while3A_26 : i32
    %while3A_28 = arith.muli %while3A_27, %while3A_26 : i32
    %while3A_29 = arith.addi %while3A_23, %while3A_28 : i32
    %while3A_30 = arith.constant 1 : i32
    scf.for %while3A_32 = %while3A_23 to %while3A_29 step %while3A_30  : i32 {
      %mul3A_33 = arith.constant 32 : i32
      %mul3A_34 = arith.muli %while3A_32, %mul3A_33 : i32
      %add3A_35 = arith.addi %add3A, %mul3A_34 : i32
      %mul3A_36 = arith.constant 128 : i32
      %mul3A_37 = arith.muli %add3A_35, %mul3A_36 : i32
      "tpu.region"() ({
        %run_scoped3A = tpu.sem_alloc : memref<!tpu.dma_semaphore, #tpu.memory_space<semaphore_mem>>
        %dma_start3A_65 = arith.constant 0 : i32
        %dma_start3A_66 = tpu.memref_slice %arg5[%add3A_35, %dma_start3A_65] : memref<625x128xi32, #tpu.memory_space<hbm>> -> memref<1x128xi32, #tpu.memory_space<hbm>>
        %dma_start3A_67 = tpu.memref_squeeze %dma_start3A_66 : memref<1x128xi32, #tpu.memory_space<hbm>> -> memref<128xi32, #tpu.memory_space<hbm>>
        %dma_start3A_68 = arith.constant 0 : i32
        %dma_start3A_69 = tpu.memref_slice %arg5[%add3A_35, %dma_start3A_68] : memref<625x128xi32, #tpu.memory_space<hbm>> -> memref<1x128xi32, #tpu.memory_space<hbm>>
        %dma_start3A_70 = tpu.memref_squeeze %dma_start3A_69 : memref<1x128xi32, #tpu.memory_space<hbm>> -> memref<128xi32, #tpu.memory_space<hbm>>
        tpu.enqueue_dma source(%dma_start3A_70 : memref<128xi32, #tpu.memory_space<hbm>>) target(%arg10 : memref<128xi32, #tpu.memory_space<vmem>>) target_semaphore(%run_scoped3A : memref<!tpu.dma_semaphore, #tpu.memory_space<semaphore_mem>>)
        %dma_wait3A_71 = arith.constant 0 : i32
        %dma_wait3A_72 = tpu.memref_slice %arg5[%add3A_35, %dma_wait3A_71] : memref<625x128xi32, #tpu.memory_space<hbm>> -> memref<1x128xi32, #tpu.memory_space<hbm>>
        %dma_wait3A_73 = tpu.memref_squeeze %dma_wait3A_72 : memref<1x128xi32, #tpu.memory_space<hbm>> -> memref<128xi32, #tpu.memory_space<hbm>>
        %dma_wait3A_74 = arith.constant 0 : i32
        %dma_wait3A_75 = tpu.memref_slice %arg5[%add3A_35, %dma_wait3A_74] : memref<625x128xi32, #tpu.memory_space<hbm>> -> memref<1x128xi32, #tpu.memory_space<hbm>>
        %dma_wait3A_76 = tpu.memref_squeeze %dma_wait3A_75 : memref<1x128xi32, #tpu.memory_space<hbm>> -> memref<128xi32, #tpu.memory_space<hbm>>
        tpu.wait_dma2 semaphore(%run_scoped3A : memref<!tpu.dma_semaphore, #tpu.memory_space<semaphore_mem>>) src(%dma_wait3A_76 : memref<128xi32, #tpu.memory_space<hbm>>) dst(%arg10 : memref<128xi32, #tpu.memory_space<vmem>>)
        tpu.yield
      }) : () -> ()
      "tpu.region"() ({
        %run_scoped3A = tpu.sem_alloc : memref<!tpu.dma_semaphore, #tpu.memory_space<semaphore_mem>>
        %dma_start3A_65 = arith.constant 0 : i32
        %dma_start3A_66 = tpu.memref_slice %arg6[%add3A_35, %dma_start3A_65] : memref<625x128xi32, #tpu.memory_space<hbm>> -> memref<1x128xi32, #tpu.memory_space<hbm>>
        %dma_start3A_67 = tpu.memref_squeeze %dma_start3A_66 : memref<1x128xi32, #tpu.memory_space<hbm>> -> memref<128xi32, #tpu.memory_space<hbm>>
        %dma_start3A_68 = arith.constant 0 : i32
        %dma_start3A_69 = tpu.memref_slice %arg6[%add3A_35, %dma_start3A_68] : memref<625x128xi32, #tpu.memory_space<hbm>> -> memref<1x128xi32, #tpu.memory_space<hbm>>
        %dma_start3A_70 = tpu.memref_squeeze %dma_start3A_69 : memref<1x128xi32, #tpu.memory_space<hbm>> -> memref<128xi32, #tpu.memory_space<hbm>>
        tpu.enqueue_dma source(%dma_start3A_70 : memref<128xi32, #tpu.memory_space<hbm>>) target(%arg11 : memref<128xi32, #tpu.memory_space<vmem>>) target_semaphore(%run_scoped3A : memref<!tpu.dma_semaphore, #tpu.memory_space<semaphore_mem>>)
        %dma_wait3A_71 = arith.constant 0 : i32
        %dma_wait3A_72 = tpu.memref_slice %arg6[%add3A_35, %dma_wait3A_71] : memref<625x128xi32, #tpu.memory_space<hbm>> -> memref<1x128xi32, #tpu.memory_space<hbm>>
        %dma_wait3A_73 = tpu.memref_squeeze %dma_wait3A_72 : memref<1x128xi32, #tpu.memory_space<hbm>> -> memref<128xi32, #tpu.memory_space<hbm>>
        %dma_wait3A_74 = arith.constant 0 : i32
        %dma_wait3A_75 = tpu.memref_slice %arg6[%add3A_35, %dma_wait3A_74] : memref<625x128xi32, #tpu.memory_space<hbm>> -> memref<1x128xi32, #tpu.memory_space<hbm>>
        %dma_wait3A_76 = tpu.memref_squeeze %dma_wait3A_75 : memref<1x128xi32, #tpu.memory_space<hbm>> -> memref<128xi32, #tpu.memory_space<hbm>>
        tpu.wait_dma2 semaphore(%run_scoped3A : memref<!tpu.dma_semaphore, #tpu.memory_space<semaphore_mem>>) src(%dma_wait3A_76 : memref<128xi32, #tpu.memory_space<hbm>>) dst(%arg11 : memref<128xi32, #tpu.memory_space<vmem>>)
        tpu.yield
      }) : () -> ()
      %dma_start3A = arith.constant 0 : i32
      %dma_start3A_38 = arith.constant 0 : i32
      %dma_start3A_39 = tpu.memref_slice %arg2[%dma_start3A, %dma_start3A_38] : memref<10000x128xf32, #tpu.memory_space<hbm>> -> memref<10000x128xf32, #tpu.memory_space<hbm>>
      tpu.enqueue_indirect_dma source(%dma_start3A_39 : memref<10000x128xf32, #tpu.memory_space<hbm>>) target(%arg12 : memref<128x128xf32, #tpu.memory_space<vmem>>) offsets(%arg10 : memref<128xi32, #tpu.memory_space<vmem>>) semaphore(%arg16 : memref<!tpu.dma_semaphore, #tpu.memory_space<semaphore_mem>>)
      %dma_start3A_40 = arith.constant 0 : i32
      %dma_start3A_41 = arith.constant 0 : i32
      %dma_start3A_42 = tpu.memref_slice %arg3[%dma_start3A_40, %dma_start3A_41] : memref<10000x128xf32, #tpu.memory_space<hbm>> -> memref<10000x128xf32, #tpu.memory_space<hbm>>
      tpu.enqueue_indirect_dma source(%dma_start3A_42 : memref<10000x128xf32, #tpu.memory_space<hbm>>) target(%arg13 : memref<128x128xf32, #tpu.memory_space<vmem>>) offsets(%arg11 : memref<128xi32, #tpu.memory_space<vmem>>) semaphore(%arg17 : memref<!tpu.dma_semaphore, #tpu.memory_space<semaphore_mem>>)
      %dma_start3A_43 = arith.constant 0 : i32
      %dma_start3A_44 = arith.constant 0 : i32
      %dma_start3A_45 = tpu.memref_slice %arg4[%dma_start3A_43, %dma_start3A_44] : memref<10000x16xf32, #tpu.memory_space<hbm>> -> memref<10000x16xf32, #tpu.memory_space<hbm>>
      tpu.enqueue_indirect_dma source(%dma_start3A_45 : memref<10000x16xf32, #tpu.memory_space<hbm>>) target(%arg14 : memref<128x16xf32, #tpu.memory_space<vmem>>) offsets(%arg10 : memref<128xi32, #tpu.memory_space<vmem>>) semaphore(%arg18 : memref<!tpu.dma_semaphore, #tpu.memory_space<semaphore_mem>>)
      %dma_start3A_46 = arith.constant 0 : i32
      %dma_start3A_47 = arith.constant 0 : i32
      %dma_start3A_48 = tpu.memref_slice %arg4[%dma_start3A_46, %dma_start3A_47] : memref<10000x16xf32, #tpu.memory_space<hbm>> -> memref<10000x16xf32, #tpu.memory_space<hbm>>
      tpu.enqueue_indirect_dma source(%dma_start3A_48 : memref<10000x16xf32, #tpu.memory_space<hbm>>) target(%arg15 : memref<128x16xf32, #tpu.memory_space<vmem>>) offsets(%arg11 : memref<128xi32, #tpu.memory_space<vmem>>) semaphore(%arg19 : memref<!tpu.dma_semaphore, #tpu.memory_space<semaphore_mem>>)
      %dma_wait3A = arith.constant 0 : i32
      %dma_wait3A_49 = arith.constant 0 : i32
      %dma_wait3A_50 = tpu.memref_slice %arg4[%dma_wait3A, %dma_wait3A_49] : memref<10000x16xf32, #tpu.memory_space<hbm>> -> memref<10000x16xf32, #tpu.memory_space<hbm>>
      tpu.wait_indirect_dma semaphore(%arg18 : memref<!tpu.dma_semaphore, #tpu.memory_space<semaphore_mem>>) src(%dma_wait3A_50 : memref<10000x16xf32, #tpu.memory_space<hbm>>) dst(%arg14 : memref<128x16xf32, #tpu.memory_space<vmem>>)
      %dma_wait3A_51 = arith.constant 0 : i32
      %dma_wait3A_52 = arith.constant 0 : i32
      %dma_wait3A_53 = tpu.memref_slice %arg4[%dma_wait3A_51, %dma_wait3A_52] : memref<10000x16xf32, #tpu.memory_space<hbm>> -> memref<10000x16xf32, #tpu.memory_space<hbm>>
      tpu.wait_indirect_dma semaphore(%arg19 : memref<!tpu.dma_semaphore, #tpu.memory_space<semaphore_mem>>) src(%dma_wait3A_53 : memref<10000x16xf32, #tpu.memory_space<hbm>>) dst(%arg15 : memref<128x16xf32, #tpu.memory_space<vmem>>)
      %scan3A = arith.constant 0 : i32
      %scan3A_54 = arith.constant 0 : i32
      %scan3A_55 = arith.constant 128 : i32
      %scan3A_56 = arith.addi %scan3A_54, %scan3A_55 : i32
      %scan3A_57 = arith.constant 4 : i32
      scf.for %scan3A_65 = %scan3A_54 to %scan3A_56 step %scan3A_57  : i32 {
        %get3A = arith.index_cast %scan3A_65 : i32 to index
        %get3A_66 = arith.constant 0 : index
        %get3A_67 = tpu.vector_load %arg14[%get3A, %get3A_66] {strides = array<i32>} : memref<128x16xf32, #tpu.memory_space<vmem>>, vector<1x16xf32>,
        %get3A_68 = vector.shape_cast %get3A_67 : vector<1x16xf32> to vector<16xf32>
        %get3A_69 = arith.index_cast %scan3A_65 : i32 to index
        %get3A_70 = arith.constant 0 : index
        %get3A_71 = tpu.vector_load %arg15[%get3A_69, %get3A_70] {strides = array<i32>} : memref<128x16xf32, #tpu.memory_space<vmem>>, vector<1x16xf32>,
        %get3A_72 = vector.shape_cast %get3A_71 : vector<1x16xf32> to vector<16xf32>
        %sub3A_73 = arith.subf %get3A_68, %get3A_72 : vector<16xf32>
        %swap3A = arith.index_cast %scan3A_65 : i32 to index
        %swap3A_74 = arith.constant 0 : index
        %swap3A_75 = tpu.vector_load %arg14[%swap3A, %swap3A_74] {strides = array<i32>} : memref<128x16xf32, #tpu.memory_space<vmem>>, vector<1x16xf32>,
        %swap3A_76 = vector.shape_cast %swap3A_75 : vector<1x16xf32> to vector<16xf32>
        %swap3A_77 = vector.shape_cast %sub3A_73 : vector<16xf32> to vector<1x16xf32>
        tpu.vector_store %arg14[%swap3A, %swap3A_74], %swap3A_77 {strides = array<i32>} : memref<128x16xf32, #tpu.memory_space<vmem>>, vector<1x16xf32>,
        %scan3A_78 = arith.constant 1 : i32
        %scan3A_79 = arith.addi %scan3A_65, %scan3A_78 : i32
        %get3A_80 = arith.index_cast %scan3A_79 : i32 to index
        %get3A_81 = arith.constant 0 : index
        %get3A_82 = tpu.vector_load %arg14[%get3A_80, %get3A_81] {strides = array<i32>} : memref<128x16xf32, #tpu.memory_space<vmem>>, vector<1x16xf32>,
        %get3A_83 = vector.shape_cast %get3A_82 : vector<1x16xf32> to vector<16xf32>
        %get3A_84 = arith.index_cast %scan3A_79 : i32 to index
        %get3A_85 = arith.constant 0 : index
        %get3A_86 = tpu.vector_load %arg15[%get3A_84, %get3A_85] {strides = array<i32>} : memref<128x16xf32, #tpu.memory_space<vmem>>, vector<1x16xf32>,
        %get3A_87 = vector.shape_cast %get3A_86 : vector<1x16xf32> to vector<16xf32>
        %sub3A_88 = arith.subf %get3A_83, %get3A_87 : vector<16xf32>
        %swap3A_89 = arith.index_cast %scan3A_79 : i32 to index
        %swap3A_90 = arith.constant 0 : index
        %swap3A_91 = tpu.vector_load %arg14[%swap3A_89, %swap3A_90] {strides = array<i32>} : memref<128x16xf32, #tpu.memory_space<vmem>>, vector<1x16xf32>,
        %swap3A_92 = vector.shape_cast %swap3A_91 : vector<1x16xf32> to vector<16xf32>
        %swap3A_93 = vector.shape_cast %sub3A_88 : vector<16xf32> to vector<1x16xf32>
        tpu.vector_store %arg14[%swap3A_89, %swap3A_90], %swap3A_93 {strides = array<i32>} : memref<128x16xf32, #tpu.memory_space<vmem>>, vector<1x16xf32>,
        %scan3A_94 = arith.constant 2 : i32
        %scan3A_95 = arith.addi %scan3A_65, %scan3A_94 : i32
        %get3A_96 = arith.index_cast %scan3A_95 : i32 to index
        %get3A_97 = arith.constant 0 : index
        %get3A_98 = tpu.vector_load %arg14[%get3A_96, %get3A_97] {strides = array<i32>} : memref<128x16xf32, #tpu.memory_space<vmem>>, vector<1x16xf32>,
        %get3A_99 = vector.shape_cast %get3A_98 : vector<1x16xf32> to vector<16xf32>
        %get3A_100 = arith.index_cast %scan3A_95 : i32 to index
        %get3A_101 = arith.constant 0 : index
        %get3A_102 = tpu.vector_load %arg15[%get3A_100, %get3A_101] {strides = array<i32>} : memref<128x16xf32, #tpu.memory_space<vmem>>, vector<1x16xf32>,
        %get3A_103 = vector.shape_cast %get3A_102 : vector<1x16xf32> to vector<16xf32>
        %sub3A_104 = arith.subf %get3A_99, %get3A_103 : vector<16xf32>
        %swap3A_105 = arith.index_cast %scan3A_95 : i32 to index
        %swap3A_106 = arith.constant 0 : index
        %swap3A_107 = tpu.vector_load %arg14[%swap3A_105, %swap3A_106] {strides = array<i32>} : memref<128x16xf32, #tpu.memory_space<vmem>>, vector<1x16xf32>,
        %swap3A_108 = vector.shape_cast %swap3A_107 : vector<1x16xf32> to vector<16xf32>
        %swap3A_109 = vector.shape_cast %sub3A_104 : vector<16xf32> to vector<1x16xf32>
        tpu.vector_store %arg14[%swap3A_105, %swap3A_106], %swap3A_109 {strides = array<i32>} : memref<128x16xf32, #tpu.memory_space<vmem>>, vector<1x16xf32>,
        %scan3A_110 = arith.constant 3 : i32
        %scan3A_111 = arith.addi %scan3A_65, %scan3A_110 : i32
        %get3A_112 = arith.index_cast %scan3A_111 : i32 to index
        %get3A_113 = arith.constant 0 : index
        %get3A_114 = tpu.vector_load %arg14[%get3A_112, %get3A_113] {strides = array<i32>} : memref<128x16xf32, #tpu.memory_space<vmem>>, vector<1x16xf32>,
        %get3A_115 = vector.shape_cast %get3A_114 : vector<1x16xf32> to vector<16xf32>
        %get3A_116 = arith.index_cast %scan3A_111 : i32 to index
        %get3A_117 = arith.constant 0 : index
        %get3A_118 = tpu.vector_load %arg15[%get3A_116, %get3A_117] {strides = array<i32>} : memref<128x16xf32, #tpu.memory_space<vmem>>, vector<1x16xf32>,
        %get3A_119 = vector.shape_cast %get3A_118 : vector<1x16xf32> to vector<16xf32>
        %sub3A_120 = arith.subf %get3A_115, %get3A_119 : vector<16xf32>
        %swap3A_121 = arith.index_cast %scan3A_111 : i32 to index
        %swap3A_122 = arith.constant 0 : index
        %swap3A_123 = tpu.vector_load %arg14[%swap3A_121, %swap3A_122] {strides = array<i32>} : memref<128x16xf32, #tpu.memory_space<vmem>>, vector<1x16xf32>,
        %swap3A_124 = vector.shape_cast %swap3A_123 : vector<1x16xf32> to vector<16xf32>
        %swap3A_125 = vector.shape_cast %sub3A_120 : vector<16xf32> to vector<1x16xf32>
        tpu.vector_store %arg14[%swap3A_121, %swap3A_122], %swap3A_125 {strides = array<i32>} : memref<128x16xf32, #tpu.memory_space<vmem>>, vector<1x16xf32>,
      }
      %scan3A_58 = arith.constant 128 : i32
      %dma_wait3A_59 = arith.constant 0 : i32
      %dma_wait3A_60 = arith.constant 0 : i32
      %dma_wait3A_61 = tpu.memref_slice %arg2[%dma_wait3A_59, %dma_wait3A_60] : memref<10000x128xf32, #tpu.memory_space<hbm>> -> memref<10000x128xf32, #tpu.memory_space<hbm>>
      tpu.wait_indirect_dma semaphore(%arg16 : memref<!tpu.dma_semaphore, #tpu.memory_space<semaphore_mem>>) src(%dma_wait3A_61 : memref<10000x128xf32, #tpu.memory_space<hbm>>) dst(%arg12 : memref<128x128xf32, #tpu.memory_space<vmem>>)
      %dma_wait3A_62 = arith.constant 0 : i32
      %dma_wait3A_63 = arith.constant 0 : i32
      %dma_wait3A_64 = tpu.memref_slice %arg3[%dma_wait3A_62, %dma_wait3A_63] : memref<10000x128xf32, #tpu.memory_space<hbm>> -> memref<10000x128xf32, #tpu.memory_space<hbm>>
      tpu.wait_indirect_dma semaphore(%arg17 : memref<!tpu.dma_semaphore, #tpu.memory_space<semaphore_mem>>) src(%dma_wait3A_64 : memref<10000x128xf32, #tpu.memory_space<hbm>>) dst(%arg13 : memref<128x128xf32, #tpu.memory_space<vmem>>)
      "tpu.region"() ({
        %run_scoped3A = tpu.sem_alloc : memref<!tpu.dma_semaphore, #tpu.memory_space<semaphore_mem>>
        %dma_start3A_65 = arith.constant 0 : i32
        %dma_start3A_66 = tpu.memref_slice %arg7[%mul3A_37, %dma_start3A_65] : memref<80000x128xf32, #tpu.memory_space<hbm>> -> memref<128x128xf32, #tpu.memory_space<hbm>>
        %dma_start3A_67 = arith.constant 0 : i32
        %dma_start3A_68 = tpu.memref_slice %arg7[%mul3A_37, %dma_start3A_67] : memref<80000x128xf32, #tpu.memory_space<hbm>> -> memref<128x128xf32, #tpu.memory_space<hbm>>
        tpu.enqueue_dma source(%arg12 : memref<128x128xf32, #tpu.memory_space<vmem>>) target(%dma_start3A_68 : memref<128x128xf32, #tpu.memory_space<hbm>>) target_semaphore(%run_scoped3A : memref<!tpu.dma_semaphore, #tpu.memory_space<semaphore_mem>>)
        %dma_wait3A_69 = arith.constant 0 : i32
        %dma_wait3A_70 = tpu.memref_slice %arg7[%mul3A_37, %dma_wait3A_69] : memref<80000x128xf32, #tpu.memory_space<hbm>> -> memref<128x128xf32, #tpu.memory_space<hbm>>
        %dma_wait3A_71 = arith.constant 0 : i32
        %dma_wait3A_72 = tpu.memref_slice %arg7[%mul3A_37, %dma_wait3A_71] : memref<80000x128xf32, #tpu.memory_space<hbm>> -> memref<128x128xf32, #tpu.memory_space<hbm>>
        tpu.wait_dma2 semaphore(%run_scoped3A : memref<!tpu.dma_semaphore, #tpu.memory_space<semaphore_mem>>) src(%arg12 : memref<128x128xf32, #tpu.memory_space<vmem>>) dst(%dma_wait3A_72 : memref<128x128xf32, #tpu.memory_space<hbm>>)
        tpu.yield
      }) : () -> ()
      "tpu.region"() ({
        %run_scoped3A = tpu.sem_alloc : memref<!tpu.dma_semaphore, #tpu.memory_space<semaphore_mem>>
        %dma_start3A_65 = arith.constant 0 : i32
        %dma_start3A_66 = tpu.memref_slice %arg8[%mul3A_37, %dma_start3A_65] : memref<80000x128xf32, #tpu.memory_space<hbm>> -> memref<128x128xf32, #tpu.memory_space<hbm>>
        %dma_start3A_67 = arith.constant 0 : i32
        %dma_start3A_68 = tpu.memref_slice %arg8[%mul3A_37, %dma_start3A_67] : memref<80000x128xf32, #tpu.memory_space<hbm>> -> memref<128x128xf32, #tpu.memory_space<hbm>>
        tpu.enqueue_dma source(%arg13 : memref<128x128xf32, #tpu.memory_space<vmem>>) target(%dma_start3A_68 : memref<128x128xf32, #tpu.memory_space<hbm>>) target_semaphore(%run_scoped3A : memref<!tpu.dma_semaphore, #tpu.memory_space<semaphore_mem>>)
        %dma_wait3A_69 = arith.constant 0 : i32
        %dma_wait3A_70 = tpu.memref_slice %arg8[%mul3A_37, %dma_wait3A_69] : memref<80000x128xf32, #tpu.memory_space<hbm>> -> memref<128x128xf32, #tpu.memory_space<hbm>>
        %dma_wait3A_71 = arith.constant 0 : i32
        %dma_wait3A_72 = tpu.memref_slice %arg8[%mul3A_37, %dma_wait3A_71] : memref<80000x128xf32, #tpu.memory_space<hbm>> -> memref<128x128xf32, #tpu.memory_space<hbm>>
        tpu.wait_dma2 semaphore(%run_scoped3A : memref<!tpu.dma_semaphore, #tpu.memory_space<semaphore_mem>>) src(%arg13 : memref<128x128xf32, #tpu.memory_space<vmem>>) dst(%dma_wait3A_72 : memref<128x128xf32, #tpu.memory_space<hbm>>)
        tpu.yield
      }) : () -> ()
      "tpu.region"() ({
        %run_scoped3A = tpu.sem_alloc : memref<!tpu.dma_semaphore, #tpu.memory_space<semaphore_mem>>
        %dma_start3A_65 = arith.constant 0 : i32
        %dma_start3A_66 = tpu.memref_slice %arg9[%mul3A_37, %dma_start3A_65] : memref<80000x16xf32, #tpu.memory_space<hbm>> -> memref<128x16xf32, #tpu.memory_space<hbm>>
        %dma_start3A_67 = arith.constant 0 : i32
        %dma_start3A_68 = tpu.memref_slice %arg9[%mul3A_37, %dma_start3A_67] : memref<80000x16xf32, #tpu.memory_space<hbm>> -> memref<128x16xf32, #tpu.memory_space<hbm>>
        tpu.enqueue_dma source(%arg14 : memref<128x16xf32, #tpu.memory_space<vmem>>) target(%dma_start3A_68 : memref<128x16xf32, #tpu.memory_space<hbm>>) target_semaphore(%run_scoped3A : memref<!tpu.dma_semaphore, #tpu.memory_space<semaphore_mem>>)
        %dma_wait3A_69 = arith.constant 0 : i32
        %dma_wait3A_70 = tpu.memref_slice %arg9[%mul3A_37, %dma_wait3A_69] : memref<80000x16xf32, #tpu.memory_space<hbm>> -> memref<128x16xf32, #tpu.memory_space<hbm>>
        %dma_wait3A_71 = arith.constant 0 : i32
        %dma_wait3A_72 = tpu.memref_slice %arg9[%mul3A_37, %dma_wait3A_71] : memref<80000x16xf32, #tpu.memory_space<hbm>> -> memref<128x16xf32, #tpu.memory_space<hbm>>
        tpu.wait_dma2 semaphore(%run_scoped3A : memref<!tpu.dma_semaphore, #tpu.memory_space<semaphore_mem>>) src(%arg14 : memref<128x16xf32, #tpu.memory_space<vmem>>) dst(%dma_wait3A_72 : memref<128x16xf32, #tpu.memory_space<hbm>>)
        tpu.yield
      }) : () -> ()
    }
    %while3A_31 = arith.constant 1 : i32
    scf.for %while3A_32 = %while3A_29 to %while3A_25 step %while3A_31  : i32 {
      %mul3A_33 = arith.constant 32 : i32
      %mul3A_34 = arith.muli %while3A_32, %mul3A_33 : i32
      %add3A_35 = arith.addi %add3A, %mul3A_34 : i32
      %mul3A_36 = arith.constant 128 : i32
      %mul3A_37 = arith.muli %add3A_35, %mul3A_36 : i32
      "tpu.region"() ({
        %run_scoped3A = tpu.sem_alloc : memref<!tpu.dma_semaphore, #tpu.memory_space<semaphore_mem>>
        %dma_start3A_65 = arith.constant 0 : i32
        %dma_start3A_66 = tpu.memref_slice %arg5[%add3A_35, %dma_start3A_65] : memref<625x128xi32, #tpu.memory_space<hbm>> -> memref<1x128xi32, #tpu.memory_space<hbm>>
        %dma_start3A_67 = tpu.memref_squeeze %dma_start3A_66 : memref<1x128xi32, #tpu.memory_space<hbm>> -> memref<128xi32, #tpu.memory_space<hbm>>
        %dma_start3A_68 = arith.constant 0 : i32
        %dma_start3A_69 = tpu.memref_slice %arg5[%add3A_35, %dma_start3A_68] : memref<625x128xi32, #tpu.memory_space<hbm>> -> memref<1x128xi32, #tpu.memory_space<hbm>>
        %dma_start3A_70 = tpu.memref_squeeze %dma_start3A_69 : memref<1x128xi32, #tpu.memory_space<hbm>> -> memref<128xi32, #tpu.memory_space<hbm>>
        tpu.enqueue_dma source(%dma_start3A_70 : memref<128xi32, #tpu.memory_space<hbm>>) target(%arg10 : memref<128xi32, #tpu.memory_space<vmem>>) target_semaphore(%run_scoped3A : memref<!tpu.dma_semaphore, #tpu.memory_space<semaphore_mem>>)
        %dma_wait3A_71 = arith.constant 0 : i32
        %dma_wait3A_72 = tpu.memref_slice %arg5[%add3A_35, %dma_wait3A_71] : memref<625x128xi32, #tpu.memory_space<hbm>> -> memref<1x128xi32, #tpu.memory_space<hbm>>
        %dma_wait3A_73 = tpu.memref_squeeze %dma_wait3A_72 : memref<1x128xi32, #tpu.memory_space<hbm>> -> memref<128xi32, #tpu.memory_space<hbm>>
        %dma_wait3A_74 = arith.constant 0 : i32
        %dma_wait3A_75 = tpu.memref_slice %arg5[%add3A_35, %dma_wait3A_74] : memref<625x128xi32, #tpu.memory_space<hbm>> -> memref<1x128xi32, #tpu.memory_space<hbm>>
        %dma_wait3A_76 = tpu.memref_squeeze %dma_wait3A_75 : memref<1x128xi32, #tpu.memory_space<hbm>> -> memref<128xi32, #tpu.memory_space<hbm>>
        tpu.wait_dma2 semaphore(%run_scoped3A : memref<!tpu.dma_semaphore, #tpu.memory_space<semaphore_mem>>) src(%dma_wait3A_76 : memref<128xi32, #tpu.memory_space<hbm>>) dst(%arg10 : memref<128xi32, #tpu.memory_space<vmem>>)
        tpu.yield
      }) : () -> ()
      "tpu.region"() ({
        %run_scoped3A = tpu.sem_alloc : memref<!tpu.dma_semaphore, #tpu.memory_space<semaphore_mem>>
        %dma_start3A_65 = arith.constant 0 : i32
        %dma_start3A_66 = tpu.memref_slice %arg6[%add3A_35, %dma_start3A_65] : memref<625x128xi32, #tpu.memory_space<hbm>> -> memref<1x128xi32, #tpu.memory_space<hbm>>
        %dma_start3A_67 = tpu.memref_squeeze %dma_start3A_66 : memref<1x128xi32, #tpu.memory_space<hbm>> -> memref<128xi32, #tpu.memory_space<hbm>>
        %dma_start3A_68 = arith.constant 0 : i32
        %dma_start3A_69 = tpu.memref_slice %arg6[%add3A_35, %dma_start3A_68] : memref<625x128xi32, #tpu.memory_space<hbm>> -> memref<1x128xi32, #tpu.memory_space<hbm>>
        %dma_start3A_70 = tpu.memref_squeeze %dma_start3A_69 : memref<1x128xi32, #tpu.memory_space<hbm>> -> memref<128xi32, #tpu.memory_space<hbm>>
        tpu.enqueue_dma source(%dma_start3A_70 : memref<128xi32, #tpu.memory_space<hbm>>) target(%arg11 : memref<128xi32, #tpu.memory_space<vmem>>) target_semaphore(%run_scoped3A : memref<!tpu.dma_semaphore, #tpu.memory_space<semaphore_mem>>)
        %dma_wait3A_71 = arith.constant 0 : i32
        %dma_wait3A_72 = tpu.memref_slice %arg6[%add3A_35, %dma_wait3A_71] : memref<625x128xi32, #tpu.memory_space<hbm>> -> memref<1x128xi32, #tpu.memory_space<hbm>>
        %dma_wait3A_73 = tpu.memref_squeeze %dma_wait3A_72 : memref<1x128xi32, #tpu.memory_space<hbm>> -> memref<128xi32, #tpu.memory_space<hbm>>
        %dma_wait3A_74 = arith.constant 0 : i32
        %dma_wait3A_75 = tpu.memref_slice %arg6[%add3A_35, %dma_wait3A_74] : memref<625x128xi32, #tpu.memory_space<hbm>> -> memref<1x128xi32, #tpu.memory_space<hbm>>
        %dma_wait3A_76 = tpu.memref_squeeze %dma_wait3A_75 : memref<1x128xi32, #tpu.memory_space<hbm>> -> memref<128xi32, #tpu.memory_space<hbm>>
        tpu.wait_dma2 semaphore(%run_scoped3A : memref<!tpu.dma_semaphore, #tpu.memory_space<semaphore_mem>>) src(%dma_wait3A_76 : memref<128xi32, #tpu.memory_space<hbm>>) dst(%arg11 : memref<128xi32, #tpu.memory_space<vmem>>)
        tpu.yield
      }) : () -> ()
      %dma_start3A = arith.constant 0 : i32
      %dma_start3A_38 = arith.constant 0 : i32
      %dma_start3A_39 = tpu.memref_slice %arg2[%dma_start3A, %dma_start3A_38] : memref<10000x128xf32, #tpu.memory_space<hbm>> -> memref<10000x128xf32, #tpu.memory_space<hbm>>
      tpu.enqueue_indirect_dma source(%dma_start3A_39 : memref<10000x128xf32, #tpu.memory_space<hbm>>) target(%arg12 : memref<128x128xf32, #tpu.memory_space<vmem>>) offsets(%arg10 : memref<128xi32, #tpu.memory_space<vmem>>) semaphore(%arg16 : memref<!tpu.dma_semaphore, #tpu.memory_space<semaphore_mem>>)
      %dma_start3A_40 = arith.constant 0 : i32
      %dma_start3A_41 = arith.constant 0 : i32
      %dma_start3A_42 = tpu.memref_slice %arg3[%dma_start3A_40, %dma_start3A_41] : memref<10000x128xf32, #tpu.memory_space<hbm>> -> memref<10000x128xf32, #tpu.memory_space<hbm>>
      tpu.enqueue_indirect_dma source(%dma_start3A_42 : memref<10000x128xf32, #tpu.memory_space<hbm>>) target(%arg13 : memref<128x128xf32, #tpu.memory_space<vmem>>) offsets(%arg11 : memref<128xi32, #tpu.memory_space<vmem>>) semaphore(%arg17 : memref<!tpu.dma_semaphore, #tpu.memory_space<semaphore_mem>>)
      %dma_start3A_43 = arith.constant 0 : i32
      %dma_start3A_44 = arith.constant 0 : i32
      %dma_start3A_45 = tpu.memref_slice %arg4[%dma_start3A_43, %dma_start3A_44] : memref<10000x16xf32, #tpu.memory_space<hbm>> -> memref<10000x16xf32, #tpu.memory_space<hbm>>
      tpu.enqueue_indirect_dma source(%dma_start3A_45 : memref<10000x16xf32, #tpu.memory_space<hbm>>) target(%arg14 : memref<128x16xf32, #tpu.memory_space<vmem>>) offsets(%arg10 : memref<128xi32, #tpu.memory_space<vmem>>) semaphore(%arg18 : memref<!tpu.dma_semaphore, #tpu.memory_space<semaphore_mem>>)
      %dma_start3A_46 = arith.constant 0 : i32
      %dma_start3A_47 = arith.constant 0 : i32
      %dma_start3A_48 = tpu.memref_slice %arg4[%dma_start3A_46, %dma_start3A_47] : memref<10000x16xf32, #tpu.memory_space<hbm>> -> memref<10000x16xf32, #tpu.memory_space<hbm>>
      tpu.enqueue_indirect_dma source(%dma_start3A_48 : memref<10000x16xf32, #tpu.memory_space<hbm>>) target(%arg15 : memref<128x16xf32, #tpu.memory_space<vmem>>) offsets(%arg11 : memref<128xi32, #tpu.memory_space<vmem>>) semaphore(%arg19 : memref<!tpu.dma_semaphore, #tpu.memory_space<semaphore_mem>>)
      %dma_wait3A = arith.constant 0 : i32
      %dma_wait3A_49 = arith.constant 0 : i32
      %dma_wait3A_50 = tpu.memref_slice %arg4[%dma_wait3A, %dma_wait3A_49] : memref<10000x16xf32, #tpu.memory_space<hbm>> -> memref<10000x16xf32, #tpu.memory_space<hbm>>
      tpu.wait_indirect_dma semaphore(%arg18 : memref<!tpu.dma_semaphore, #tpu.memory_space<semaphore_mem>>) src(%dma_wait3A_50 : memref<10000x16xf32, #tpu.memory_space<hbm>>) dst(%arg14 : memref<128x16xf32, #tpu.memory_space<vmem>>)
      %dma_wait3A_51 = arith.constant 0 : i32
      %dma_wait3A_52 = arith.constant 0 : i32
      %dma_wait3A_53 = tpu.memref_slice %arg4[%dma_wait3A_51, %dma_wait3A_52] : memref<10000x16xf32, #tpu.memory_space<hbm>> -> memref<10000x16xf32, #tpu.memory_space<hbm>>
      tpu.wait_indirect_dma semaphore(%arg19 : memref<!tpu.dma_semaphore, #tpu.memory_space<semaphore_mem>>) src(%dma_wait3A_53 : memref<10000x16xf32, #tpu.memory_space<hbm>>) dst(%arg15 : memref<128x16xf32, #tpu.memory_space<vmem>>)
      %scan3A = arith.constant 0 : i32
      %scan3A_54 = arith.constant 0 : i32
      %scan3A_55 = arith.constant 128 : i32
      %scan3A_56 = arith.addi %scan3A_54, %scan3A_55 : i32
      %scan3A_57 = arith.constant 4 : i32
      scf.for %scan3A_65 = %scan3A_54 to %scan3A_56 step %scan3A_57  : i32 {
        %get3A = arith.index_cast %scan3A_65 : i32 to index
        %get3A_66 = arith.constant 0 : index
        %get3A_67 = tpu.vector_load %arg14[%get3A, %get3A_66] {strides = array<i32>} : memref<128x16xf32, #tpu.memory_space<vmem>>, vector<1x16xf32>,
        %get3A_68 = vector.shape_cast %get3A_67 : vector<1x16xf32> to vector<16xf32>
        %get3A_69 = arith.index_cast %scan3A_65 : i32 to index
        %get3A_70 = arith.constant 0 : index
        %get3A_71 = tpu.vector_load %arg15[%get3A_69, %get3A_70] {strides = array<i32>} : memref<128x16xf32, #tpu.memory_space<vmem>>, vector<1x16xf32>,
        %get3A_72 = vector.shape_cast %get3A_71 : vector<1x16xf32> to vector<16xf32>
        %sub3A_73 = arith.subf %get3A_68, %get3A_72 : vector<16xf32>
        %swap3A = arith.index_cast %scan3A_65 : i32 to index
        %swap3A_74 = arith.constant 0 : index
        %swap3A_75 = tpu.vector_load %arg14[%swap3A, %swap3A_74] {strides = array<i32>} : memref<128x16xf32, #tpu.memory_space<vmem>>, vector<1x16xf32>,
        %swap3A_76 = vector.shape_cast %swap3A_75 : vector<1x16xf32> to vector<16xf32>
        %swap3A_77 = vector.shape_cast %sub3A_73 : vector<16xf32> to vector<1x16xf32>
        tpu.vector_store %arg14[%swap3A, %swap3A_74], %swap3A_77 {strides = array<i32>} : memref<128x16xf32, #tpu.memory_space<vmem>>, vector<1x16xf32>,
        %scan3A_78 = arith.constant 1 : i32
        %scan3A_79 = arith.addi %scan3A_65, %scan3A_78 : i32
        %get3A_80 = arith.index_cast %scan3A_79 : i32 to index
        %get3A_81 = arith.constant 0 : index
        %get3A_82 = tpu.vector_load %arg14[%get3A_80, %get3A_81] {strides = array<i32>} : memref<128x16xf32, #tpu.memory_space<vmem>>, vector<1x16xf32>,
        %get3A_83 = vector.shape_cast %get3A_82 : vector<1x16xf32> to vector<16xf32>
        %get3A_84 = arith.index_cast %scan3A_79 : i32 to index
        %get3A_85 = arith.constant 0 : index
        %get3A_86 = tpu.vector_load %arg15[%get3A_84, %get3A_85] {strides = array<i32>} : memref<128x16xf32, #tpu.memory_space<vmem>>, vector<1x16xf32>,
        %get3A_87 = vector.shape_cast %get3A_86 : vector<1x16xf32> to vector<16xf32>
        %sub3A_88 = arith.subf %get3A_83, %get3A_87 : vector<16xf32>
        %swap3A_89 = arith.index_cast %scan3A_79 : i32 to index
        %swap3A_90 = arith.constant 0 : index
        %swap3A_91 = tpu.vector_load %arg14[%swap3A_89, %swap3A_90] {strides = array<i32>} : memref<128x16xf32, #tpu.memory_space<vmem>>, vector<1x16xf32>,
        %swap3A_92 = vector.shape_cast %swap3A_91 : vector<1x16xf32> to vector<16xf32>
        %swap3A_93 = vector.shape_cast %sub3A_88 : vector<16xf32> to vector<1x16xf32>
        tpu.vector_store %arg14[%swap3A_89, %swap3A_90], %swap3A_93 {strides = array<i32>} : memref<128x16xf32, #tpu.memory_space<vmem>>, vector<1x16xf32>,
        %scan3A_94 = arith.constant 2 : i32
        %scan3A_95 = arith.addi %scan3A_65, %scan3A_94 : i32
        %get3A_96 = arith.index_cast %scan3A_95 : i32 to index
        %get3A_97 = arith.constant 0 : index
        %get3A_98 = tpu.vector_load %arg14[%get3A_96, %get3A_97] {strides = array<i32>} : memref<128x16xf32, #tpu.memory_space<vmem>>, vector<1x16xf32>,
        %get3A_99 = vector.shape_cast %get3A_98 : vector<1x16xf32> to vector<16xf32>
        %get3A_100 = arith.index_cast %scan3A_95 : i32 to index
        %get3A_101 = arith.constant 0 : index
        %get3A_102 = tpu.vector_load %arg15[%get3A_100, %get3A_101] {strides = array<i32>} : memref<128x16xf32, #tpu.memory_space<vmem>>, vector<1x16xf32>,
        %get3A_103 = vector.shape_cast %get3A_102 : vector<1x16xf32> to vector<16xf32>
        %sub3A_104 = arith.subf %get3A_99, %get3A_103 : vector<16xf32>
        %swap3A_105 = arith.index_cast %scan3A_95 : i32 to index
        %swap3A_106 = arith.constant 0 : index
        %swap3A_107 = tpu.vector_load %arg14[%swap3A_105, %swap3A_106] {strides = array<i32>} : memref<128x16xf32, #tpu.memory_space<vmem>>, vector<1x16xf32>,
        %swap3A_108 = vector.shape_cast %swap3A_107 : vector<1x16xf32> to vector<16xf32>
        %swap3A_109 = vector.shape_cast %sub3A_104 : vector<16xf32> to vector<1x16xf32>
        tpu.vector_store %arg14[%swap3A_105, %swap3A_106], %swap3A_109 {strides = array<i32>} : memref<128x16xf32, #tpu.memory_space<vmem>>, vector<1x16xf32>,
        %scan3A_110 = arith.constant 3 : i32
        %scan3A_111 = arith.addi %scan3A_65, %scan3A_110 : i32
        %get3A_112 = arith.index_cast %scan3A_111 : i32 to index
        %get3A_113 = arith.constant 0 : index
        %get3A_114 = tpu.vector_load %arg14[%get3A_112, %get3A_113] {strides = array<i32>} : memref<128x16xf32, #tpu.memory_space<vmem>>, vector<1x16xf32>,
        %get3A_115 = vector.shape_cast %get3A_114 : vector<1x16xf32> to vector<16xf32>
        %get3A_116 = arith.index_cast %scan3A_111 : i32 to index
        %get3A_117 = arith.constant 0 : index
        %get3A_118 = tpu.vector_load %arg15[%get3A_116, %get3A_117] {strides = array<i32>} : memref<128x16xf32, #tpu.memory_space<vmem>>, vector<1x16xf32>,
        %get3A_119 = vector.shape_cast %get3A_118 : vector<1x16xf32> to vector<16xf32>
        %sub3A_120 = arith.subf %get3A_115, %get3A_119 : vector<16xf32>
        %swap3A_121 = arith.index_cast %scan3A_111 : i32 to index
        %swap3A_122 = arith.constant 0 : index
        %swap3A_123 = tpu.vector_load %arg14[%swap3A_121, %swap3A_122] {strides = array<i32>} : memref<128x16xf32, #tpu.memory_space<vmem>>, vector<1x16xf32>,
        %swap3A_124 = vector.shape_cast %swap3A_123 : vector<1x16xf32> to vector<16xf32>
        %swap3A_125 = vector.shape_cast %sub3A_120 : vector<16xf32> to vector<1x16xf32>
        tpu.vector_store %arg14[%swap3A_121, %swap3A_122], %swap3A_125 {strides = array<i32>} : memref<128x16xf32, #tpu.memory_space<vmem>>, vector<1x16xf32>,
      }
      %scan3A_58 = arith.constant 128 : i32
      %dma_wait3A_59 = arith.constant 0 : i32
      %dma_wait3A_60 = arith.constant 0 : i32
      %dma_wait3A_61 = tpu.memref_slice %arg2[%dma_wait3A_59, %dma_wait3A_60] : memref<10000x128xf32, #tpu.memory_space<hbm>> -> memref<10000x128xf32, #tpu.memory_space<hbm>>
      tpu.wait_indirect_dma semaphore(%arg16 : memref<!tpu.dma_semaphore, #tpu.memory_space<semaphore_mem>>) src(%dma_wait3A_61 : memref<10000x128xf32, #tpu.memory_space<hbm>>) dst(%arg12 : memref<128x128xf32, #tpu.memory_space<vmem>>)
      %dma_wait3A_62 = arith.constant 0 : i32
      %dma_wait3A_63 = arith.constant 0 : i32
      %dma_wait3A_64 = tpu.memref_slice %arg3[%dma_wait3A_62, %dma_wait3A_63] : memref<10000x128xf32, #tpu.memory_space<hbm>> -> memref<10000x128xf32, #tpu.memory_space<hbm>>
      tpu.wait_indirect_dma semaphore(%arg17 : memref<!tpu.dma_semaphore, #tpu.memory_space<semaphore_mem>>) src(%dma_wait3A_64 : memref<10000x128xf32, #tpu.memory_space<hbm>>) dst(%arg13 : memref<128x128xf32, #tpu.memory_space<vmem>>)
      "tpu.region"() ({
        %run_scoped3A = tpu.sem_alloc : memref<!tpu.dma_semaphore, #tpu.memory_space<semaphore_mem>>
        %dma_start3A_65 = arith.constant 0 : i32
        %dma_start3A_66 = tpu.memref_slice %arg7[%mul3A_37, %dma_start3A_65] : memref<80000x128xf32, #tpu.memory_space<hbm>> -> memref<128x128xf32, #tpu.memory_space<hbm>>
        %dma_start3A_67 = arith.constant 0 : i32
        %dma_start3A_68 = tpu.memref_slice %arg7[%mul3A_37, %dma_start3A_67] : memref<80000x128xf32, #tpu.memory_space<hbm>> -> memref<128x128xf32, #tpu.memory_space<hbm>>
        tpu.enqueue_dma source(%arg12 : memref<128x128xf32, #tpu.memory_space<vmem>>) target(%dma_start3A_68 : memref<128x128xf32, #tpu.memory_space<hbm>>) target_semaphore(%run_scoped3A : memref<!tpu.dma_semaphore, #tpu.memory_space<semaphore_mem>>)
        %dma_wait3A_69 = arith.constant 0 : i32
        %dma_wait3A_70 = tpu.memref_slice %arg7[%mul3A_37, %dma_wait3A_69] : memref<80000x128xf32, #tpu.memory_space<hbm>> -> memref<128x128xf32, #tpu.memory_space<hbm>>
        %dma_wait3A_71 = arith.constant 0 : i32
        %dma_wait3A_72 = tpu.memref_slice %arg7[%mul3A_37, %dma_wait3A_71] : memref<80000x128xf32, #tpu.memory_space<hbm>> -> memref<128x128xf32, #tpu.memory_space<hbm>>
        tpu.wait_dma2 semaphore(%run_scoped3A : memref<!tpu.dma_semaphore, #tpu.memory_space<semaphore_mem>>) src(%arg12 : memref<128x128xf32, #tpu.memory_space<vmem>>) dst(%dma_wait3A_72 : memref<128x128xf32, #tpu.memory_space<hbm>>)
        tpu.yield
      }) : () -> ()
      "tpu.region"() ({
        %run_scoped3A = tpu.sem_alloc : memref<!tpu.dma_semaphore, #tpu.memory_space<semaphore_mem>>
        %dma_start3A_65 = arith.constant 0 : i32
        %dma_start3A_66 = tpu.memref_slice %arg8[%mul3A_37, %dma_start3A_65] : memref<80000x128xf32, #tpu.memory_space<hbm>> -> memref<128x128xf32, #tpu.memory_space<hbm>>
        %dma_start3A_67 = arith.constant 0 : i32
        %dma_start3A_68 = tpu.memref_slice %arg8[%mul3A_37, %dma_start3A_67] : memref<80000x128xf32, #tpu.memory_space<hbm>> -> memref<128x128xf32, #tpu.memory_space<hbm>>
        tpu.enqueue_dma source(%arg13 : memref<128x128xf32, #tpu.memory_space<vmem>>) target(%dma_start3A_68 : memref<128x128xf32, #tpu.memory_space<hbm>>) target_semaphore(%run_scoped3A : memref<!tpu.dma_semaphore, #tpu.memory_space<semaphore_mem>>)
        %dma_wait3A_69 = arith.constant 0 : i32
        %dma_wait3A_70 = tpu.memref_slice %arg8[%mul3A_37, %dma_wait3A_69] : memref<80000x128xf32, #tpu.memory_space<hbm>> -> memref<128x128xf32, #tpu.memory_space<hbm>>
        %dma_wait3A_71 = arith.constant 0 : i32
        %dma_wait3A_72 = tpu.memref_slice %arg8[%mul3A_37, %dma_wait3A_71] : memref<80000x128xf32, #tpu.memory_space<hbm>> -> memref<128x128xf32, #tpu.memory_space<hbm>>
        tpu.wait_dma2 semaphore(%run_scoped3A : memref<!tpu.dma_semaphore, #tpu.memory_space<semaphore_mem>>) src(%arg13 : memref<128x128xf32, #tpu.memory_space<vmem>>) dst(%dma_wait3A_72 : memref<128x128xf32, #tpu.memory_space<hbm>>)
        tpu.yield
      }) : () -> ()
      "tpu.region"() ({
        %run_scoped3A = tpu.sem_alloc : memref<!tpu.dma_semaphore, #tpu.memory_space<semaphore_mem>>
        %dma_start3A_65 = arith.constant 0 : i32
        %dma_start3A_66 = tpu.memref_slice %arg9[%mul3A_37, %dma_start3A_65] : memref<80000x16xf32, #tpu.memory_space<hbm>> -> memref<128x16xf32, #tpu.memory_space<hbm>>
        %dma_start3A_67 = arith.constant 0 : i32
        %dma_start3A_68 = tpu.memref_slice %arg9[%mul3A_37, %dma_start3A_67] : memref<80000x16xf32, #tpu.memory_space<hbm>> -> memref<128x16xf32, #tpu.memory_space<hbm>>
        tpu.enqueue_dma source(%arg14 : memref<128x16xf32, #tpu.memory_space<vmem>>) target(%dma_start3A_68 : memref<128x16xf32, #tpu.memory_space<hbm>>) target_semaphore(%run_scoped3A : memref<!tpu.dma_semaphore, #tpu.memory_space<semaphore_mem>>)
        %dma_wait3A_69 = arith.constant 0 : i32
        %dma_wait3A_70 = tpu.memref_slice %arg9[%mul3A_37, %dma_wait3A_69] : memref<80000x16xf32, #tpu.memory_space<hbm>> -> memref<128x16xf32, #tpu.memory_space<hbm>>
        %dma_wait3A_71 = arith.constant 0 : i32
        %dma_wait3A_72 = tpu.memref_slice %arg9[%mul3A_37, %dma_wait3A_71] : memref<80000x16xf32, #tpu.memory_space<hbm>> -> memref<128x16xf32, #tpu.memory_space<hbm>>
        tpu.wait_dma2 semaphore(%run_scoped3A : memref<!tpu.dma_semaphore, #tpu.memory_space<semaphore_mem>>) src(%arg14 : memref<128x16xf32, #tpu.memory_space<vmem>>) dst(%dma_wait3A_72 : memref<128x16xf32, #tpu.memory_space<hbm>>)
        tpu.yield
      }) : () -> ()
    }
    return
  }
}

#map = affine_map<(d0, d1) -> (0, 0)>
#map1 = affine_map<(d0, d1) -> (0, 0, 0)>
module attributes {stable_mosaic.version = 14 : i64} {
  func.func @_s(%arg0: i32, %arg1: i32, %arg2: memref<80000x128xf32, #tpu.memory_space<hbm>>, %arg3: memref<80000x16xf32, #tpu.memory_space<hbm>>, %arg4: memref<625x128xi32, #tpu.memory_space<hbm>>, %arg5: memref<625x128xf32, #tpu.memory_space<hbm>>, %arg6: memref<625x16xf32, #tpu.memory_space<hbm>>, %arg7: memref<2x10000x128xf32, #tpu.memory_space<hbm>>, %arg8: memref<2x10000x16xf32, #tpu.memory_space<hbm>>, %arg9: memref<128x128xf32, #tpu.memory_space<vmem>>, %arg10: memref<128x16xf32, #tpu.memory_space<vmem>>, %arg11: memref<128xi32, #tpu.memory_space<vmem>>, %arg12: memref<10000x128xf32, #tpu.memory_space<vmem_shared>>, %arg13: memref<10000x16xf32, #tpu.memory_space<vmem_shared>>) attributes {dimension_semantics = [#tpu.dimension_semantics<core_parallel>, #tpu.dimension_semantics<subcore_parallel>], iteration_bounds = array<i64: 2, 16>, scalar_prefetch = 0 : i64, scratch_operands = 5 : i64, tpu.core_type = #tpu.core_type<sc_vector_subcore>, window_params = [{transform_indices = #map}, {transform_indices = #map}, {transform_indices = #map}, {transform_indices = #map}, {transform_indices = #map}, {transform_indices = #map1}, {transform_indices = #map1}]} {
    %mul3A = arith.constant 2 : i32
    %mul3A_0 = arith.muli %arg1, %mul3A : i32
    %add3A = arith.addi %mul3A_0, %arg0 : i32
    %mul3A_1 = arith.constant 625 : i32
    %mul3A_2 = arith.muli %arg1, %mul3A_1 : i32
    "tpu.region"() ({
      %run_scoped3A = tpu.sem_alloc : memref<!tpu.dma_semaphore, #tpu.memory_space<semaphore_mem>>
      %dma_start3A = arith.constant 0 : i32
      %dma_start3A_45 = tpu.memref_slice %arg12[%mul3A_2, %dma_start3A] : memref<10000x128xf32, #tpu.memory_space<vmem_shared>> -> memref<625x128xf32, #tpu.memory_space<vmem_shared>>
      tpu.enqueue_dma source(%arg5 : memref<625x128xf32, #tpu.memory_space<hbm>>) target(%dma_start3A_45 : memref<625x128xf32, #tpu.memory_space<vmem_shared>>) target_semaphore(%run_scoped3A : memref<!tpu.dma_semaphore, #tpu.memory_space<semaphore_mem>>)
      %dma_wait3A = arith.constant 0 : i32
      %dma_wait3A_46 = tpu.memref_slice %arg12[%mul3A_2, %dma_wait3A] : memref<10000x128xf32, #tpu.memory_space<vmem_shared>> -> memref<625x128xf32, #tpu.memory_space<vmem_shared>>
      tpu.wait_dma2 semaphore(%run_scoped3A : memref<!tpu.dma_semaphore, #tpu.memory_space<semaphore_mem>>) src(%arg5 : memref<625x128xf32, #tpu.memory_space<hbm>>) dst(%dma_wait3A_46 : memref<625x128xf32, #tpu.memory_space<vmem_shared>>)
      tpu.yield
    }) : () -> ()
    %mul3A_3 = arith.constant 625 : i32
    %mul3A_4 = arith.muli %arg1, %mul3A_3 : i32
    "tpu.region"() ({
      %run_scoped3A = tpu.sem_alloc : memref<!tpu.dma_semaphore, #tpu.memory_space<semaphore_mem>>
      %dma_start3A = arith.constant 0 : i32
      %dma_start3A_45 = tpu.memref_slice %arg13[%mul3A_4, %dma_start3A] : memref<10000x16xf32, #tpu.memory_space<vmem_shared>> -> memref<625x16xf32, #tpu.memory_space<vmem_shared>>
      tpu.enqueue_dma source(%arg6 : memref<625x16xf32, #tpu.memory_space<hbm>>) target(%dma_start3A_45 : memref<625x16xf32, #tpu.memory_space<vmem_shared>>) target_semaphore(%run_scoped3A : memref<!tpu.dma_semaphore, #tpu.memory_space<semaphore_mem>>)
      %dma_wait3A = arith.constant 0 : i32
      %dma_wait3A_46 = tpu.memref_slice %arg13[%mul3A_4, %dma_wait3A] : memref<10000x16xf32, #tpu.memory_space<vmem_shared>> -> memref<625x16xf32, #tpu.memory_space<vmem_shared>>
      tpu.wait_dma2 semaphore(%run_scoped3A : memref<!tpu.dma_semaphore, #tpu.memory_space<semaphore_mem>>) src(%arg6 : memref<625x16xf32, #tpu.memory_space<hbm>>) dst(%dma_wait3A_46 : memref<625x16xf32, #tpu.memory_space<vmem_shared>>)
      tpu.yield
    }) : () -> ()
    %barrier3A = arith.constant 0 : index
    tpu.barrier barrier_id(%barrier3A)
    %sub3A = arith.constant 625 : i32
    %sub3A_5 = arith.subi %sub3A, %add3A : i32
    %add3A_6 = arith.constant 32 : i32
    %add3A_7 = arith.addi %sub3A_5, %add3A_6 : i32
    %sub3A_8 = arith.constant 1 : i32
    %sub3A_9 = arith.subi %add3A_7, %sub3A_8 : i32
    %jit3A = arith.constant 32 : i32
    %div3A = arith.divsi %sub3A_9, %jit3A : i32
    %sign3A = arith.constant 0 : i32
    %sign3A_10 = arith.cmpi sgt, %sub3A_9, %sign3A : i32
    %sign3A_11 = arith.extui %sign3A_10 : i1 to i32
    %sign3A_12 = arith.constant 0 : i32
    %sign3A_13 = arith.cmpi slt, %sub3A_9, %sign3A_12 : i32
    %sign3A_14 = arith.extui %sign3A_13 : i1 to i32
    %sign3A_15 = arith.subi %sign3A_11, %sign3A_14 : i32
    %sign3A_16 = arith.constant 0 : i32
    %sign3A_17 = arith.cmpi sgt, %jit3A, %sign3A_16 : i32
    %sign3A_18 = arith.extui %sign3A_17 : i1 to i32
    %sign3A_19 = arith.constant 0 : i32
    %sign3A_20 = arith.cmpi slt, %jit3A, %sign3A_19 : i32
    %sign3A_21 = arith.extui %sign3A_20 : i1 to i32
    %sign3A_22 = arith.subi %sign3A_18, %sign3A_21 : i32
    %ne3A = arith.cmpi ne, %sign3A_15, %sign3A_22 : i32
    %rem3A = arith.remsi %sub3A_9, %jit3A : i32
    %ne3A_23 = arith.constant 0 : i32
    %ne3A_24 = arith.cmpi ne, %rem3A, %ne3A_23 : i32
    %and3A = arith.andi %ne3A, %ne3A_24 : i1
    %sub3A_25 = arith.constant 1 : i32
    %sub3A_26 = arith.subi %div3A, %sub3A_25 : i32
    %select_n3A = arith.select %and3A, %sub3A_26, %div3A : i32
    %while3A = arith.constant 0 : i32
    %while3A_27 = arith.constant 0 : i32
    %while3A_28 = arith.subi %select_n3A, %while3A_27 : i32
    %while3A_29 = arith.addi %while3A_27, %while3A_28 : i32
    %while3A_30 = arith.constant 1 : i32
    %while3A_31 = arith.divsi %while3A_28, %while3A_30 : i32
    %while3A_32 = arith.muli %while3A_31, %while3A_30 : i32
    %while3A_33 = arith.addi %while3A_27, %while3A_32 : i32
    %while3A_34 = arith.constant 1 : i32
    scf.for %while3A_45 = %while3A_27 to %while3A_33 step %while3A_34  : i32 {
      %mul3A_46 = arith.constant 32 : i32
      %mul3A_47 = arith.muli %while3A_45, %mul3A_46 : i32
      %add3A_48 = arith.addi %add3A, %mul3A_47 : i32
      "tpu.region"() ({
        %run_scoped3A = tpu.sem_alloc : memref<!tpu.dma_semaphore, #tpu.memory_space<semaphore_mem>>
        %dma_start3A = arith.constant 0 : i32
        %dma_start3A_53 = tpu.memref_slice %arg4[%add3A_48, %dma_start3A] : memref<625x128xi32, #tpu.memory_space<hbm>> -> memref<1x128xi32, #tpu.memory_space<hbm>>
        %dma_start3A_54 = tpu.memref_squeeze %dma_start3A_53 : memref<1x128xi32, #tpu.memory_space<hbm>> -> memref<128xi32, #tpu.memory_space<hbm>>
        %dma_start3A_55 = arith.constant 0 : i32
        %dma_start3A_56 = tpu.memref_slice %arg4[%add3A_48, %dma_start3A_55] : memref<625x128xi32, #tpu.memory_space<hbm>> -> memref<1x128xi32, #tpu.memory_space<hbm>>
        %dma_start3A_57 = tpu.memref_squeeze %dma_start3A_56 : memref<1x128xi32, #tpu.memory_space<hbm>> -> memref<128xi32, #tpu.memory_space<hbm>>
        tpu.enqueue_dma source(%dma_start3A_57 : memref<128xi32, #tpu.memory_space<hbm>>) target(%arg11 : memref<128xi32, #tpu.memory_space<vmem>>) target_semaphore(%run_scoped3A : memref<!tpu.dma_semaphore, #tpu.memory_space<semaphore_mem>>)
        %dma_wait3A = arith.constant 0 : i32
        %dma_wait3A_58 = tpu.memref_slice %arg4[%add3A_48, %dma_wait3A] : memref<625x128xi32, #tpu.memory_space<hbm>> -> memref<1x128xi32, #tpu.memory_space<hbm>>
        %dma_wait3A_59 = tpu.memref_squeeze %dma_wait3A_58 : memref<1x128xi32, #tpu.memory_space<hbm>> -> memref<128xi32, #tpu.memory_space<hbm>>
        %dma_wait3A_60 = arith.constant 0 : i32
        %dma_wait3A_61 = tpu.memref_slice %arg4[%add3A_48, %dma_wait3A_60] : memref<625x128xi32, #tpu.memory_space<hbm>> -> memref<1x128xi32, #tpu.memory_space<hbm>>
        %dma_wait3A_62 = tpu.memref_squeeze %dma_wait3A_61 : memref<1x128xi32, #tpu.memory_space<hbm>> -> memref<128xi32, #tpu.memory_space<hbm>>
        tpu.wait_dma2 semaphore(%run_scoped3A : memref<!tpu.dma_semaphore, #tpu.memory_space<semaphore_mem>>) src(%dma_wait3A_62 : memref<128xi32, #tpu.memory_space<hbm>>) dst(%arg11 : memref<128xi32, #tpu.memory_space<vmem>>)
        tpu.yield
      }) : () -> ()
      %mul3A_49 = arith.constant 128 : i32
      %mul3A_50 = arith.muli %add3A_48, %mul3A_49 : i32
      "tpu.region"() ({
        %run_scoped3A = tpu.sem_alloc : memref<!tpu.dma_semaphore, #tpu.memory_space<semaphore_mem>>
        %dma_start3A = arith.constant 0 : i32
        %dma_start3A_53 = tpu.memref_slice %arg2[%mul3A_50, %dma_start3A] : memref<80000x128xf32, #tpu.memory_space<hbm>> -> memref<128x128xf32, #tpu.memory_space<hbm>>
        %dma_start3A_54 = arith.constant 0 : i32
        %dma_start3A_55 = tpu.memref_slice %arg2[%mul3A_50, %dma_start3A_54] : memref<80000x128xf32, #tpu.memory_space<hbm>> -> memref<128x128xf32, #tpu.memory_space<hbm>>
        tpu.enqueue_dma source(%dma_start3A_55 : memref<128x128xf32, #tpu.memory_space<hbm>>) target(%arg9 : memref<128x128xf32, #tpu.memory_space<vmem>>) target_semaphore(%run_scoped3A : memref<!tpu.dma_semaphore, #tpu.memory_space<semaphore_mem>>)
        %dma_wait3A = arith.constant 0 : i32
        %dma_wait3A_56 = tpu.memref_slice %arg2[%mul3A_50, %dma_wait3A] : memref<80000x128xf32, #tpu.memory_space<hbm>> -> memref<128x128xf32, #tpu.memory_space<hbm>>
        %dma_wait3A_57 = arith.constant 0 : i32
        %dma_wait3A_58 = tpu.memref_slice %arg2[%mul3A_50, %dma_wait3A_57] : memref<80000x128xf32, #tpu.memory_space<hbm>> -> memref<128x128xf32, #tpu.memory_space<hbm>>
        tpu.wait_dma2 semaphore(%run_scoped3A : memref<!tpu.dma_semaphore, #tpu.memory_space<semaphore_mem>>) src(%dma_wait3A_58 : memref<128x128xf32, #tpu.memory_space<hbm>>) dst(%arg9 : memref<128x128xf32, #tpu.memory_space<vmem>>)
        tpu.yield
      }) : () -> ()
      %mul3A_51 = arith.constant 128 : i32
      %mul3A_52 = arith.muli %add3A_48, %mul3A_51 : i32
      "tpu.region"() ({
        %run_scoped3A = tpu.sem_alloc : memref<!tpu.dma_semaphore, #tpu.memory_space<semaphore_mem>>
        %dma_start3A = arith.constant 0 : i32
        %dma_start3A_53 = tpu.memref_slice %arg3[%mul3A_52, %dma_start3A] : memref<80000x16xf32, #tpu.memory_space<hbm>> -> memref<128x16xf32, #tpu.memory_space<hbm>>
        %dma_start3A_54 = arith.constant 0 : i32
        %dma_start3A_55 = tpu.memref_slice %arg3[%mul3A_52, %dma_start3A_54] : memref<80000x16xf32, #tpu.memory_space<hbm>> -> memref<128x16xf32, #tpu.memory_space<hbm>>
        tpu.enqueue_dma source(%dma_start3A_55 : memref<128x16xf32, #tpu.memory_space<hbm>>) target(%arg10 : memref<128x16xf32, #tpu.memory_space<vmem>>) target_semaphore(%run_scoped3A : memref<!tpu.dma_semaphore, #tpu.memory_space<semaphore_mem>>)
        %dma_wait3A = arith.constant 0 : i32
        %dma_wait3A_56 = tpu.memref_slice %arg3[%mul3A_52, %dma_wait3A] : memref<80000x16xf32, #tpu.memory_space<hbm>> -> memref<128x16xf32, #tpu.memory_space<hbm>>
        %dma_wait3A_57 = arith.constant 0 : i32
        %dma_wait3A_58 = tpu.memref_slice %arg3[%mul3A_52, %dma_wait3A_57] : memref<80000x16xf32, #tpu.memory_space<hbm>> -> memref<128x16xf32, #tpu.memory_space<hbm>>
        tpu.wait_dma2 semaphore(%run_scoped3A : memref<!tpu.dma_semaphore, #tpu.memory_space<semaphore_mem>>) src(%dma_wait3A_58 : memref<128x16xf32, #tpu.memory_space<hbm>>) dst(%arg10 : memref<128x16xf32, #tpu.memory_space<vmem>>)
        tpu.yield
      }) : () -> ()
      "tpu.region"() ({
        %run_scoped3A = tpu.sem_alloc : memref<!tpu.dma_semaphore, #tpu.memory_space<semaphore_mem>>
        %dma_start3A = arith.constant 0 : i32
        %dma_start3A_53 = arith.constant 0 : i32
        %dma_start3A_54 = tpu.memref_slice %arg12[%dma_start3A, %dma_start3A_53] : memref<10000x128xf32, #tpu.memory_space<vmem_shared>> -> memref<10000x128xf32, #tpu.memory_space<vmem_shared>>
        tpu.enqueue_indirect_dma source(%arg9 : memref<128x128xf32, #tpu.memory_space<vmem>>) target(%dma_start3A_54 : memref<10000x128xf32, #tpu.memory_space<vmem_shared>>) offsets(%arg11 : memref<128xi32, #tpu.memory_space<vmem>>) semaphore(%run_scoped3A : memref<!tpu.dma_semaphore, #tpu.memory_space<semaphore_mem>>) {add = true}
        %dma_wait3A = arith.constant 0 : i32
        %dma_wait3A_55 = arith.constant 0 : i32
        %dma_wait3A_56 = tpu.memref_slice %arg12[%dma_wait3A, %dma_wait3A_55] : memref<10000x128xf32, #tpu.memory_space<vmem_shared>> -> memref<10000x128xf32, #tpu.memory_space<vmem_shared>>
        tpu.wait_indirect_dma semaphore(%run_scoped3A : memref<!tpu.dma_semaphore, #tpu.memory_space<semaphore_mem>>) src(%arg9 : memref<128x128xf32, #tpu.memory_space<vmem>>) dst(%dma_wait3A_56 : memref<10000x128xf32, #tpu.memory_space<vmem_shared>>)
        tpu.yield
      }) : () -> ()
      "tpu.region"() ({
        %run_scoped3A = tpu.sem_alloc : memref<!tpu.dma_semaphore, #tpu.memory_space<semaphore_mem>>
        %dma_start3A = arith.constant 0 : i32
        %dma_start3A_53 = arith.constant 0 : i32
        %dma_start3A_54 = tpu.memref_slice %arg13[%dma_start3A, %dma_start3A_53] : memref<10000x16xf32, #tpu.memory_space<vmem_shared>> -> memref<10000x16xf32, #tpu.memory_space<vmem_shared>>
        tpu.enqueue_indirect_dma source(%arg10 : memref<128x16xf32, #tpu.memory_space<vmem>>) target(%dma_start3A_54 : memref<10000x16xf32, #tpu.memory_space<vmem_shared>>) offsets(%arg11 : memref<128xi32, #tpu.memory_space<vmem>>) semaphore(%run_scoped3A : memref<!tpu.dma_semaphore, #tpu.memory_space<semaphore_mem>>) {add = true}
        %dma_wait3A = arith.constant 0 : i32
        %dma_wait3A_55 = arith.constant 0 : i32
        %dma_wait3A_56 = tpu.memref_slice %arg13[%dma_wait3A, %dma_wait3A_55] : memref<10000x16xf32, #tpu.memory_space<vmem_shared>> -> memref<10000x16xf32, #tpu.memory_space<vmem_shared>>
        tpu.wait_indirect_dma semaphore(%run_scoped3A : memref<!tpu.dma_semaphore, #tpu.memory_space<semaphore_mem>>) src(%arg10 : memref<128x16xf32, #tpu.memory_space<vmem>>) dst(%dma_wait3A_56 : memref<10000x16xf32, #tpu.memory_space<vmem_shared>>)
        tpu.yield
      }) : () -> ()
    }
    %while3A_35 = arith.constant 1 : i32
    scf.for %while3A_45 = %while3A_33 to %while3A_29 step %while3A_35  : i32 {
      %mul3A_46 = arith.constant 32 : i32
      %mul3A_47 = arith.muli %while3A_45, %mul3A_46 : i32
      %add3A_48 = arith.addi %add3A, %mul3A_47 : i32
      "tpu.region"() ({
        %run_scoped3A = tpu.sem_alloc : memref<!tpu.dma_semaphore, #tpu.memory_space<semaphore_mem>>
        %dma_start3A = arith.constant 0 : i32
        %dma_start3A_53 = tpu.memref_slice %arg4[%add3A_48, %dma_start3A] : memref<625x128xi32, #tpu.memory_space<hbm>> -> memref<1x128xi32, #tpu.memory_space<hbm>>
        %dma_start3A_54 = tpu.memref_squeeze %dma_start3A_53 : memref<1x128xi32, #tpu.memory_space<hbm>> -> memref<128xi32, #tpu.memory_space<hbm>>
        %dma_start3A_55 = arith.constant 0 : i32
        %dma_start3A_56 = tpu.memref_slice %arg4[%add3A_48, %dma_start3A_55] : memref<625x128xi32, #tpu.memory_space<hbm>> -> memref<1x128xi32, #tpu.memory_space<hbm>>
        %dma_start3A_57 = tpu.memref_squeeze %dma_start3A_56 : memref<1x128xi32, #tpu.memory_space<hbm>> -> memref<128xi32, #tpu.memory_space<hbm>>
        tpu.enqueue_dma source(%dma_start3A_57 : memref<128xi32, #tpu.memory_space<hbm>>) target(%arg11 : memref<128xi32, #tpu.memory_space<vmem>>) target_semaphore(%run_scoped3A : memref<!tpu.dma_semaphore, #tpu.memory_space<semaphore_mem>>)
        %dma_wait3A = arith.constant 0 : i32
        %dma_wait3A_58 = tpu.memref_slice %arg4[%add3A_48, %dma_wait3A] : memref<625x128xi32, #tpu.memory_space<hbm>> -> memref<1x128xi32, #tpu.memory_space<hbm>>
        %dma_wait3A_59 = tpu.memref_squeeze %dma_wait3A_58 : memref<1x128xi32, #tpu.memory_space<hbm>> -> memref<128xi32, #tpu.memory_space<hbm>>
        %dma_wait3A_60 = arith.constant 0 : i32
        %dma_wait3A_61 = tpu.memref_slice %arg4[%add3A_48, %dma_wait3A_60] : memref<625x128xi32, #tpu.memory_space<hbm>> -> memref<1x128xi32, #tpu.memory_space<hbm>>
        %dma_wait3A_62 = tpu.memref_squeeze %dma_wait3A_61 : memref<1x128xi32, #tpu.memory_space<hbm>> -> memref<128xi32, #tpu.memory_space<hbm>>
        tpu.wait_dma2 semaphore(%run_scoped3A : memref<!tpu.dma_semaphore, #tpu.memory_space<semaphore_mem>>) src(%dma_wait3A_62 : memref<128xi32, #tpu.memory_space<hbm>>) dst(%arg11 : memref<128xi32, #tpu.memory_space<vmem>>)
        tpu.yield
      }) : () -> ()
      %mul3A_49 = arith.constant 128 : i32
      %mul3A_50 = arith.muli %add3A_48, %mul3A_49 : i32
      "tpu.region"() ({
        %run_scoped3A = tpu.sem_alloc : memref<!tpu.dma_semaphore, #tpu.memory_space<semaphore_mem>>
        %dma_start3A = arith.constant 0 : i32
        %dma_start3A_53 = tpu.memref_slice %arg2[%mul3A_50, %dma_start3A] : memref<80000x128xf32, #tpu.memory_space<hbm>> -> memref<128x128xf32, #tpu.memory_space<hbm>>
        %dma_start3A_54 = arith.constant 0 : i32
        %dma_start3A_55 = tpu.memref_slice %arg2[%mul3A_50, %dma_start3A_54] : memref<80000x128xf32, #tpu.memory_space<hbm>> -> memref<128x128xf32, #tpu.memory_space<hbm>>
        tpu.enqueue_dma source(%dma_start3A_55 : memref<128x128xf32, #tpu.memory_space<hbm>>) target(%arg9 : memref<128x128xf32, #tpu.memory_space<vmem>>) target_semaphore(%run_scoped3A : memref<!tpu.dma_semaphore, #tpu.memory_space<semaphore_mem>>)
        %dma_wait3A = arith.constant 0 : i32
        %dma_wait3A_56 = tpu.memref_slice %arg2[%mul3A_50, %dma_wait3A] : memref<80000x128xf32, #tpu.memory_space<hbm>> -> memref<128x128xf32, #tpu.memory_space<hbm>>
        %dma_wait3A_57 = arith.constant 0 : i32
        %dma_wait3A_58 = tpu.memref_slice %arg2[%mul3A_50, %dma_wait3A_57] : memref<80000x128xf32, #tpu.memory_space<hbm>> -> memref<128x128xf32, #tpu.memory_space<hbm>>
        tpu.wait_dma2 semaphore(%run_scoped3A : memref<!tpu.dma_semaphore, #tpu.memory_space<semaphore_mem>>) src(%dma_wait3A_58 : memref<128x128xf32, #tpu.memory_space<hbm>>) dst(%arg9 : memref<128x128xf32, #tpu.memory_space<vmem>>)
        tpu.yield
      }) : () -> ()
      %mul3A_51 = arith.constant 128 : i32
      %mul3A_52 = arith.muli %add3A_48, %mul3A_51 : i32
      "tpu.region"() ({
        %run_scoped3A = tpu.sem_alloc : memref<!tpu.dma_semaphore, #tpu.memory_space<semaphore_mem>>
        %dma_start3A = arith.constant 0 : i32
        %dma_start3A_53 = tpu.memref_slice %arg3[%mul3A_52, %dma_start3A] : memref<80000x16xf32, #tpu.memory_space<hbm>> -> memref<128x16xf32, #tpu.memory_space<hbm>>
        %dma_start3A_54 = arith.constant 0 : i32
        %dma_start3A_55 = tpu.memref_slice %arg3[%mul3A_52, %dma_start3A_54] : memref<80000x16xf32, #tpu.memory_space<hbm>> -> memref<128x16xf32, #tpu.memory_space<hbm>>
        tpu.enqueue_dma source(%dma_start3A_55 : memref<128x16xf32, #tpu.memory_space<hbm>>) target(%arg10 : memref<128x16xf32, #tpu.memory_space<vmem>>) target_semaphore(%run_scoped3A : memref<!tpu.dma_semaphore, #tpu.memory_space<semaphore_mem>>)
        %dma_wait3A = arith.constant 0 : i32
        %dma_wait3A_56 = tpu.memref_slice %arg3[%mul3A_52, %dma_wait3A] : memref<80000x16xf32, #tpu.memory_space<hbm>> -> memref<128x16xf32, #tpu.memory_space<hbm>>
        %dma_wait3A_57 = arith.constant 0 : i32
        %dma_wait3A_58 = tpu.memref_slice %arg3[%mul3A_52, %dma_wait3A_57] : memref<80000x16xf32, #tpu.memory_space<hbm>> -> memref<128x16xf32, #tpu.memory_space<hbm>>
        tpu.wait_dma2 semaphore(%run_scoped3A : memref<!tpu.dma_semaphore, #tpu.memory_space<semaphore_mem>>) src(%dma_wait3A_58 : memref<128x16xf32, #tpu.memory_space<hbm>>) dst(%arg10 : memref<128x16xf32, #tpu.memory_space<vmem>>)
        tpu.yield
      }) : () -> ()
      "tpu.region"() ({
        %run_scoped3A = tpu.sem_alloc : memref<!tpu.dma_semaphore, #tpu.memory_space<semaphore_mem>>
        %dma_start3A = arith.constant 0 : i32
        %dma_start3A_53 = arith.constant 0 : i32
        %dma_start3A_54 = tpu.memref_slice %arg12[%dma_start3A, %dma_start3A_53] : memref<10000x128xf32, #tpu.memory_space<vmem_shared>> -> memref<10000x128xf32, #tpu.memory_space<vmem_shared>>
        tpu.enqueue_indirect_dma source(%arg9 : memref<128x128xf32, #tpu.memory_space<vmem>>) target(%dma_start3A_54 : memref<10000x128xf32, #tpu.memory_space<vmem_shared>>) offsets(%arg11 : memref<128xi32, #tpu.memory_space<vmem>>) semaphore(%run_scoped3A : memref<!tpu.dma_semaphore, #tpu.memory_space<semaphore_mem>>) {add = true}
        %dma_wait3A = arith.constant 0 : i32
        %dma_wait3A_55 = arith.constant 0 : i32
        %dma_wait3A_56 = tpu.memref_slice %arg12[%dma_wait3A, %dma_wait3A_55] : memref<10000x128xf32, #tpu.memory_space<vmem_shared>> -> memref<10000x128xf32, #tpu.memory_space<vmem_shared>>
        tpu.wait_indirect_dma semaphore(%run_scoped3A : memref<!tpu.dma_semaphore, #tpu.memory_space<semaphore_mem>>) src(%arg9 : memref<128x128xf32, #tpu.memory_space<vmem>>) dst(%dma_wait3A_56 : memref<10000x128xf32, #tpu.memory_space<vmem_shared>>)
        tpu.yield
      }) : () -> ()
      "tpu.region"() ({
        %run_scoped3A = tpu.sem_alloc : memref<!tpu.dma_semaphore, #tpu.memory_space<semaphore_mem>>
        %dma_start3A = arith.constant 0 : i32
        %dma_start3A_53 = arith.constant 0 : i32
        %dma_start3A_54 = tpu.memref_slice %arg13[%dma_start3A, %dma_start3A_53] : memref<10000x16xf32, #tpu.memory_space<vmem_shared>> -> memref<10000x16xf32, #tpu.memory_space<vmem_shared>>
        tpu.enqueue_indirect_dma source(%arg10 : memref<128x16xf32, #tpu.memory_space<vmem>>) target(%dma_start3A_54 : memref<10000x16xf32, #tpu.memory_space<vmem_shared>>) offsets(%arg11 : memref<128xi32, #tpu.memory_space<vmem>>) semaphore(%run_scoped3A : memref<!tpu.dma_semaphore, #tpu.memory_space<semaphore_mem>>) {add = true}
        %dma_wait3A = arith.constant 0 : i32
        %dma_wait3A_55 = arith.constant 0 : i32
        %dma_wait3A_56 = tpu.memref_slice %arg13[%dma_wait3A, %dma_wait3A_55] : memref<10000x16xf32, #tpu.memory_space<vmem_shared>> -> memref<10000x16xf32, #tpu.memory_space<vmem_shared>>
        tpu.wait_indirect_dma semaphore(%run_scoped3A : memref<!tpu.dma_semaphore, #tpu.memory_space<semaphore_mem>>) src(%arg10 : memref<128x16xf32, #tpu.memory_space<vmem>>) dst(%dma_wait3A_56 : memref<10000x16xf32, #tpu.memory_space<vmem_shared>>)
        tpu.yield
      }) : () -> ()
    }
    %barrier3A_36 = arith.constant 0 : index
    tpu.barrier barrier_id(%barrier3A_36)
    %mul3A_37 = arith.constant 625 : i32
    %mul3A_38 = arith.muli %arg1, %mul3A_37 : i32
    %mul3A_39 = arith.constant 625 : i32
    %mul3A_40 = arith.muli %arg1, %mul3A_39 : i32
    "tpu.region"() ({
      %run_scoped3A = tpu.sem_alloc : memref<!tpu.dma_semaphore, #tpu.memory_space<semaphore_mem>>
      %dma_start3A = arith.constant 0 : i32
      %dma_start3A_45 = tpu.memref_slice %arg7[%arg0, %mul3A_40, %dma_start3A] : memref<2x10000x128xf32, #tpu.memory_space<hbm>> -> memref<1x625x128xf32, #tpu.memory_space<hbm>>
      %dma_start3A_46 = tpu.memref_squeeze %dma_start3A_45 : memref<1x625x128xf32, #tpu.memory_space<hbm>> -> memref<625x128xf32, #tpu.memory_space<hbm>>
      %dma_start3A_47 = arith.constant 0 : i32
      %dma_start3A_48 = tpu.memref_slice %arg12[%mul3A_38, %dma_start3A_47] : memref<10000x128xf32, #tpu.memory_space<vmem_shared>> -> memref<625x128xf32, #tpu.memory_space<vmem_shared>>
      tpu.enqueue_dma source(%dma_start3A_48 : memref<625x128xf32, #tpu.memory_space<vmem_shared>>) target(%dma_start3A_46 : memref<625x128xf32, #tpu.memory_space<hbm>>) target_semaphore(%run_scoped3A : memref<!tpu.dma_semaphore, #tpu.memory_space<semaphore_mem>>)
      %dma_wait3A = arith.constant 0 : i32
      %dma_wait3A_49 = tpu.memref_slice %arg7[%arg0, %mul3A_40, %dma_wait3A] : memref<2x10000x128xf32, #tpu.memory_space<hbm>> -> memref<1x625x128xf32, #tpu.memory_space<hbm>>
      %dma_wait3A_50 = tpu.memref_squeeze %dma_wait3A_49 : memref<1x625x128xf32, #tpu.memory_space<hbm>> -> memref<625x128xf32, #tpu.memory_space<hbm>>
      %dma_wait3A_51 = arith.constant 0 : i32
      %dma_wait3A_52 = tpu.memref_slice %arg12[%mul3A_38, %dma_wait3A_51] : memref<10000x128xf32, #tpu.memory_space<vmem_shared>> -> memref<625x128xf32, #tpu.memory_space<vmem_shared>>
      tpu.wait_dma2 semaphore(%run_scoped3A : memref<!tpu.dma_semaphore, #tpu.memory_space<semaphore_mem>>) src(%dma_wait3A_52 : memref<625x128xf32, #tpu.memory_space<vmem_shared>>) dst(%dma_wait3A_50 : memref<625x128xf32, #tpu.memory_space<hbm>>)
      tpu.yield
    }) : () -> ()
    %mul3A_41 = arith.constant 625 : i32
    %mul3A_42 = arith.muli %arg1, %mul3A_41 : i32
    %mul3A_43 = arith.constant 625 : i32
    %mul3A_44 = arith.muli %arg1, %mul3A_43 : i32
    "tpu.region"() ({
      %run_scoped3A = tpu.sem_alloc : memref<!tpu.dma_semaphore, #tpu.memory_space<semaphore_mem>>
      %dma_start3A = arith.constant 0 : i32
      %dma_start3A_45 = tpu.memref_slice %arg8[%arg0, %mul3A_44, %dma_start3A] : memref<2x10000x16xf32, #tpu.memory_space<hbm>> -> memref<1x625x16xf32, #tpu.memory_space<hbm>>
      %dma_start3A_46 = tpu.memref_squeeze %dma_start3A_45 : memref<1x625x16xf32, #tpu.memory_space<hbm>> -> memref<625x16xf32, #tpu.memory_space<hbm>>
      %dma_start3A_47 = arith.constant 0 : i32
      %dma_start3A_48 = tpu.memref_slice %arg13[%mul3A_42, %dma_start3A_47] : memref<10000x16xf32, #tpu.memory_space<vmem_shared>> -> memref<625x16xf32, #tpu.memory_space<vmem_shared>>
      tpu.enqueue_dma source(%dma_start3A_48 : memref<625x16xf32, #tpu.memory_space<vmem_shared>>) target(%dma_start3A_46 : memref<625x16xf32, #tpu.memory_space<hbm>>) target_semaphore(%run_scoped3A : memref<!tpu.dma_semaphore, #tpu.memory_space<semaphore_mem>>)
      %dma_wait3A = arith.constant 0 : i32
      %dma_wait3A_49 = tpu.memref_slice %arg8[%arg0, %mul3A_44, %dma_wait3A] : memref<2x10000x16xf32, #tpu.memory_space<hbm>> -> memref<1x625x16xf32, #tpu.memory_space<hbm>>
      %dma_wait3A_50 = tpu.memref_squeeze %dma_wait3A_49 : memref<1x625x16xf32, #tpu.memory_space<hbm>> -> memref<625x16xf32, #tpu.memory_space<hbm>>
      %dma_wait3A_51 = arith.constant 0 : i32
      %dma_wait3A_52 = tpu.memref_slice %arg13[%mul3A_42, %dma_wait3A_51] : memref<10000x16xf32, #tpu.memory_space<vmem_shared>> -> memref<625x16xf32, #tpu.memory_space<vmem_shared>>
      tpu.wait_dma2 semaphore(%run_scoped3A : memref<!tpu.dma_semaphore, #tpu.memory_space<semaphore_mem>>) src(%dma_wait3A_52 : memref<625x16xf32, #tpu.memory_space<vmem_shared>>) dst(%dma_wait3A_50 : memref<625x16xf32, #tpu.memory_space<hbm>>)
      tpu.yield
    }) : () -> ()
    return
  }
}

#map = affine_map<(d0, d1) -> (0, 0)>
module attributes {stable_mosaic.version = 14 : i64} {
  func.func @_g(%arg0: i32, %arg1: i32, %arg2: memref<10000x128xf32, #tpu.memory_space<hbm>>, %arg3: memref<10000x128xf32, #tpu.memory_space<hbm>>, %arg4: memref<10000x16xf32, #tpu.memory_space<hbm>>, %arg5: memref<625x128xi32, #tpu.memory_space<hbm>>, %arg6: memref<625x128xi32, #tpu.memory_space<hbm>>, %arg7: memref<80000x128xf32, #tpu.memory_space<hbm>>, %arg8: memref<80000x128xf32, #tpu.memory_space<hbm>>, %arg9: memref<80000x16xf32, #tpu.memory_space<hbm>>, %arg10: memref<128xi32, #tpu.memory_space<vmem>>, %arg11: memref<128xi32, #tpu.memory_space<vmem>>, %arg12: memref<128x128xf32, #tpu.memory_space<vmem>>, %arg13: memref<128x128xf32, #tpu.memory_space<vmem>>, %arg14: memref<128x16xf32, #tpu.memory_space<vmem>>, %arg15: memref<128x16xf32, #tpu.memory_space<vmem>>, %arg16: memref<!tpu.dma_semaphore, #tpu.memory_space<semaphore_mem>>, %arg17: memref<!tpu.dma_semaphore, #tpu.memory_space<semaphore_mem>>, %arg18: memref<!tpu.dma_semaphore, #tpu.memory_space<semaphore_mem>>, %arg19: memref<!tpu.dma_semaphore, #tpu.memory_space<semaphore_mem>>) attributes {dimension_semantics = [#tpu.dimension_semantics<core_parallel>, #tpu.dimension_semantics<subcore_parallel>], iteration_bounds = array<i64: 2, 16>, scalar_prefetch = 0 : i64, scratch_operands = 10 : i64, tpu.core_type = #tpu.core_type<sc_vector_subcore>, window_params = [{transform_indices = #map}, {transform_indices = #map}, {transform_indices = #map}, {transform_indices = #map}, {transform_indices = #map}, {transform_indices = #map}, {transform_indices = #map}, {transform_indices = #map}]} {
    %mul3A = arith.constant 2 : i32
    %mul3A_0 = arith.muli %arg1, %mul3A : i32
    %add3A = arith.addi %mul3A_0, %arg0 : i32
    %sub3A = arith.constant 625 : i32
    %sub3A_1 = arith.subi %sub3A, %add3A : i32
    %add3A_2 = arith.constant 32 : i32
    %add3A_3 = arith.addi %sub3A_1, %add3A_2 : i32
    %sub3A_4 = arith.constant 1 : i32
    %sub3A_5 = arith.subi %add3A_3, %sub3A_4 : i32
    %jit3A = arith.constant 32 : i32
    %div3A = arith.divsi %sub3A_5, %jit3A : i32
    %sign3A = arith.constant 0 : i32
    %sign3A_6 = arith.cmpi sgt, %sub3A_5, %sign3A : i32
    %sign3A_7 = arith.extui %sign3A_6 : i1 to i32
    %sign3A_8 = arith.constant 0 : i32
    %sign3A_9 = arith.cmpi slt, %sub3A_5, %sign3A_8 : i32
    %sign3A_10 = arith.extui %sign3A_9 : i1 to i32
    %sign3A_11 = arith.subi %sign3A_7, %sign3A_10 : i32
    %sign3A_12 = arith.constant 0 : i32
    %sign3A_13 = arith.cmpi sgt, %jit3A, %sign3A_12 : i32
    %sign3A_14 = arith.extui %sign3A_13 : i1 to i32
    %sign3A_15 = arith.constant 0 : i32
    %sign3A_16 = arith.cmpi slt, %jit3A, %sign3A_15 : i32
    %sign3A_17 = arith.extui %sign3A_16 : i1 to i32
    %sign3A_18 = arith.subi %sign3A_14, %sign3A_17 : i32
    %ne3A = arith.cmpi ne, %sign3A_11, %sign3A_18 : i32
    %rem3A = arith.remsi %sub3A_5, %jit3A : i32
    %ne3A_19 = arith.constant 0 : i32
    %ne3A_20 = arith.cmpi ne, %rem3A, %ne3A_19 : i32
    %and3A = arith.andi %ne3A, %ne3A_20 : i1
    %sub3A_21 = arith.constant 1 : i32
    %sub3A_22 = arith.subi %div3A, %sub3A_21 : i32
    %select_n3A = arith.select %and3A, %sub3A_22, %div3A : i32
    %while3A = arith.constant 0 : i32
    %while3A_23 = arith.constant 0 : i32
    %while3A_24 = arith.subi %select_n3A, %while3A_23 : i32
    %while3A_25 = arith.addi %while3A_23, %while3A_24 : i32
    %while3A_26 = arith.constant 1 : i32
    %while3A_27 = arith.divsi %while3A_24, %while3A_26 : i32
    %while3A_28 = arith.muli %while3A_27, %while3A_26 : i32
    %while3A_29 = arith.addi %while3A_23, %while3A_28 : i32
    %while3A_30 = arith.constant 1 : i32
    scf.for %while3A_32 = %while3A_23 to %while3A_29 step %while3A_30  : i32 {
      %mul3A_33 = arith.constant 32 : i32
      %mul3A_34 = arith.muli %while3A_32, %mul3A_33 : i32
      %add3A_35 = arith.addi %add3A, %mul3A_34 : i32
      %mul3A_36 = arith.constant 128 : i32
      %mul3A_37 = arith.muli %add3A_35, %mul3A_36 : i32
      "tpu.region"() ({
        %run_scoped3A = tpu.sem_alloc : memref<!tpu.dma_semaphore, #tpu.memory_space<semaphore_mem>>
        %dma_start3A_65 = arith.constant 0 : i32
        %dma_start3A_66 = tpu.memref_slice %arg5[%add3A_35, %dma_start3A_65] : memref<625x128xi32, #tpu.memory_space<hbm>> -> memref<1x128xi32, #tpu.memory_space<hbm>>
        %dma_start3A_67 = tpu.memref_squeeze %dma_start3A_66 : memref<1x128xi32, #tpu.memory_space<hbm>> -> memref<128xi32, #tpu.memory_space<hbm>>
        %dma_start3A_68 = arith.constant 0 : i32
        %dma_start3A_69 = tpu.memref_slice %arg5[%add3A_35, %dma_start3A_68] : memref<625x128xi32, #tpu.memory_space<hbm>> -> memref<1x128xi32, #tpu.memory_space<hbm>>
        %dma_start3A_70 = tpu.memref_squeeze %dma_start3A_69 : memref<1x128xi32, #tpu.memory_space<hbm>> -> memref<128xi32, #tpu.memory_space<hbm>>
        tpu.enqueue_dma source(%dma_start3A_70 : memref<128xi32, #tpu.memory_space<hbm>>) target(%arg10 : memref<128xi32, #tpu.memory_space<vmem>>) target_semaphore(%run_scoped3A : memref<!tpu.dma_semaphore, #tpu.memory_space<semaphore_mem>>)
        %dma_wait3A_71 = arith.constant 0 : i32
        %dma_wait3A_72 = tpu.memref_slice %arg5[%add3A_35, %dma_wait3A_71] : memref<625x128xi32, #tpu.memory_space<hbm>> -> memref<1x128xi32, #tpu.memory_space<hbm>>
        %dma_wait3A_73 = tpu.memref_squeeze %dma_wait3A_72 : memref<1x128xi32, #tpu.memory_space<hbm>> -> memref<128xi32, #tpu.memory_space<hbm>>
        %dma_wait3A_74 = arith.constant 0 : i32
        %dma_wait3A_75 = tpu.memref_slice %arg5[%add3A_35, %dma_wait3A_74] : memref<625x128xi32, #tpu.memory_space<hbm>> -> memref<1x128xi32, #tpu.memory_space<hbm>>
        %dma_wait3A_76 = tpu.memref_squeeze %dma_wait3A_75 : memref<1x128xi32, #tpu.memory_space<hbm>> -> memref<128xi32, #tpu.memory_space<hbm>>
        tpu.wait_dma2 semaphore(%run_scoped3A : memref<!tpu.dma_semaphore, #tpu.memory_space<semaphore_mem>>) src(%dma_wait3A_76 : memref<128xi32, #tpu.memory_space<hbm>>) dst(%arg10 : memref<128xi32, #tpu.memory_space<vmem>>)
        tpu.yield
      }) : () -> ()
      "tpu.region"() ({
        %run_scoped3A = tpu.sem_alloc : memref<!tpu.dma_semaphore, #tpu.memory_space<semaphore_mem>>
        %dma_start3A_65 = arith.constant 0 : i32
        %dma_start3A_66 = tpu.memref_slice %arg6[%add3A_35, %dma_start3A_65] : memref<625x128xi32, #tpu.memory_space<hbm>> -> memref<1x128xi32, #tpu.memory_space<hbm>>
        %dma_start3A_67 = tpu.memref_squeeze %dma_start3A_66 : memref<1x128xi32, #tpu.memory_space<hbm>> -> memref<128xi32, #tpu.memory_space<hbm>>
        %dma_start3A_68 = arith.constant 0 : i32
        %dma_start3A_69 = tpu.memref_slice %arg6[%add3A_35, %dma_start3A_68] : memref<625x128xi32, #tpu.memory_space<hbm>> -> memref<1x128xi32, #tpu.memory_space<hbm>>
        %dma_start3A_70 = tpu.memref_squeeze %dma_start3A_69 : memref<1x128xi32, #tpu.memory_space<hbm>> -> memref<128xi32, #tpu.memory_space<hbm>>
        tpu.enqueue_dma source(%dma_start3A_70 : memref<128xi32, #tpu.memory_space<hbm>>) target(%arg11 : memref<128xi32, #tpu.memory_space<vmem>>) target_semaphore(%run_scoped3A : memref<!tpu.dma_semaphore, #tpu.memory_space<semaphore_mem>>)
        %dma_wait3A_71 = arith.constant 0 : i32
        %dma_wait3A_72 = tpu.memref_slice %arg6[%add3A_35, %dma_wait3A_71] : memref<625x128xi32, #tpu.memory_space<hbm>> -> memref<1x128xi32, #tpu.memory_space<hbm>>
        %dma_wait3A_73 = tpu.memref_squeeze %dma_wait3A_72 : memref<1x128xi32, #tpu.memory_space<hbm>> -> memref<128xi32, #tpu.memory_space<hbm>>
        %dma_wait3A_74 = arith.constant 0 : i32
        %dma_wait3A_75 = tpu.memref_slice %arg6[%add3A_35, %dma_wait3A_74] : memref<625x128xi32, #tpu.memory_space<hbm>> -> memref<1x128xi32, #tpu.memory_space<hbm>>
        %dma_wait3A_76 = tpu.memref_squeeze %dma_wait3A_75 : memref<1x128xi32, #tpu.memory_space<hbm>> -> memref<128xi32, #tpu.memory_space<hbm>>
        tpu.wait_dma2 semaphore(%run_scoped3A : memref<!tpu.dma_semaphore, #tpu.memory_space<semaphore_mem>>) src(%dma_wait3A_76 : memref<128xi32, #tpu.memory_space<hbm>>) dst(%arg11 : memref<128xi32, #tpu.memory_space<vmem>>)
        tpu.yield
      }) : () -> ()
      %dma_start3A = arith.constant 0 : i32
      %dma_start3A_38 = arith.constant 0 : i32
      %dma_start3A_39 = tpu.memref_slice %arg2[%dma_start3A, %dma_start3A_38] : memref<10000x128xf32, #tpu.memory_space<hbm>> -> memref<10000x128xf32, #tpu.memory_space<hbm>>
      tpu.enqueue_indirect_dma source(%dma_start3A_39 : memref<10000x128xf32, #tpu.memory_space<hbm>>) target(%arg12 : memref<128x128xf32, #tpu.memory_space<vmem>>) offsets(%arg10 : memref<128xi32, #tpu.memory_space<vmem>>) semaphore(%arg16 : memref<!tpu.dma_semaphore, #tpu.memory_space<semaphore_mem>>)
      %dma_start3A_40 = arith.constant 0 : i32
      %dma_start3A_41 = arith.constant 0 : i32
      %dma_start3A_42 = tpu.memref_slice %arg3[%dma_start3A_40, %dma_start3A_41] : memref<10000x128xf32, #tpu.memory_space<hbm>> -> memref<10000x128xf32, #tpu.memory_space<hbm>>
      tpu.enqueue_indirect_dma source(%dma_start3A_42 : memref<10000x128xf32, #tpu.memory_space<hbm>>) target(%arg13 : memref<128x128xf32, #tpu.memory_space<vmem>>) offsets(%arg11 : memref<128xi32, #tpu.memory_space<vmem>>) semaphore(%arg17 : memref<!tpu.dma_semaphore, #tpu.memory_space<semaphore_mem>>)
      %dma_start3A_43 = arith.constant 0 : i32
      %dma_start3A_44 = arith.constant 0 : i32
      %dma_start3A_45 = tpu.memref_slice %arg4[%dma_start3A_43, %dma_start3A_44] : memref<10000x16xf32, #tpu.memory_space<hbm>> -> memref<10000x16xf32, #tpu.memory_space<hbm>>
      tpu.enqueue_indirect_dma source(%dma_start3A_45 : memref<10000x16xf32, #tpu.memory_space<hbm>>) target(%arg14 : memref<128x16xf32, #tpu.memory_space<vmem>>) offsets(%arg10 : memref<128xi32, #tpu.memory_space<vmem>>) semaphore(%arg18 : memref<!tpu.dma_semaphore, #tpu.memory_space<semaphore_mem>>)
      %dma_start3A_46 = arith.constant 0 : i32
      %dma_start3A_47 = arith.constant 0 : i32
      %dma_start3A_48 = tpu.memref_slice %arg4[%dma_start3A_46, %dma_start3A_47] : memref<10000x16xf32, #tpu.memory_space<hbm>> -> memref<10000x16xf32, #tpu.memory_space<hbm>>
      tpu.enqueue_indirect_dma source(%dma_start3A_48 : memref<10000x16xf32, #tpu.memory_space<hbm>>) target(%arg15 : memref<128x16xf32, #tpu.memory_space<vmem>>) offsets(%arg11 : memref<128xi32, #tpu.memory_space<vmem>>) semaphore(%arg19 : memref<!tpu.dma_semaphore, #tpu.memory_space<semaphore_mem>>)
      %dma_wait3A = arith.constant 0 : i32
      %dma_wait3A_49 = arith.constant 0 : i32
      %dma_wait3A_50 = tpu.memref_slice %arg4[%dma_wait3A, %dma_wait3A_49] : memref<10000x16xf32, #tpu.memory_space<hbm>> -> memref<10000x16xf32, #tpu.memory_space<hbm>>
      tpu.wait_indirect_dma semaphore(%arg18 : memref<!tpu.dma_semaphore, #tpu.memory_space<semaphore_mem>>) src(%dma_wait3A_50 : memref<10000x16xf32, #tpu.memory_space<hbm>>) dst(%arg14 : memref<128x16xf32, #tpu.memory_space<vmem>>)
      %dma_wait3A_51 = arith.constant 0 : i32
      %dma_wait3A_52 = arith.constant 0 : i32
      %dma_wait3A_53 = tpu.memref_slice %arg4[%dma_wait3A_51, %dma_wait3A_52] : memref<10000x16xf32, #tpu.memory_space<hbm>> -> memref<10000x16xf32, #tpu.memory_space<hbm>>
      tpu.wait_indirect_dma semaphore(%arg19 : memref<!tpu.dma_semaphore, #tpu.memory_space<semaphore_mem>>) src(%dma_wait3A_53 : memref<10000x16xf32, #tpu.memory_space<hbm>>) dst(%arg15 : memref<128x16xf32, #tpu.memory_space<vmem>>)
      %scan3A = arith.constant 0 : i32
      %scan3A_54 = arith.constant 0 : i32
      %scan3A_55 = arith.constant 128 : i32
      %scan3A_56 = arith.addi %scan3A_54, %scan3A_55 : i32
      %scan3A_57 = arith.constant 4 : i32
      scf.for %scan3A_65 = %scan3A_54 to %scan3A_56 step %scan3A_57  : i32 {
        %get3A = arith.index_cast %scan3A_65 : i32 to index
        %get3A_66 = arith.constant 0 : index
        %get3A_67 = tpu.vector_load %arg14[%get3A, %get3A_66] {strides = array<i32>} : memref<128x16xf32, #tpu.memory_space<vmem>>, vector<1x16xf32>,
        %get3A_68 = vector.shape_cast %get3A_67 : vector<1x16xf32> to vector<16xf32>
        %get3A_69 = arith.index_cast %scan3A_65 : i32 to index
        %get3A_70 = arith.constant 0 : index
        %get3A_71 = tpu.vector_load %arg15[%get3A_69, %get3A_70] {strides = array<i32>} : memref<128x16xf32, #tpu.memory_space<vmem>>, vector<1x16xf32>,
        %get3A_72 = vector.shape_cast %get3A_71 : vector<1x16xf32> to vector<16xf32>
        %sub3A_73 = arith.subf %get3A_68, %get3A_72 : vector<16xf32>
        %swap3A = arith.index_cast %scan3A_65 : i32 to index
        %swap3A_74 = arith.constant 0 : index
        %swap3A_75 = tpu.vector_load %arg14[%swap3A, %swap3A_74] {strides = array<i32>} : memref<128x16xf32, #tpu.memory_space<vmem>>, vector<1x16xf32>,
        %swap3A_76 = vector.shape_cast %swap3A_75 : vector<1x16xf32> to vector<16xf32>
        %swap3A_77 = vector.shape_cast %sub3A_73 : vector<16xf32> to vector<1x16xf32>
        tpu.vector_store %arg14[%swap3A, %swap3A_74], %swap3A_77 {strides = array<i32>} : memref<128x16xf32, #tpu.memory_space<vmem>>, vector<1x16xf32>,
        %scan3A_78 = arith.constant 1 : i32
        %scan3A_79 = arith.addi %scan3A_65, %scan3A_78 : i32
        %get3A_80 = arith.index_cast %scan3A_79 : i32 to index
        %get3A_81 = arith.constant 0 : index
        %get3A_82 = tpu.vector_load %arg14[%get3A_80, %get3A_81] {strides = array<i32>} : memref<128x16xf32, #tpu.memory_space<vmem>>, vector<1x16xf32>,
        %get3A_83 = vector.shape_cast %get3A_82 : vector<1x16xf32> to vector<16xf32>
        %get3A_84 = arith.index_cast %scan3A_79 : i32 to index
        %get3A_85 = arith.constant 0 : index
        %get3A_86 = tpu.vector_load %arg15[%get3A_84, %get3A_85] {strides = array<i32>} : memref<128x16xf32, #tpu.memory_space<vmem>>, vector<1x16xf32>,
        %get3A_87 = vector.shape_cast %get3A_86 : vector<1x16xf32> to vector<16xf32>
        %sub3A_88 = arith.subf %get3A_83, %get3A_87 : vector<16xf32>
        %swap3A_89 = arith.index_cast %scan3A_79 : i32 to index
        %swap3A_90 = arith.constant 0 : index
        %swap3A_91 = tpu.vector_load %arg14[%swap3A_89, %swap3A_90] {strides = array<i32>} : memref<128x16xf32, #tpu.memory_space<vmem>>, vector<1x16xf32>,
        %swap3A_92 = vector.shape_cast %swap3A_91 : vector<1x16xf32> to vector<16xf32>
        %swap3A_93 = vector.shape_cast %sub3A_88 : vector<16xf32> to vector<1x16xf32>
        tpu.vector_store %arg14[%swap3A_89, %swap3A_90], %swap3A_93 {strides = array<i32>} : memref<128x16xf32, #tpu.memory_space<vmem>>, vector<1x16xf32>,
        %scan3A_94 = arith.constant 2 : i32
        %scan3A_95 = arith.addi %scan3A_65, %scan3A_94 : i32
        %get3A_96 = arith.index_cast %scan3A_95 : i32 to index
        %get3A_97 = arith.constant 0 : index
        %get3A_98 = tpu.vector_load %arg14[%get3A_96, %get3A_97] {strides = array<i32>} : memref<128x16xf32, #tpu.memory_space<vmem>>, vector<1x16xf32>,
        %get3A_99 = vector.shape_cast %get3A_98 : vector<1x16xf32> to vector<16xf32>
        %get3A_100 = arith.index_cast %scan3A_95 : i32 to index
        %get3A_101 = arith.constant 0 : index
        %get3A_102 = tpu.vector_load %arg15[%get3A_100, %get3A_101] {strides = array<i32>} : memref<128x16xf32, #tpu.memory_space<vmem>>, vector<1x16xf32>,
        %get3A_103 = vector.shape_cast %get3A_102 : vector<1x16xf32> to vector<16xf32>
        %sub3A_104 = arith.subf %get3A_99, %get3A_103 : vector<16xf32>
        %swap3A_105 = arith.index_cast %scan3A_95 : i32 to index
        %swap3A_106 = arith.constant 0 : index
        %swap3A_107 = tpu.vector_load %arg14[%swap3A_105, %swap3A_106] {strides = array<i32>} : memref<128x16xf32, #tpu.memory_space<vmem>>, vector<1x16xf32>,
        %swap3A_108 = vector.shape_cast %swap3A_107 : vector<1x16xf32> to vector<16xf32>
        %swap3A_109 = vector.shape_cast %sub3A_104 : vector<16xf32> to vector<1x16xf32>
        tpu.vector_store %arg14[%swap3A_105, %swap3A_106], %swap3A_109 {strides = array<i32>} : memref<128x16xf32, #tpu.memory_space<vmem>>, vector<1x16xf32>,
        %scan3A_110 = arith.constant 3 : i32
        %scan3A_111 = arith.addi %scan3A_65, %scan3A_110 : i32
        %get3A_112 = arith.index_cast %scan3A_111 : i32 to index
        %get3A_113 = arith.constant 0 : index
        %get3A_114 = tpu.vector_load %arg14[%get3A_112, %get3A_113] {strides = array<i32>} : memref<128x16xf32, #tpu.memory_space<vmem>>, vector<1x16xf32>,
        %get3A_115 = vector.shape_cast %get3A_114 : vector<1x16xf32> to vector<16xf32>
        %get3A_116 = arith.index_cast %scan3A_111 : i32 to index
        %get3A_117 = arith.constant 0 : index
        %get3A_118 = tpu.vector_load %arg15[%get3A_116, %get3A_117] {strides = array<i32>} : memref<128x16xf32, #tpu.memory_space<vmem>>, vector<1x16xf32>,
        %get3A_119 = vector.shape_cast %get3A_118 : vector<1x16xf32> to vector<16xf32>
        %sub3A_120 = arith.subf %get3A_115, %get3A_119 : vector<16xf32>
        %swap3A_121 = arith.index_cast %scan3A_111 : i32 to index
        %swap3A_122 = arith.constant 0 : index
        %swap3A_123 = tpu.vector_load %arg14[%swap3A_121, %swap3A_122] {strides = array<i32>} : memref<128x16xf32, #tpu.memory_space<vmem>>, vector<1x16xf32>,
        %swap3A_124 = vector.shape_cast %swap3A_123 : vector<1x16xf32> to vector<16xf32>
        %swap3A_125 = vector.shape_cast %sub3A_120 : vector<16xf32> to vector<1x16xf32>
        tpu.vector_store %arg14[%swap3A_121, %swap3A_122], %swap3A_125 {strides = array<i32>} : memref<128x16xf32, #tpu.memory_space<vmem>>, vector<1x16xf32>,
      }
      %scan3A_58 = arith.constant 128 : i32
      %dma_wait3A_59 = arith.constant 0 : i32
      %dma_wait3A_60 = arith.constant 0 : i32
      %dma_wait3A_61 = tpu.memref_slice %arg2[%dma_wait3A_59, %dma_wait3A_60] : memref<10000x128xf32, #tpu.memory_space<hbm>> -> memref<10000x128xf32, #tpu.memory_space<hbm>>
      tpu.wait_indirect_dma semaphore(%arg16 : memref<!tpu.dma_semaphore, #tpu.memory_space<semaphore_mem>>) src(%dma_wait3A_61 : memref<10000x128xf32, #tpu.memory_space<hbm>>) dst(%arg12 : memref<128x128xf32, #tpu.memory_space<vmem>>)
      %dma_wait3A_62 = arith.constant 0 : i32
      %dma_wait3A_63 = arith.constant 0 : i32
      %dma_wait3A_64 = tpu.memref_slice %arg3[%dma_wait3A_62, %dma_wait3A_63] : memref<10000x128xf32, #tpu.memory_space<hbm>> -> memref<10000x128xf32, #tpu.memory_space<hbm>>
      tpu.wait_indirect_dma semaphore(%arg17 : memref<!tpu.dma_semaphore, #tpu.memory_space<semaphore_mem>>) src(%dma_wait3A_64 : memref<10000x128xf32, #tpu.memory_space<hbm>>) dst(%arg13 : memref<128x128xf32, #tpu.memory_space<vmem>>)
      "tpu.region"() ({
        %run_scoped3A = tpu.sem_alloc : memref<!tpu.dma_semaphore, #tpu.memory_space<semaphore_mem>>
        %dma_start3A_65 = arith.constant 0 : i32
        %dma_start3A_66 = tpu.memref_slice %arg7[%mul3A_37, %dma_start3A_65] : memref<80000x128xf32, #tpu.memory_space<hbm>> -> memref<128x128xf32, #tpu.memory_space<hbm>>
        %dma_start3A_67 = arith.constant 0 : i32
        %dma_start3A_68 = tpu.memref_slice %arg7[%mul3A_37, %dma_start3A_67] : memref<80000x128xf32, #tpu.memory_space<hbm>> -> memref<128x128xf32, #tpu.memory_space<hbm>>
        tpu.enqueue_dma source(%arg12 : memref<128x128xf32, #tpu.memory_space<vmem>>) target(%dma_start3A_68 : memref<128x128xf32, #tpu.memory_space<hbm>>) target_semaphore(%run_scoped3A : memref<!tpu.dma_semaphore, #tpu.memory_space<semaphore_mem>>)
        %dma_wait3A_69 = arith.constant 0 : i32
        %dma_wait3A_70 = tpu.memref_slice %arg7[%mul3A_37, %dma_wait3A_69] : memref<80000x128xf32, #tpu.memory_space<hbm>> -> memref<128x128xf32, #tpu.memory_space<hbm>>
        %dma_wait3A_71 = arith.constant 0 : i32
        %dma_wait3A_72 = tpu.memref_slice %arg7[%mul3A_37, %dma_wait3A_71] : memref<80000x128xf32, #tpu.memory_space<hbm>> -> memref<128x128xf32, #tpu.memory_space<hbm>>
        tpu.wait_dma2 semaphore(%run_scoped3A : memref<!tpu.dma_semaphore, #tpu.memory_space<semaphore_mem>>) src(%arg12 : memref<128x128xf32, #tpu.memory_space<vmem>>) dst(%dma_wait3A_72 : memref<128x128xf32, #tpu.memory_space<hbm>>)
        tpu.yield
      }) : () -> ()
      "tpu.region"() ({
        %run_scoped3A = tpu.sem_alloc : memref<!tpu.dma_semaphore, #tpu.memory_space<semaphore_mem>>
        %dma_start3A_65 = arith.constant 0 : i32
        %dma_start3A_66 = tpu.memref_slice %arg8[%mul3A_37, %dma_start3A_65] : memref<80000x128xf32, #tpu.memory_space<hbm>> -> memref<128x128xf32, #tpu.memory_space<hbm>>
        %dma_start3A_67 = arith.constant 0 : i32
        %dma_start3A_68 = tpu.memref_slice %arg8[%mul3A_37, %dma_start3A_67] : memref<80000x128xf32, #tpu.memory_space<hbm>> -> memref<128x128xf32, #tpu.memory_space<hbm>>
        tpu.enqueue_dma source(%arg13 : memref<128x128xf32, #tpu.memory_space<vmem>>) target(%dma_start3A_68 : memref<128x128xf32, #tpu.memory_space<hbm>>) target_semaphore(%run_scoped3A : memref<!tpu.dma_semaphore, #tpu.memory_space<semaphore_mem>>)
        %dma_wait3A_69 = arith.constant 0 : i32
        %dma_wait3A_70 = tpu.memref_slice %arg8[%mul3A_37, %dma_wait3A_69] : memref<80000x128xf32, #tpu.memory_space<hbm>> -> memref<128x128xf32, #tpu.memory_space<hbm>>
        %dma_wait3A_71 = arith.constant 0 : i32
        %dma_wait3A_72 = tpu.memref_slice %arg8[%mul3A_37, %dma_wait3A_71] : memref<80000x128xf32, #tpu.memory_space<hbm>> -> memref<128x128xf32, #tpu.memory_space<hbm>>
        tpu.wait_dma2 semaphore(%run_scoped3A : memref<!tpu.dma_semaphore, #tpu.memory_space<semaphore_mem>>) src(%arg13 : memref<128x128xf32, #tpu.memory_space<vmem>>) dst(%dma_wait3A_72 : memref<128x128xf32, #tpu.memory_space<hbm>>)
        tpu.yield
      }) : () -> ()
      "tpu.region"() ({
        %run_scoped3A = tpu.sem_alloc : memref<!tpu.dma_semaphore, #tpu.memory_space<semaphore_mem>>
        %dma_start3A_65 = arith.constant 0 : i32
        %dma_start3A_66 = tpu.memref_slice %arg9[%mul3A_37, %dma_start3A_65] : memref<80000x16xf32, #tpu.memory_space<hbm>> -> memref<128x16xf32, #tpu.memory_space<hbm>>
        %dma_start3A_67 = arith.constant 0 : i32
        %dma_start3A_68 = tpu.memref_slice %arg9[%mul3A_37, %dma_start3A_67] : memref<80000x16xf32, #tpu.memory_space<hbm>> -> memref<128x16xf32, #tpu.memory_space<hbm>>
        tpu.enqueue_dma source(%arg14 : memref<128x16xf32, #tpu.memory_space<vmem>>) target(%dma_start3A_68 : memref<128x16xf32, #tpu.memory_space<hbm>>) target_semaphore(%run_scoped3A : memref<!tpu.dma_semaphore, #tpu.memory_space<semaphore_mem>>)
        %dma_wait3A_69 = arith.constant 0 : i32
        %dma_wait3A_70 = tpu.memref_slice %arg9[%mul3A_37, %dma_wait3A_69] : memref<80000x16xf32, #tpu.memory_space<hbm>> -> memref<128x16xf32, #tpu.memory_space<hbm>>
        %dma_wait3A_71 = arith.constant 0 : i32
        %dma_wait3A_72 = tpu.memref_slice %arg9[%mul3A_37, %dma_wait3A_71] : memref<80000x16xf32, #tpu.memory_space<hbm>> -> memref<128x16xf32, #tpu.memory_space<hbm>>
        tpu.wait_dma2 semaphore(%run_scoped3A : memref<!tpu.dma_semaphore, #tpu.memory_space<semaphore_mem>>) src(%arg14 : memref<128x16xf32, #tpu.memory_space<vmem>>) dst(%dma_wait3A_72 : memref<128x16xf32, #tpu.memory_space<hbm>>)
        tpu.yield
      }) : () -> ()
    }
    %while3A_31 = arith.constant 1 : i32
    scf.for %while3A_32 = %while3A_29 to %while3A_25 step %while3A_31  : i32 {
      %mul3A_33 = arith.constant 32 : i32
      %mul3A_34 = arith.muli %while3A_32, %mul3A_33 : i32
      %add3A_35 = arith.addi %add3A, %mul3A_34 : i32
      %mul3A_36 = arith.constant 128 : i32
      %mul3A_37 = arith.muli %add3A_35, %mul3A_36 : i32
      "tpu.region"() ({
        %run_scoped3A = tpu.sem_alloc : memref<!tpu.dma_semaphore, #tpu.memory_space<semaphore_mem>>
        %dma_start3A_65 = arith.constant 0 : i32
        %dma_start3A_66 = tpu.memref_slice %arg5[%add3A_35, %dma_start3A_65] : memref<625x128xi32, #tpu.memory_space<hbm>> -> memref<1x128xi32, #tpu.memory_space<hbm>>
        %dma_start3A_67 = tpu.memref_squeeze %dma_start3A_66 : memref<1x128xi32, #tpu.memory_space<hbm>> -> memref<128xi32, #tpu.memory_space<hbm>>
        %dma_start3A_68 = arith.constant 0 : i32
        %dma_start3A_69 = tpu.memref_slice %arg5[%add3A_35, %dma_start3A_68] : memref<625x128xi32, #tpu.memory_space<hbm>> -> memref<1x128xi32, #tpu.memory_space<hbm>>
        %dma_start3A_70 = tpu.memref_squeeze %dma_start3A_69 : memref<1x128xi32, #tpu.memory_space<hbm>> -> memref<128xi32, #tpu.memory_space<hbm>>
        tpu.enqueue_dma source(%dma_start3A_70 : memref<128xi32, #tpu.memory_space<hbm>>) target(%arg10 : memref<128xi32, #tpu.memory_space<vmem>>) target_semaphore(%run_scoped3A : memref<!tpu.dma_semaphore, #tpu.memory_space<semaphore_mem>>)
        %dma_wait3A_71 = arith.constant 0 : i32
        %dma_wait3A_72 = tpu.memref_slice %arg5[%add3A_35, %dma_wait3A_71] : memref<625x128xi32, #tpu.memory_space<hbm>> -> memref<1x128xi32, #tpu.memory_space<hbm>>
        %dma_wait3A_73 = tpu.memref_squeeze %dma_wait3A_72 : memref<1x128xi32, #tpu.memory_space<hbm>> -> memref<128xi32, #tpu.memory_space<hbm>>
        %dma_wait3A_74 = arith.constant 0 : i32
        %dma_wait3A_75 = tpu.memref_slice %arg5[%add3A_35, %dma_wait3A_74] : memref<625x128xi32, #tpu.memory_space<hbm>> -> memref<1x128xi32, #tpu.memory_space<hbm>>
        %dma_wait3A_76 = tpu.memref_squeeze %dma_wait3A_75 : memref<1x128xi32, #tpu.memory_space<hbm>> -> memref<128xi32, #tpu.memory_space<hbm>>
        tpu.wait_dma2 semaphore(%run_scoped3A : memref<!tpu.dma_semaphore, #tpu.memory_space<semaphore_mem>>) src(%dma_wait3A_76 : memref<128xi32, #tpu.memory_space<hbm>>) dst(%arg10 : memref<128xi32, #tpu.memory_space<vmem>>)
        tpu.yield
      }) : () -> ()
      "tpu.region"() ({
        %run_scoped3A = tpu.sem_alloc : memref<!tpu.dma_semaphore, #tpu.memory_space<semaphore_mem>>
        %dma_start3A_65 = arith.constant 0 : i32
        %dma_start3A_66 = tpu.memref_slice %arg6[%add3A_35, %dma_start3A_65] : memref<625x128xi32, #tpu.memory_space<hbm>> -> memref<1x128xi32, #tpu.memory_space<hbm>>
        %dma_start3A_67 = tpu.memref_squeeze %dma_start3A_66 : memref<1x128xi32, #tpu.memory_space<hbm>> -> memref<128xi32, #tpu.memory_space<hbm>>
        %dma_start3A_68 = arith.constant 0 : i32
        %dma_start3A_69 = tpu.memref_slice %arg6[%add3A_35, %dma_start3A_68] : memref<625x128xi32, #tpu.memory_space<hbm>> -> memref<1x128xi32, #tpu.memory_space<hbm>>
        %dma_start3A_70 = tpu.memref_squeeze %dma_start3A_69 : memref<1x128xi32, #tpu.memory_space<hbm>> -> memref<128xi32, #tpu.memory_space<hbm>>
        tpu.enqueue_dma source(%dma_start3A_70 : memref<128xi32, #tpu.memory_space<hbm>>) target(%arg11 : memref<128xi32, #tpu.memory_space<vmem>>) target_semaphore(%run_scoped3A : memref<!tpu.dma_semaphore, #tpu.memory_space<semaphore_mem>>)
        %dma_wait3A_71 = arith.constant 0 : i32
        %dma_wait3A_72 = tpu.memref_slice %arg6[%add3A_35, %dma_wait3A_71] : memref<625x128xi32, #tpu.memory_space<hbm>> -> memref<1x128xi32, #tpu.memory_space<hbm>>
        %dma_wait3A_73 = tpu.memref_squeeze %dma_wait3A_72 : memref<1x128xi32, #tpu.memory_space<hbm>> -> memref<128xi32, #tpu.memory_space<hbm>>
        %dma_wait3A_74 = arith.constant 0 : i32
        %dma_wait3A_75 = tpu.memref_slice %arg6[%add3A_35, %dma_wait3A_74] : memref<625x128xi32, #tpu.memory_space<hbm>> -> memref<1x128xi32, #tpu.memory_space<hbm>>
        %dma_wait3A_76 = tpu.memref_squeeze %dma_wait3A_75 : memref<1x128xi32, #tpu.memory_space<hbm>> -> memref<128xi32, #tpu.memory_space<hbm>>
        tpu.wait_dma2 semaphore(%run_scoped3A : memref<!tpu.dma_semaphore, #tpu.memory_space<semaphore_mem>>) src(%dma_wait3A_76 : memref<128xi32, #tpu.memory_space<hbm>>) dst(%arg11 : memref<128xi32, #tpu.memory_space<vmem>>)
        tpu.yield
      }) : () -> ()
      %dma_start3A = arith.constant 0 : i32
      %dma_start3A_38 = arith.constant 0 : i32
      %dma_start3A_39 = tpu.memref_slice %arg2[%dma_start3A, %dma_start3A_38] : memref<10000x128xf32, #tpu.memory_space<hbm>> -> memref<10000x128xf32, #tpu.memory_space<hbm>>
      tpu.enqueue_indirect_dma source(%dma_start3A_39 : memref<10000x128xf32, #tpu.memory_space<hbm>>) target(%arg12 : memref<128x128xf32, #tpu.memory_space<vmem>>) offsets(%arg10 : memref<128xi32, #tpu.memory_space<vmem>>) semaphore(%arg16 : memref<!tpu.dma_semaphore, #tpu.memory_space<semaphore_mem>>)
      %dma_start3A_40 = arith.constant 0 : i32
      %dma_start3A_41 = arith.constant 0 : i32
      %dma_start3A_42 = tpu.memref_slice %arg3[%dma_start3A_40, %dma_start3A_41] : memref<10000x128xf32, #tpu.memory_space<hbm>> -> memref<10000x128xf32, #tpu.memory_space<hbm>>
      tpu.enqueue_indirect_dma source(%dma_start3A_42 : memref<10000x128xf32, #tpu.memory_space<hbm>>) target(%arg13 : memref<128x128xf32, #tpu.memory_space<vmem>>) offsets(%arg11 : memref<128xi32, #tpu.memory_space<vmem>>) semaphore(%arg17 : memref<!tpu.dma_semaphore, #tpu.memory_space<semaphore_mem>>)
      %dma_start3A_43 = arith.constant 0 : i32
      %dma_start3A_44 = arith.constant 0 : i32
      %dma_start3A_45 = tpu.memref_slice %arg4[%dma_start3A_43, %dma_start3A_44] : memref<10000x16xf32, #tpu.memory_space<hbm>> -> memref<10000x16xf32, #tpu.memory_space<hbm>>
      tpu.enqueue_indirect_dma source(%dma_start3A_45 : memref<10000x16xf32, #tpu.memory_space<hbm>>) target(%arg14 : memref<128x16xf32, #tpu.memory_space<vmem>>) offsets(%arg10 : memref<128xi32, #tpu.memory_space<vmem>>) semaphore(%arg18 : memref<!tpu.dma_semaphore, #tpu.memory_space<semaphore_mem>>)
      %dma_start3A_46 = arith.constant 0 : i32
      %dma_start3A_47 = arith.constant 0 : i32
      %dma_start3A_48 = tpu.memref_slice %arg4[%dma_start3A_46, %dma_start3A_47] : memref<10000x16xf32, #tpu.memory_space<hbm>> -> memref<10000x16xf32, #tpu.memory_space<hbm>>
      tpu.enqueue_indirect_dma source(%dma_start3A_48 : memref<10000x16xf32, #tpu.memory_space<hbm>>) target(%arg15 : memref<128x16xf32, #tpu.memory_space<vmem>>) offsets(%arg11 : memref<128xi32, #tpu.memory_space<vmem>>) semaphore(%arg19 : memref<!tpu.dma_semaphore, #tpu.memory_space<semaphore_mem>>)
      %dma_wait3A = arith.constant 0 : i32
      %dma_wait3A_49 = arith.constant 0 : i32
      %dma_wait3A_50 = tpu.memref_slice %arg4[%dma_wait3A, %dma_wait3A_49] : memref<10000x16xf32, #tpu.memory_space<hbm>> -> memref<10000x16xf32, #tpu.memory_space<hbm>>
      tpu.wait_indirect_dma semaphore(%arg18 : memref<!tpu.dma_semaphore, #tpu.memory_space<semaphore_mem>>) src(%dma_wait3A_50 : memref<10000x16xf32, #tpu.memory_space<hbm>>) dst(%arg14 : memref<128x16xf32, #tpu.memory_space<vmem>>)
      %dma_wait3A_51 = arith.constant 0 : i32
      %dma_wait3A_52 = arith.constant 0 : i32
      %dma_wait3A_53 = tpu.memref_slice %arg4[%dma_wait3A_51, %dma_wait3A_52] : memref<10000x16xf32, #tpu.memory_space<hbm>> -> memref<10000x16xf32, #tpu.memory_space<hbm>>
      tpu.wait_indirect_dma semaphore(%arg19 : memref<!tpu.dma_semaphore, #tpu.memory_space<semaphore_mem>>) src(%dma_wait3A_53 : memref<10000x16xf32, #tpu.memory_space<hbm>>) dst(%arg15 : memref<128x16xf32, #tpu.memory_space<vmem>>)
      %scan3A = arith.constant 0 : i32
      %scan3A_54 = arith.constant 0 : i32
      %scan3A_55 = arith.constant 128 : i32
      %scan3A_56 = arith.addi %scan3A_54, %scan3A_55 : i32
      %scan3A_57 = arith.constant 4 : i32
      scf.for %scan3A_65 = %scan3A_54 to %scan3A_56 step %scan3A_57  : i32 {
        %get3A = arith.index_cast %scan3A_65 : i32 to index
        %get3A_66 = arith.constant 0 : index
        %get3A_67 = tpu.vector_load %arg14[%get3A, %get3A_66] {strides = array<i32>} : memref<128x16xf32, #tpu.memory_space<vmem>>, vector<1x16xf32>,
        %get3A_68 = vector.shape_cast %get3A_67 : vector<1x16xf32> to vector<16xf32>
        %get3A_69 = arith.index_cast %scan3A_65 : i32 to index
        %get3A_70 = arith.constant 0 : index
        %get3A_71 = tpu.vector_load %arg15[%get3A_69, %get3A_70] {strides = array<i32>} : memref<128x16xf32, #tpu.memory_space<vmem>>, vector<1x16xf32>,
        %get3A_72 = vector.shape_cast %get3A_71 : vector<1x16xf32> to vector<16xf32>
        %sub3A_73 = arith.subf %get3A_68, %get3A_72 : vector<16xf32>
        %swap3A = arith.index_cast %scan3A_65 : i32 to index
        %swap3A_74 = arith.constant 0 : index
        %swap3A_75 = tpu.vector_load %arg14[%swap3A, %swap3A_74] {strides = array<i32>} : memref<128x16xf32, #tpu.memory_space<vmem>>, vector<1x16xf32>,
        %swap3A_76 = vector.shape_cast %swap3A_75 : vector<1x16xf32> to vector<16xf32>
        %swap3A_77 = vector.shape_cast %sub3A_73 : vector<16xf32> to vector<1x16xf32>
        tpu.vector_store %arg14[%swap3A, %swap3A_74], %swap3A_77 {strides = array<i32>} : memref<128x16xf32, #tpu.memory_space<vmem>>, vector<1x16xf32>,
        %scan3A_78 = arith.constant 1 : i32
        %scan3A_79 = arith.addi %scan3A_65, %scan3A_78 : i32
        %get3A_80 = arith.index_cast %scan3A_79 : i32 to index
        %get3A_81 = arith.constant 0 : index
        %get3A_82 = tpu.vector_load %arg14[%get3A_80, %get3A_81] {strides = array<i32>} : memref<128x16xf32, #tpu.memory_space<vmem>>, vector<1x16xf32>,
        %get3A_83 = vector.shape_cast %get3A_82 : vector<1x16xf32> to vector<16xf32>
        %get3A_84 = arith.index_cast %scan3A_79 : i32 to index
        %get3A_85 = arith.constant 0 : index
        %get3A_86 = tpu.vector_load %arg15[%get3A_84, %get3A_85] {strides = array<i32>} : memref<128x16xf32, #tpu.memory_space<vmem>>, vector<1x16xf32>,
        %get3A_87 = vector.shape_cast %get3A_86 : vector<1x16xf32> to vector<16xf32>
        %sub3A_88 = arith.subf %get3A_83, %get3A_87 : vector<16xf32>
        %swap3A_89 = arith.index_cast %scan3A_79 : i32 to index
        %swap3A_90 = arith.constant 0 : index
        %swap3A_91 = tpu.vector_load %arg14[%swap3A_89, %swap3A_90] {strides = array<i32>} : memref<128x16xf32, #tpu.memory_space<vmem>>, vector<1x16xf32>,
        %swap3A_92 = vector.shape_cast %swap3A_91 : vector<1x16xf32> to vector<16xf32>
        %swap3A_93 = vector.shape_cast %sub3A_88 : vector<16xf32> to vector<1x16xf32>
        tpu.vector_store %arg14[%swap3A_89, %swap3A_90], %swap3A_93 {strides = array<i32>} : memref<128x16xf32, #tpu.memory_space<vmem>>, vector<1x16xf32>,
        %scan3A_94 = arith.constant 2 : i32
        %scan3A_95 = arith.addi %scan3A_65, %scan3A_94 : i32
        %get3A_96 = arith.index_cast %scan3A_95 : i32 to index
        %get3A_97 = arith.constant 0 : index
        %get3A_98 = tpu.vector_load %arg14[%get3A_96, %get3A_97] {strides = array<i32>} : memref<128x16xf32, #tpu.memory_space<vmem>>, vector<1x16xf32>,
        %get3A_99 = vector.shape_cast %get3A_98 : vector<1x16xf32> to vector<16xf32>
        %get3A_100 = arith.index_cast %scan3A_95 : i32 to index
        %get3A_101 = arith.constant 0 : index
        %get3A_102 = tpu.vector_load %arg15[%get3A_100, %get3A_101] {strides = array<i32>} : memref<128x16xf32, #tpu.memory_space<vmem>>, vector<1x16xf32>,
        %get3A_103 = vector.shape_cast %get3A_102 : vector<1x16xf32> to vector<16xf32>
        %sub3A_104 = arith.subf %get3A_99, %get3A_103 : vector<16xf32>
        %swap3A_105 = arith.index_cast %scan3A_95 : i32 to index
        %swap3A_106 = arith.constant 0 : index
        %swap3A_107 = tpu.vector_load %arg14[%swap3A_105, %swap3A_106] {strides = array<i32>} : memref<128x16xf32, #tpu.memory_space<vmem>>, vector<1x16xf32>,
        %swap3A_108 = vector.shape_cast %swap3A_107 : vector<1x16xf32> to vector<16xf32>
        %swap3A_109 = vector.shape_cast %sub3A_104 : vector<16xf32> to vector<1x16xf32>
        tpu.vector_store %arg14[%swap3A_105, %swap3A_106], %swap3A_109 {strides = array<i32>} : memref<128x16xf32, #tpu.memory_space<vmem>>, vector<1x16xf32>,
        %scan3A_110 = arith.constant 3 : i32
        %scan3A_111 = arith.addi %scan3A_65, %scan3A_110 : i32
        %get3A_112 = arith.index_cast %scan3A_111 : i32 to index
        %get3A_113 = arith.constant 0 : index
        %get3A_114 = tpu.vector_load %arg14[%get3A_112, %get3A_113] {strides = array<i32>} : memref<128x16xf32, #tpu.memory_space<vmem>>, vector<1x16xf32>,
        %get3A_115 = vector.shape_cast %get3A_114 : vector<1x16xf32> to vector<16xf32>
        %get3A_116 = arith.index_cast %scan3A_111 : i32 to index
        %get3A_117 = arith.constant 0 : index
        %get3A_118 = tpu.vector_load %arg15[%get3A_116, %get3A_117] {strides = array<i32>} : memref<128x16xf32, #tpu.memory_space<vmem>>, vector<1x16xf32>,
        %get3A_119 = vector.shape_cast %get3A_118 : vector<1x16xf32> to vector<16xf32>
        %sub3A_120 = arith.subf %get3A_115, %get3A_119 : vector<16xf32>
        %swap3A_121 = arith.index_cast %scan3A_111 : i32 to index
        %swap3A_122 = arith.constant 0 : index
        %swap3A_123 = tpu.vector_load %arg14[%swap3A_121, %swap3A_122] {strides = array<i32>} : memref<128x16xf32, #tpu.memory_space<vmem>>, vector<1x16xf32>,
        %swap3A_124 = vector.shape_cast %swap3A_123 : vector<1x16xf32> to vector<16xf32>
        %swap3A_125 = vector.shape_cast %sub3A_120 : vector<16xf32> to vector<1x16xf32>
        tpu.vector_store %arg14[%swap3A_121, %swap3A_122], %swap3A_125 {strides = array<i32>} : memref<128x16xf32, #tpu.memory_space<vmem>>, vector<1x16xf32>,
      }
      %scan3A_58 = arith.constant 128 : i32
      %dma_wait3A_59 = arith.constant 0 : i32
      %dma_wait3A_60 = arith.constant 0 : i32
      %dma_wait3A_61 = tpu.memref_slice %arg2[%dma_wait3A_59, %dma_wait3A_60] : memref<10000x128xf32, #tpu.memory_space<hbm>> -> memref<10000x128xf32, #tpu.memory_space<hbm>>
      tpu.wait_indirect_dma semaphore(%arg16 : memref<!tpu.dma_semaphore, #tpu.memory_space<semaphore_mem>>) src(%dma_wait3A_61 : memref<10000x128xf32, #tpu.memory_space<hbm>>) dst(%arg12 : memref<128x128xf32, #tpu.memory_space<vmem>>)
      %dma_wait3A_62 = arith.constant 0 : i32
      %dma_wait3A_63 = arith.constant 0 : i32
      %dma_wait3A_64 = tpu.memref_slice %arg3[%dma_wait3A_62, %dma_wait3A_63] : memref<10000x128xf32, #tpu.memory_space<hbm>> -> memref<10000x128xf32, #tpu.memory_space<hbm>>
      tpu.wait_indirect_dma semaphore(%arg17 : memref<!tpu.dma_semaphore, #tpu.memory_space<semaphore_mem>>) src(%dma_wait3A_64 : memref<10000x128xf32, #tpu.memory_space<hbm>>) dst(%arg13 : memref<128x128xf32, #tpu.memory_space<vmem>>)
      "tpu.region"() ({
        %run_scoped3A = tpu.sem_alloc : memref<!tpu.dma_semaphore, #tpu.memory_space<semaphore_mem>>
        %dma_start3A_65 = arith.constant 0 : i32
        %dma_start3A_66 = tpu.memref_slice %arg7[%mul3A_37, %dma_start3A_65] : memref<80000x128xf32, #tpu.memory_space<hbm>> -> memref<128x128xf32, #tpu.memory_space<hbm>>
        %dma_start3A_67 = arith.constant 0 : i32
        %dma_start3A_68 = tpu.memref_slice %arg7[%mul3A_37, %dma_start3A_67] : memref<80000x128xf32, #tpu.memory_space<hbm>> -> memref<128x128xf32, #tpu.memory_space<hbm>>
        tpu.enqueue_dma source(%arg12 : memref<128x128xf32, #tpu.memory_space<vmem>>) target(%dma_start3A_68 : memref<128x128xf32, #tpu.memory_space<hbm>>) target_semaphore(%run_scoped3A : memref<!tpu.dma_semaphore, #tpu.memory_space<semaphore_mem>>)
        %dma_wait3A_69 = arith.constant 0 : i32
        %dma_wait3A_70 = tpu.memref_slice %arg7[%mul3A_37, %dma_wait3A_69] : memref<80000x128xf32, #tpu.memory_space<hbm>> -> memref<128x128xf32, #tpu.memory_space<hbm>>
        %dma_wait3A_71 = arith.constant 0 : i32
        %dma_wait3A_72 = tpu.memref_slice %arg7[%mul3A_37, %dma_wait3A_71] : memref<80000x128xf32, #tpu.memory_space<hbm>> -> memref<128x128xf32, #tpu.memory_space<hbm>>
        tpu.wait_dma2 semaphore(%run_scoped3A : memref<!tpu.dma_semaphore, #tpu.memory_space<semaphore_mem>>) src(%arg12 : memref<128x128xf32, #tpu.memory_space<vmem>>) dst(%dma_wait3A_72 : memref<128x128xf32, #tpu.memory_space<hbm>>)
        tpu.yield
      }) : () -> ()
      "tpu.region"() ({
        %run_scoped3A = tpu.sem_alloc : memref<!tpu.dma_semaphore, #tpu.memory_space<semaphore_mem>>
        %dma_start3A_65 = arith.constant 0 : i32
        %dma_start3A_66 = tpu.memref_slice %arg8[%mul3A_37, %dma_start3A_65] : memref<80000x128xf32, #tpu.memory_space<hbm>> -> memref<128x128xf32, #tpu.memory_space<hbm>>
        %dma_start3A_67 = arith.constant 0 : i32
        %dma_start3A_68 = tpu.memref_slice %arg8[%mul3A_37, %dma_start3A_67] : memref<80000x128xf32, #tpu.memory_space<hbm>> -> memref<128x128xf32, #tpu.memory_space<hbm>>
        tpu.enqueue_dma source(%arg13 : memref<128x128xf32, #tpu.memory_space<vmem>>) target(%dma_start3A_68 : memref<128x128xf32, #tpu.memory_space<hbm>>) target_semaphore(%run_scoped3A : memref<!tpu.dma_semaphore, #tpu.memory_space<semaphore_mem>>)
        %dma_wait3A_69 = arith.constant 0 : i32
        %dma_wait3A_70 = tpu.memref_slice %arg8[%mul3A_37, %dma_wait3A_69] : memref<80000x128xf32, #tpu.memory_space<hbm>> -> memref<128x128xf32, #tpu.memory_space<hbm>>
        %dma_wait3A_71 = arith.constant 0 : i32
        %dma_wait3A_72 = tpu.memref_slice %arg8[%mul3A_37, %dma_wait3A_71] : memref<80000x128xf32, #tpu.memory_space<hbm>> -> memref<128x128xf32, #tpu.memory_space<hbm>>
        tpu.wait_dma2 semaphore(%run_scoped3A : memref<!tpu.dma_semaphore, #tpu.memory_space<semaphore_mem>>) src(%arg13 : memref<128x128xf32, #tpu.memory_space<vmem>>) dst(%dma_wait3A_72 : memref<128x128xf32, #tpu.memory_space<hbm>>)
        tpu.yield
      }) : () -> ()
      "tpu.region"() ({
        %run_scoped3A = tpu.sem_alloc : memref<!tpu.dma_semaphore, #tpu.memory_space<semaphore_mem>>
        %dma_start3A_65 = arith.constant 0 : i32
        %dma_start3A_66 = tpu.memref_slice %arg9[%mul3A_37, %dma_start3A_65] : memref<80000x16xf32, #tpu.memory_space<hbm>> -> memref<128x16xf32, #tpu.memory_space<hbm>>
        %dma_start3A_67 = arith.constant 0 : i32
        %dma_start3A_68 = tpu.memref_slice %arg9[%mul3A_37, %dma_start3A_67] : memref<80000x16xf32, #tpu.memory_space<hbm>> -> memref<128x16xf32, #tpu.memory_space<hbm>>
        tpu.enqueue_dma source(%arg14 : memref<128x16xf32, #tpu.memory_space<vmem>>) target(%dma_start3A_68 : memref<128x16xf32, #tpu.memory_space<hbm>>) target_semaphore(%run_scoped3A : memref<!tpu.dma_semaphore, #tpu.memory_space<semaphore_mem>>)
        %dma_wait3A_69 = arith.constant 0 : i32
        %dma_wait3A_70 = tpu.memref_slice %arg9[%mul3A_37, %dma_wait3A_69] : memref<80000x16xf32, #tpu.memory_space<hbm>> -> memref<128x16xf32, #tpu.memory_space<hbm>>
        %dma_wait3A_71 = arith.constant 0 : i32
        %dma_wait3A_72 = tpu.memref_slice %arg9[%mul3A_37, %dma_wait3A_71] : memref<80000x16xf32, #tpu.memory_space<hbm>> -> memref<128x16xf32, #tpu.memory_space<hbm>>
        tpu.wait_dma2 semaphore(%run_scoped3A : memref<!tpu.dma_semaphore, #tpu.memory_space<semaphore_mem>>) src(%arg14 : memref<128x16xf32, #tpu.memory_space<vmem>>) dst(%dma_wait3A_72 : memref<128x16xf32, #tpu.memory_space<hbm>>)
        tpu.yield
      }) : () -> ()
    }
    return
  }
}

#map = affine_map<(d0, d1) -> (0, 0)>
#map1 = affine_map<(d0, d1) -> (0, 0, 0)>
module attributes {stable_mosaic.version = 14 : i64} {
  func.func @_s(%arg0: i32, %arg1: i32, %arg2: memref<80000x128xf32, #tpu.memory_space<hbm>>, %arg3: memref<80000x16xf32, #tpu.memory_space<hbm>>, %arg4: memref<625x128xi32, #tpu.memory_space<hbm>>, %arg5: memref<625x128xf32, #tpu.memory_space<hbm>>, %arg6: memref<625x16xf32, #tpu.memory_space<hbm>>, %arg7: memref<2x10000x128xf32, #tpu.memory_space<hbm>>, %arg8: memref<2x10000x16xf32, #tpu.memory_space<hbm>>, %arg9: memref<128x128xf32, #tpu.memory_space<vmem>>, %arg10: memref<128x16xf32, #tpu.memory_space<vmem>>, %arg11: memref<128xi32, #tpu.memory_space<vmem>>, %arg12: memref<10000x128xf32, #tpu.memory_space<vmem_shared>>, %arg13: memref<10000x16xf32, #tpu.memory_space<vmem_shared>>) attributes {dimension_semantics = [#tpu.dimension_semantics<core_parallel>, #tpu.dimension_semantics<subcore_parallel>], iteration_bounds = array<i64: 2, 16>, scalar_prefetch = 0 : i64, scratch_operands = 5 : i64, tpu.core_type = #tpu.core_type<sc_vector_subcore>, window_params = [{transform_indices = #map}, {transform_indices = #map}, {transform_indices = #map}, {transform_indices = #map}, {transform_indices = #map}, {transform_indices = #map1}, {transform_indices = #map1}]} {
    %mul3A = arith.constant 2 : i32
    %mul3A_0 = arith.muli %arg1, %mul3A : i32
    %add3A = arith.addi %mul3A_0, %arg0 : i32
    %mul3A_1 = arith.constant 625 : i32
    %mul3A_2 = arith.muli %arg1, %mul3A_1 : i32
    "tpu.region"() ({
      %run_scoped3A = tpu.sem_alloc : memref<!tpu.dma_semaphore, #tpu.memory_space<semaphore_mem>>
      %dma_start3A = arith.constant 0 : i32
      %dma_start3A_45 = tpu.memref_slice %arg12[%mul3A_2, %dma_start3A] : memref<10000x128xf32, #tpu.memory_space<vmem_shared>> -> memref<625x128xf32, #tpu.memory_space<vmem_shared>>
      tpu.enqueue_dma source(%arg5 : memref<625x128xf32, #tpu.memory_space<hbm>>) target(%dma_start3A_45 : memref<625x128xf32, #tpu.memory_space<vmem_shared>>) target_semaphore(%run_scoped3A : memref<!tpu.dma_semaphore, #tpu.memory_space<semaphore_mem>>)
      %dma_wait3A = arith.constant 0 : i32
      %dma_wait3A_46 = tpu.memref_slice %arg12[%mul3A_2, %dma_wait3A] : memref<10000x128xf32, #tpu.memory_space<vmem_shared>> -> memref<625x128xf32, #tpu.memory_space<vmem_shared>>
      tpu.wait_dma2 semaphore(%run_scoped3A : memref<!tpu.dma_semaphore, #tpu.memory_space<semaphore_mem>>) src(%arg5 : memref<625x128xf32, #tpu.memory_space<hbm>>) dst(%dma_wait3A_46 : memref<625x128xf32, #tpu.memory_space<vmem_shared>>)
      tpu.yield
    }) : () -> ()
    %mul3A_3 = arith.constant 625 : i32
    %mul3A_4 = arith.muli %arg1, %mul3A_3 : i32
    "tpu.region"() ({
      %run_scoped3A = tpu.sem_alloc : memref<!tpu.dma_semaphore, #tpu.memory_space<semaphore_mem>>
      %dma_start3A = arith.constant 0 : i32
      %dma_start3A_45 = tpu.memref_slice %arg13[%mul3A_4, %dma_start3A] : memref<10000x16xf32, #tpu.memory_space<vmem_shared>> -> memref<625x16xf32, #tpu.memory_space<vmem_shared>>
      tpu.enqueue_dma source(%arg6 : memref<625x16xf32, #tpu.memory_space<hbm>>) target(%dma_start3A_45 : memref<625x16xf32, #tpu.memory_space<vmem_shared>>) target_semaphore(%run_scoped3A : memref<!tpu.dma_semaphore, #tpu.memory_space<semaphore_mem>>)
      %dma_wait3A = arith.constant 0 : i32
      %dma_wait3A_46 = tpu.memref_slice %arg13[%mul3A_4, %dma_wait3A] : memref<10000x16xf32, #tpu.memory_space<vmem_shared>> -> memref<625x16xf32, #tpu.memory_space<vmem_shared>>
      tpu.wait_dma2 semaphore(%run_scoped3A : memref<!tpu.dma_semaphore, #tpu.memory_space<semaphore_mem>>) src(%arg6 : memref<625x16xf32, #tpu.memory_space<hbm>>) dst(%dma_wait3A_46 : memref<625x16xf32, #tpu.memory_space<vmem_shared>>)
      tpu.yield
    }) : () -> ()
    %barrier3A = arith.constant 0 : index
    tpu.barrier barrier_id(%barrier3A)
    %sub3A = arith.constant 625 : i32
    %sub3A_5 = arith.subi %sub3A, %add3A : i32
    %add3A_6 = arith.constant 32 : i32
    %add3A_7 = arith.addi %sub3A_5, %add3A_6 : i32
    %sub3A_8 = arith.constant 1 : i32
    %sub3A_9 = arith.subi %add3A_7, %sub3A_8 : i32
    %jit3A = arith.constant 32 : i32
    %div3A = arith.divsi %sub3A_9, %jit3A : i32
    %sign3A = arith.constant 0 : i32
    %sign3A_10 = arith.cmpi sgt, %sub3A_9, %sign3A : i32
    %sign3A_11 = arith.extui %sign3A_10 : i1 to i32
    %sign3A_12 = arith.constant 0 : i32
    %sign3A_13 = arith.cmpi slt, %sub3A_9, %sign3A_12 : i32
    %sign3A_14 = arith.extui %sign3A_13 : i1 to i32
    %sign3A_15 = arith.subi %sign3A_11, %sign3A_14 : i32
    %sign3A_16 = arith.constant 0 : i32
    %sign3A_17 = arith.cmpi sgt, %jit3A, %sign3A_16 : i32
    %sign3A_18 = arith.extui %sign3A_17 : i1 to i32
    %sign3A_19 = arith.constant 0 : i32
    %sign3A_20 = arith.cmpi slt, %jit3A, %sign3A_19 : i32
    %sign3A_21 = arith.extui %sign3A_20 : i1 to i32
    %sign3A_22 = arith.subi %sign3A_18, %sign3A_21 : i32
    %ne3A = arith.cmpi ne, %sign3A_15, %sign3A_22 : i32
    %rem3A = arith.remsi %sub3A_9, %jit3A : i32
    %ne3A_23 = arith.constant 0 : i32
    %ne3A_24 = arith.cmpi ne, %rem3A, %ne3A_23 : i32
    %and3A = arith.andi %ne3A, %ne3A_24 : i1
    %sub3A_25 = arith.constant 1 : i32
    %sub3A_26 = arith.subi %div3A, %sub3A_25 : i32
    %select_n3A = arith.select %and3A, %sub3A_26, %div3A : i32
    %while3A = arith.constant 0 : i32
    %while3A_27 = arith.constant 0 : i32
    %while3A_28 = arith.subi %select_n3A, %while3A_27 : i32
    %while3A_29 = arith.addi %while3A_27, %while3A_28 : i32
    %while3A_30 = arith.constant 1 : i32
    %while3A_31 = arith.divsi %while3A_28, %while3A_30 : i32
    %while3A_32 = arith.muli %while3A_31, %while3A_30 : i32
    %while3A_33 = arith.addi %while3A_27, %while3A_32 : i32
    %while3A_34 = arith.constant 1 : i32
    scf.for %while3A_45 = %while3A_27 to %while3A_33 step %while3A_34  : i32 {
      %mul3A_46 = arith.constant 32 : i32
      %mul3A_47 = arith.muli %while3A_45, %mul3A_46 : i32
      %add3A_48 = arith.addi %add3A, %mul3A_47 : i32
      "tpu.region"() ({
        %run_scoped3A = tpu.sem_alloc : memref<!tpu.dma_semaphore, #tpu.memory_space<semaphore_mem>>
        %dma_start3A = arith.constant 0 : i32
        %dma_start3A_53 = tpu.memref_slice %arg4[%add3A_48, %dma_start3A] : memref<625x128xi32, #tpu.memory_space<hbm>> -> memref<1x128xi32, #tpu.memory_space<hbm>>
        %dma_start3A_54 = tpu.memref_squeeze %dma_start3A_53 : memref<1x128xi32, #tpu.memory_space<hbm>> -> memref<128xi32, #tpu.memory_space<hbm>>
        %dma_start3A_55 = arith.constant 0 : i32
        %dma_start3A_56 = tpu.memref_slice %arg4[%add3A_48, %dma_start3A_55] : memref<625x128xi32, #tpu.memory_space<hbm>> -> memref<1x128xi32, #tpu.memory_space<hbm>>
        %dma_start3A_57 = tpu.memref_squeeze %dma_start3A_56 : memref<1x128xi32, #tpu.memory_space<hbm>> -> memref<128xi32, #tpu.memory_space<hbm>>
        tpu.enqueue_dma source(%dma_start3A_57 : memref<128xi32, #tpu.memory_space<hbm>>) target(%arg11 : memref<128xi32, #tpu.memory_space<vmem>>) target_semaphore(%run_scoped3A : memref<!tpu.dma_semaphore, #tpu.memory_space<semaphore_mem>>)
        %dma_wait3A = arith.constant 0 : i32
        %dma_wait3A_58 = tpu.memref_slice %arg4[%add3A_48, %dma_wait3A] : memref<625x128xi32, #tpu.memory_space<hbm>> -> memref<1x128xi32, #tpu.memory_space<hbm>>
        %dma_wait3A_59 = tpu.memref_squeeze %dma_wait3A_58 : memref<1x128xi32, #tpu.memory_space<hbm>> -> memref<128xi32, #tpu.memory_space<hbm>>
        %dma_wait3A_60 = arith.constant 0 : i32
        %dma_wait3A_61 = tpu.memref_slice %arg4[%add3A_48, %dma_wait3A_60] : memref<625x128xi32, #tpu.memory_space<hbm>> -> memref<1x128xi32, #tpu.memory_space<hbm>>
        %dma_wait3A_62 = tpu.memref_squeeze %dma_wait3A_61 : memref<1x128xi32, #tpu.memory_space<hbm>> -> memref<128xi32, #tpu.memory_space<hbm>>
        tpu.wait_dma2 semaphore(%run_scoped3A : memref<!tpu.dma_semaphore, #tpu.memory_space<semaphore_mem>>) src(%dma_wait3A_62 : memref<128xi32, #tpu.memory_space<hbm>>) dst(%arg11 : memref<128xi32, #tpu.memory_space<vmem>>)
        tpu.yield
      }) : () -> ()
      %mul3A_49 = arith.constant 128 : i32
      %mul3A_50 = arith.muli %add3A_48, %mul3A_49 : i32
      "tpu.region"() ({
        %run_scoped3A = tpu.sem_alloc : memref<!tpu.dma_semaphore, #tpu.memory_space<semaphore_mem>>
        %dma_start3A = arith.constant 0 : i32
        %dma_start3A_53 = tpu.memref_slice %arg2[%mul3A_50, %dma_start3A] : memref<80000x128xf32, #tpu.memory_space<hbm>> -> memref<128x128xf32, #tpu.memory_space<hbm>>
        %dma_start3A_54 = arith.constant 0 : i32
        %dma_start3A_55 = tpu.memref_slice %arg2[%mul3A_50, %dma_start3A_54] : memref<80000x128xf32, #tpu.memory_space<hbm>> -> memref<128x128xf32, #tpu.memory_space<hbm>>
        tpu.enqueue_dma source(%dma_start3A_55 : memref<128x128xf32, #tpu.memory_space<hbm>>) target(%arg9 : memref<128x128xf32, #tpu.memory_space<vmem>>) target_semaphore(%run_scoped3A : memref<!tpu.dma_semaphore, #tpu.memory_space<semaphore_mem>>)
        %dma_wait3A = arith.constant 0 : i32
        %dma_wait3A_56 = tpu.memref_slice %arg2[%mul3A_50, %dma_wait3A] : memref<80000x128xf32, #tpu.memory_space<hbm>> -> memref<128x128xf32, #tpu.memory_space<hbm>>
        %dma_wait3A_57 = arith.constant 0 : i32
        %dma_wait3A_58 = tpu.memref_slice %arg2[%mul3A_50, %dma_wait3A_57] : memref<80000x128xf32, #tpu.memory_space<hbm>> -> memref<128x128xf32, #tpu.memory_space<hbm>>
        tpu.wait_dma2 semaphore(%run_scoped3A : memref<!tpu.dma_semaphore, #tpu.memory_space<semaphore_mem>>) src(%dma_wait3A_58 : memref<128x128xf32, #tpu.memory_space<hbm>>) dst(%arg9 : memref<128x128xf32, #tpu.memory_space<vmem>>)
        tpu.yield
      }) : () -> ()
      %mul3A_51 = arith.constant 128 : i32
      %mul3A_52 = arith.muli %add3A_48, %mul3A_51 : i32
      "tpu.region"() ({
        %run_scoped3A = tpu.sem_alloc : memref<!tpu.dma_semaphore, #tpu.memory_space<semaphore_mem>>
        %dma_start3A = arith.constant 0 : i32
        %dma_start3A_53 = tpu.memref_slice %arg3[%mul3A_52, %dma_start3A] : memref<80000x16xf32, #tpu.memory_space<hbm>> -> memref<128x16xf32, #tpu.memory_space<hbm>>
        %dma_start3A_54 = arith.constant 0 : i32
        %dma_start3A_55 = tpu.memref_slice %arg3[%mul3A_52, %dma_start3A_54] : memref<80000x16xf32, #tpu.memory_space<hbm>> -> memref<128x16xf32, #tpu.memory_space<hbm>>
        tpu.enqueue_dma source(%dma_start3A_55 : memref<128x16xf32, #tpu.memory_space<hbm>>) target(%arg10 : memref<128x16xf32, #tpu.memory_space<vmem>>) target_semaphore(%run_scoped3A : memref<!tpu.dma_semaphore, #tpu.memory_space<semaphore_mem>>)
        %dma_wait3A = arith.constant 0 : i32
        %dma_wait3A_56 = tpu.memref_slice %arg3[%mul3A_52, %dma_wait3A] : memref<80000x16xf32, #tpu.memory_space<hbm>> -> memref<128x16xf32, #tpu.memory_space<hbm>>
        %dma_wait3A_57 = arith.constant 0 : i32
        %dma_wait3A_58 = tpu.memref_slice %arg3[%mul3A_52, %dma_wait3A_57] : memref<80000x16xf32, #tpu.memory_space<hbm>> -> memref<128x16xf32, #tpu.memory_space<hbm>>
        tpu.wait_dma2 semaphore(%run_scoped3A : memref<!tpu.dma_semaphore, #tpu.memory_space<semaphore_mem>>) src(%dma_wait3A_58 : memref<128x16xf32, #tpu.memory_space<hbm>>) dst(%arg10 : memref<128x16xf32, #tpu.memory_space<vmem>>)
        tpu.yield
      }) : () -> ()
      "tpu.region"() ({
        %run_scoped3A = tpu.sem_alloc : memref<!tpu.dma_semaphore, #tpu.memory_space<semaphore_mem>>
        %dma_start3A = arith.constant 0 : i32
        %dma_start3A_53 = arith.constant 0 : i32
        %dma_start3A_54 = tpu.memref_slice %arg12[%dma_start3A, %dma_start3A_53] : memref<10000x128xf32, #tpu.memory_space<vmem_shared>> -> memref<10000x128xf32, #tpu.memory_space<vmem_shared>>
        tpu.enqueue_indirect_dma source(%arg9 : memref<128x128xf32, #tpu.memory_space<vmem>>) target(%dma_start3A_54 : memref<10000x128xf32, #tpu.memory_space<vmem_shared>>) offsets(%arg11 : memref<128xi32, #tpu.memory_space<vmem>>) semaphore(%run_scoped3A : memref<!tpu.dma_semaphore, #tpu.memory_space<semaphore_mem>>) {add = true}
        %dma_wait3A = arith.constant 0 : i32
        %dma_wait3A_55 = arith.constant 0 : i32
        %dma_wait3A_56 = tpu.memref_slice %arg12[%dma_wait3A, %dma_wait3A_55] : memref<10000x128xf32, #tpu.memory_space<vmem_shared>> -> memref<10000x128xf32, #tpu.memory_space<vmem_shared>>
        tpu.wait_indirect_dma semaphore(%run_scoped3A : memref<!tpu.dma_semaphore, #tpu.memory_space<semaphore_mem>>) src(%arg9 : memref<128x128xf32, #tpu.memory_space<vmem>>) dst(%dma_wait3A_56 : memref<10000x128xf32, #tpu.memory_space<vmem_shared>>)
        tpu.yield
      }) : () -> ()
      "tpu.region"() ({
        %run_scoped3A = tpu.sem_alloc : memref<!tpu.dma_semaphore, #tpu.memory_space<semaphore_mem>>
        %dma_start3A = arith.constant 0 : i32
        %dma_start3A_53 = arith.constant 0 : i32
        %dma_start3A_54 = tpu.memref_slice %arg13[%dma_start3A, %dma_start3A_53] : memref<10000x16xf32, #tpu.memory_space<vmem_shared>> -> memref<10000x16xf32, #tpu.memory_space<vmem_shared>>
        tpu.enqueue_indirect_dma source(%arg10 : memref<128x16xf32, #tpu.memory_space<vmem>>) target(%dma_start3A_54 : memref<10000x16xf32, #tpu.memory_space<vmem_shared>>) offsets(%arg11 : memref<128xi32, #tpu.memory_space<vmem>>) semaphore(%run_scoped3A : memref<!tpu.dma_semaphore, #tpu.memory_space<semaphore_mem>>) {add = true}
        %dma_wait3A = arith.constant 0 : i32
        %dma_wait3A_55 = arith.constant 0 : i32
        %dma_wait3A_56 = tpu.memref_slice %arg13[%dma_wait3A, %dma_wait3A_55] : memref<10000x16xf32, #tpu.memory_space<vmem_shared>> -> memref<10000x16xf32, #tpu.memory_space<vmem_shared>>
        tpu.wait_indirect_dma semaphore(%run_scoped3A : memref<!tpu.dma_semaphore, #tpu.memory_space<semaphore_mem>>) src(%arg10 : memref<128x16xf32, #tpu.memory_space<vmem>>) dst(%dma_wait3A_56 : memref<10000x16xf32, #tpu.memory_space<vmem_shared>>)
        tpu.yield
      }) : () -> ()
    }
    %while3A_35 = arith.constant 1 : i32
    scf.for %while3A_45 = %while3A_33 to %while3A_29 step %while3A_35  : i32 {
      %mul3A_46 = arith.constant 32 : i32
      %mul3A_47 = arith.muli %while3A_45, %mul3A_46 : i32
      %add3A_48 = arith.addi %add3A, %mul3A_47 : i32
      "tpu.region"() ({
        %run_scoped3A = tpu.sem_alloc : memref<!tpu.dma_semaphore, #tpu.memory_space<semaphore_mem>>
        %dma_start3A = arith.constant 0 : i32
        %dma_start3A_53 = tpu.memref_slice %arg4[%add3A_48, %dma_start3A] : memref<625x128xi32, #tpu.memory_space<hbm>> -> memref<1x128xi32, #tpu.memory_space<hbm>>
        %dma_start3A_54 = tpu.memref_squeeze %dma_start3A_53 : memref<1x128xi32, #tpu.memory_space<hbm>> -> memref<128xi32, #tpu.memory_space<hbm>>
        %dma_start3A_55 = arith.constant 0 : i32
        %dma_start3A_56 = tpu.memref_slice %arg4[%add3A_48, %dma_start3A_55] : memref<625x128xi32, #tpu.memory_space<hbm>> -> memref<1x128xi32, #tpu.memory_space<hbm>>
        %dma_start3A_57 = tpu.memref_squeeze %dma_start3A_56 : memref<1x128xi32, #tpu.memory_space<hbm>> -> memref<128xi32, #tpu.memory_space<hbm>>
        tpu.enqueue_dma source(%dma_start3A_57 : memref<128xi32, #tpu.memory_space<hbm>>) target(%arg11 : memref<128xi32, #tpu.memory_space<vmem>>) target_semaphore(%run_scoped3A : memref<!tpu.dma_semaphore, #tpu.memory_space<semaphore_mem>>)
        %dma_wait3A = arith.constant 0 : i32
        %dma_wait3A_58 = tpu.memref_slice %arg4[%add3A_48, %dma_wait3A] : memref<625x128xi32, #tpu.memory_space<hbm>> -> memref<1x128xi32, #tpu.memory_space<hbm>>
        %dma_wait3A_59 = tpu.memref_squeeze %dma_wait3A_58 : memref<1x128xi32, #tpu.memory_space<hbm>> -> memref<128xi32, #tpu.memory_space<hbm>>
        %dma_wait3A_60 = arith.constant 0 : i32
        %dma_wait3A_61 = tpu.memref_slice %arg4[%add3A_48, %dma_wait3A_60] : memref<625x128xi32, #tpu.memory_space<hbm>> -> memref<1x128xi32, #tpu.memory_space<hbm>>
        %dma_wait3A_62 = tpu.memref_squeeze %dma_wait3A_61 : memref<1x128xi32, #tpu.memory_space<hbm>> -> memref<128xi32, #tpu.memory_space<hbm>>
        tpu.wait_dma2 semaphore(%run_scoped3A : memref<!tpu.dma_semaphore, #tpu.memory_space<semaphore_mem>>) src(%dma_wait3A_62 : memref<128xi32, #tpu.memory_space<hbm>>) dst(%arg11 : memref<128xi32, #tpu.memory_space<vmem>>)
        tpu.yield
      }) : () -> ()
      %mul3A_49 = arith.constant 128 : i32
      %mul3A_50 = arith.muli %add3A_48, %mul3A_49 : i32
      "tpu.region"() ({
        %run_scoped3A = tpu.sem_alloc : memref<!tpu.dma_semaphore, #tpu.memory_space<semaphore_mem>>
        %dma_start3A = arith.constant 0 : i32
        %dma_start3A_53 = tpu.memref_slice %arg2[%mul3A_50, %dma_start3A] : memref<80000x128xf32, #tpu.memory_space<hbm>> -> memref<128x128xf32, #tpu.memory_space<hbm>>
        %dma_start3A_54 = arith.constant 0 : i32
        %dma_start3A_55 = tpu.memref_slice %arg2[%mul3A_50, %dma_start3A_54] : memref<80000x128xf32, #tpu.memory_space<hbm>> -> memref<128x128xf32, #tpu.memory_space<hbm>>
        tpu.enqueue_dma source(%dma_start3A_55 : memref<128x128xf32, #tpu.memory_space<hbm>>) target(%arg9 : memref<128x128xf32, #tpu.memory_space<vmem>>) target_semaphore(%run_scoped3A : memref<!tpu.dma_semaphore, #tpu.memory_space<semaphore_mem>>)
        %dma_wait3A = arith.constant 0 : i32
        %dma_wait3A_56 = tpu.memref_slice %arg2[%mul3A_50, %dma_wait3A] : memref<80000x128xf32, #tpu.memory_space<hbm>> -> memref<128x128xf32, #tpu.memory_space<hbm>>
        %dma_wait3A_57 = arith.constant 0 : i32
        %dma_wait3A_58 = tpu.memref_slice %arg2[%mul3A_50, %dma_wait3A_57] : memref<80000x128xf32, #tpu.memory_space<hbm>> -> memref<128x128xf32, #tpu.memory_space<hbm>>
        tpu.wait_dma2 semaphore(%run_scoped3A : memref<!tpu.dma_semaphore, #tpu.memory_space<semaphore_mem>>) src(%dma_wait3A_58 : memref<128x128xf32, #tpu.memory_space<hbm>>) dst(%arg9 : memref<128x128xf32, #tpu.memory_space<vmem>>)
        tpu.yield
      }) : () -> ()
      %mul3A_51 = arith.constant 128 : i32
      %mul3A_52 = arith.muli %add3A_48, %mul3A_51 : i32
      "tpu.region"() ({
        %run_scoped3A = tpu.sem_alloc : memref<!tpu.dma_semaphore, #tpu.memory_space<semaphore_mem>>
        %dma_start3A = arith.constant 0 : i32
        %dma_start3A_53 = tpu.memref_slice %arg3[%mul3A_52, %dma_start3A] : memref<80000x16xf32, #tpu.memory_space<hbm>> -> memref<128x16xf32, #tpu.memory_space<hbm>>
        %dma_start3A_54 = arith.constant 0 : i32
        %dma_start3A_55 = tpu.memref_slice %arg3[%mul3A_52, %dma_start3A_54] : memref<80000x16xf32, #tpu.memory_space<hbm>> -> memref<128x16xf32, #tpu.memory_space<hbm>>
        tpu.enqueue_dma source(%dma_start3A_55 : memref<128x16xf32, #tpu.memory_space<hbm>>) target(%arg10 : memref<128x16xf32, #tpu.memory_space<vmem>>) target_semaphore(%run_scoped3A : memref<!tpu.dma_semaphore, #tpu.memory_space<semaphore_mem>>)
        %dma_wait3A = arith.constant 0 : i32
        %dma_wait3A_56 = tpu.memref_slice %arg3[%mul3A_52, %dma_wait3A] : memref<80000x16xf32, #tpu.memory_space<hbm>> -> memref<128x16xf32, #tpu.memory_space<hbm>>
        %dma_wait3A_57 = arith.constant 0 : i32
        %dma_wait3A_58 = tpu.memref_slice %arg3[%mul3A_52, %dma_wait3A_57] : memref<80000x16xf32, #tpu.memory_space<hbm>> -> memref<128x16xf32, #tpu.memory_space<hbm>>
        tpu.wait_dma2 semaphore(%run_scoped3A : memref<!tpu.dma_semaphore, #tpu.memory_space<semaphore_mem>>) src(%dma_wait3A_58 : memref<128x16xf32, #tpu.memory_space<hbm>>) dst(%arg10 : memref<128x16xf32, #tpu.memory_space<vmem>>)
        tpu.yield
      }) : () -> ()
      "tpu.region"() ({
        %run_scoped3A = tpu.sem_alloc : memref<!tpu.dma_semaphore, #tpu.memory_space<semaphore_mem>>
        %dma_start3A = arith.constant 0 : i32
        %dma_start3A_53 = arith.constant 0 : i32
        %dma_start3A_54 = tpu.memref_slice %arg12[%dma_start3A, %dma_start3A_53] : memref<10000x128xf32, #tpu.memory_space<vmem_shared>> -> memref<10000x128xf32, #tpu.memory_space<vmem_shared>>
        tpu.enqueue_indirect_dma source(%arg9 : memref<128x128xf32, #tpu.memory_space<vmem>>) target(%dma_start3A_54 : memref<10000x128xf32, #tpu.memory_space<vmem_shared>>) offsets(%arg11 : memref<128xi32, #tpu.memory_space<vmem>>) semaphore(%run_scoped3A : memref<!tpu.dma_semaphore, #tpu.memory_space<semaphore_mem>>) {add = true}
        %dma_wait3A = arith.constant 0 : i32
        %dma_wait3A_55 = arith.constant 0 : i32
        %dma_wait3A_56 = tpu.memref_slice %arg12[%dma_wait3A, %dma_wait3A_55] : memref<10000x128xf32, #tpu.memory_space<vmem_shared>> -> memref<10000x128xf32, #tpu.memory_space<vmem_shared>>
        tpu.wait_indirect_dma semaphore(%run_scoped3A : memref<!tpu.dma_semaphore, #tpu.memory_space<semaphore_mem>>) src(%arg9 : memref<128x128xf32, #tpu.memory_space<vmem>>) dst(%dma_wait3A_56 : memref<10000x128xf32, #tpu.memory_space<vmem_shared>>)
        tpu.yield
      }) : () -> ()
      "tpu.region"() ({
        %run_scoped3A = tpu.sem_alloc : memref<!tpu.dma_semaphore, #tpu.memory_space<semaphore_mem>>
        %dma_start3A = arith.constant 0 : i32
        %dma_start3A_53 = arith.constant 0 : i32
        %dma_start3A_54 = tpu.memref_slice %arg13[%dma_start3A, %dma_start3A_53] : memref<10000x16xf32, #tpu.memory_space<vmem_shared>> -> memref<10000x16xf32, #tpu.memory_space<vmem_shared>>
        tpu.enqueue_indirect_dma source(%arg10 : memref<128x16xf32, #tpu.memory_space<vmem>>) target(%dma_start3A_54 : memref<10000x16xf32, #tpu.memory_space<vmem_shared>>) offsets(%arg11 : memref<128xi32, #tpu.memory_space<vmem>>) semaphore(%run_scoped3A : memref<!tpu.dma_semaphore, #tpu.memory_space<semaphore_mem>>) {add = true}
        %dma_wait3A = arith.constant 0 : i32
        %dma_wait3A_55 = arith.constant 0 : i32
        %dma_wait3A_56 = tpu.memref_slice %arg13[%dma_wait3A, %dma_wait3A_55] : memref<10000x16xf32, #tpu.memory_space<vmem_shared>> -> memref<10000x16xf32, #tpu.memory_space<vmem_shared>>
        tpu.wait_indirect_dma semaphore(%run_scoped3A : memref<!tpu.dma_semaphore, #tpu.memory_space<semaphore_mem>>) src(%arg10 : memref<128x16xf32, #tpu.memory_space<vmem>>) dst(%dma_wait3A_56 : memref<10000x16xf32, #tpu.memory_space<vmem_shared>>)
        tpu.yield
      }) : () -> ()
    }
    %barrier3A_36 = arith.constant 0 : index
    tpu.barrier barrier_id(%barrier3A_36)
    %mul3A_37 = arith.constant 625 : i32
    %mul3A_38 = arith.muli %arg1, %mul3A_37 : i32
    %mul3A_39 = arith.constant 625 : i32
    %mul3A_40 = arith.muli %arg1, %mul3A_39 : i32
    "tpu.region"() ({
      %run_scoped3A = tpu.sem_alloc : memref<!tpu.dma_semaphore, #tpu.memory_space<semaphore_mem>>
      %dma_start3A = arith.constant 0 : i32
      %dma_start3A_45 = tpu.memref_slice %arg7[%arg0, %mul3A_40, %dma_start3A] : memref<2x10000x128xf32, #tpu.memory_space<hbm>> -> memref<1x625x128xf32, #tpu.memory_space<hbm>>
      %dma_start3A_46 = tpu.memref_squeeze %dma_start3A_45 : memref<1x625x128xf32, #tpu.memory_space<hbm>> -> memref<625x128xf32, #tpu.memory_space<hbm>>
      %dma_start3A_47 = arith.constant 0 : i32
      %dma_start3A_48 = tpu.memref_slice %arg12[%mul3A_38, %dma_start3A_47] : memref<10000x128xf32, #tpu.memory_space<vmem_shared>> -> memref<625x128xf32, #tpu.memory_space<vmem_shared>>
      tpu.enqueue_dma source(%dma_start3A_48 : memref<625x128xf32, #tpu.memory_space<vmem_shared>>) target(%dma_start3A_46 : memref<625x128xf32, #tpu.memory_space<hbm>>) target_semaphore(%run_scoped3A : memref<!tpu.dma_semaphore, #tpu.memory_space<semaphore_mem>>)
      %dma_wait3A = arith.constant 0 : i32
      %dma_wait3A_49 = tpu.memref_slice %arg7[%arg0, %mul3A_40, %dma_wait3A] : memref<2x10000x128xf32, #tpu.memory_space<hbm>> -> memref<1x625x128xf32, #tpu.memory_space<hbm>>
      %dma_wait3A_50 = tpu.memref_squeeze %dma_wait3A_49 : memref<1x625x128xf32, #tpu.memory_space<hbm>> -> memref<625x128xf32, #tpu.memory_space<hbm>>
      %dma_wait3A_51 = arith.constant 0 : i32
      %dma_wait3A_52 = tpu.memref_slice %arg12[%mul3A_38, %dma_wait3A_51] : memref<10000x128xf32, #tpu.memory_space<vmem_shared>> -> memref<625x128xf32, #tpu.memory_space<vmem_shared>>
      tpu.wait_dma2 semaphore(%run_scoped3A : memref<!tpu.dma_semaphore, #tpu.memory_space<semaphore_mem>>) src(%dma_wait3A_52 : memref<625x128xf32, #tpu.memory_space<vmem_shared>>) dst(%dma_wait3A_50 : memref<625x128xf32, #tpu.memory_space<hbm>>)
      tpu.yield
    }) : () -> ()
    %mul3A_41 = arith.constant 625 : i32
    %mul3A_42 = arith.muli %arg1, %mul3A_41 : i32
    %mul3A_43 = arith.constant 625 : i32
    %mul3A_44 = arith.muli %arg1, %mul3A_43 : i32
    "tpu.region"() ({
      %run_scoped3A = tpu.sem_alloc : memref<!tpu.dma_semaphore, #tpu.memory_space<semaphore_mem>>
      %dma_start3A = arith.constant 0 : i32
      %dma_start3A_45 = tpu.memref_slice %arg8[%arg0, %mul3A_44, %dma_start3A] : memref<2x10000x16xf32, #tpu.memory_space<hbm>> -> memref<1x625x16xf32, #tpu.memory_space<hbm>>
      %dma_start3A_46 = tpu.memref_squeeze %dma_start3A_45 : memref<1x625x16xf32, #tpu.memory_space<hbm>> -> memref<625x16xf32, #tpu.memory_space<hbm>>
      %dma_start3A_47 = arith.constant 0 : i32
      %dma_start3A_48 = tpu.memref_slice %arg13[%mul3A_42, %dma_start3A_47] : memref<10000x16xf32, #tpu.memory_space<vmem_shared>> -> memref<625x16xf32, #tpu.memory_space<vmem_shared>>
      tpu.enqueue_dma source(%dma_start3A_48 : memref<625x16xf32, #tpu.memory_space<vmem_shared>>) target(%dma_start3A_46 : memref<625x16xf32, #tpu.memory_space<hbm>>) target_semaphore(%run_scoped3A : memref<!tpu.dma_semaphore, #tpu.memory_space<semaphore_mem>>)
      %dma_wait3A = arith.constant 0 : i32
      %dma_wait3A_49 = tpu.memref_slice %arg8[%arg0, %mul3A_44, %dma_wait3A] : memref<2x10000x16xf32, #tpu.memory_space<hbm>> -> memref<1x625x16xf32, #tpu.memory_space<hbm>>
      %dma_wait3A_50 = tpu.memref_squeeze %dma_wait3A_49 : memref<1x625x16xf32, #tpu.memory_space<hbm>> -> memref<625x16xf32, #tpu.memory_space<hbm>>
      %dma_wait3A_51 = arith.constant 0 : i32
      %dma_wait3A_52 = tpu.memref_slice %arg13[%mul3A_42, %dma_wait3A_51] : memref<10000x16xf32, #tpu.memory_space<vmem_shared>> -> memref<625x16xf32, #tpu.memory_space<vmem_shared>>
      tpu.wait_dma2 semaphore(%run_scoped3A : memref<!tpu.dma_semaphore, #tpu.memory_space<semaphore_mem>>) src(%dma_wait3A_52 : memref<625x16xf32, #tpu.memory_space<vmem_shared>>) dst(%dma_wait3A_50 : memref<625x16xf32, #tpu.memory_space<hbm>>)
      tpu.yield
    }) : () -> ()
    return
  }
}

#map = affine_map<(d0, d1) -> (0, 0)>
module attributes {stable_mosaic.version = 14 : i64} {
  func.func @_g(%arg0: i32, %arg1: i32, %arg2: memref<10000x128xf32, #tpu.memory_space<hbm>>, %arg3: memref<10000x128xf32, #tpu.memory_space<hbm>>, %arg4: memref<10000x16xf32, #tpu.memory_space<hbm>>, %arg5: memref<625x128xi32, #tpu.memory_space<hbm>>, %arg6: memref<625x128xi32, #tpu.memory_space<hbm>>, %arg7: memref<80000x128xf32, #tpu.memory_space<hbm>>, %arg8: memref<80000x128xf32, #tpu.memory_space<hbm>>, %arg9: memref<80000x16xf32, #tpu.memory_space<hbm>>, %arg10: memref<128xi32, #tpu.memory_space<vmem>>, %arg11: memref<128xi32, #tpu.memory_space<vmem>>, %arg12: memref<128x128xf32, #tpu.memory_space<vmem>>, %arg13: memref<128x128xf32, #tpu.memory_space<vmem>>, %arg14: memref<128x16xf32, #tpu.memory_space<vmem>>, %arg15: memref<128x16xf32, #tpu.memory_space<vmem>>, %arg16: memref<!tpu.dma_semaphore, #tpu.memory_space<semaphore_mem>>, %arg17: memref<!tpu.dma_semaphore, #tpu.memory_space<semaphore_mem>>, %arg18: memref<!tpu.dma_semaphore, #tpu.memory_space<semaphore_mem>>, %arg19: memref<!tpu.dma_semaphore, #tpu.memory_space<semaphore_mem>>) attributes {dimension_semantics = [#tpu.dimension_semantics<core_parallel>, #tpu.dimension_semantics<subcore_parallel>], iteration_bounds = array<i64: 2, 16>, scalar_prefetch = 0 : i64, scratch_operands = 10 : i64, tpu.core_type = #tpu.core_type<sc_vector_subcore>, window_params = [{transform_indices = #map}, {transform_indices = #map}, {transform_indices = #map}, {transform_indices = #map}, {transform_indices = #map}, {transform_indices = #map}, {transform_indices = #map}, {transform_indices = #map}]} {
    %mul3A = arith.constant 2 : i32
    %mul3A_0 = arith.muli %arg1, %mul3A : i32
    %add3A = arith.addi %mul3A_0, %arg0 : i32
    %sub3A = arith.constant 625 : i32
    %sub3A_1 = arith.subi %sub3A, %add3A : i32
    %add3A_2 = arith.constant 32 : i32
    %add3A_3 = arith.addi %sub3A_1, %add3A_2 : i32
    %sub3A_4 = arith.constant 1 : i32
    %sub3A_5 = arith.subi %add3A_3, %sub3A_4 : i32
    %jit3A = arith.constant 32 : i32
    %div3A = arith.divsi %sub3A_5, %jit3A : i32
    %sign3A = arith.constant 0 : i32
    %sign3A_6 = arith.cmpi sgt, %sub3A_5, %sign3A : i32
    %sign3A_7 = arith.extui %sign3A_6 : i1 to i32
    %sign3A_8 = arith.constant 0 : i32
    %sign3A_9 = arith.cmpi slt, %sub3A_5, %sign3A_8 : i32
    %sign3A_10 = arith.extui %sign3A_9 : i1 to i32
    %sign3A_11 = arith.subi %sign3A_7, %sign3A_10 : i32
    %sign3A_12 = arith.constant 0 : i32
    %sign3A_13 = arith.cmpi sgt, %jit3A, %sign3A_12 : i32
    %sign3A_14 = arith.extui %sign3A_13 : i1 to i32
    %sign3A_15 = arith.constant 0 : i32
    %sign3A_16 = arith.cmpi slt, %jit3A, %sign3A_15 : i32
    %sign3A_17 = arith.extui %sign3A_16 : i1 to i32
    %sign3A_18 = arith.subi %sign3A_14, %sign3A_17 : i32
    %ne3A = arith.cmpi ne, %sign3A_11, %sign3A_18 : i32
    %rem3A = arith.remsi %sub3A_5, %jit3A : i32
    %ne3A_19 = arith.constant 0 : i32
    %ne3A_20 = arith.cmpi ne, %rem3A, %ne3A_19 : i32
    %and3A = arith.andi %ne3A, %ne3A_20 : i1
    %sub3A_21 = arith.constant 1 : i32
    %sub3A_22 = arith.subi %div3A, %sub3A_21 : i32
    %select_n3A = arith.select %and3A, %sub3A_22, %div3A : i32
    %while3A = arith.constant 0 : i32
    %while3A_23 = arith.constant 0 : i32
    %while3A_24 = arith.subi %select_n3A, %while3A_23 : i32
    %while3A_25 = arith.addi %while3A_23, %while3A_24 : i32
    %while3A_26 = arith.constant 1 : i32
    %while3A_27 = arith.divsi %while3A_24, %while3A_26 : i32
    %while3A_28 = arith.muli %while3A_27, %while3A_26 : i32
    %while3A_29 = arith.addi %while3A_23, %while3A_28 : i32
    %while3A_30 = arith.constant 1 : i32
    scf.for %while3A_32 = %while3A_23 to %while3A_29 step %while3A_30  : i32 {
      %mul3A_33 = arith.constant 32 : i32
      %mul3A_34 = arith.muli %while3A_32, %mul3A_33 : i32
      %add3A_35 = arith.addi %add3A, %mul3A_34 : i32
      %mul3A_36 = arith.constant 128 : i32
      %mul3A_37 = arith.muli %add3A_35, %mul3A_36 : i32
      "tpu.region"() ({
        %run_scoped3A = tpu.sem_alloc : memref<!tpu.dma_semaphore, #tpu.memory_space<semaphore_mem>>
        %dma_start3A_65 = arith.constant 0 : i32
        %dma_start3A_66 = tpu.memref_slice %arg5[%add3A_35, %dma_start3A_65] : memref<625x128xi32, #tpu.memory_space<hbm>> -> memref<1x128xi32, #tpu.memory_space<hbm>>
        %dma_start3A_67 = tpu.memref_squeeze %dma_start3A_66 : memref<1x128xi32, #tpu.memory_space<hbm>> -> memref<128xi32, #tpu.memory_space<hbm>>
        %dma_start3A_68 = arith.constant 0 : i32
        %dma_start3A_69 = tpu.memref_slice %arg5[%add3A_35, %dma_start3A_68] : memref<625x128xi32, #tpu.memory_space<hbm>> -> memref<1x128xi32, #tpu.memory_space<hbm>>
        %dma_start3A_70 = tpu.memref_squeeze %dma_start3A_69 : memref<1x128xi32, #tpu.memory_space<hbm>> -> memref<128xi32, #tpu.memory_space<hbm>>
        tpu.enqueue_dma source(%dma_start3A_70 : memref<128xi32, #tpu.memory_space<hbm>>) target(%arg10 : memref<128xi32, #tpu.memory_space<vmem>>) target_semaphore(%run_scoped3A : memref<!tpu.dma_semaphore, #tpu.memory_space<semaphore_mem>>)
        %dma_wait3A_71 = arith.constant 0 : i32
        %dma_wait3A_72 = tpu.memref_slice %arg5[%add3A_35, %dma_wait3A_71] : memref<625x128xi32, #tpu.memory_space<hbm>> -> memref<1x128xi32, #tpu.memory_space<hbm>>
        %dma_wait3A_73 = tpu.memref_squeeze %dma_wait3A_72 : memref<1x128xi32, #tpu.memory_space<hbm>> -> memref<128xi32, #tpu.memory_space<hbm>>
        %dma_wait3A_74 = arith.constant 0 : i32
        %dma_wait3A_75 = tpu.memref_slice %arg5[%add3A_35, %dma_wait3A_74] : memref<625x128xi32, #tpu.memory_space<hbm>> -> memref<1x128xi32, #tpu.memory_space<hbm>>
        %dma_wait3A_76 = tpu.memref_squeeze %dma_wait3A_75 : memref<1x128xi32, #tpu.memory_space<hbm>> -> memref<128xi32, #tpu.memory_space<hbm>>
        tpu.wait_dma2 semaphore(%run_scoped3A : memref<!tpu.dma_semaphore, #tpu.memory_space<semaphore_mem>>) src(%dma_wait3A_76 : memref<128xi32, #tpu.memory_space<hbm>>) dst(%arg10 : memref<128xi32, #tpu.memory_space<vmem>>)
        tpu.yield
      }) : () -> ()
      "tpu.region"() ({
        %run_scoped3A = tpu.sem_alloc : memref<!tpu.dma_semaphore, #tpu.memory_space<semaphore_mem>>
        %dma_start3A_65 = arith.constant 0 : i32
        %dma_start3A_66 = tpu.memref_slice %arg6[%add3A_35, %dma_start3A_65] : memref<625x128xi32, #tpu.memory_space<hbm>> -> memref<1x128xi32, #tpu.memory_space<hbm>>
        %dma_start3A_67 = tpu.memref_squeeze %dma_start3A_66 : memref<1x128xi32, #tpu.memory_space<hbm>> -> memref<128xi32, #tpu.memory_space<hbm>>
        %dma_start3A_68 = arith.constant 0 : i32
        %dma_start3A_69 = tpu.memref_slice %arg6[%add3A_35, %dma_start3A_68] : memref<625x128xi32, #tpu.memory_space<hbm>> -> memref<1x128xi32, #tpu.memory_space<hbm>>
        %dma_start3A_70 = tpu.memref_squeeze %dma_start3A_69 : memref<1x128xi32, #tpu.memory_space<hbm>> -> memref<128xi32, #tpu.memory_space<hbm>>
        tpu.enqueue_dma source(%dma_start3A_70 : memref<128xi32, #tpu.memory_space<hbm>>) target(%arg11 : memref<128xi32, #tpu.memory_space<vmem>>) target_semaphore(%run_scoped3A : memref<!tpu.dma_semaphore, #tpu.memory_space<semaphore_mem>>)
        %dma_wait3A_71 = arith.constant 0 : i32
        %dma_wait3A_72 = tpu.memref_slice %arg6[%add3A_35, %dma_wait3A_71] : memref<625x128xi32, #tpu.memory_space<hbm>> -> memref<1x128xi32, #tpu.memory_space<hbm>>
        %dma_wait3A_73 = tpu.memref_squeeze %dma_wait3A_72 : memref<1x128xi32, #tpu.memory_space<hbm>> -> memref<128xi32, #tpu.memory_space<hbm>>
        %dma_wait3A_74 = arith.constant 0 : i32
        %dma_wait3A_75 = tpu.memref_slice %arg6[%add3A_35, %dma_wait3A_74] : memref<625x128xi32, #tpu.memory_space<hbm>> -> memref<1x128xi32, #tpu.memory_space<hbm>>
        %dma_wait3A_76 = tpu.memref_squeeze %dma_wait3A_75 : memref<1x128xi32, #tpu.memory_space<hbm>> -> memref<128xi32, #tpu.memory_space<hbm>>
        tpu.wait_dma2 semaphore(%run_scoped3A : memref<!tpu.dma_semaphore, #tpu.memory_space<semaphore_mem>>) src(%dma_wait3A_76 : memref<128xi32, #tpu.memory_space<hbm>>) dst(%arg11 : memref<128xi32, #tpu.memory_space<vmem>>)
        tpu.yield
      }) : () -> ()
      %dma_start3A = arith.constant 0 : i32
      %dma_start3A_38 = arith.constant 0 : i32
      %dma_start3A_39 = tpu.memref_slice %arg2[%dma_start3A, %dma_start3A_38] : memref<10000x128xf32, #tpu.memory_space<hbm>> -> memref<10000x128xf32, #tpu.memory_space<hbm>>
      tpu.enqueue_indirect_dma source(%dma_start3A_39 : memref<10000x128xf32, #tpu.memory_space<hbm>>) target(%arg12 : memref<128x128xf32, #tpu.memory_space<vmem>>) offsets(%arg10 : memref<128xi32, #tpu.memory_space<vmem>>) semaphore(%arg16 : memref<!tpu.dma_semaphore, #tpu.memory_space<semaphore_mem>>)
      %dma_start3A_40 = arith.constant 0 : i32
      %dma_start3A_41 = arith.constant 0 : i32
      %dma_start3A_42 = tpu.memref_slice %arg3[%dma_start3A_40, %dma_start3A_41] : memref<10000x128xf32, #tpu.memory_space<hbm>> -> memref<10000x128xf32, #tpu.memory_space<hbm>>
      tpu.enqueue_indirect_dma source(%dma_start3A_42 : memref<10000x128xf32, #tpu.memory_space<hbm>>) target(%arg13 : memref<128x128xf32, #tpu.memory_space<vmem>>) offsets(%arg11 : memref<128xi32, #tpu.memory_space<vmem>>) semaphore(%arg17 : memref<!tpu.dma_semaphore, #tpu.memory_space<semaphore_mem>>)
      %dma_start3A_43 = arith.constant 0 : i32
      %dma_start3A_44 = arith.constant 0 : i32
      %dma_start3A_45 = tpu.memref_slice %arg4[%dma_start3A_43, %dma_start3A_44] : memref<10000x16xf32, #tpu.memory_space<hbm>> -> memref<10000x16xf32, #tpu.memory_space<hbm>>
      tpu.enqueue_indirect_dma source(%dma_start3A_45 : memref<10000x16xf32, #tpu.memory_space<hbm>>) target(%arg14 : memref<128x16xf32, #tpu.memory_space<vmem>>) offsets(%arg10 : memref<128xi32, #tpu.memory_space<vmem>>) semaphore(%arg18 : memref<!tpu.dma_semaphore, #tpu.memory_space<semaphore_mem>>)
      %dma_start3A_46 = arith.constant 0 : i32
      %dma_start3A_47 = arith.constant 0 : i32
      %dma_start3A_48 = tpu.memref_slice %arg4[%dma_start3A_46, %dma_start3A_47] : memref<10000x16xf32, #tpu.memory_space<hbm>> -> memref<10000x16xf32, #tpu.memory_space<hbm>>
      tpu.enqueue_indirect_dma source(%dma_start3A_48 : memref<10000x16xf32, #tpu.memory_space<hbm>>) target(%arg15 : memref<128x16xf32, #tpu.memory_space<vmem>>) offsets(%arg11 : memref<128xi32, #tpu.memory_space<vmem>>) semaphore(%arg19 : memref<!tpu.dma_semaphore, #tpu.memory_space<semaphore_mem>>)
      %dma_wait3A = arith.constant 0 : i32
      %dma_wait3A_49 = arith.constant 0 : i32
      %dma_wait3A_50 = tpu.memref_slice %arg4[%dma_wait3A, %dma_wait3A_49] : memref<10000x16xf32, #tpu.memory_space<hbm>> -> memref<10000x16xf32, #tpu.memory_space<hbm>>
      tpu.wait_indirect_dma semaphore(%arg18 : memref<!tpu.dma_semaphore, #tpu.memory_space<semaphore_mem>>) src(%dma_wait3A_50 : memref<10000x16xf32, #tpu.memory_space<hbm>>) dst(%arg14 : memref<128x16xf32, #tpu.memory_space<vmem>>)
      %dma_wait3A_51 = arith.constant 0 : i32
      %dma_wait3A_52 = arith.constant 0 : i32
      %dma_wait3A_53 = tpu.memref_slice %arg4[%dma_wait3A_51, %dma_wait3A_52] : memref<10000x16xf32, #tpu.memory_space<hbm>> -> memref<10000x16xf32, #tpu.memory_space<hbm>>
      tpu.wait_indirect_dma semaphore(%arg19 : memref<!tpu.dma_semaphore, #tpu.memory_space<semaphore_mem>>) src(%dma_wait3A_53 : memref<10000x16xf32, #tpu.memory_space<hbm>>) dst(%arg15 : memref<128x16xf32, #tpu.memory_space<vmem>>)
      %scan3A = arith.constant 0 : i32
      %scan3A_54 = arith.constant 0 : i32
      %scan3A_55 = arith.constant 128 : i32
      %scan3A_56 = arith.addi %scan3A_54, %scan3A_55 : i32
      %scan3A_57 = arith.constant 4 : i32
      scf.for %scan3A_65 = %scan3A_54 to %scan3A_56 step %scan3A_57  : i32 {
        %get3A = arith.index_cast %scan3A_65 : i32 to index
        %get3A_66 = arith.constant 0 : index
        %get3A_67 = tpu.vector_load %arg14[%get3A, %get3A_66] {strides = array<i32>} : memref<128x16xf32, #tpu.memory_space<vmem>>, vector<1x16xf32>,
        %get3A_68 = vector.shape_cast %get3A_67 : vector<1x16xf32> to vector<16xf32>
        %get3A_69 = arith.index_cast %scan3A_65 : i32 to index
        %get3A_70 = arith.constant 0 : index
        %get3A_71 = tpu.vector_load %arg15[%get3A_69, %get3A_70] {strides = array<i32>} : memref<128x16xf32, #tpu.memory_space<vmem>>, vector<1x16xf32>,
        %get3A_72 = vector.shape_cast %get3A_71 : vector<1x16xf32> to vector<16xf32>
        %sub3A_73 = arith.subf %get3A_68, %get3A_72 : vector<16xf32>
        %swap3A = arith.index_cast %scan3A_65 : i32 to index
        %swap3A_74 = arith.constant 0 : index
        %swap3A_75 = tpu.vector_load %arg14[%swap3A, %swap3A_74] {strides = array<i32>} : memref<128x16xf32, #tpu.memory_space<vmem>>, vector<1x16xf32>,
        %swap3A_76 = vector.shape_cast %swap3A_75 : vector<1x16xf32> to vector<16xf32>
        %swap3A_77 = vector.shape_cast %sub3A_73 : vector<16xf32> to vector<1x16xf32>
        tpu.vector_store %arg14[%swap3A, %swap3A_74], %swap3A_77 {strides = array<i32>} : memref<128x16xf32, #tpu.memory_space<vmem>>, vector<1x16xf32>,
        %scan3A_78 = arith.constant 1 : i32
        %scan3A_79 = arith.addi %scan3A_65, %scan3A_78 : i32
        %get3A_80 = arith.index_cast %scan3A_79 : i32 to index
        %get3A_81 = arith.constant 0 : index
        %get3A_82 = tpu.vector_load %arg14[%get3A_80, %get3A_81] {strides = array<i32>} : memref<128x16xf32, #tpu.memory_space<vmem>>, vector<1x16xf32>,
        %get3A_83 = vector.shape_cast %get3A_82 : vector<1x16xf32> to vector<16xf32>
        %get3A_84 = arith.index_cast %scan3A_79 : i32 to index
        %get3A_85 = arith.constant 0 : index
        %get3A_86 = tpu.vector_load %arg15[%get3A_84, %get3A_85] {strides = array<i32>} : memref<128x16xf32, #tpu.memory_space<vmem>>, vector<1x16xf32>,
        %get3A_87 = vector.shape_cast %get3A_86 : vector<1x16xf32> to vector<16xf32>
        %sub3A_88 = arith.subf %get3A_83, %get3A_87 : vector<16xf32>
        %swap3A_89 = arith.index_cast %scan3A_79 : i32 to index
        %swap3A_90 = arith.constant 0 : index
        %swap3A_91 = tpu.vector_load %arg14[%swap3A_89, %swap3A_90] {strides = array<i32>} : memref<128x16xf32, #tpu.memory_space<vmem>>, vector<1x16xf32>,
        %swap3A_92 = vector.shape_cast %swap3A_91 : vector<1x16xf32> to vector<16xf32>
        %swap3A_93 = vector.shape_cast %sub3A_88 : vector<16xf32> to vector<1x16xf32>
        tpu.vector_store %arg14[%swap3A_89, %swap3A_90], %swap3A_93 {strides = array<i32>} : memref<128x16xf32, #tpu.memory_space<vmem>>, vector<1x16xf32>,
        %scan3A_94 = arith.constant 2 : i32
        %scan3A_95 = arith.addi %scan3A_65, %scan3A_94 : i32
        %get3A_96 = arith.index_cast %scan3A_95 : i32 to index
        %get3A_97 = arith.constant 0 : index
        %get3A_98 = tpu.vector_load %arg14[%get3A_96, %get3A_97] {strides = array<i32>} : memref<128x16xf32, #tpu.memory_space<vmem>>, vector<1x16xf32>,
        %get3A_99 = vector.shape_cast %get3A_98 : vector<1x16xf32> to vector<16xf32>
        %get3A_100 = arith.index_cast %scan3A_95 : i32 to index
        %get3A_101 = arith.constant 0 : index
        %get3A_102 = tpu.vector_load %arg15[%get3A_100, %get3A_101] {strides = array<i32>} : memref<128x16xf32, #tpu.memory_space<vmem>>, vector<1x16xf32>,
        %get3A_103 = vector.shape_cast %get3A_102 : vector<1x16xf32> to vector<16xf32>
        %sub3A_104 = arith.subf %get3A_99, %get3A_103 : vector<16xf32>
        %swap3A_105 = arith.index_cast %scan3A_95 : i32 to index
        %swap3A_106 = arith.constant 0 : index
        %swap3A_107 = tpu.vector_load %arg14[%swap3A_105, %swap3A_106] {strides = array<i32>} : memref<128x16xf32, #tpu.memory_space<vmem>>, vector<1x16xf32>,
        %swap3A_108 = vector.shape_cast %swap3A_107 : vector<1x16xf32> to vector<16xf32>
        %swap3A_109 = vector.shape_cast %sub3A_104 : vector<16xf32> to vector<1x16xf32>
        tpu.vector_store %arg14[%swap3A_105, %swap3A_106], %swap3A_109 {strides = array<i32>} : memref<128x16xf32, #tpu.memory_space<vmem>>, vector<1x16xf32>,
        %scan3A_110 = arith.constant 3 : i32
        %scan3A_111 = arith.addi %scan3A_65, %scan3A_110 : i32
        %get3A_112 = arith.index_cast %scan3A_111 : i32 to index
        %get3A_113 = arith.constant 0 : index
        %get3A_114 = tpu.vector_load %arg14[%get3A_112, %get3A_113] {strides = array<i32>} : memref<128x16xf32, #tpu.memory_space<vmem>>, vector<1x16xf32>,
        %get3A_115 = vector.shape_cast %get3A_114 : vector<1x16xf32> to vector<16xf32>
        %get3A_116 = arith.index_cast %scan3A_111 : i32 to index
        %get3A_117 = arith.constant 0 : index
        %get3A_118 = tpu.vector_load %arg15[%get3A_116, %get3A_117] {strides = array<i32>} : memref<128x16xf32, #tpu.memory_space<vmem>>, vector<1x16xf32>,
        %get3A_119 = vector.shape_cast %get3A_118 : vector<1x16xf32> to vector<16xf32>
        %sub3A_120 = arith.subf %get3A_115, %get3A_119 : vector<16xf32>
        %swap3A_121 = arith.index_cast %scan3A_111 : i32 to index
        %swap3A_122 = arith.constant 0 : index
        %swap3A_123 = tpu.vector_load %arg14[%swap3A_121, %swap3A_122] {strides = array<i32>} : memref<128x16xf32, #tpu.memory_space<vmem>>, vector<1x16xf32>,
        %swap3A_124 = vector.shape_cast %swap3A_123 : vector<1x16xf32> to vector<16xf32>
        %swap3A_125 = vector.shape_cast %sub3A_120 : vector<16xf32> to vector<1x16xf32>
        tpu.vector_store %arg14[%swap3A_121, %swap3A_122], %swap3A_125 {strides = array<i32>} : memref<128x16xf32, #tpu.memory_space<vmem>>, vector<1x16xf32>,
      }
      %scan3A_58 = arith.constant 128 : i32
      %dma_wait3A_59 = arith.constant 0 : i32
      %dma_wait3A_60 = arith.constant 0 : i32
      %dma_wait3A_61 = tpu.memref_slice %arg2[%dma_wait3A_59, %dma_wait3A_60] : memref<10000x128xf32, #tpu.memory_space<hbm>> -> memref<10000x128xf32, #tpu.memory_space<hbm>>
      tpu.wait_indirect_dma semaphore(%arg16 : memref<!tpu.dma_semaphore, #tpu.memory_space<semaphore_mem>>) src(%dma_wait3A_61 : memref<10000x128xf32, #tpu.memory_space<hbm>>) dst(%arg12 : memref<128x128xf32, #tpu.memory_space<vmem>>)
      %dma_wait3A_62 = arith.constant 0 : i32
      %dma_wait3A_63 = arith.constant 0 : i32
      %dma_wait3A_64 = tpu.memref_slice %arg3[%dma_wait3A_62, %dma_wait3A_63] : memref<10000x128xf32, #tpu.memory_space<hbm>> -> memref<10000x128xf32, #tpu.memory_space<hbm>>
      tpu.wait_indirect_dma semaphore(%arg17 : memref<!tpu.dma_semaphore, #tpu.memory_space<semaphore_mem>>) src(%dma_wait3A_64 : memref<10000x128xf32, #tpu.memory_space<hbm>>) dst(%arg13 : memref<128x128xf32, #tpu.memory_space<vmem>>)
      "tpu.region"() ({
        %run_scoped3A = tpu.sem_alloc : memref<!tpu.dma_semaphore, #tpu.memory_space<semaphore_mem>>
        %dma_start3A_65 = arith.constant 0 : i32
        %dma_start3A_66 = tpu.memref_slice %arg7[%mul3A_37, %dma_start3A_65] : memref<80000x128xf32, #tpu.memory_space<hbm>> -> memref<128x128xf32, #tpu.memory_space<hbm>>
        %dma_start3A_67 = arith.constant 0 : i32
        %dma_start3A_68 = tpu.memref_slice %arg7[%mul3A_37, %dma_start3A_67] : memref<80000x128xf32, #tpu.memory_space<hbm>> -> memref<128x128xf32, #tpu.memory_space<hbm>>
        tpu.enqueue_dma source(%arg12 : memref<128x128xf32, #tpu.memory_space<vmem>>) target(%dma_start3A_68 : memref<128x128xf32, #tpu.memory_space<hbm>>) target_semaphore(%run_scoped3A : memref<!tpu.dma_semaphore, #tpu.memory_space<semaphore_mem>>)
        %dma_wait3A_69 = arith.constant 0 : i32
        %dma_wait3A_70 = tpu.memref_slice %arg7[%mul3A_37, %dma_wait3A_69] : memref<80000x128xf32, #tpu.memory_space<hbm>> -> memref<128x128xf32, #tpu.memory_space<hbm>>
        %dma_wait3A_71 = arith.constant 0 : i32
        %dma_wait3A_72 = tpu.memref_slice %arg7[%mul3A_37, %dma_wait3A_71] : memref<80000x128xf32, #tpu.memory_space<hbm>> -> memref<128x128xf32, #tpu.memory_space<hbm>>
        tpu.wait_dma2 semaphore(%run_scoped3A : memref<!tpu.dma_semaphore, #tpu.memory_space<semaphore_mem>>) src(%arg12 : memref<128x128xf32, #tpu.memory_space<vmem>>) dst(%dma_wait3A_72 : memref<128x128xf32, #tpu.memory_space<hbm>>)
        tpu.yield
      }) : () -> ()
      "tpu.region"() ({
        %run_scoped3A = tpu.sem_alloc : memref<!tpu.dma_semaphore, #tpu.memory_space<semaphore_mem>>
        %dma_start3A_65 = arith.constant 0 : i32
        %dma_start3A_66 = tpu.memref_slice %arg8[%mul3A_37, %dma_start3A_65] : memref<80000x128xf32, #tpu.memory_space<hbm>> -> memref<128x128xf32, #tpu.memory_space<hbm>>
        %dma_start3A_67 = arith.constant 0 : i32
        %dma_start3A_68 = tpu.memref_slice %arg8[%mul3A_37, %dma_start3A_67] : memref<80000x128xf32, #tpu.memory_space<hbm>> -> memref<128x128xf32, #tpu.memory_space<hbm>>
        tpu.enqueue_dma source(%arg13 : memref<128x128xf32, #tpu.memory_space<vmem>>) target(%dma_start3A_68 : memref<128x128xf32, #tpu.memory_space<hbm>>) target_semaphore(%run_scoped3A : memref<!tpu.dma_semaphore, #tpu.memory_space<semaphore_mem>>)
        %dma_wait3A_69 = arith.constant 0 : i32
        %dma_wait3A_70 = tpu.memref_slice %arg8[%mul3A_37, %dma_wait3A_69] : memref<80000x128xf32, #tpu.memory_space<hbm>> -> memref<128x128xf32, #tpu.memory_space<hbm>>
        %dma_wait3A_71 = arith.constant 0 : i32
        %dma_wait3A_72 = tpu.memref_slice %arg8[%mul3A_37, %dma_wait3A_71] : memref<80000x128xf32, #tpu.memory_space<hbm>> -> memref<128x128xf32, #tpu.memory_space<hbm>>
        tpu.wait_dma2 semaphore(%run_scoped3A : memref<!tpu.dma_semaphore, #tpu.memory_space<semaphore_mem>>) src(%arg13 : memref<128x128xf32, #tpu.memory_space<vmem>>) dst(%dma_wait3A_72 : memref<128x128xf32, #tpu.memory_space<hbm>>)
        tpu.yield
      }) : () -> ()
      "tpu.region"() ({
        %run_scoped3A = tpu.sem_alloc : memref<!tpu.dma_semaphore, #tpu.memory_space<semaphore_mem>>
        %dma_start3A_65 = arith.constant 0 : i32
        %dma_start3A_66 = tpu.memref_slice %arg9[%mul3A_37, %dma_start3A_65] : memref<80000x16xf32, #tpu.memory_space<hbm>> -> memref<128x16xf32, #tpu.memory_space<hbm>>
        %dma_start3A_67 = arith.constant 0 : i32
        %dma_start3A_68 = tpu.memref_slice %arg9[%mul3A_37, %dma_start3A_67] : memref<80000x16xf32, #tpu.memory_space<hbm>> -> memref<128x16xf32, #tpu.memory_space<hbm>>
        tpu.enqueue_dma source(%arg14 : memref<128x16xf32, #tpu.memory_space<vmem>>) target(%dma_start3A_68 : memref<128x16xf32, #tpu.memory_space<hbm>>) target_semaphore(%run_scoped3A : memref<!tpu.dma_semaphore, #tpu.memory_space<semaphore_mem>>)
        %dma_wait3A_69 = arith.constant 0 : i32
        %dma_wait3A_70 = tpu.memref_slice %arg9[%mul3A_37, %dma_wait3A_69] : memref<80000x16xf32, #tpu.memory_space<hbm>> -> memref<128x16xf32, #tpu.memory_space<hbm>>
        %dma_wait3A_71 = arith.constant 0 : i32
        %dma_wait3A_72 = tpu.memref_slice %arg9[%mul3A_37, %dma_wait3A_71] : memref<80000x16xf32, #tpu.memory_space<hbm>> -> memref<128x16xf32, #tpu.memory_space<hbm>>
        tpu.wait_dma2 semaphore(%run_scoped3A : memref<!tpu.dma_semaphore, #tpu.memory_space<semaphore_mem>>) src(%arg14 : memref<128x16xf32, #tpu.memory_space<vmem>>) dst(%dma_wait3A_72 : memref<128x16xf32, #tpu.memory_space<hbm>>)
        tpu.yield
      }) : () -> ()
    }
    %while3A_31 = arith.constant 1 : i32
    scf.for %while3A_32 = %while3A_29 to %while3A_25 step %while3A_31  : i32 {
      %mul3A_33 = arith.constant 32 : i32
      %mul3A_34 = arith.muli %while3A_32, %mul3A_33 : i32
      %add3A_35 = arith.addi %add3A, %mul3A_34 : i32
      %mul3A_36 = arith.constant 128 : i32
      %mul3A_37 = arith.muli %add3A_35, %mul3A_36 : i32
      "tpu.region"() ({
        %run_scoped3A = tpu.sem_alloc : memref<!tpu.dma_semaphore, #tpu.memory_space<semaphore_mem>>
        %dma_start3A_65 = arith.constant 0 : i32
        %dma_start3A_66 = tpu.memref_slice %arg5[%add3A_35, %dma_start3A_65] : memref<625x128xi32, #tpu.memory_space<hbm>> -> memref<1x128xi32, #tpu.memory_space<hbm>>
        %dma_start3A_67 = tpu.memref_squeeze %dma_start3A_66 : memref<1x128xi32, #tpu.memory_space<hbm>> -> memref<128xi32, #tpu.memory_space<hbm>>
        %dma_start3A_68 = arith.constant 0 : i32
        %dma_start3A_69 = tpu.memref_slice %arg5[%add3A_35, %dma_start3A_68] : memref<625x128xi32, #tpu.memory_space<hbm>> -> memref<1x128xi32, #tpu.memory_space<hbm>>
        %dma_start3A_70 = tpu.memref_squeeze %dma_start3A_69 : memref<1x128xi32, #tpu.memory_space<hbm>> -> memref<128xi32, #tpu.memory_space<hbm>>
        tpu.enqueue_dma source(%dma_start3A_70 : memref<128xi32, #tpu.memory_space<hbm>>) target(%arg10 : memref<128xi32, #tpu.memory_space<vmem>>) target_semaphore(%run_scoped3A : memref<!tpu.dma_semaphore, #tpu.memory_space<semaphore_mem>>)
        %dma_wait3A_71 = arith.constant 0 : i32
        %dma_wait3A_72 = tpu.memref_slice %arg5[%add3A_35, %dma_wait3A_71] : memref<625x128xi32, #tpu.memory_space<hbm>> -> memref<1x128xi32, #tpu.memory_space<hbm>>
        %dma_wait3A_73 = tpu.memref_squeeze %dma_wait3A_72 : memref<1x128xi32, #tpu.memory_space<hbm>> -> memref<128xi32, #tpu.memory_space<hbm>>
        %dma_wait3A_74 = arith.constant 0 : i32
        %dma_wait3A_75 = tpu.memref_slice %arg5[%add3A_35, %dma_wait3A_74] : memref<625x128xi32, #tpu.memory_space<hbm>> -> memref<1x128xi32, #tpu.memory_space<hbm>>
        %dma_wait3A_76 = tpu.memref_squeeze %dma_wait3A_75 : memref<1x128xi32, #tpu.memory_space<hbm>> -> memref<128xi32, #tpu.memory_space<hbm>>
        tpu.wait_dma2 semaphore(%run_scoped3A : memref<!tpu.dma_semaphore, #tpu.memory_space<semaphore_mem>>) src(%dma_wait3A_76 : memref<128xi32, #tpu.memory_space<hbm>>) dst(%arg10 : memref<128xi32, #tpu.memory_space<vmem>>)
        tpu.yield
      }) : () -> ()
      "tpu.region"() ({
        %run_scoped3A = tpu.sem_alloc : memref<!tpu.dma_semaphore, #tpu.memory_space<semaphore_mem>>
        %dma_start3A_65 = arith.constant 0 : i32
        %dma_start3A_66 = tpu.memref_slice %arg6[%add3A_35, %dma_start3A_65] : memref<625x128xi32, #tpu.memory_space<hbm>> -> memref<1x128xi32, #tpu.memory_space<hbm>>
        %dma_start3A_67 = tpu.memref_squeeze %dma_start3A_66 : memref<1x128xi32, #tpu.memory_space<hbm>> -> memref<128xi32, #tpu.memory_space<hbm>>
        %dma_start3A_68 = arith.constant 0 : i32
        %dma_start3A_69 = tpu.memref_slice %arg6[%add3A_35, %dma_start3A_68] : memref<625x128xi32, #tpu.memory_space<hbm>> -> memref<1x128xi32, #tpu.memory_space<hbm>>
        %dma_start3A_70 = tpu.memref_squeeze %dma_start3A_69 : memref<1x128xi32, #tpu.memory_space<hbm>> -> memref<128xi32, #tpu.memory_space<hbm>>
        tpu.enqueue_dma source(%dma_start3A_70 : memref<128xi32, #tpu.memory_space<hbm>>) target(%arg11 : memref<128xi32, #tpu.memory_space<vmem>>) target_semaphore(%run_scoped3A : memref<!tpu.dma_semaphore, #tpu.memory_space<semaphore_mem>>)
        %dma_wait3A_71 = arith.constant 0 : i32
        %dma_wait3A_72 = tpu.memref_slice %arg6[%add3A_35, %dma_wait3A_71] : memref<625x128xi32, #tpu.memory_space<hbm>> -> memref<1x128xi32, #tpu.memory_space<hbm>>
        %dma_wait3A_73 = tpu.memref_squeeze %dma_wait3A_72 : memref<1x128xi32, #tpu.memory_space<hbm>> -> memref<128xi32, #tpu.memory_space<hbm>>
        %dma_wait3A_74 = arith.constant 0 : i32
        %dma_wait3A_75 = tpu.memref_slice %arg6[%add3A_35, %dma_wait3A_74] : memref<625x128xi32, #tpu.memory_space<hbm>> -> memref<1x128xi32, #tpu.memory_space<hbm>>
        %dma_wait3A_76 = tpu.memref_squeeze %dma_wait3A_75 : memref<1x128xi32, #tpu.memory_space<hbm>> -> memref<128xi32, #tpu.memory_space<hbm>>
        tpu.wait_dma2 semaphore(%run_scoped3A : memref<!tpu.dma_semaphore, #tpu.memory_space<semaphore_mem>>) src(%dma_wait3A_76 : memref<128xi32, #tpu.memory_space<hbm>>) dst(%arg11 : memref<128xi32, #tpu.memory_space<vmem>>)
        tpu.yield
      }) : () -> ()
      %dma_start3A = arith.constant 0 : i32
      %dma_start3A_38 = arith.constant 0 : i32
      %dma_start3A_39 = tpu.memref_slice %arg2[%dma_start3A, %dma_start3A_38] : memref<10000x128xf32, #tpu.memory_space<hbm>> -> memref<10000x128xf32, #tpu.memory_space<hbm>>
      tpu.enqueue_indirect_dma source(%dma_start3A_39 : memref<10000x128xf32, #tpu.memory_space<hbm>>) target(%arg12 : memref<128x128xf32, #tpu.memory_space<vmem>>) offsets(%arg10 : memref<128xi32, #tpu.memory_space<vmem>>) semaphore(%arg16 : memref<!tpu.dma_semaphore, #tpu.memory_space<semaphore_mem>>)
      %dma_start3A_40 = arith.constant 0 : i32
      %dma_start3A_41 = arith.constant 0 : i32
      %dma_start3A_42 = tpu.memref_slice %arg3[%dma_start3A_40, %dma_start3A_41] : memref<10000x128xf32, #tpu.memory_space<hbm>> -> memref<10000x128xf32, #tpu.memory_space<hbm>>
      tpu.enqueue_indirect_dma source(%dma_start3A_42 : memref<10000x128xf32, #tpu.memory_space<hbm>>) target(%arg13 : memref<128x128xf32, #tpu.memory_space<vmem>>) offsets(%arg11 : memref<128xi32, #tpu.memory_space<vmem>>) semaphore(%arg17 : memref<!tpu.dma_semaphore, #tpu.memory_space<semaphore_mem>>)
      %dma_start3A_43 = arith.constant 0 : i32
      %dma_start3A_44 = arith.constant 0 : i32
      %dma_start3A_45 = tpu.memref_slice %arg4[%dma_start3A_43, %dma_start3A_44] : memref<10000x16xf32, #tpu.memory_space<hbm>> -> memref<10000x16xf32, #tpu.memory_space<hbm>>
      tpu.enqueue_indirect_dma source(%dma_start3A_45 : memref<10000x16xf32, #tpu.memory_space<hbm>>) target(%arg14 : memref<128x16xf32, #tpu.memory_space<vmem>>) offsets(%arg10 : memref<128xi32, #tpu.memory_space<vmem>>) semaphore(%arg18 : memref<!tpu.dma_semaphore, #tpu.memory_space<semaphore_mem>>)
      %dma_start3A_46 = arith.constant 0 : i32
      %dma_start3A_47 = arith.constant 0 : i32
      %dma_start3A_48 = tpu.memref_slice %arg4[%dma_start3A_46, %dma_start3A_47] : memref<10000x16xf32, #tpu.memory_space<hbm>> -> memref<10000x16xf32, #tpu.memory_space<hbm>>
      tpu.enqueue_indirect_dma source(%dma_start3A_48 : memref<10000x16xf32, #tpu.memory_space<hbm>>) target(%arg15 : memref<128x16xf32, #tpu.memory_space<vmem>>) offsets(%arg11 : memref<128xi32, #tpu.memory_space<vmem>>) semaphore(%arg19 : memref<!tpu.dma_semaphore, #tpu.memory_space<semaphore_mem>>)
      %dma_wait3A = arith.constant 0 : i32
      %dma_wait3A_49 = arith.constant 0 : i32
      %dma_wait3A_50 = tpu.memref_slice %arg4[%dma_wait3A, %dma_wait3A_49] : memref<10000x16xf32, #tpu.memory_space<hbm>> -> memref<10000x16xf32, #tpu.memory_space<hbm>>
      tpu.wait_indirect_dma semaphore(%arg18 : memref<!tpu.dma_semaphore, #tpu.memory_space<semaphore_mem>>) src(%dma_wait3A_50 : memref<10000x16xf32, #tpu.memory_space<hbm>>) dst(%arg14 : memref<128x16xf32, #tpu.memory_space<vmem>>)
      %dma_wait3A_51 = arith.constant 0 : i32
      %dma_wait3A_52 = arith.constant 0 : i32
      %dma_wait3A_53 = tpu.memref_slice %arg4[%dma_wait3A_51, %dma_wait3A_52] : memref<10000x16xf32, #tpu.memory_space<hbm>> -> memref<10000x16xf32, #tpu.memory_space<hbm>>
      tpu.wait_indirect_dma semaphore(%arg19 : memref<!tpu.dma_semaphore, #tpu.memory_space<semaphore_mem>>) src(%dma_wait3A_53 : memref<10000x16xf32, #tpu.memory_space<hbm>>) dst(%arg15 : memref<128x16xf32, #tpu.memory_space<vmem>>)
      %scan3A = arith.constant 0 : i32
      %scan3A_54 = arith.constant 0 : i32
      %scan3A_55 = arith.constant 128 : i32
      %scan3A_56 = arith.addi %scan3A_54, %scan3A_55 : i32
      %scan3A_57 = arith.constant 4 : i32
      scf.for %scan3A_65 = %scan3A_54 to %scan3A_56 step %scan3A_57  : i32 {
        %get3A = arith.index_cast %scan3A_65 : i32 to index
        %get3A_66 = arith.constant 0 : index
        %get3A_67 = tpu.vector_load %arg14[%get3A, %get3A_66] {strides = array<i32>} : memref<128x16xf32, #tpu.memory_space<vmem>>, vector<1x16xf32>,
        %get3A_68 = vector.shape_cast %get3A_67 : vector<1x16xf32> to vector<16xf32>
        %get3A_69 = arith.index_cast %scan3A_65 : i32 to index
        %get3A_70 = arith.constant 0 : index
        %get3A_71 = tpu.vector_load %arg15[%get3A_69, %get3A_70] {strides = array<i32>} : memref<128x16xf32, #tpu.memory_space<vmem>>, vector<1x16xf32>,
        %get3A_72 = vector.shape_cast %get3A_71 : vector<1x16xf32> to vector<16xf32>
        %sub3A_73 = arith.subf %get3A_68, %get3A_72 : vector<16xf32>
        %swap3A = arith.index_cast %scan3A_65 : i32 to index
        %swap3A_74 = arith.constant 0 : index
        %swap3A_75 = tpu.vector_load %arg14[%swap3A, %swap3A_74] {strides = array<i32>} : memref<128x16xf32, #tpu.memory_space<vmem>>, vector<1x16xf32>,
        %swap3A_76 = vector.shape_cast %swap3A_75 : vector<1x16xf32> to vector<16xf32>
        %swap3A_77 = vector.shape_cast %sub3A_73 : vector<16xf32> to vector<1x16xf32>
        tpu.vector_store %arg14[%swap3A, %swap3A_74], %swap3A_77 {strides = array<i32>} : memref<128x16xf32, #tpu.memory_space<vmem>>, vector<1x16xf32>,
        %scan3A_78 = arith.constant 1 : i32
        %scan3A_79 = arith.addi %scan3A_65, %scan3A_78 : i32
        %get3A_80 = arith.index_cast %scan3A_79 : i32 to index
        %get3A_81 = arith.constant 0 : index
        %get3A_82 = tpu.vector_load %arg14[%get3A_80, %get3A_81] {strides = array<i32>} : memref<128x16xf32, #tpu.memory_space<vmem>>, vector<1x16xf32>,
        %get3A_83 = vector.shape_cast %get3A_82 : vector<1x16xf32> to vector<16xf32>
        %get3A_84 = arith.index_cast %scan3A_79 : i32 to index
        %get3A_85 = arith.constant 0 : index
        %get3A_86 = tpu.vector_load %arg15[%get3A_84, %get3A_85] {strides = array<i32>} : memref<128x16xf32, #tpu.memory_space<vmem>>, vector<1x16xf32>,
        %get3A_87 = vector.shape_cast %get3A_86 : vector<1x16xf32> to vector<16xf32>
        %sub3A_88 = arith.subf %get3A_83, %get3A_87 : vector<16xf32>
        %swap3A_89 = arith.index_cast %scan3A_79 : i32 to index
        %swap3A_90 = arith.constant 0 : index
        %swap3A_91 = tpu.vector_load %arg14[%swap3A_89, %swap3A_90] {strides = array<i32>} : memref<128x16xf32, #tpu.memory_space<vmem>>, vector<1x16xf32>,
        %swap3A_92 = vector.shape_cast %swap3A_91 : vector<1x16xf32> to vector<16xf32>
        %swap3A_93 = vector.shape_cast %sub3A_88 : vector<16xf32> to vector<1x16xf32>
        tpu.vector_store %arg14[%swap3A_89, %swap3A_90], %swap3A_93 {strides = array<i32>} : memref<128x16xf32, #tpu.memory_space<vmem>>, vector<1x16xf32>,
        %scan3A_94 = arith.constant 2 : i32
        %scan3A_95 = arith.addi %scan3A_65, %scan3A_94 : i32
        %get3A_96 = arith.index_cast %scan3A_95 : i32 to index
        %get3A_97 = arith.constant 0 : index
        %get3A_98 = tpu.vector_load %arg14[%get3A_96, %get3A_97] {strides = array<i32>} : memref<128x16xf32, #tpu.memory_space<vmem>>, vector<1x16xf32>,
        %get3A_99 = vector.shape_cast %get3A_98 : vector<1x16xf32> to vector<16xf32>
        %get3A_100 = arith.index_cast %scan3A_95 : i32 to index
        %get3A_101 = arith.constant 0 : index
        %get3A_102 = tpu.vector_load %arg15[%get3A_100, %get3A_101] {strides = array<i32>} : memref<128x16xf32, #tpu.memory_space<vmem>>, vector<1x16xf32>,
        %get3A_103 = vector.shape_cast %get3A_102 : vector<1x16xf32> to vector<16xf32>
        %sub3A_104 = arith.subf %get3A_99, %get3A_103 : vector<16xf32>
        %swap3A_105 = arith.index_cast %scan3A_95 : i32 to index
        %swap3A_106 = arith.constant 0 : index
        %swap3A_107 = tpu.vector_load %arg14[%swap3A_105, %swap3A_106] {strides = array<i32>} : memref<128x16xf32, #tpu.memory_space<vmem>>, vector<1x16xf32>,
        %swap3A_108 = vector.shape_cast %swap3A_107 : vector<1x16xf32> to vector<16xf32>
        %swap3A_109 = vector.shape_cast %sub3A_104 : vector<16xf32> to vector<1x16xf32>
        tpu.vector_store %arg14[%swap3A_105, %swap3A_106], %swap3A_109 {strides = array<i32>} : memref<128x16xf32, #tpu.memory_space<vmem>>, vector<1x16xf32>,
        %scan3A_110 = arith.constant 3 : i32
        %scan3A_111 = arith.addi %scan3A_65, %scan3A_110 : i32
        %get3A_112 = arith.index_cast %scan3A_111 : i32 to index
        %get3A_113 = arith.constant 0 : index
        %get3A_114 = tpu.vector_load %arg14[%get3A_112, %get3A_113] {strides = array<i32>} : memref<128x16xf32, #tpu.memory_space<vmem>>, vector<1x16xf32>,
        %get3A_115 = vector.shape_cast %get3A_114 : vector<1x16xf32> to vector<16xf32>
        %get3A_116 = arith.index_cast %scan3A_111 : i32 to index
        %get3A_117 = arith.constant 0 : index
        %get3A_118 = tpu.vector_load %arg15[%get3A_116, %get3A_117] {strides = array<i32>} : memref<128x16xf32, #tpu.memory_space<vmem>>, vector<1x16xf32>,
        %get3A_119 = vector.shape_cast %get3A_118 : vector<1x16xf32> to vector<16xf32>
        %sub3A_120 = arith.subf %get3A_115, %get3A_119 : vector<16xf32>
        %swap3A_121 = arith.index_cast %scan3A_111 : i32 to index
        %swap3A_122 = arith.constant 0 : index
        %swap3A_123 = tpu.vector_load %arg14[%swap3A_121, %swap3A_122] {strides = array<i32>} : memref<128x16xf32, #tpu.memory_space<vmem>>, vector<1x16xf32>,
        %swap3A_124 = vector.shape_cast %swap3A_123 : vector<1x16xf32> to vector<16xf32>
        %swap3A_125 = vector.shape_cast %sub3A_120 : vector<16xf32> to vector<1x16xf32>
        tpu.vector_store %arg14[%swap3A_121, %swap3A_122], %swap3A_125 {strides = array<i32>} : memref<128x16xf32, #tpu.memory_space<vmem>>, vector<1x16xf32>,
      }
      %scan3A_58 = arith.constant 128 : i32
      %dma_wait3A_59 = arith.constant 0 : i32
      %dma_wait3A_60 = arith.constant 0 : i32
      %dma_wait3A_61 = tpu.memref_slice %arg2[%dma_wait3A_59, %dma_wait3A_60] : memref<10000x128xf32, #tpu.memory_space<hbm>> -> memref<10000x128xf32, #tpu.memory_space<hbm>>
      tpu.wait_indirect_dma semaphore(%arg16 : memref<!tpu.dma_semaphore, #tpu.memory_space<semaphore_mem>>) src(%dma_wait3A_61 : memref<10000x128xf32, #tpu.memory_space<hbm>>) dst(%arg12 : memref<128x128xf32, #tpu.memory_space<vmem>>)
      %dma_wait3A_62 = arith.constant 0 : i32
      %dma_wait3A_63 = arith.constant 0 : i32
      %dma_wait3A_64 = tpu.memref_slice %arg3[%dma_wait3A_62, %dma_wait3A_63] : memref<10000x128xf32, #tpu.memory_space<hbm>> -> memref<10000x128xf32, #tpu.memory_space<hbm>>
      tpu.wait_indirect_dma semaphore(%arg17 : memref<!tpu.dma_semaphore, #tpu.memory_space<semaphore_mem>>) src(%dma_wait3A_64 : memref<10000x128xf32, #tpu.memory_space<hbm>>) dst(%arg13 : memref<128x128xf32, #tpu.memory_space<vmem>>)
      "tpu.region"() ({
        %run_scoped3A = tpu.sem_alloc : memref<!tpu.dma_semaphore, #tpu.memory_space<semaphore_mem>>
        %dma_start3A_65 = arith.constant 0 : i32
        %dma_start3A_66 = tpu.memref_slice %arg7[%mul3A_37, %dma_start3A_65] : memref<80000x128xf32, #tpu.memory_space<hbm>> -> memref<128x128xf32, #tpu.memory_space<hbm>>
        %dma_start3A_67 = arith.constant 0 : i32
        %dma_start3A_68 = tpu.memref_slice %arg7[%mul3A_37, %dma_start3A_67] : memref<80000x128xf32, #tpu.memory_space<hbm>> -> memref<128x128xf32, #tpu.memory_space<hbm>>
        tpu.enqueue_dma source(%arg12 : memref<128x128xf32, #tpu.memory_space<vmem>>) target(%dma_start3A_68 : memref<128x128xf32, #tpu.memory_space<hbm>>) target_semaphore(%run_scoped3A : memref<!tpu.dma_semaphore, #tpu.memory_space<semaphore_mem>>)
        %dma_wait3A_69 = arith.constant 0 : i32
        %dma_wait3A_70 = tpu.memref_slice %arg7[%mul3A_37, %dma_wait3A_69] : memref<80000x128xf32, #tpu.memory_space<hbm>> -> memref<128x128xf32, #tpu.memory_space<hbm>>
        %dma_wait3A_71 = arith.constant 0 : i32
        %dma_wait3A_72 = tpu.memref_slice %arg7[%mul3A_37, %dma_wait3A_71] : memref<80000x128xf32, #tpu.memory_space<hbm>> -> memref<128x128xf32, #tpu.memory_space<hbm>>
        tpu.wait_dma2 semaphore(%run_scoped3A : memref<!tpu.dma_semaphore, #tpu.memory_space<semaphore_mem>>) src(%arg12 : memref<128x128xf32, #tpu.memory_space<vmem>>) dst(%dma_wait3A_72 : memref<128x128xf32, #tpu.memory_space<hbm>>)
        tpu.yield
      }) : () -> ()
      "tpu.region"() ({
        %run_scoped3A = tpu.sem_alloc : memref<!tpu.dma_semaphore, #tpu.memory_space<semaphore_mem>>
        %dma_start3A_65 = arith.constant 0 : i32
        %dma_start3A_66 = tpu.memref_slice %arg8[%mul3A_37, %dma_start3A_65] : memref<80000x128xf32, #tpu.memory_space<hbm>> -> memref<128x128xf32, #tpu.memory_space<hbm>>
        %dma_start3A_67 = arith.constant 0 : i32
        %dma_start3A_68 = tpu.memref_slice %arg8[%mul3A_37, %dma_start3A_67] : memref<80000x128xf32, #tpu.memory_space<hbm>> -> memref<128x128xf32, #tpu.memory_space<hbm>>
        tpu.enqueue_dma source(%arg13 : memref<128x128xf32, #tpu.memory_space<vmem>>) target(%dma_start3A_68 : memref<128x128xf32, #tpu.memory_space<hbm>>) target_semaphore(%run_scoped3A : memref<!tpu.dma_semaphore, #tpu.memory_space<semaphore_mem>>)
        %dma_wait3A_69 = arith.constant 0 : i32
        %dma_wait3A_70 = tpu.memref_slice %arg8[%mul3A_37, %dma_wait3A_69] : memref<80000x128xf32, #tpu.memory_space<hbm>> -> memref<128x128xf32, #tpu.memory_space<hbm>>
        %dma_wait3A_71 = arith.constant 0 : i32
        %dma_wait3A_72 = tpu.memref_slice %arg8[%mul3A_37, %dma_wait3A_71] : memref<80000x128xf32, #tpu.memory_space<hbm>> -> memref<128x128xf32, #tpu.memory_space<hbm>>
        tpu.wait_dma2 semaphore(%run_scoped3A : memref<!tpu.dma_semaphore, #tpu.memory_space<semaphore_mem>>) src(%arg13 : memref<128x128xf32, #tpu.memory_space<vmem>>) dst(%dma_wait3A_72 : memref<128x128xf32, #tpu.memory_space<hbm>>)
        tpu.yield
      }) : () -> ()
      "tpu.region"() ({
        %run_scoped3A = tpu.sem_alloc : memref<!tpu.dma_semaphore, #tpu.memory_space<semaphore_mem>>
        %dma_start3A_65 = arith.constant 0 : i32
        %dma_start3A_66 = tpu.memref_slice %arg9[%mul3A_37, %dma_start3A_65] : memref<80000x16xf32, #tpu.memory_space<hbm>> -> memref<128x16xf32, #tpu.memory_space<hbm>>
        %dma_start3A_67 = arith.constant 0 : i32
        %dma_start3A_68 = tpu.memref_slice %arg9[%mul3A_37, %dma_start3A_67] : memref<80000x16xf32, #tpu.memory_space<hbm>> -> memref<128x16xf32, #tpu.memory_space<hbm>>
        tpu.enqueue_dma source(%arg14 : memref<128x16xf32, #tpu.memory_space<vmem>>) target(%dma_start3A_68 : memref<128x16xf32, #tpu.memory_space<hbm>>) target_semaphore(%run_scoped3A : memref<!tpu.dma_semaphore, #tpu.memory_space<semaphore_mem>>)
        %dma_wait3A_69 = arith.constant 0 : i32
        %dma_wait3A_70 = tpu.memref_slice %arg9[%mul3A_37, %dma_wait3A_69] : memref<80000x16xf32, #tpu.memory_space<hbm>> -> memref<128x16xf32, #tpu.memory_space<hbm>>
        %dma_wait3A_71 = arith.constant 0 : i32
        %dma_wait3A_72 = tpu.memref_slice %arg9[%mul3A_37, %dma_wait3A_71] : memref<80000x16xf32, #tpu.memory_space<hbm>> -> memref<128x16xf32, #tpu.memory_space<hbm>>
        tpu.wait_dma2 semaphore(%run_scoped3A : memref<!tpu.dma_semaphore, #tpu.memory_space<semaphore_mem>>) src(%arg14 : memref<128x16xf32, #tpu.memory_space<vmem>>) dst(%dma_wait3A_72 : memref<128x16xf32, #tpu.memory_space<hbm>>)
        tpu.yield
      }) : () -> ()
    }
    return
  }
}

#map = affine_map<(d0, d1) -> (0, 0)>
module attributes {stable_mosaic.version = 14 : i64} {
  func.func @_g(%arg0: i32, %arg1: i32, %arg2: memref<10000x128xf32, #tpu.memory_space<hbm>>, %arg3: memref<10000x128xf32, #tpu.memory_space<hbm>>, %arg4: memref<10000x16xf32, #tpu.memory_space<hbm>>, %arg5: memref<625x128xi32, #tpu.memory_space<hbm>>, %arg6: memref<625x128xi32, #tpu.memory_space<hbm>>, %arg7: memref<80000x128xf32, #tpu.memory_space<hbm>>, %arg8: memref<80000x128xf32, #tpu.memory_space<hbm>>, %arg9: memref<80000x16xf32, #tpu.memory_space<hbm>>, %arg10: memref<128xi32, #tpu.memory_space<vmem>>, %arg11: memref<128xi32, #tpu.memory_space<vmem>>, %arg12: memref<128x128xf32, #tpu.memory_space<vmem>>, %arg13: memref<128x128xf32, #tpu.memory_space<vmem>>, %arg14: memref<128x16xf32, #tpu.memory_space<vmem>>, %arg15: memref<128x16xf32, #tpu.memory_space<vmem>>, %arg16: memref<!tpu.dma_semaphore, #tpu.memory_space<semaphore_mem>>, %arg17: memref<!tpu.dma_semaphore, #tpu.memory_space<semaphore_mem>>, %arg18: memref<!tpu.dma_semaphore, #tpu.memory_space<semaphore_mem>>, %arg19: memref<!tpu.dma_semaphore, #tpu.memory_space<semaphore_mem>>) attributes {dimension_semantics = [#tpu.dimension_semantics<core_parallel>, #tpu.dimension_semantics<subcore_parallel>], iteration_bounds = array<i64: 2, 16>, scalar_prefetch = 0 : i64, scratch_operands = 10 : i64, tpu.core_type = #tpu.core_type<sc_vector_subcore>, window_params = [{transform_indices = #map}, {transform_indices = #map}, {transform_indices = #map}, {transform_indices = #map}, {transform_indices = #map}, {transform_indices = #map}, {transform_indices = #map}, {transform_indices = #map}]} {
    %mul3A = arith.constant 2 : i32
    %mul3A_0 = arith.muli %arg1, %mul3A : i32
    %add3A = arith.addi %mul3A_0, %arg0 : i32
    %sub3A = arith.constant 625 : i32
    %sub3A_1 = arith.subi %sub3A, %add3A : i32
    %add3A_2 = arith.constant 32 : i32
    %add3A_3 = arith.addi %sub3A_1, %add3A_2 : i32
    %sub3A_4 = arith.constant 1 : i32
    %sub3A_5 = arith.subi %add3A_3, %sub3A_4 : i32
    %jit3A = arith.constant 32 : i32
    %div3A = arith.divsi %sub3A_5, %jit3A : i32
    %sign3A = arith.constant 0 : i32
    %sign3A_6 = arith.cmpi sgt, %sub3A_5, %sign3A : i32
    %sign3A_7 = arith.extui %sign3A_6 : i1 to i32
    %sign3A_8 = arith.constant 0 : i32
    %sign3A_9 = arith.cmpi slt, %sub3A_5, %sign3A_8 : i32
    %sign3A_10 = arith.extui %sign3A_9 : i1 to i32
    %sign3A_11 = arith.subi %sign3A_7, %sign3A_10 : i32
    %sign3A_12 = arith.constant 0 : i32
    %sign3A_13 = arith.cmpi sgt, %jit3A, %sign3A_12 : i32
    %sign3A_14 = arith.extui %sign3A_13 : i1 to i32
    %sign3A_15 = arith.constant 0 : i32
    %sign3A_16 = arith.cmpi slt, %jit3A, %sign3A_15 : i32
    %sign3A_17 = arith.extui %sign3A_16 : i1 to i32
    %sign3A_18 = arith.subi %sign3A_14, %sign3A_17 : i32
    %ne3A = arith.cmpi ne, %sign3A_11, %sign3A_18 : i32
    %rem3A = arith.remsi %sub3A_5, %jit3A : i32
    %ne3A_19 = arith.constant 0 : i32
    %ne3A_20 = arith.cmpi ne, %rem3A, %ne3A_19 : i32
    %and3A = arith.andi %ne3A, %ne3A_20 : i1
    %sub3A_21 = arith.constant 1 : i32
    %sub3A_22 = arith.subi %div3A, %sub3A_21 : i32
    %select_n3A = arith.select %and3A, %sub3A_22, %div3A : i32
    %while3A = arith.constant 0 : i32
    %while3A_23 = arith.constant 0 : i32
    %while3A_24 = arith.subi %select_n3A, %while3A_23 : i32
    %while3A_25 = arith.addi %while3A_23, %while3A_24 : i32
    %while3A_26 = arith.constant 1 : i32
    %while3A_27 = arith.divsi %while3A_24, %while3A_26 : i32
    %while3A_28 = arith.muli %while3A_27, %while3A_26 : i32
    %while3A_29 = arith.addi %while3A_23, %while3A_28 : i32
    %while3A_30 = arith.constant 1 : i32
    scf.for %while3A_32 = %while3A_23 to %while3A_29 step %while3A_30  : i32 {
      %mul3A_33 = arith.constant 32 : i32
      %mul3A_34 = arith.muli %while3A_32, %mul3A_33 : i32
      %add3A_35 = arith.addi %add3A, %mul3A_34 : i32
      %mul3A_36 = arith.constant 128 : i32
      %mul3A_37 = arith.muli %add3A_35, %mul3A_36 : i32
      "tpu.region"() ({
        %run_scoped3A = tpu.sem_alloc : memref<!tpu.dma_semaphore, #tpu.memory_space<semaphore_mem>>
        %dma_start3A_65 = arith.constant 0 : i32
        %dma_start3A_66 = tpu.memref_slice %arg5[%add3A_35, %dma_start3A_65] : memref<625x128xi32, #tpu.memory_space<hbm>> -> memref<1x128xi32, #tpu.memory_space<hbm>>
        %dma_start3A_67 = tpu.memref_squeeze %dma_start3A_66 : memref<1x128xi32, #tpu.memory_space<hbm>> -> memref<128xi32, #tpu.memory_space<hbm>>
        %dma_start3A_68 = arith.constant 0 : i32
        %dma_start3A_69 = tpu.memref_slice %arg5[%add3A_35, %dma_start3A_68] : memref<625x128xi32, #tpu.memory_space<hbm>> -> memref<1x128xi32, #tpu.memory_space<hbm>>
        %dma_start3A_70 = tpu.memref_squeeze %dma_start3A_69 : memref<1x128xi32, #tpu.memory_space<hbm>> -> memref<128xi32, #tpu.memory_space<hbm>>
        tpu.enqueue_dma source(%dma_start3A_70 : memref<128xi32, #tpu.memory_space<hbm>>) target(%arg10 : memref<128xi32, #tpu.memory_space<vmem>>) target_semaphore(%run_scoped3A : memref<!tpu.dma_semaphore, #tpu.memory_space<semaphore_mem>>)
        %dma_wait3A_71 = arith.constant 0 : i32
        %dma_wait3A_72 = tpu.memref_slice %arg5[%add3A_35, %dma_wait3A_71] : memref<625x128xi32, #tpu.memory_space<hbm>> -> memref<1x128xi32, #tpu.memory_space<hbm>>
        %dma_wait3A_73 = tpu.memref_squeeze %dma_wait3A_72 : memref<1x128xi32, #tpu.memory_space<hbm>> -> memref<128xi32, #tpu.memory_space<hbm>>
        %dma_wait3A_74 = arith.constant 0 : i32
        %dma_wait3A_75 = tpu.memref_slice %arg5[%add3A_35, %dma_wait3A_74] : memref<625x128xi32, #tpu.memory_space<hbm>> -> memref<1x128xi32, #tpu.memory_space<hbm>>
        %dma_wait3A_76 = tpu.memref_squeeze %dma_wait3A_75 : memref<1x128xi32, #tpu.memory_space<hbm>> -> memref<128xi32, #tpu.memory_space<hbm>>
        tpu.wait_dma2 semaphore(%run_scoped3A : memref<!tpu.dma_semaphore, #tpu.memory_space<semaphore_mem>>) src(%dma_wait3A_76 : memref<128xi32, #tpu.memory_space<hbm>>) dst(%arg10 : memref<128xi32, #tpu.memory_space<vmem>>)
        tpu.yield
      }) : () -> ()
      "tpu.region"() ({
        %run_scoped3A = tpu.sem_alloc : memref<!tpu.dma_semaphore, #tpu.memory_space<semaphore_mem>>
        %dma_start3A_65 = arith.constant 0 : i32
        %dma_start3A_66 = tpu.memref_slice %arg6[%add3A_35, %dma_start3A_65] : memref<625x128xi32, #tpu.memory_space<hbm>> -> memref<1x128xi32, #tpu.memory_space<hbm>>
        %dma_start3A_67 = tpu.memref_squeeze %dma_start3A_66 : memref<1x128xi32, #tpu.memory_space<hbm>> -> memref<128xi32, #tpu.memory_space<hbm>>
        %dma_start3A_68 = arith.constant 0 : i32
        %dma_start3A_69 = tpu.memref_slice %arg6[%add3A_35, %dma_start3A_68] : memref<625x128xi32, #tpu.memory_space<hbm>> -> memref<1x128xi32, #tpu.memory_space<hbm>>
        %dma_start3A_70 = tpu.memref_squeeze %dma_start3A_69 : memref<1x128xi32, #tpu.memory_space<hbm>> -> memref<128xi32, #tpu.memory_space<hbm>>
        tpu.enqueue_dma source(%dma_start3A_70 : memref<128xi32, #tpu.memory_space<hbm>>) target(%arg11 : memref<128xi32, #tpu.memory_space<vmem>>) target_semaphore(%run_scoped3A : memref<!tpu.dma_semaphore, #tpu.memory_space<semaphore_mem>>)
        %dma_wait3A_71 = arith.constant 0 : i32
        %dma_wait3A_72 = tpu.memref_slice %arg6[%add3A_35, %dma_wait3A_71] : memref<625x128xi32, #tpu.memory_space<hbm>> -> memref<1x128xi32, #tpu.memory_space<hbm>>
        %dma_wait3A_73 = tpu.memref_squeeze %dma_wait3A_72 : memref<1x128xi32, #tpu.memory_space<hbm>> -> memref<128xi32, #tpu.memory_space<hbm>>
        %dma_wait3A_74 = arith.constant 0 : i32
        %dma_wait3A_75 = tpu.memref_slice %arg6[%add3A_35, %dma_wait3A_74] : memref<625x128xi32, #tpu.memory_space<hbm>> -> memref<1x128xi32, #tpu.memory_space<hbm>>
        %dma_wait3A_76 = tpu.memref_squeeze %dma_wait3A_75 : memref<1x128xi32, #tpu.memory_space<hbm>> -> memref<128xi32, #tpu.memory_space<hbm>>
        tpu.wait_dma2 semaphore(%run_scoped3A : memref<!tpu.dma_semaphore, #tpu.memory_space<semaphore_mem>>) src(%dma_wait3A_76 : memref<128xi32, #tpu.memory_space<hbm>>) dst(%arg11 : memref<128xi32, #tpu.memory_space<vmem>>)
        tpu.yield
      }) : () -> ()
      %dma_start3A = arith.constant 0 : i32
      %dma_start3A_38 = arith.constant 0 : i32
      %dma_start3A_39 = tpu.memref_slice %arg2[%dma_start3A, %dma_start3A_38] : memref<10000x128xf32, #tpu.memory_space<hbm>> -> memref<10000x128xf32, #tpu.memory_space<hbm>>
      tpu.enqueue_indirect_dma source(%dma_start3A_39 : memref<10000x128xf32, #tpu.memory_space<hbm>>) target(%arg12 : memref<128x128xf32, #tpu.memory_space<vmem>>) offsets(%arg10 : memref<128xi32, #tpu.memory_space<vmem>>) semaphore(%arg16 : memref<!tpu.dma_semaphore, #tpu.memory_space<semaphore_mem>>)
      %dma_start3A_40 = arith.constant 0 : i32
      %dma_start3A_41 = arith.constant 0 : i32
      %dma_start3A_42 = tpu.memref_slice %arg3[%dma_start3A_40, %dma_start3A_41] : memref<10000x128xf32, #tpu.memory_space<hbm>> -> memref<10000x128xf32, #tpu.memory_space<hbm>>
      tpu.enqueue_indirect_dma source(%dma_start3A_42 : memref<10000x128xf32, #tpu.memory_space<hbm>>) target(%arg13 : memref<128x128xf32, #tpu.memory_space<vmem>>) offsets(%arg11 : memref<128xi32, #tpu.memory_space<vmem>>) semaphore(%arg17 : memref<!tpu.dma_semaphore, #tpu.memory_space<semaphore_mem>>)
      %dma_start3A_43 = arith.constant 0 : i32
      %dma_start3A_44 = arith.constant 0 : i32
      %dma_start3A_45 = tpu.memref_slice %arg4[%dma_start3A_43, %dma_start3A_44] : memref<10000x16xf32, #tpu.memory_space<hbm>> -> memref<10000x16xf32, #tpu.memory_space<hbm>>
      tpu.enqueue_indirect_dma source(%dma_start3A_45 : memref<10000x16xf32, #tpu.memory_space<hbm>>) target(%arg14 : memref<128x16xf32, #tpu.memory_space<vmem>>) offsets(%arg10 : memref<128xi32, #tpu.memory_space<vmem>>) semaphore(%arg18 : memref<!tpu.dma_semaphore, #tpu.memory_space<semaphore_mem>>)
      %dma_start3A_46 = arith.constant 0 : i32
      %dma_start3A_47 = arith.constant 0 : i32
      %dma_start3A_48 = tpu.memref_slice %arg4[%dma_start3A_46, %dma_start3A_47] : memref<10000x16xf32, #tpu.memory_space<hbm>> -> memref<10000x16xf32, #tpu.memory_space<hbm>>
      tpu.enqueue_indirect_dma source(%dma_start3A_48 : memref<10000x16xf32, #tpu.memory_space<hbm>>) target(%arg15 : memref<128x16xf32, #tpu.memory_space<vmem>>) offsets(%arg11 : memref<128xi32, #tpu.memory_space<vmem>>) semaphore(%arg19 : memref<!tpu.dma_semaphore, #tpu.memory_space<semaphore_mem>>)
      %dma_wait3A = arith.constant 0 : i32
      %dma_wait3A_49 = arith.constant 0 : i32
      %dma_wait3A_50 = tpu.memref_slice %arg4[%dma_wait3A, %dma_wait3A_49] : memref<10000x16xf32, #tpu.memory_space<hbm>> -> memref<10000x16xf32, #tpu.memory_space<hbm>>
      tpu.wait_indirect_dma semaphore(%arg18 : memref<!tpu.dma_semaphore, #tpu.memory_space<semaphore_mem>>) src(%dma_wait3A_50 : memref<10000x16xf32, #tpu.memory_space<hbm>>) dst(%arg14 : memref<128x16xf32, #tpu.memory_space<vmem>>)
      %dma_wait3A_51 = arith.constant 0 : i32
      %dma_wait3A_52 = arith.constant 0 : i32
      %dma_wait3A_53 = tpu.memref_slice %arg4[%dma_wait3A_51, %dma_wait3A_52] : memref<10000x16xf32, #tpu.memory_space<hbm>> -> memref<10000x16xf32, #tpu.memory_space<hbm>>
      tpu.wait_indirect_dma semaphore(%arg19 : memref<!tpu.dma_semaphore, #tpu.memory_space<semaphore_mem>>) src(%dma_wait3A_53 : memref<10000x16xf32, #tpu.memory_space<hbm>>) dst(%arg15 : memref<128x16xf32, #tpu.memory_space<vmem>>)
      %scan3A = arith.constant 0 : i32
      %scan3A_54 = arith.constant 0 : i32
      %scan3A_55 = arith.constant 128 : i32
      %scan3A_56 = arith.addi %scan3A_54, %scan3A_55 : i32
      %scan3A_57 = arith.constant 4 : i32
      scf.for %scan3A_65 = %scan3A_54 to %scan3A_56 step %scan3A_57  : i32 {
        %get3A = arith.index_cast %scan3A_65 : i32 to index
        %get3A_66 = arith.constant 0 : index
        %get3A_67 = tpu.vector_load %arg14[%get3A, %get3A_66] {strides = array<i32>} : memref<128x16xf32, #tpu.memory_space<vmem>>, vector<1x16xf32>,
        %get3A_68 = vector.shape_cast %get3A_67 : vector<1x16xf32> to vector<16xf32>
        %get3A_69 = arith.index_cast %scan3A_65 : i32 to index
        %get3A_70 = arith.constant 0 : index
        %get3A_71 = tpu.vector_load %arg15[%get3A_69, %get3A_70] {strides = array<i32>} : memref<128x16xf32, #tpu.memory_space<vmem>>, vector<1x16xf32>,
        %get3A_72 = vector.shape_cast %get3A_71 : vector<1x16xf32> to vector<16xf32>
        %sub3A_73 = arith.subf %get3A_68, %get3A_72 : vector<16xf32>
        %swap3A = arith.index_cast %scan3A_65 : i32 to index
        %swap3A_74 = arith.constant 0 : index
        %swap3A_75 = tpu.vector_load %arg14[%swap3A, %swap3A_74] {strides = array<i32>} : memref<128x16xf32, #tpu.memory_space<vmem>>, vector<1x16xf32>,
        %swap3A_76 = vector.shape_cast %swap3A_75 : vector<1x16xf32> to vector<16xf32>
        %swap3A_77 = vector.shape_cast %sub3A_73 : vector<16xf32> to vector<1x16xf32>
        tpu.vector_store %arg14[%swap3A, %swap3A_74], %swap3A_77 {strides = array<i32>} : memref<128x16xf32, #tpu.memory_space<vmem>>, vector<1x16xf32>,
        %scan3A_78 = arith.constant 1 : i32
        %scan3A_79 = arith.addi %scan3A_65, %scan3A_78 : i32
        %get3A_80 = arith.index_cast %scan3A_79 : i32 to index
        %get3A_81 = arith.constant 0 : index
        %get3A_82 = tpu.vector_load %arg14[%get3A_80, %get3A_81] {strides = array<i32>} : memref<128x16xf32, #tpu.memory_space<vmem>>, vector<1x16xf32>,
        %get3A_83 = vector.shape_cast %get3A_82 : vector<1x16xf32> to vector<16xf32>
        %get3A_84 = arith.index_cast %scan3A_79 : i32 to index
        %get3A_85 = arith.constant 0 : index
        %get3A_86 = tpu.vector_load %arg15[%get3A_84, %get3A_85] {strides = array<i32>} : memref<128x16xf32, #tpu.memory_space<vmem>>, vector<1x16xf32>,
        %get3A_87 = vector.shape_cast %get3A_86 : vector<1x16xf32> to vector<16xf32>
        %sub3A_88 = arith.subf %get3A_83, %get3A_87 : vector<16xf32>
        %swap3A_89 = arith.index_cast %scan3A_79 : i32 to index
        %swap3A_90 = arith.constant 0 : index
        %swap3A_91 = tpu.vector_load %arg14[%swap3A_89, %swap3A_90] {strides = array<i32>} : memref<128x16xf32, #tpu.memory_space<vmem>>, vector<1x16xf32>,
        %swap3A_92 = vector.shape_cast %swap3A_91 : vector<1x16xf32> to vector<16xf32>
        %swap3A_93 = vector.shape_cast %sub3A_88 : vector<16xf32> to vector<1x16xf32>
        tpu.vector_store %arg14[%swap3A_89, %swap3A_90], %swap3A_93 {strides = array<i32>} : memref<128x16xf32, #tpu.memory_space<vmem>>, vector<1x16xf32>,
        %scan3A_94 = arith.constant 2 : i32
        %scan3A_95 = arith.addi %scan3A_65, %scan3A_94 : i32
        %get3A_96 = arith.index_cast %scan3A_95 : i32 to index
        %get3A_97 = arith.constant 0 : index
        %get3A_98 = tpu.vector_load %arg14[%get3A_96, %get3A_97] {strides = array<i32>} : memref<128x16xf32, #tpu.memory_space<vmem>>, vector<1x16xf32>,
        %get3A_99 = vector.shape_cast %get3A_98 : vector<1x16xf32> to vector<16xf32>
        %get3A_100 = arith.index_cast %scan3A_95 : i32 to index
        %get3A_101 = arith.constant 0 : index
        %get3A_102 = tpu.vector_load %arg15[%get3A_100, %get3A_101] {strides = array<i32>} : memref<128x16xf32, #tpu.memory_space<vmem>>, vector<1x16xf32>,
        %get3A_103 = vector.shape_cast %get3A_102 : vector<1x16xf32> to vector<16xf32>
        %sub3A_104 = arith.subf %get3A_99, %get3A_103 : vector<16xf32>
        %swap3A_105 = arith.index_cast %scan3A_95 : i32 to index
        %swap3A_106 = arith.constant 0 : index
        %swap3A_107 = tpu.vector_load %arg14[%swap3A_105, %swap3A_106] {strides = array<i32>} : memref<128x16xf32, #tpu.memory_space<vmem>>, vector<1x16xf32>,
        %swap3A_108 = vector.shape_cast %swap3A_107 : vector<1x16xf32> to vector<16xf32>
        %swap3A_109 = vector.shape_cast %sub3A_104 : vector<16xf32> to vector<1x16xf32>
        tpu.vector_store %arg14[%swap3A_105, %swap3A_106], %swap3A_109 {strides = array<i32>} : memref<128x16xf32, #tpu.memory_space<vmem>>, vector<1x16xf32>,
        %scan3A_110 = arith.constant 3 : i32
        %scan3A_111 = arith.addi %scan3A_65, %scan3A_110 : i32
        %get3A_112 = arith.index_cast %scan3A_111 : i32 to index
        %get3A_113 = arith.constant 0 : index
        %get3A_114 = tpu.vector_load %arg14[%get3A_112, %get3A_113] {strides = array<i32>} : memref<128x16xf32, #tpu.memory_space<vmem>>, vector<1x16xf32>,
        %get3A_115 = vector.shape_cast %get3A_114 : vector<1x16xf32> to vector<16xf32>
        %get3A_116 = arith.index_cast %scan3A_111 : i32 to index
        %get3A_117 = arith.constant 0 : index
        %get3A_118 = tpu.vector_load %arg15[%get3A_116, %get3A_117] {strides = array<i32>} : memref<128x16xf32, #tpu.memory_space<vmem>>, vector<1x16xf32>,
        %get3A_119 = vector.shape_cast %get3A_118 : vector<1x16xf32> to vector<16xf32>
        %sub3A_120 = arith.subf %get3A_115, %get3A_119 : vector<16xf32>
        %swap3A_121 = arith.index_cast %scan3A_111 : i32 to index
        %swap3A_122 = arith.constant 0 : index
        %swap3A_123 = tpu.vector_load %arg14[%swap3A_121, %swap3A_122] {strides = array<i32>} : memref<128x16xf32, #tpu.memory_space<vmem>>, vector<1x16xf32>,
        %swap3A_124 = vector.shape_cast %swap3A_123 : vector<1x16xf32> to vector<16xf32>
        %swap3A_125 = vector.shape_cast %sub3A_120 : vector<16xf32> to vector<1x16xf32>
        tpu.vector_store %arg14[%swap3A_121, %swap3A_122], %swap3A_125 {strides = array<i32>} : memref<128x16xf32, #tpu.memory_space<vmem>>, vector<1x16xf32>,
      }
      %scan3A_58 = arith.constant 128 : i32
      %dma_wait3A_59 = arith.constant 0 : i32
      %dma_wait3A_60 = arith.constant 0 : i32
      %dma_wait3A_61 = tpu.memref_slice %arg2[%dma_wait3A_59, %dma_wait3A_60] : memref<10000x128xf32, #tpu.memory_space<hbm>> -> memref<10000x128xf32, #tpu.memory_space<hbm>>
      tpu.wait_indirect_dma semaphore(%arg16 : memref<!tpu.dma_semaphore, #tpu.memory_space<semaphore_mem>>) src(%dma_wait3A_61 : memref<10000x128xf32, #tpu.memory_space<hbm>>) dst(%arg12 : memref<128x128xf32, #tpu.memory_space<vmem>>)
      %dma_wait3A_62 = arith.constant 0 : i32
      %dma_wait3A_63 = arith.constant 0 : i32
      %dma_wait3A_64 = tpu.memref_slice %arg3[%dma_wait3A_62, %dma_wait3A_63] : memref<10000x128xf32, #tpu.memory_space<hbm>> -> memref<10000x128xf32, #tpu.memory_space<hbm>>
      tpu.wait_indirect_dma semaphore(%arg17 : memref<!tpu.dma_semaphore, #tpu.memory_space<semaphore_mem>>) src(%dma_wait3A_64 : memref<10000x128xf32, #tpu.memory_space<hbm>>) dst(%arg13 : memref<128x128xf32, #tpu.memory_space<vmem>>)
      "tpu.region"() ({
        %run_scoped3A = tpu.sem_alloc : memref<!tpu.dma_semaphore, #tpu.memory_space<semaphore_mem>>
        %dma_start3A_65 = arith.constant 0 : i32
        %dma_start3A_66 = tpu.memref_slice %arg7[%mul3A_37, %dma_start3A_65] : memref<80000x128xf32, #tpu.memory_space<hbm>> -> memref<128x128xf32, #tpu.memory_space<hbm>>
        %dma_start3A_67 = arith.constant 0 : i32
        %dma_start3A_68 = tpu.memref_slice %arg7[%mul3A_37, %dma_start3A_67] : memref<80000x128xf32, #tpu.memory_space<hbm>> -> memref<128x128xf32, #tpu.memory_space<hbm>>
        tpu.enqueue_dma source(%arg12 : memref<128x128xf32, #tpu.memory_space<vmem>>) target(%dma_start3A_68 : memref<128x128xf32, #tpu.memory_space<hbm>>) target_semaphore(%run_scoped3A : memref<!tpu.dma_semaphore, #tpu.memory_space<semaphore_mem>>)
        %dma_wait3A_69 = arith.constant 0 : i32
        %dma_wait3A_70 = tpu.memref_slice %arg7[%mul3A_37, %dma_wait3A_69] : memref<80000x128xf32, #tpu.memory_space<hbm>> -> memref<128x128xf32, #tpu.memory_space<hbm>>
        %dma_wait3A_71 = arith.constant 0 : i32
        %dma_wait3A_72 = tpu.memref_slice %arg7[%mul3A_37, %dma_wait3A_71] : memref<80000x128xf32, #tpu.memory_space<hbm>> -> memref<128x128xf32, #tpu.memory_space<hbm>>
        tpu.wait_dma2 semaphore(%run_scoped3A : memref<!tpu.dma_semaphore, #tpu.memory_space<semaphore_mem>>) src(%arg12 : memref<128x128xf32, #tpu.memory_space<vmem>>) dst(%dma_wait3A_72 : memref<128x128xf32, #tpu.memory_space<hbm>>)
        tpu.yield
      }) : () -> ()
      "tpu.region"() ({
        %run_scoped3A = tpu.sem_alloc : memref<!tpu.dma_semaphore, #tpu.memory_space<semaphore_mem>>
        %dma_start3A_65 = arith.constant 0 : i32
        %dma_start3A_66 = tpu.memref_slice %arg8[%mul3A_37, %dma_start3A_65] : memref<80000x128xf32, #tpu.memory_space<hbm>> -> memref<128x128xf32, #tpu.memory_space<hbm>>
        %dma_start3A_67 = arith.constant 0 : i32
        %dma_start3A_68 = tpu.memref_slice %arg8[%mul3A_37, %dma_start3A_67] : memref<80000x128xf32, #tpu.memory_space<hbm>> -> memref<128x128xf32, #tpu.memory_space<hbm>>
        tpu.enqueue_dma source(%arg13 : memref<128x128xf32, #tpu.memory_space<vmem>>) target(%dma_start3A_68 : memref<128x128xf32, #tpu.memory_space<hbm>>) target_semaphore(%run_scoped3A : memref<!tpu.dma_semaphore, #tpu.memory_space<semaphore_mem>>)
        %dma_wait3A_69 = arith.constant 0 : i32
        %dma_wait3A_70 = tpu.memref_slice %arg8[%mul3A_37, %dma_wait3A_69] : memref<80000x128xf32, #tpu.memory_space<hbm>> -> memref<128x128xf32, #tpu.memory_space<hbm>>
        %dma_wait3A_71 = arith.constant 0 : i32
        %dma_wait3A_72 = tpu.memref_slice %arg8[%mul3A_37, %dma_wait3A_71] : memref<80000x128xf32, #tpu.memory_space<hbm>> -> memref<128x128xf32, #tpu.memory_space<hbm>>
        tpu.wait_dma2 semaphore(%run_scoped3A : memref<!tpu.dma_semaphore, #tpu.memory_space<semaphore_mem>>) src(%arg13 : memref<128x128xf32, #tpu.memory_space<vmem>>) dst(%dma_wait3A_72 : memref<128x128xf32, #tpu.memory_space<hbm>>)
        tpu.yield
      }) : () -> ()
      "tpu.region"() ({
        %run_scoped3A = tpu.sem_alloc : memref<!tpu.dma_semaphore, #tpu.memory_space<semaphore_mem>>
        %dma_start3A_65 = arith.constant 0 : i32
        %dma_start3A_66 = tpu.memref_slice %arg9[%mul3A_37, %dma_start3A_65] : memref<80000x16xf32, #tpu.memory_space<hbm>> -> memref<128x16xf32, #tpu.memory_space<hbm>>
        %dma_start3A_67 = arith.constant 0 : i32
        %dma_start3A_68 = tpu.memref_slice %arg9[%mul3A_37, %dma_start3A_67] : memref<80000x16xf32, #tpu.memory_space<hbm>> -> memref<128x16xf32, #tpu.memory_space<hbm>>
        tpu.enqueue_dma source(%arg14 : memref<128x16xf32, #tpu.memory_space<vmem>>) target(%dma_start3A_68 : memref<128x16xf32, #tpu.memory_space<hbm>>) target_semaphore(%run_scoped3A : memref<!tpu.dma_semaphore, #tpu.memory_space<semaphore_mem>>)
        %dma_wait3A_69 = arith.constant 0 : i32
        %dma_wait3A_70 = tpu.memref_slice %arg9[%mul3A_37, %dma_wait3A_69] : memref<80000x16xf32, #tpu.memory_space<hbm>> -> memref<128x16xf32, #tpu.memory_space<hbm>>
        %dma_wait3A_71 = arith.constant 0 : i32
        %dma_wait3A_72 = tpu.memref_slice %arg9[%mul3A_37, %dma_wait3A_71] : memref<80000x16xf32, #tpu.memory_space<hbm>> -> memref<128x16xf32, #tpu.memory_space<hbm>>
        tpu.wait_dma2 semaphore(%run_scoped3A : memref<!tpu.dma_semaphore, #tpu.memory_space<semaphore_mem>>) src(%arg14 : memref<128x16xf32, #tpu.memory_space<vmem>>) dst(%dma_wait3A_72 : memref<128x16xf32, #tpu.memory_space<hbm>>)
        tpu.yield
      }) : () -> ()
    }
    %while3A_31 = arith.constant 1 : i32
    scf.for %while3A_32 = %while3A_29 to %while3A_25 step %while3A_31  : i32 {
      %mul3A_33 = arith.constant 32 : i32
      %mul3A_34 = arith.muli %while3A_32, %mul3A_33 : i32
      %add3A_35 = arith.addi %add3A, %mul3A_34 : i32
      %mul3A_36 = arith.constant 128 : i32
      %mul3A_37 = arith.muli %add3A_35, %mul3A_36 : i32
      "tpu.region"() ({
        %run_scoped3A = tpu.sem_alloc : memref<!tpu.dma_semaphore, #tpu.memory_space<semaphore_mem>>
        %dma_start3A_65 = arith.constant 0 : i32
        %dma_start3A_66 = tpu.memref_slice %arg5[%add3A_35, %dma_start3A_65] : memref<625x128xi32, #tpu.memory_space<hbm>> -> memref<1x128xi32, #tpu.memory_space<hbm>>
        %dma_start3A_67 = tpu.memref_squeeze %dma_start3A_66 : memref<1x128xi32, #tpu.memory_space<hbm>> -> memref<128xi32, #tpu.memory_space<hbm>>
        %dma_start3A_68 = arith.constant 0 : i32
        %dma_start3A_69 = tpu.memref_slice %arg5[%add3A_35, %dma_start3A_68] : memref<625x128xi32, #tpu.memory_space<hbm>> -> memref<1x128xi32, #tpu.memory_space<hbm>>
        %dma_start3A_70 = tpu.memref_squeeze %dma_start3A_69 : memref<1x128xi32, #tpu.memory_space<hbm>> -> memref<128xi32, #tpu.memory_space<hbm>>
        tpu.enqueue_dma source(%dma_start3A_70 : memref<128xi32, #tpu.memory_space<hbm>>) target(%arg10 : memref<128xi32, #tpu.memory_space<vmem>>) target_semaphore(%run_scoped3A : memref<!tpu.dma_semaphore, #tpu.memory_space<semaphore_mem>>)
        %dma_wait3A_71 = arith.constant 0 : i32
        %dma_wait3A_72 = tpu.memref_slice %arg5[%add3A_35, %dma_wait3A_71] : memref<625x128xi32, #tpu.memory_space<hbm>> -> memref<1x128xi32, #tpu.memory_space<hbm>>
        %dma_wait3A_73 = tpu.memref_squeeze %dma_wait3A_72 : memref<1x128xi32, #tpu.memory_space<hbm>> -> memref<128xi32, #tpu.memory_space<hbm>>
        %dma_wait3A_74 = arith.constant 0 : i32
        %dma_wait3A_75 = tpu.memref_slice %arg5[%add3A_35, %dma_wait3A_74] : memref<625x128xi32, #tpu.memory_space<hbm>> -> memref<1x128xi32, #tpu.memory_space<hbm>>
        %dma_wait3A_76 = tpu.memref_squeeze %dma_wait3A_75 : memref<1x128xi32, #tpu.memory_space<hbm>> -> memref<128xi32, #tpu.memory_space<hbm>>
        tpu.wait_dma2 semaphore(%run_scoped3A : memref<!tpu.dma_semaphore, #tpu.memory_space<semaphore_mem>>) src(%dma_wait3A_76 : memref<128xi32, #tpu.memory_space<hbm>>) dst(%arg10 : memref<128xi32, #tpu.memory_space<vmem>>)
        tpu.yield
      }) : () -> ()
      "tpu.region"() ({
        %run_scoped3A = tpu.sem_alloc : memref<!tpu.dma_semaphore, #tpu.memory_space<semaphore_mem>>
        %dma_start3A_65 = arith.constant 0 : i32
        %dma_start3A_66 = tpu.memref_slice %arg6[%add3A_35, %dma_start3A_65] : memref<625x128xi32, #tpu.memory_space<hbm>> -> memref<1x128xi32, #tpu.memory_space<hbm>>
        %dma_start3A_67 = tpu.memref_squeeze %dma_start3A_66 : memref<1x128xi32, #tpu.memory_space<hbm>> -> memref<128xi32, #tpu.memory_space<hbm>>
        %dma_start3A_68 = arith.constant 0 : i32
        %dma_start3A_69 = tpu.memref_slice %arg6[%add3A_35, %dma_start3A_68] : memref<625x128xi32, #tpu.memory_space<hbm>> -> memref<1x128xi32, #tpu.memory_space<hbm>>
        %dma_start3A_70 = tpu.memref_squeeze %dma_start3A_69 : memref<1x128xi32, #tpu.memory_space<hbm>> -> memref<128xi32, #tpu.memory_space<hbm>>
        tpu.enqueue_dma source(%dma_start3A_70 : memref<128xi32, #tpu.memory_space<hbm>>) target(%arg11 : memref<128xi32, #tpu.memory_space<vmem>>) target_semaphore(%run_scoped3A : memref<!tpu.dma_semaphore, #tpu.memory_space<semaphore_mem>>)
        %dma_wait3A_71 = arith.constant 0 : i32
        %dma_wait3A_72 = tpu.memref_slice %arg6[%add3A_35, %dma_wait3A_71] : memref<625x128xi32, #tpu.memory_space<hbm>> -> memref<1x128xi32, #tpu.memory_space<hbm>>
        %dma_wait3A_73 = tpu.memref_squeeze %dma_wait3A_72 : memref<1x128xi32, #tpu.memory_space<hbm>> -> memref<128xi32, #tpu.memory_space<hbm>>
        %dma_wait3A_74 = arith.constant 0 : i32
        %dma_wait3A_75 = tpu.memref_slice %arg6[%add3A_35, %dma_wait3A_74] : memref<625x128xi32, #tpu.memory_space<hbm>> -> memref<1x128xi32, #tpu.memory_space<hbm>>
        %dma_wait3A_76 = tpu.memref_squeeze %dma_wait3A_75 : memref<1x128xi32, #tpu.memory_space<hbm>> -> memref<128xi32, #tpu.memory_space<hbm>>
        tpu.wait_dma2 semaphore(%run_scoped3A : memref<!tpu.dma_semaphore, #tpu.memory_space<semaphore_mem>>) src(%dma_wait3A_76 : memref<128xi32, #tpu.memory_space<hbm>>) dst(%arg11 : memref<128xi32, #tpu.memory_space<vmem>>)
        tpu.yield
      }) : () -> ()
      %dma_start3A = arith.constant 0 : i32
      %dma_start3A_38 = arith.constant 0 : i32
      %dma_start3A_39 = tpu.memref_slice %arg2[%dma_start3A, %dma_start3A_38] : memref<10000x128xf32, #tpu.memory_space<hbm>> -> memref<10000x128xf32, #tpu.memory_space<hbm>>
      tpu.enqueue_indirect_dma source(%dma_start3A_39 : memref<10000x128xf32, #tpu.memory_space<hbm>>) target(%arg12 : memref<128x128xf32, #tpu.memory_space<vmem>>) offsets(%arg10 : memref<128xi32, #tpu.memory_space<vmem>>) semaphore(%arg16 : memref<!tpu.dma_semaphore, #tpu.memory_space<semaphore_mem>>)
      %dma_start3A_40 = arith.constant 0 : i32
      %dma_start3A_41 = arith.constant 0 : i32
      %dma_start3A_42 = tpu.memref_slice %arg3[%dma_start3A_40, %dma_start3A_41] : memref<10000x128xf32, #tpu.memory_space<hbm>> -> memref<10000x128xf32, #tpu.memory_space<hbm>>
      tpu.enqueue_indirect_dma source(%dma_start3A_42 : memref<10000x128xf32, #tpu.memory_space<hbm>>) target(%arg13 : memref<128x128xf32, #tpu.memory_space<vmem>>) offsets(%arg11 : memref<128xi32, #tpu.memory_space<vmem>>) semaphore(%arg17 : memref<!tpu.dma_semaphore, #tpu.memory_space<semaphore_mem>>)
      %dma_start3A_43 = arith.constant 0 : i32
      %dma_start3A_44 = arith.constant 0 : i32
      %dma_start3A_45 = tpu.memref_slice %arg4[%dma_start3A_43, %dma_start3A_44] : memref<10000x16xf32, #tpu.memory_space<hbm>> -> memref<10000x16xf32, #tpu.memory_space<hbm>>
      tpu.enqueue_indirect_dma source(%dma_start3A_45 : memref<10000x16xf32, #tpu.memory_space<hbm>>) target(%arg14 : memref<128x16xf32, #tpu.memory_space<vmem>>) offsets(%arg10 : memref<128xi32, #tpu.memory_space<vmem>>) semaphore(%arg18 : memref<!tpu.dma_semaphore, #tpu.memory_space<semaphore_mem>>)
      %dma_start3A_46 = arith.constant 0 : i32
      %dma_start3A_47 = arith.constant 0 : i32
      %dma_start3A_48 = tpu.memref_slice %arg4[%dma_start3A_46, %dma_start3A_47] : memref<10000x16xf32, #tpu.memory_space<hbm>> -> memref<10000x16xf32, #tpu.memory_space<hbm>>
      tpu.enqueue_indirect_dma source(%dma_start3A_48 : memref<10000x16xf32, #tpu.memory_space<hbm>>) target(%arg15 : memref<128x16xf32, #tpu.memory_space<vmem>>) offsets(%arg11 : memref<128xi32, #tpu.memory_space<vmem>>) semaphore(%arg19 : memref<!tpu.dma_semaphore, #tpu.memory_space<semaphore_mem>>)
      %dma_wait3A = arith.constant 0 : i32
      %dma_wait3A_49 = arith.constant 0 : i32
      %dma_wait3A_50 = tpu.memref_slice %arg4[%dma_wait3A, %dma_wait3A_49] : memref<10000x16xf32, #tpu.memory_space<hbm>> -> memref<10000x16xf32, #tpu.memory_space<hbm>>
      tpu.wait_indirect_dma semaphore(%arg18 : memref<!tpu.dma_semaphore, #tpu.memory_space<semaphore_mem>>) src(%dma_wait3A_50 : memref<10000x16xf32, #tpu.memory_space<hbm>>) dst(%arg14 : memref<128x16xf32, #tpu.memory_space<vmem>>)
      %dma_wait3A_51 = arith.constant 0 : i32
      %dma_wait3A_52 = arith.constant 0 : i32
      %dma_wait3A_53 = tpu.memref_slice %arg4[%dma_wait3A_51, %dma_wait3A_52] : memref<10000x16xf32, #tpu.memory_space<hbm>> -> memref<10000x16xf32, #tpu.memory_space<hbm>>
      tpu.wait_indirect_dma semaphore(%arg19 : memref<!tpu.dma_semaphore, #tpu.memory_space<semaphore_mem>>) src(%dma_wait3A_53 : memref<10000x16xf32, #tpu.memory_space<hbm>>) dst(%arg15 : memref<128x16xf32, #tpu.memory_space<vmem>>)
      %scan3A = arith.constant 0 : i32
      %scan3A_54 = arith.constant 0 : i32
      %scan3A_55 = arith.constant 128 : i32
      %scan3A_56 = arith.addi %scan3A_54, %scan3A_55 : i32
      %scan3A_57 = arith.constant 4 : i32
      scf.for %scan3A_65 = %scan3A_54 to %scan3A_56 step %scan3A_57  : i32 {
        %get3A = arith.index_cast %scan3A_65 : i32 to index
        %get3A_66 = arith.constant 0 : index
        %get3A_67 = tpu.vector_load %arg14[%get3A, %get3A_66] {strides = array<i32>} : memref<128x16xf32, #tpu.memory_space<vmem>>, vector<1x16xf32>,
        %get3A_68 = vector.shape_cast %get3A_67 : vector<1x16xf32> to vector<16xf32>
        %get3A_69 = arith.index_cast %scan3A_65 : i32 to index
        %get3A_70 = arith.constant 0 : index
        %get3A_71 = tpu.vector_load %arg15[%get3A_69, %get3A_70] {strides = array<i32>} : memref<128x16xf32, #tpu.memory_space<vmem>>, vector<1x16xf32>,
        %get3A_72 = vector.shape_cast %get3A_71 : vector<1x16xf32> to vector<16xf32>
        %sub3A_73 = arith.subf %get3A_68, %get3A_72 : vector<16xf32>
        %swap3A = arith.index_cast %scan3A_65 : i32 to index
        %swap3A_74 = arith.constant 0 : index
        %swap3A_75 = tpu.vector_load %arg14[%swap3A, %swap3A_74] {strides = array<i32>} : memref<128x16xf32, #tpu.memory_space<vmem>>, vector<1x16xf32>,
        %swap3A_76 = vector.shape_cast %swap3A_75 : vector<1x16xf32> to vector<16xf32>
        %swap3A_77 = vector.shape_cast %sub3A_73 : vector<16xf32> to vector<1x16xf32>
        tpu.vector_store %arg14[%swap3A, %swap3A_74], %swap3A_77 {strides = array<i32>} : memref<128x16xf32, #tpu.memory_space<vmem>>, vector<1x16xf32>,
        %scan3A_78 = arith.constant 1 : i32
        %scan3A_79 = arith.addi %scan3A_65, %scan3A_78 : i32
        %get3A_80 = arith.index_cast %scan3A_79 : i32 to index
        %get3A_81 = arith.constant 0 : index
        %get3A_82 = tpu.vector_load %arg14[%get3A_80, %get3A_81] {strides = array<i32>} : memref<128x16xf32, #tpu.memory_space<vmem>>, vector<1x16xf32>,
        %get3A_83 = vector.shape_cast %get3A_82 : vector<1x16xf32> to vector<16xf32>
        %get3A_84 = arith.index_cast %scan3A_79 : i32 to index
        %get3A_85 = arith.constant 0 : index
        %get3A_86 = tpu.vector_load %arg15[%get3A_84, %get3A_85] {strides = array<i32>} : memref<128x16xf32, #tpu.memory_space<vmem>>, vector<1x16xf32>,
        %get3A_87 = vector.shape_cast %get3A_86 : vector<1x16xf32> to vector<16xf32>
        %sub3A_88 = arith.subf %get3A_83, %get3A_87 : vector<16xf32>
        %swap3A_89 = arith.index_cast %scan3A_79 : i32 to index
        %swap3A_90 = arith.constant 0 : index
        %swap3A_91 = tpu.vector_load %arg14[%swap3A_89, %swap3A_90] {strides = array<i32>} : memref<128x16xf32, #tpu.memory_space<vmem>>, vector<1x16xf32>,
        %swap3A_92 = vector.shape_cast %swap3A_91 : vector<1x16xf32> to vector<16xf32>
        %swap3A_93 = vector.shape_cast %sub3A_88 : vector<16xf32> to vector<1x16xf32>
        tpu.vector_store %arg14[%swap3A_89, %swap3A_90], %swap3A_93 {strides = array<i32>} : memref<128x16xf32, #tpu.memory_space<vmem>>, vector<1x16xf32>,
        %scan3A_94 = arith.constant 2 : i32
        %scan3A_95 = arith.addi %scan3A_65, %scan3A_94 : i32
        %get3A_96 = arith.index_cast %scan3A_95 : i32 to index
        %get3A_97 = arith.constant 0 : index
        %get3A_98 = tpu.vector_load %arg14[%get3A_96, %get3A_97] {strides = array<i32>} : memref<128x16xf32, #tpu.memory_space<vmem>>, vector<1x16xf32>,
        %get3A_99 = vector.shape_cast %get3A_98 : vector<1x16xf32> to vector<16xf32>
        %get3A_100 = arith.index_cast %scan3A_95 : i32 to index
        %get3A_101 = arith.constant 0 : index
        %get3A_102 = tpu.vector_load %arg15[%get3A_100, %get3A_101] {strides = array<i32>} : memref<128x16xf32, #tpu.memory_space<vmem>>, vector<1x16xf32>,
        %get3A_103 = vector.shape_cast %get3A_102 : vector<1x16xf32> to vector<16xf32>
        %sub3A_104 = arith.subf %get3A_99, %get3A_103 : vector<16xf32>
        %swap3A_105 = arith.index_cast %scan3A_95 : i32 to index
        %swap3A_106 = arith.constant 0 : index
        %swap3A_107 = tpu.vector_load %arg14[%swap3A_105, %swap3A_106] {strides = array<i32>} : memref<128x16xf32, #tpu.memory_space<vmem>>, vector<1x16xf32>,
        %swap3A_108 = vector.shape_cast %swap3A_107 : vector<1x16xf32> to vector<16xf32>
        %swap3A_109 = vector.shape_cast %sub3A_104 : vector<16xf32> to vector<1x16xf32>
        tpu.vector_store %arg14[%swap3A_105, %swap3A_106], %swap3A_109 {strides = array<i32>} : memref<128x16xf32, #tpu.memory_space<vmem>>, vector<1x16xf32>,
        %scan3A_110 = arith.constant 3 : i32
        %scan3A_111 = arith.addi %scan3A_65, %scan3A_110 : i32
        %get3A_112 = arith.index_cast %scan3A_111 : i32 to index
        %get3A_113 = arith.constant 0 : index
        %get3A_114 = tpu.vector_load %arg14[%get3A_112, %get3A_113] {strides = array<i32>} : memref<128x16xf32, #tpu.memory_space<vmem>>, vector<1x16xf32>,
        %get3A_115 = vector.shape_cast %get3A_114 : vector<1x16xf32> to vector<16xf32>
        %get3A_116 = arith.index_cast %scan3A_111 : i32 to index
        %get3A_117 = arith.constant 0 : index
        %get3A_118 = tpu.vector_load %arg15[%get3A_116, %get3A_117] {strides = array<i32>} : memref<128x16xf32, #tpu.memory_space<vmem>>, vector<1x16xf32>,
        %get3A_119 = vector.shape_cast %get3A_118 : vector<1x16xf32> to vector<16xf32>
        %sub3A_120 = arith.subf %get3A_115, %get3A_119 : vector<16xf32>
        %swap3A_121 = arith.index_cast %scan3A_111 : i32 to index
        %swap3A_122 = arith.constant 0 : index
        %swap3A_123 = tpu.vector_load %arg14[%swap3A_121, %swap3A_122] {strides = array<i32>} : memref<128x16xf32, #tpu.memory_space<vmem>>, vector<1x16xf32>,
        %swap3A_124 = vector.shape_cast %swap3A_123 : vector<1x16xf32> to vector<16xf32>
        %swap3A_125 = vector.shape_cast %sub3A_120 : vector<16xf32> to vector<1x16xf32>
        tpu.vector_store %arg14[%swap3A_121, %swap3A_122], %swap3A_125 {strides = array<i32>} : memref<128x16xf32, #tpu.memory_space<vmem>>, vector<1x16xf32>,
      }
      %scan3A_58 = arith.constant 128 : i32
      %dma_wait3A_59 = arith.constant 0 : i32
      %dma_wait3A_60 = arith.constant 0 : i32
      %dma_wait3A_61 = tpu.memref_slice %arg2[%dma_wait3A_59, %dma_wait3A_60] : memref<10000x128xf32, #tpu.memory_space<hbm>> -> memref<10000x128xf32, #tpu.memory_space<hbm>>
      tpu.wait_indirect_dma semaphore(%arg16 : memref<!tpu.dma_semaphore, #tpu.memory_space<semaphore_mem>>) src(%dma_wait3A_61 : memref<10000x128xf32, #tpu.memory_space<hbm>>) dst(%arg12 : memref<128x128xf32, #tpu.memory_space<vmem>>)
      %dma_wait3A_62 = arith.constant 0 : i32
      %dma_wait3A_63 = arith.constant 0 : i32
      %dma_wait3A_64 = tpu.memref_slice %arg3[%dma_wait3A_62, %dma_wait3A_63] : memref<10000x128xf32, #tpu.memory_space<hbm>> -> memref<10000x128xf32, #tpu.memory_space<hbm>>
      tpu.wait_indirect_dma semaphore(%arg17 : memref<!tpu.dma_semaphore, #tpu.memory_space<semaphore_mem>>) src(%dma_wait3A_64 : memref<10000x128xf32, #tpu.memory_space<hbm>>) dst(%arg13 : memref<128x128xf32, #tpu.memory_space<vmem>>)
      "tpu.region"() ({
        %run_scoped3A = tpu.sem_alloc : memref<!tpu.dma_semaphore, #tpu.memory_space<semaphore_mem>>
        %dma_start3A_65 = arith.constant 0 : i32
        %dma_start3A_66 = tpu.memref_slice %arg7[%mul3A_37, %dma_start3A_65] : memref<80000x128xf32, #tpu.memory_space<hbm>> -> memref<128x128xf32, #tpu.memory_space<hbm>>
        %dma_start3A_67 = arith.constant 0 : i32
        %dma_start3A_68 = tpu.memref_slice %arg7[%mul3A_37, %dma_start3A_67] : memref<80000x128xf32, #tpu.memory_space<hbm>> -> memref<128x128xf32, #tpu.memory_space<hbm>>
        tpu.enqueue_dma source(%arg12 : memref<128x128xf32, #tpu.memory_space<vmem>>) target(%dma_start3A_68 : memref<128x128xf32, #tpu.memory_space<hbm>>) target_semaphore(%run_scoped3A : memref<!tpu.dma_semaphore, #tpu.memory_space<semaphore_mem>>)
        %dma_wait3A_69 = arith.constant 0 : i32
        %dma_wait3A_70 = tpu.memref_slice %arg7[%mul3A_37, %dma_wait3A_69] : memref<80000x128xf32, #tpu.memory_space<hbm>> -> memref<128x128xf32, #tpu.memory_space<hbm>>
        %dma_wait3A_71 = arith.constant 0 : i32
        %dma_wait3A_72 = tpu.memref_slice %arg7[%mul3A_37, %dma_wait3A_71] : memref<80000x128xf32, #tpu.memory_space<hbm>> -> memref<128x128xf32, #tpu.memory_space<hbm>>
        tpu.wait_dma2 semaphore(%run_scoped3A : memref<!tpu.dma_semaphore, #tpu.memory_space<semaphore_mem>>) src(%arg12 : memref<128x128xf32, #tpu.memory_space<vmem>>) dst(%dma_wait3A_72 : memref<128x128xf32, #tpu.memory_space<hbm>>)
        tpu.yield
      }) : () -> ()
      "tpu.region"() ({
        %run_scoped3A = tpu.sem_alloc : memref<!tpu.dma_semaphore, #tpu.memory_space<semaphore_mem>>
        %dma_start3A_65 = arith.constant 0 : i32
        %dma_start3A_66 = tpu.memref_slice %arg8[%mul3A_37, %dma_start3A_65] : memref<80000x128xf32, #tpu.memory_space<hbm>> -> memref<128x128xf32, #tpu.memory_space<hbm>>
        %dma_start3A_67 = arith.constant 0 : i32
        %dma_start3A_68 = tpu.memref_slice %arg8[%mul3A_37, %dma_start3A_67] : memref<80000x128xf32, #tpu.memory_space<hbm>> -> memref<128x128xf32, #tpu.memory_space<hbm>>
        tpu.enqueue_dma source(%arg13 : memref<128x128xf32, #tpu.memory_space<vmem>>) target(%dma_start3A_68 : memref<128x128xf32, #tpu.memory_space<hbm>>) target_semaphore(%run_scoped3A : memref<!tpu.dma_semaphore, #tpu.memory_space<semaphore_mem>>)
        %dma_wait3A_69 = arith.constant 0 : i32
        %dma_wait3A_70 = tpu.memref_slice %arg8[%mul3A_37, %dma_wait3A_69] : memref<80000x128xf32, #tpu.memory_space<hbm>> -> memref<128x128xf32, #tpu.memory_space<hbm>>
        %dma_wait3A_71 = arith.constant 0 : i32
        %dma_wait3A_72 = tpu.memref_slice %arg8[%mul3A_37, %dma_wait3A_71] : memref<80000x128xf32, #tpu.memory_space<hbm>> -> memref<128x128xf32, #tpu.memory_space<hbm>>
        tpu.wait_dma2 semaphore(%run_scoped3A : memref<!tpu.dma_semaphore, #tpu.memory_space<semaphore_mem>>) src(%arg13 : memref<128x128xf32, #tpu.memory_space<vmem>>) dst(%dma_wait3A_72 : memref<128x128xf32, #tpu.memory_space<hbm>>)
        tpu.yield
      }) : () -> ()
      "tpu.region"() ({
        %run_scoped3A = tpu.sem_alloc : memref<!tpu.dma_semaphore, #tpu.memory_space<semaphore_mem>>
        %dma_start3A_65 = arith.constant 0 : i32
        %dma_start3A_66 = tpu.memref_slice %arg9[%mul3A_37, %dma_start3A_65] : memref<80000x16xf32, #tpu.memory_space<hbm>> -> memref<128x16xf32, #tpu.memory_space<hbm>>
        %dma_start3A_67 = arith.constant 0 : i32
        %dma_start3A_68 = tpu.memref_slice %arg9[%mul3A_37, %dma_start3A_67] : memref<80000x16xf32, #tpu.memory_space<hbm>> -> memref<128x16xf32, #tpu.memory_space<hbm>>
        tpu.enqueue_dma source(%arg14 : memref<128x16xf32, #tpu.memory_space<vmem>>) target(%dma_start3A_68 : memref<128x16xf32, #tpu.memory_space<hbm>>) target_semaphore(%run_scoped3A : memref<!tpu.dma_semaphore, #tpu.memory_space<semaphore_mem>>)
        %dma_wait3A_69 = arith.constant 0 : i32
        %dma_wait3A_70 = tpu.memref_slice %arg9[%mul3A_37, %dma_wait3A_69] : memref<80000x16xf32, #tpu.memory_space<hbm>> -> memref<128x16xf32, #tpu.memory_space<hbm>>
        %dma_wait3A_71 = arith.constant 0 : i32
        %dma_wait3A_72 = tpu.memref_slice %arg9[%mul3A_37, %dma_wait3A_71] : memref<80000x16xf32, #tpu.memory_space<hbm>> -> memref<128x16xf32, #tpu.memory_space<hbm>>
        tpu.wait_dma2 semaphore(%run_scoped3A : memref<!tpu.dma_semaphore, #tpu.memory_space<semaphore_mem>>) src(%arg14 : memref<128x16xf32, #tpu.memory_space<vmem>>) dst(%dma_wait3A_72 : memref<128x16xf32, #tpu.memory_space<hbm>>)
        tpu.yield
      }) : () -> ()
    }
    return
  }
}

#map = affine_map<(d0, d1) -> (0, 0)>
#map1 = affine_map<(d0, d1) -> (0, 0, 0)>
module attributes {stable_mosaic.version = 14 : i64} {
  func.func @_s(%arg0: i32, %arg1: i32, %arg2: memref<80000x128xf32, #tpu.memory_space<hbm>>, %arg3: memref<80000x16xf32, #tpu.memory_space<hbm>>, %arg4: memref<625x128xi32, #tpu.memory_space<hbm>>, %arg5: memref<625x128xf32, #tpu.memory_space<hbm>>, %arg6: memref<625x16xf32, #tpu.memory_space<hbm>>, %arg7: memref<2x10000x128xf32, #tpu.memory_space<hbm>>, %arg8: memref<2x10000x16xf32, #tpu.memory_space<hbm>>, %arg9: memref<128x128xf32, #tpu.memory_space<vmem>>, %arg10: memref<128x16xf32, #tpu.memory_space<vmem>>, %arg11: memref<128xi32, #tpu.memory_space<vmem>>, %arg12: memref<10000x128xf32, #tpu.memory_space<vmem_shared>>, %arg13: memref<10000x16xf32, #tpu.memory_space<vmem_shared>>) attributes {dimension_semantics = [#tpu.dimension_semantics<core_parallel>, #tpu.dimension_semantics<subcore_parallel>], iteration_bounds = array<i64: 2, 16>, scalar_prefetch = 0 : i64, scratch_operands = 5 : i64, tpu.core_type = #tpu.core_type<sc_vector_subcore>, window_params = [{transform_indices = #map}, {transform_indices = #map}, {transform_indices = #map}, {transform_indices = #map}, {transform_indices = #map}, {transform_indices = #map1}, {transform_indices = #map1}]} {
    %mul3A = arith.constant 2 : i32
    %mul3A_0 = arith.muli %arg1, %mul3A : i32
    %add3A = arith.addi %mul3A_0, %arg0 : i32
    %mul3A_1 = arith.constant 625 : i32
    %mul3A_2 = arith.muli %arg1, %mul3A_1 : i32
    "tpu.region"() ({
      %run_scoped3A = tpu.sem_alloc : memref<!tpu.dma_semaphore, #tpu.memory_space<semaphore_mem>>
      %dma_start3A = arith.constant 0 : i32
      %dma_start3A_45 = tpu.memref_slice %arg12[%mul3A_2, %dma_start3A] : memref<10000x128xf32, #tpu.memory_space<vmem_shared>> -> memref<625x128xf32, #tpu.memory_space<vmem_shared>>
      tpu.enqueue_dma source(%arg5 : memref<625x128xf32, #tpu.memory_space<hbm>>) target(%dma_start3A_45 : memref<625x128xf32, #tpu.memory_space<vmem_shared>>) target_semaphore(%run_scoped3A : memref<!tpu.dma_semaphore, #tpu.memory_space<semaphore_mem>>)
      %dma_wait3A = arith.constant 0 : i32
      %dma_wait3A_46 = tpu.memref_slice %arg12[%mul3A_2, %dma_wait3A] : memref<10000x128xf32, #tpu.memory_space<vmem_shared>> -> memref<625x128xf32, #tpu.memory_space<vmem_shared>>
      tpu.wait_dma2 semaphore(%run_scoped3A : memref<!tpu.dma_semaphore, #tpu.memory_space<semaphore_mem>>) src(%arg5 : memref<625x128xf32, #tpu.memory_space<hbm>>) dst(%dma_wait3A_46 : memref<625x128xf32, #tpu.memory_space<vmem_shared>>)
      tpu.yield
    }) : () -> ()
    %mul3A_3 = arith.constant 625 : i32
    %mul3A_4 = arith.muli %arg1, %mul3A_3 : i32
    "tpu.region"() ({
      %run_scoped3A = tpu.sem_alloc : memref<!tpu.dma_semaphore, #tpu.memory_space<semaphore_mem>>
      %dma_start3A = arith.constant 0 : i32
      %dma_start3A_45 = tpu.memref_slice %arg13[%mul3A_4, %dma_start3A] : memref<10000x16xf32, #tpu.memory_space<vmem_shared>> -> memref<625x16xf32, #tpu.memory_space<vmem_shared>>
      tpu.enqueue_dma source(%arg6 : memref<625x16xf32, #tpu.memory_space<hbm>>) target(%dma_start3A_45 : memref<625x16xf32, #tpu.memory_space<vmem_shared>>) target_semaphore(%run_scoped3A : memref<!tpu.dma_semaphore, #tpu.memory_space<semaphore_mem>>)
      %dma_wait3A = arith.constant 0 : i32
      %dma_wait3A_46 = tpu.memref_slice %arg13[%mul3A_4, %dma_wait3A] : memref<10000x16xf32, #tpu.memory_space<vmem_shared>> -> memref<625x16xf32, #tpu.memory_space<vmem_shared>>
      tpu.wait_dma2 semaphore(%run_scoped3A : memref<!tpu.dma_semaphore, #tpu.memory_space<semaphore_mem>>) src(%arg6 : memref<625x16xf32, #tpu.memory_space<hbm>>) dst(%dma_wait3A_46 : memref<625x16xf32, #tpu.memory_space<vmem_shared>>)
      tpu.yield
    }) : () -> ()
    %barrier3A = arith.constant 0 : index
    tpu.barrier barrier_id(%barrier3A)
    %sub3A = arith.constant 625 : i32
    %sub3A_5 = arith.subi %sub3A, %add3A : i32
    %add3A_6 = arith.constant 32 : i32
    %add3A_7 = arith.addi %sub3A_5, %add3A_6 : i32
    %sub3A_8 = arith.constant 1 : i32
    %sub3A_9 = arith.subi %add3A_7, %sub3A_8 : i32
    %jit3A = arith.constant 32 : i32
    %div3A = arith.divsi %sub3A_9, %jit3A : i32
    %sign3A = arith.constant 0 : i32
    %sign3A_10 = arith.cmpi sgt, %sub3A_9, %sign3A : i32
    %sign3A_11 = arith.extui %sign3A_10 : i1 to i32
    %sign3A_12 = arith.constant 0 : i32
    %sign3A_13 = arith.cmpi slt, %sub3A_9, %sign3A_12 : i32
    %sign3A_14 = arith.extui %sign3A_13 : i1 to i32
    %sign3A_15 = arith.subi %sign3A_11, %sign3A_14 : i32
    %sign3A_16 = arith.constant 0 : i32
    %sign3A_17 = arith.cmpi sgt, %jit3A, %sign3A_16 : i32
    %sign3A_18 = arith.extui %sign3A_17 : i1 to i32
    %sign3A_19 = arith.constant 0 : i32
    %sign3A_20 = arith.cmpi slt, %jit3A, %sign3A_19 : i32
    %sign3A_21 = arith.extui %sign3A_20 : i1 to i32
    %sign3A_22 = arith.subi %sign3A_18, %sign3A_21 : i32
    %ne3A = arith.cmpi ne, %sign3A_15, %sign3A_22 : i32
    %rem3A = arith.remsi %sub3A_9, %jit3A : i32
    %ne3A_23 = arith.constant 0 : i32
    %ne3A_24 = arith.cmpi ne, %rem3A, %ne3A_23 : i32
    %and3A = arith.andi %ne3A, %ne3A_24 : i1
    %sub3A_25 = arith.constant 1 : i32
    %sub3A_26 = arith.subi %div3A, %sub3A_25 : i32
    %select_n3A = arith.select %and3A, %sub3A_26, %div3A : i32
    %while3A = arith.constant 0 : i32
    %while3A_27 = arith.constant 0 : i32
    %while3A_28 = arith.subi %select_n3A, %while3A_27 : i32
    %while3A_29 = arith.addi %while3A_27, %while3A_28 : i32
    %while3A_30 = arith.constant 1 : i32
    %while3A_31 = arith.divsi %while3A_28, %while3A_30 : i32
    %while3A_32 = arith.muli %while3A_31, %while3A_30 : i32
    %while3A_33 = arith.addi %while3A_27, %while3A_32 : i32
    %while3A_34 = arith.constant 1 : i32
    scf.for %while3A_45 = %while3A_27 to %while3A_33 step %while3A_34  : i32 {
      %mul3A_46 = arith.constant 32 : i32
      %mul3A_47 = arith.muli %while3A_45, %mul3A_46 : i32
      %add3A_48 = arith.addi %add3A, %mul3A_47 : i32
      "tpu.region"() ({
        %run_scoped3A = tpu.sem_alloc : memref<!tpu.dma_semaphore, #tpu.memory_space<semaphore_mem>>
        %dma_start3A = arith.constant 0 : i32
        %dma_start3A_53 = tpu.memref_slice %arg4[%add3A_48, %dma_start3A] : memref<625x128xi32, #tpu.memory_space<hbm>> -> memref<1x128xi32, #tpu.memory_space<hbm>>
        %dma_start3A_54 = tpu.memref_squeeze %dma_start3A_53 : memref<1x128xi32, #tpu.memory_space<hbm>> -> memref<128xi32, #tpu.memory_space<hbm>>
        %dma_start3A_55 = arith.constant 0 : i32
        %dma_start3A_56 = tpu.memref_slice %arg4[%add3A_48, %dma_start3A_55] : memref<625x128xi32, #tpu.memory_space<hbm>> -> memref<1x128xi32, #tpu.memory_space<hbm>>
        %dma_start3A_57 = tpu.memref_squeeze %dma_start3A_56 : memref<1x128xi32, #tpu.memory_space<hbm>> -> memref<128xi32, #tpu.memory_space<hbm>>
        tpu.enqueue_dma source(%dma_start3A_57 : memref<128xi32, #tpu.memory_space<hbm>>) target(%arg11 : memref<128xi32, #tpu.memory_space<vmem>>) target_semaphore(%run_scoped3A : memref<!tpu.dma_semaphore, #tpu.memory_space<semaphore_mem>>)
        %dma_wait3A = arith.constant 0 : i32
        %dma_wait3A_58 = tpu.memref_slice %arg4[%add3A_48, %dma_wait3A] : memref<625x128xi32, #tpu.memory_space<hbm>> -> memref<1x128xi32, #tpu.memory_space<hbm>>
        %dma_wait3A_59 = tpu.memref_squeeze %dma_wait3A_58 : memref<1x128xi32, #tpu.memory_space<hbm>> -> memref<128xi32, #tpu.memory_space<hbm>>
        %dma_wait3A_60 = arith.constant 0 : i32
        %dma_wait3A_61 = tpu.memref_slice %arg4[%add3A_48, %dma_wait3A_60] : memref<625x128xi32, #tpu.memory_space<hbm>> -> memref<1x128xi32, #tpu.memory_space<hbm>>
        %dma_wait3A_62 = tpu.memref_squeeze %dma_wait3A_61 : memref<1x128xi32, #tpu.memory_space<hbm>> -> memref<128xi32, #tpu.memory_space<hbm>>
        tpu.wait_dma2 semaphore(%run_scoped3A : memref<!tpu.dma_semaphore, #tpu.memory_space<semaphore_mem>>) src(%dma_wait3A_62 : memref<128xi32, #tpu.memory_space<hbm>>) dst(%arg11 : memref<128xi32, #tpu.memory_space<vmem>>)
        tpu.yield
      }) : () -> ()
      %mul3A_49 = arith.constant 128 : i32
      %mul3A_50 = arith.muli %add3A_48, %mul3A_49 : i32
      "tpu.region"() ({
        %run_scoped3A = tpu.sem_alloc : memref<!tpu.dma_semaphore, #tpu.memory_space<semaphore_mem>>
        %dma_start3A = arith.constant 0 : i32
        %dma_start3A_53 = tpu.memref_slice %arg2[%mul3A_50, %dma_start3A] : memref<80000x128xf32, #tpu.memory_space<hbm>> -> memref<128x128xf32, #tpu.memory_space<hbm>>
        %dma_start3A_54 = arith.constant 0 : i32
        %dma_start3A_55 = tpu.memref_slice %arg2[%mul3A_50, %dma_start3A_54] : memref<80000x128xf32, #tpu.memory_space<hbm>> -> memref<128x128xf32, #tpu.memory_space<hbm>>
        tpu.enqueue_dma source(%dma_start3A_55 : memref<128x128xf32, #tpu.memory_space<hbm>>) target(%arg9 : memref<128x128xf32, #tpu.memory_space<vmem>>) target_semaphore(%run_scoped3A : memref<!tpu.dma_semaphore, #tpu.memory_space<semaphore_mem>>)
        %dma_wait3A = arith.constant 0 : i32
        %dma_wait3A_56 = tpu.memref_slice %arg2[%mul3A_50, %dma_wait3A] : memref<80000x128xf32, #tpu.memory_space<hbm>> -> memref<128x128xf32, #tpu.memory_space<hbm>>
        %dma_wait3A_57 = arith.constant 0 : i32
        %dma_wait3A_58 = tpu.memref_slice %arg2[%mul3A_50, %dma_wait3A_57] : memref<80000x128xf32, #tpu.memory_space<hbm>> -> memref<128x128xf32, #tpu.memory_space<hbm>>
        tpu.wait_dma2 semaphore(%run_scoped3A : memref<!tpu.dma_semaphore, #tpu.memory_space<semaphore_mem>>) src(%dma_wait3A_58 : memref<128x128xf32, #tpu.memory_space<hbm>>) dst(%arg9 : memref<128x128xf32, #tpu.memory_space<vmem>>)
        tpu.yield
      }) : () -> ()
      %mul3A_51 = arith.constant 128 : i32
      %mul3A_52 = arith.muli %add3A_48, %mul3A_51 : i32
      "tpu.region"() ({
        %run_scoped3A = tpu.sem_alloc : memref<!tpu.dma_semaphore, #tpu.memory_space<semaphore_mem>>
        %dma_start3A = arith.constant 0 : i32
        %dma_start3A_53 = tpu.memref_slice %arg3[%mul3A_52, %dma_start3A] : memref<80000x16xf32, #tpu.memory_space<hbm>> -> memref<128x16xf32, #tpu.memory_space<hbm>>
        %dma_start3A_54 = arith.constant 0 : i32
        %dma_start3A_55 = tpu.memref_slice %arg3[%mul3A_52, %dma_start3A_54] : memref<80000x16xf32, #tpu.memory_space<hbm>> -> memref<128x16xf32, #tpu.memory_space<hbm>>
        tpu.enqueue_dma source(%dma_start3A_55 : memref<128x16xf32, #tpu.memory_space<hbm>>) target(%arg10 : memref<128x16xf32, #tpu.memory_space<vmem>>) target_semaphore(%run_scoped3A : memref<!tpu.dma_semaphore, #tpu.memory_space<semaphore_mem>>)
        %dma_wait3A = arith.constant 0 : i32
        %dma_wait3A_56 = tpu.memref_slice %arg3[%mul3A_52, %dma_wait3A] : memref<80000x16xf32, #tpu.memory_space<hbm>> -> memref<128x16xf32, #tpu.memory_space<hbm>>
        %dma_wait3A_57 = arith.constant 0 : i32
        %dma_wait3A_58 = tpu.memref_slice %arg3[%mul3A_52, %dma_wait3A_57] : memref<80000x16xf32, #tpu.memory_space<hbm>> -> memref<128x16xf32, #tpu.memory_space<hbm>>
        tpu.wait_dma2 semaphore(%run_scoped3A : memref<!tpu.dma_semaphore, #tpu.memory_space<semaphore_mem>>) src(%dma_wait3A_58 : memref<128x16xf32, #tpu.memory_space<hbm>>) dst(%arg10 : memref<128x16xf32, #tpu.memory_space<vmem>>)
        tpu.yield
      }) : () -> ()
      "tpu.region"() ({
        %run_scoped3A = tpu.sem_alloc : memref<!tpu.dma_semaphore, #tpu.memory_space<semaphore_mem>>
        %dma_start3A = arith.constant 0 : i32
        %dma_start3A_53 = arith.constant 0 : i32
        %dma_start3A_54 = tpu.memref_slice %arg12[%dma_start3A, %dma_start3A_53] : memref<10000x128xf32, #tpu.memory_space<vmem_shared>> -> memref<10000x128xf32, #tpu.memory_space<vmem_shared>>
        tpu.enqueue_indirect_dma source(%arg9 : memref<128x128xf32, #tpu.memory_space<vmem>>) target(%dma_start3A_54 : memref<10000x128xf32, #tpu.memory_space<vmem_shared>>) offsets(%arg11 : memref<128xi32, #tpu.memory_space<vmem>>) semaphore(%run_scoped3A : memref<!tpu.dma_semaphore, #tpu.memory_space<semaphore_mem>>) {add = true}
        %dma_wait3A = arith.constant 0 : i32
        %dma_wait3A_55 = arith.constant 0 : i32
        %dma_wait3A_56 = tpu.memref_slice %arg12[%dma_wait3A, %dma_wait3A_55] : memref<10000x128xf32, #tpu.memory_space<vmem_shared>> -> memref<10000x128xf32, #tpu.memory_space<vmem_shared>>
        tpu.wait_indirect_dma semaphore(%run_scoped3A : memref<!tpu.dma_semaphore, #tpu.memory_space<semaphore_mem>>) src(%arg9 : memref<128x128xf32, #tpu.memory_space<vmem>>) dst(%dma_wait3A_56 : memref<10000x128xf32, #tpu.memory_space<vmem_shared>>)
        tpu.yield
      }) : () -> ()
      "tpu.region"() ({
        %run_scoped3A = tpu.sem_alloc : memref<!tpu.dma_semaphore, #tpu.memory_space<semaphore_mem>>
        %dma_start3A = arith.constant 0 : i32
        %dma_start3A_53 = arith.constant 0 : i32
        %dma_start3A_54 = tpu.memref_slice %arg13[%dma_start3A, %dma_start3A_53] : memref<10000x16xf32, #tpu.memory_space<vmem_shared>> -> memref<10000x16xf32, #tpu.memory_space<vmem_shared>>
        tpu.enqueue_indirect_dma source(%arg10 : memref<128x16xf32, #tpu.memory_space<vmem>>) target(%dma_start3A_54 : memref<10000x16xf32, #tpu.memory_space<vmem_shared>>) offsets(%arg11 : memref<128xi32, #tpu.memory_space<vmem>>) semaphore(%run_scoped3A : memref<!tpu.dma_semaphore, #tpu.memory_space<semaphore_mem>>) {add = true}
        %dma_wait3A = arith.constant 0 : i32
        %dma_wait3A_55 = arith.constant 0 : i32
        %dma_wait3A_56 = tpu.memref_slice %arg13[%dma_wait3A, %dma_wait3A_55] : memref<10000x16xf32, #tpu.memory_space<vmem_shared>> -> memref<10000x16xf32, #tpu.memory_space<vmem_shared>>
        tpu.wait_indirect_dma semaphore(%run_scoped3A : memref<!tpu.dma_semaphore, #tpu.memory_space<semaphore_mem>>) src(%arg10 : memref<128x16xf32, #tpu.memory_space<vmem>>) dst(%dma_wait3A_56 : memref<10000x16xf32, #tpu.memory_space<vmem_shared>>)
        tpu.yield
      }) : () -> ()
    }
    %while3A_35 = arith.constant 1 : i32
    scf.for %while3A_45 = %while3A_33 to %while3A_29 step %while3A_35  : i32 {
      %mul3A_46 = arith.constant 32 : i32
      %mul3A_47 = arith.muli %while3A_45, %mul3A_46 : i32
      %add3A_48 = arith.addi %add3A, %mul3A_47 : i32
      "tpu.region"() ({
        %run_scoped3A = tpu.sem_alloc : memref<!tpu.dma_semaphore, #tpu.memory_space<semaphore_mem>>
        %dma_start3A = arith.constant 0 : i32
        %dma_start3A_53 = tpu.memref_slice %arg4[%add3A_48, %dma_start3A] : memref<625x128xi32, #tpu.memory_space<hbm>> -> memref<1x128xi32, #tpu.memory_space<hbm>>
        %dma_start3A_54 = tpu.memref_squeeze %dma_start3A_53 : memref<1x128xi32, #tpu.memory_space<hbm>> -> memref<128xi32, #tpu.memory_space<hbm>>
        %dma_start3A_55 = arith.constant 0 : i32
        %dma_start3A_56 = tpu.memref_slice %arg4[%add3A_48, %dma_start3A_55] : memref<625x128xi32, #tpu.memory_space<hbm>> -> memref<1x128xi32, #tpu.memory_space<hbm>>
        %dma_start3A_57 = tpu.memref_squeeze %dma_start3A_56 : memref<1x128xi32, #tpu.memory_space<hbm>> -> memref<128xi32, #tpu.memory_space<hbm>>
        tpu.enqueue_dma source(%dma_start3A_57 : memref<128xi32, #tpu.memory_space<hbm>>) target(%arg11 : memref<128xi32, #tpu.memory_space<vmem>>) target_semaphore(%run_scoped3A : memref<!tpu.dma_semaphore, #tpu.memory_space<semaphore_mem>>)
        %dma_wait3A = arith.constant 0 : i32
        %dma_wait3A_58 = tpu.memref_slice %arg4[%add3A_48, %dma_wait3A] : memref<625x128xi32, #tpu.memory_space<hbm>> -> memref<1x128xi32, #tpu.memory_space<hbm>>
        %dma_wait3A_59 = tpu.memref_squeeze %dma_wait3A_58 : memref<1x128xi32, #tpu.memory_space<hbm>> -> memref<128xi32, #tpu.memory_space<hbm>>
        %dma_wait3A_60 = arith.constant 0 : i32
        %dma_wait3A_61 = tpu.memref_slice %arg4[%add3A_48, %dma_wait3A_60] : memref<625x128xi32, #tpu.memory_space<hbm>> -> memref<1x128xi32, #tpu.memory_space<hbm>>
        %dma_wait3A_62 = tpu.memref_squeeze %dma_wait3A_61 : memref<1x128xi32, #tpu.memory_space<hbm>> -> memref<128xi32, #tpu.memory_space<hbm>>
        tpu.wait_dma2 semaphore(%run_scoped3A : memref<!tpu.dma_semaphore, #tpu.memory_space<semaphore_mem>>) src(%dma_wait3A_62 : memref<128xi32, #tpu.memory_space<hbm>>) dst(%arg11 : memref<128xi32, #tpu.memory_space<vmem>>)
        tpu.yield
      }) : () -> ()
      %mul3A_49 = arith.constant 128 : i32
      %mul3A_50 = arith.muli %add3A_48, %mul3A_49 : i32
      "tpu.region"() ({
        %run_scoped3A = tpu.sem_alloc : memref<!tpu.dma_semaphore, #tpu.memory_space<semaphore_mem>>
        %dma_start3A = arith.constant 0 : i32
        %dma_start3A_53 = tpu.memref_slice %arg2[%mul3A_50, %dma_start3A] : memref<80000x128xf32, #tpu.memory_space<hbm>> -> memref<128x128xf32, #tpu.memory_space<hbm>>
        %dma_start3A_54 = arith.constant 0 : i32
        %dma_start3A_55 = tpu.memref_slice %arg2[%mul3A_50, %dma_start3A_54] : memref<80000x128xf32, #tpu.memory_space<hbm>> -> memref<128x128xf32, #tpu.memory_space<hbm>>
        tpu.enqueue_dma source(%dma_start3A_55 : memref<128x128xf32, #tpu.memory_space<hbm>>) target(%arg9 : memref<128x128xf32, #tpu.memory_space<vmem>>) target_semaphore(%run_scoped3A : memref<!tpu.dma_semaphore, #tpu.memory_space<semaphore_mem>>)
        %dma_wait3A = arith.constant 0 : i32
        %dma_wait3A_56 = tpu.memref_slice %arg2[%mul3A_50, %dma_wait3A] : memref<80000x128xf32, #tpu.memory_space<hbm>> -> memref<128x128xf32, #tpu.memory_space<hbm>>
        %dma_wait3A_57 = arith.constant 0 : i32
        %dma_wait3A_58 = tpu.memref_slice %arg2[%mul3A_50, %dma_wait3A_57] : memref<80000x128xf32, #tpu.memory_space<hbm>> -> memref<128x128xf32, #tpu.memory_space<hbm>>
        tpu.wait_dma2 semaphore(%run_scoped3A : memref<!tpu.dma_semaphore, #tpu.memory_space<semaphore_mem>>) src(%dma_wait3A_58 : memref<128x128xf32, #tpu.memory_space<hbm>>) dst(%arg9 : memref<128x128xf32, #tpu.memory_space<vmem>>)
        tpu.yield
      }) : () -> ()
      %mul3A_51 = arith.constant 128 : i32
      %mul3A_52 = arith.muli %add3A_48, %mul3A_51 : i32
      "tpu.region"() ({
        %run_scoped3A = tpu.sem_alloc : memref<!tpu.dma_semaphore, #tpu.memory_space<semaphore_mem>>
        %dma_start3A = arith.constant 0 : i32
        %dma_start3A_53 = tpu.memref_slice %arg3[%mul3A_52, %dma_start3A] : memref<80000x16xf32, #tpu.memory_space<hbm>> -> memref<128x16xf32, #tpu.memory_space<hbm>>
        %dma_start3A_54 = arith.constant 0 : i32
        %dma_start3A_55 = tpu.memref_slice %arg3[%mul3A_52, %dma_start3A_54] : memref<80000x16xf32, #tpu.memory_space<hbm>> -> memref<128x16xf32, #tpu.memory_space<hbm>>
        tpu.enqueue_dma source(%dma_start3A_55 : memref<128x16xf32, #tpu.memory_space<hbm>>) target(%arg10 : memref<128x16xf32, #tpu.memory_space<vmem>>) target_semaphore(%run_scoped3A : memref<!tpu.dma_semaphore, #tpu.memory_space<semaphore_mem>>)
        %dma_wait3A = arith.constant 0 : i32
        %dma_wait3A_56 = tpu.memref_slice %arg3[%mul3A_52, %dma_wait3A] : memref<80000x16xf32, #tpu.memory_space<hbm>> -> memref<128x16xf32, #tpu.memory_space<hbm>>
        %dma_wait3A_57 = arith.constant 0 : i32
        %dma_wait3A_58 = tpu.memref_slice %arg3[%mul3A_52, %dma_wait3A_57] : memref<80000x16xf32, #tpu.memory_space<hbm>> -> memref<128x16xf32, #tpu.memory_space<hbm>>
        tpu.wait_dma2 semaphore(%run_scoped3A : memref<!tpu.dma_semaphore, #tpu.memory_space<semaphore_mem>>) src(%dma_wait3A_58 : memref<128x16xf32, #tpu.memory_space<hbm>>) dst(%arg10 : memref<128x16xf32, #tpu.memory_space<vmem>>)
        tpu.yield
      }) : () -> ()
      "tpu.region"() ({
        %run_scoped3A = tpu.sem_alloc : memref<!tpu.dma_semaphore, #tpu.memory_space<semaphore_mem>>
        %dma_start3A = arith.constant 0 : i32
        %dma_start3A_53 = arith.constant 0 : i32
        %dma_start3A_54 = tpu.memref_slice %arg12[%dma_start3A, %dma_start3A_53] : memref<10000x128xf32, #tpu.memory_space<vmem_shared>> -> memref<10000x128xf32, #tpu.memory_space<vmem_shared>>
        tpu.enqueue_indirect_dma source(%arg9 : memref<128x128xf32, #tpu.memory_space<vmem>>) target(%dma_start3A_54 : memref<10000x128xf32, #tpu.memory_space<vmem_shared>>) offsets(%arg11 : memref<128xi32, #tpu.memory_space<vmem>>) semaphore(%run_scoped3A : memref<!tpu.dma_semaphore, #tpu.memory_space<semaphore_mem>>) {add = true}
        %dma_wait3A = arith.constant 0 : i32
        %dma_wait3A_55 = arith.constant 0 : i32
        %dma_wait3A_56 = tpu.memref_slice %arg12[%dma_wait3A, %dma_wait3A_55] : memref<10000x128xf32, #tpu.memory_space<vmem_shared>> -> memref<10000x128xf32, #tpu.memory_space<vmem_shared>>
        tpu.wait_indirect_dma semaphore(%run_scoped3A : memref<!tpu.dma_semaphore, #tpu.memory_space<semaphore_mem>>) src(%arg9 : memref<128x128xf32, #tpu.memory_space<vmem>>) dst(%dma_wait3A_56 : memref<10000x128xf32, #tpu.memory_space<vmem_shared>>)
        tpu.yield
      }) : () -> ()
      "tpu.region"() ({
        %run_scoped3A = tpu.sem_alloc : memref<!tpu.dma_semaphore, #tpu.memory_space<semaphore_mem>>
        %dma_start3A = arith.constant 0 : i32
        %dma_start3A_53 = arith.constant 0 : i32
        %dma_start3A_54 = tpu.memref_slice %arg13[%dma_start3A, %dma_start3A_53] : memref<10000x16xf32, #tpu.memory_space<vmem_shared>> -> memref<10000x16xf32, #tpu.memory_space<vmem_shared>>
        tpu.enqueue_indirect_dma source(%arg10 : memref<128x16xf32, #tpu.memory_space<vmem>>) target(%dma_start3A_54 : memref<10000x16xf32, #tpu.memory_space<vmem_shared>>) offsets(%arg11 : memref<128xi32, #tpu.memory_space<vmem>>) semaphore(%run_scoped3A : memref<!tpu.dma_semaphore, #tpu.memory_space<semaphore_mem>>) {add = true}
        %dma_wait3A = arith.constant 0 : i32
        %dma_wait3A_55 = arith.constant 0 : i32
        %dma_wait3A_56 = tpu.memref_slice %arg13[%dma_wait3A, %dma_wait3A_55] : memref<10000x16xf32, #tpu.memory_space<vmem_shared>> -> memref<10000x16xf32, #tpu.memory_space<vmem_shared>>
        tpu.wait_indirect_dma semaphore(%run_scoped3A : memref<!tpu.dma_semaphore, #tpu.memory_space<semaphore_mem>>) src(%arg10 : memref<128x16xf32, #tpu.memory_space<vmem>>) dst(%dma_wait3A_56 : memref<10000x16xf32, #tpu.memory_space<vmem_shared>>)
        tpu.yield
      }) : () -> ()
    }
    %barrier3A_36 = arith.constant 0 : index
    tpu.barrier barrier_id(%barrier3A_36)
    %mul3A_37 = arith.constant 625 : i32
    %mul3A_38 = arith.muli %arg1, %mul3A_37 : i32
    %mul3A_39 = arith.constant 625 : i32
    %mul3A_40 = arith.muli %arg1, %mul3A_39 : i32
    "tpu.region"() ({
      %run_scoped3A = tpu.sem_alloc : memref<!tpu.dma_semaphore, #tpu.memory_space<semaphore_mem>>
      %dma_start3A = arith.constant 0 : i32
      %dma_start3A_45 = tpu.memref_slice %arg7[%arg0, %mul3A_40, %dma_start3A] : memref<2x10000x128xf32, #tpu.memory_space<hbm>> -> memref<1x625x128xf32, #tpu.memory_space<hbm>>
      %dma_start3A_46 = tpu.memref_squeeze %dma_start3A_45 : memref<1x625x128xf32, #tpu.memory_space<hbm>> -> memref<625x128xf32, #tpu.memory_space<hbm>>
      %dma_start3A_47 = arith.constant 0 : i32
      %dma_start3A_48 = tpu.memref_slice %arg12[%mul3A_38, %dma_start3A_47] : memref<10000x128xf32, #tpu.memory_space<vmem_shared>> -> memref<625x128xf32, #tpu.memory_space<vmem_shared>>
      tpu.enqueue_dma source(%dma_start3A_48 : memref<625x128xf32, #tpu.memory_space<vmem_shared>>) target(%dma_start3A_46 : memref<625x128xf32, #tpu.memory_space<hbm>>) target_semaphore(%run_scoped3A : memref<!tpu.dma_semaphore, #tpu.memory_space<semaphore_mem>>)
      %dma_wait3A = arith.constant 0 : i32
      %dma_wait3A_49 = tpu.memref_slice %arg7[%arg0, %mul3A_40, %dma_wait3A] : memref<2x10000x128xf32, #tpu.memory_space<hbm>> -> memref<1x625x128xf32, #tpu.memory_space<hbm>>
      %dma_wait3A_50 = tpu.memref_squeeze %dma_wait3A_49 : memref<1x625x128xf32, #tpu.memory_space<hbm>> -> memref<625x128xf32, #tpu.memory_space<hbm>>
      %dma_wait3A_51 = arith.constant 0 : i32
      %dma_wait3A_52 = tpu.memref_slice %arg12[%mul3A_38, %dma_wait3A_51] : memref<10000x128xf32, #tpu.memory_space<vmem_shared>> -> memref<625x128xf32, #tpu.memory_space<vmem_shared>>
      tpu.wait_dma2 semaphore(%run_scoped3A : memref<!tpu.dma_semaphore, #tpu.memory_space<semaphore_mem>>) src(%dma_wait3A_52 : memref<625x128xf32, #tpu.memory_space<vmem_shared>>) dst(%dma_wait3A_50 : memref<625x128xf32, #tpu.memory_space<hbm>>)
      tpu.yield
    }) : () -> ()
    %mul3A_41 = arith.constant 625 : i32
    %mul3A_42 = arith.muli %arg1, %mul3A_41 : i32
    %mul3A_43 = arith.constant 625 : i32
    %mul3A_44 = arith.muli %arg1, %mul3A_43 : i32
    "tpu.region"() ({
      %run_scoped3A = tpu.sem_alloc : memref<!tpu.dma_semaphore, #tpu.memory_space<semaphore_mem>>
      %dma_start3A = arith.constant 0 : i32
      %dma_start3A_45 = tpu.memref_slice %arg8[%arg0, %mul3A_44, %dma_start3A] : memref<2x10000x16xf32, #tpu.memory_space<hbm>> -> memref<1x625x16xf32, #tpu.memory_space<hbm>>
      %dma_start3A_46 = tpu.memref_squeeze %dma_start3A_45 : memref<1x625x16xf32, #tpu.memory_space<hbm>> -> memref<625x16xf32, #tpu.memory_space<hbm>>
      %dma_start3A_47 = arith.constant 0 : i32
      %dma_start3A_48 = tpu.memref_slice %arg13[%mul3A_42, %dma_start3A_47] : memref<10000x16xf32, #tpu.memory_space<vmem_shared>> -> memref<625x16xf32, #tpu.memory_space<vmem_shared>>
      tpu.enqueue_dma source(%dma_start3A_48 : memref<625x16xf32, #tpu.memory_space<vmem_shared>>) target(%dma_start3A_46 : memref<625x16xf32, #tpu.memory_space<hbm>>) target_semaphore(%run_scoped3A : memref<!tpu.dma_semaphore, #tpu.memory_space<semaphore_mem>>)
      %dma_wait3A = arith.constant 0 : i32
      %dma_wait3A_49 = tpu.memref_slice %arg8[%arg0, %mul3A_44, %dma_wait3A] : memref<2x10000x16xf32, #tpu.memory_space<hbm>> -> memref<1x625x16xf32, #tpu.memory_space<hbm>>
      %dma_wait3A_50 = tpu.memref_squeeze %dma_wait3A_49 : memref<1x625x16xf32, #tpu.memory_space<hbm>> -> memref<625x16xf32, #tpu.memory_space<hbm>>
      %dma_wait3A_51 = arith.constant 0 : i32
      %dma_wait3A_52 = tpu.memref_slice %arg13[%mul3A_42, %dma_wait3A_51] : memref<10000x16xf32, #tpu.memory_space<vmem_shared>> -> memref<625x16xf32, #tpu.memory_space<vmem_shared>>
      tpu.wait_dma2 semaphore(%run_scoped3A : memref<!tpu.dma_semaphore, #tpu.memory_space<semaphore_mem>>) src(%dma_wait3A_52 : memref<625x16xf32, #tpu.memory_space<vmem_shared>>) dst(%dma_wait3A_50 : memref<625x16xf32, #tpu.memory_space<hbm>>)
      tpu.yield
    }) : () -> ()
    return
  }
}

#map = affine_map<(d0, d1) -> (0, 0)>
#map1 = affine_map<(d0, d1) -> (0, 0, 0)>
module attributes {stable_mosaic.version = 14 : i64} {
  func.func @_s(%arg0: i32, %arg1: i32, %arg2: memref<80000x128xf32, #tpu.memory_space<hbm>>, %arg3: memref<80000x16xf32, #tpu.memory_space<hbm>>, %arg4: memref<625x128xi32, #tpu.memory_space<hbm>>, %arg5: memref<625x128xf32, #tpu.memory_space<hbm>>, %arg6: memref<625x16xf32, #tpu.memory_space<hbm>>, %arg7: memref<2x10000x128xf32, #tpu.memory_space<hbm>>, %arg8: memref<2x10000x16xf32, #tpu.memory_space<hbm>>, %arg9: memref<128x128xf32, #tpu.memory_space<vmem>>, %arg10: memref<128x16xf32, #tpu.memory_space<vmem>>, %arg11: memref<128xi32, #tpu.memory_space<vmem>>, %arg12: memref<10000x128xf32, #tpu.memory_space<vmem_shared>>, %arg13: memref<10000x16xf32, #tpu.memory_space<vmem_shared>>) attributes {dimension_semantics = [#tpu.dimension_semantics<core_parallel>, #tpu.dimension_semantics<subcore_parallel>], iteration_bounds = array<i64: 2, 16>, scalar_prefetch = 0 : i64, scratch_operands = 5 : i64, tpu.core_type = #tpu.core_type<sc_vector_subcore>, window_params = [{transform_indices = #map}, {transform_indices = #map}, {transform_indices = #map}, {transform_indices = #map}, {transform_indices = #map}, {transform_indices = #map1}, {transform_indices = #map1}]} {
    %mul3A = arith.constant 2 : i32
    %mul3A_0 = arith.muli %arg1, %mul3A : i32
    %add3A = arith.addi %mul3A_0, %arg0 : i32
    %mul3A_1 = arith.constant 625 : i32
    %mul3A_2 = arith.muli %arg1, %mul3A_1 : i32
    "tpu.region"() ({
      %run_scoped3A = tpu.sem_alloc : memref<!tpu.dma_semaphore, #tpu.memory_space<semaphore_mem>>
      %dma_start3A = arith.constant 0 : i32
      %dma_start3A_45 = tpu.memref_slice %arg12[%mul3A_2, %dma_start3A] : memref<10000x128xf32, #tpu.memory_space<vmem_shared>> -> memref<625x128xf32, #tpu.memory_space<vmem_shared>>
      tpu.enqueue_dma source(%arg5 : memref<625x128xf32, #tpu.memory_space<hbm>>) target(%dma_start3A_45 : memref<625x128xf32, #tpu.memory_space<vmem_shared>>) target_semaphore(%run_scoped3A : memref<!tpu.dma_semaphore, #tpu.memory_space<semaphore_mem>>)
      %dma_wait3A = arith.constant 0 : i32
      %dma_wait3A_46 = tpu.memref_slice %arg12[%mul3A_2, %dma_wait3A] : memref<10000x128xf32, #tpu.memory_space<vmem_shared>> -> memref<625x128xf32, #tpu.memory_space<vmem_shared>>
      tpu.wait_dma2 semaphore(%run_scoped3A : memref<!tpu.dma_semaphore, #tpu.memory_space<semaphore_mem>>) src(%arg5 : memref<625x128xf32, #tpu.memory_space<hbm>>) dst(%dma_wait3A_46 : memref<625x128xf32, #tpu.memory_space<vmem_shared>>)
      tpu.yield
    }) : () -> ()
    %mul3A_3 = arith.constant 625 : i32
    %mul3A_4 = arith.muli %arg1, %mul3A_3 : i32
    "tpu.region"() ({
      %run_scoped3A = tpu.sem_alloc : memref<!tpu.dma_semaphore, #tpu.memory_space<semaphore_mem>>
      %dma_start3A = arith.constant 0 : i32
      %dma_start3A_45 = tpu.memref_slice %arg13[%mul3A_4, %dma_start3A] : memref<10000x16xf32, #tpu.memory_space<vmem_shared>> -> memref<625x16xf32, #tpu.memory_space<vmem_shared>>
      tpu.enqueue_dma source(%arg6 : memref<625x16xf32, #tpu.memory_space<hbm>>) target(%dma_start3A_45 : memref<625x16xf32, #tpu.memory_space<vmem_shared>>) target_semaphore(%run_scoped3A : memref<!tpu.dma_semaphore, #tpu.memory_space<semaphore_mem>>)
      %dma_wait3A = arith.constant 0 : i32
      %dma_wait3A_46 = tpu.memref_slice %arg13[%mul3A_4, %dma_wait3A] : memref<10000x16xf32, #tpu.memory_space<vmem_shared>> -> memref<625x16xf32, #tpu.memory_space<vmem_shared>>
      tpu.wait_dma2 semaphore(%run_scoped3A : memref<!tpu.dma_semaphore, #tpu.memory_space<semaphore_mem>>) src(%arg6 : memref<625x16xf32, #tpu.memory_space<hbm>>) dst(%dma_wait3A_46 : memref<625x16xf32, #tpu.memory_space<vmem_shared>>)
      tpu.yield
    }) : () -> ()
    %barrier3A = arith.constant 0 : index
    tpu.barrier barrier_id(%barrier3A)
    %sub3A = arith.constant 625 : i32
    %sub3A_5 = arith.subi %sub3A, %add3A : i32
    %add3A_6 = arith.constant 32 : i32
    %add3A_7 = arith.addi %sub3A_5, %add3A_6 : i32
    %sub3A_8 = arith.constant 1 : i32
    %sub3A_9 = arith.subi %add3A_7, %sub3A_8 : i32
    %jit3A = arith.constant 32 : i32
    %div3A = arith.divsi %sub3A_9, %jit3A : i32
    %sign3A = arith.constant 0 : i32
    %sign3A_10 = arith.cmpi sgt, %sub3A_9, %sign3A : i32
    %sign3A_11 = arith.extui %sign3A_10 : i1 to i32
    %sign3A_12 = arith.constant 0 : i32
    %sign3A_13 = arith.cmpi slt, %sub3A_9, %sign3A_12 : i32
    %sign3A_14 = arith.extui %sign3A_13 : i1 to i32
    %sign3A_15 = arith.subi %sign3A_11, %sign3A_14 : i32
    %sign3A_16 = arith.constant 0 : i32
    %sign3A_17 = arith.cmpi sgt, %jit3A, %sign3A_16 : i32
    %sign3A_18 = arith.extui %sign3A_17 : i1 to i32
    %sign3A_19 = arith.constant 0 : i32
    %sign3A_20 = arith.cmpi slt, %jit3A, %sign3A_19 : i32
    %sign3A_21 = arith.extui %sign3A_20 : i1 to i32
    %sign3A_22 = arith.subi %sign3A_18, %sign3A_21 : i32
    %ne3A = arith.cmpi ne, %sign3A_15, %sign3A_22 : i32
    %rem3A = arith.remsi %sub3A_9, %jit3A : i32
    %ne3A_23 = arith.constant 0 : i32
    %ne3A_24 = arith.cmpi ne, %rem3A, %ne3A_23 : i32
    %and3A = arith.andi %ne3A, %ne3A_24 : i1
    %sub3A_25 = arith.constant 1 : i32
    %sub3A_26 = arith.subi %div3A, %sub3A_25 : i32
    %select_n3A = arith.select %and3A, %sub3A_26, %div3A : i32
    %while3A = arith.constant 0 : i32
    %while3A_27 = arith.constant 0 : i32
    %while3A_28 = arith.subi %select_n3A, %while3A_27 : i32
    %while3A_29 = arith.addi %while3A_27, %while3A_28 : i32
    %while3A_30 = arith.constant 1 : i32
    %while3A_31 = arith.divsi %while3A_28, %while3A_30 : i32
    %while3A_32 = arith.muli %while3A_31, %while3A_30 : i32
    %while3A_33 = arith.addi %while3A_27, %while3A_32 : i32
    %while3A_34 = arith.constant 1 : i32
    scf.for %while3A_45 = %while3A_27 to %while3A_33 step %while3A_34  : i32 {
      %mul3A_46 = arith.constant 32 : i32
      %mul3A_47 = arith.muli %while3A_45, %mul3A_46 : i32
      %add3A_48 = arith.addi %add3A, %mul3A_47 : i32
      "tpu.region"() ({
        %run_scoped3A = tpu.sem_alloc : memref<!tpu.dma_semaphore, #tpu.memory_space<semaphore_mem>>
        %dma_start3A = arith.constant 0 : i32
        %dma_start3A_53 = tpu.memref_slice %arg4[%add3A_48, %dma_start3A] : memref<625x128xi32, #tpu.memory_space<hbm>> -> memref<1x128xi32, #tpu.memory_space<hbm>>
        %dma_start3A_54 = tpu.memref_squeeze %dma_start3A_53 : memref<1x128xi32, #tpu.memory_space<hbm>> -> memref<128xi32, #tpu.memory_space<hbm>>
        %dma_start3A_55 = arith.constant 0 : i32
        %dma_start3A_56 = tpu.memref_slice %arg4[%add3A_48, %dma_start3A_55] : memref<625x128xi32, #tpu.memory_space<hbm>> -> memref<1x128xi32, #tpu.memory_space<hbm>>
        %dma_start3A_57 = tpu.memref_squeeze %dma_start3A_56 : memref<1x128xi32, #tpu.memory_space<hbm>> -> memref<128xi32, #tpu.memory_space<hbm>>
        tpu.enqueue_dma source(%dma_start3A_57 : memref<128xi32, #tpu.memory_space<hbm>>) target(%arg11 : memref<128xi32, #tpu.memory_space<vmem>>) target_semaphore(%run_scoped3A : memref<!tpu.dma_semaphore, #tpu.memory_space<semaphore_mem>>)
        %dma_wait3A = arith.constant 0 : i32
        %dma_wait3A_58 = tpu.memref_slice %arg4[%add3A_48, %dma_wait3A] : memref<625x128xi32, #tpu.memory_space<hbm>> -> memref<1x128xi32, #tpu.memory_space<hbm>>
        %dma_wait3A_59 = tpu.memref_squeeze %dma_wait3A_58 : memref<1x128xi32, #tpu.memory_space<hbm>> -> memref<128xi32, #tpu.memory_space<hbm>>
        %dma_wait3A_60 = arith.constant 0 : i32
        %dma_wait3A_61 = tpu.memref_slice %arg4[%add3A_48, %dma_wait3A_60] : memref<625x128xi32, #tpu.memory_space<hbm>> -> memref<1x128xi32, #tpu.memory_space<hbm>>
        %dma_wait3A_62 = tpu.memref_squeeze %dma_wait3A_61 : memref<1x128xi32, #tpu.memory_space<hbm>> -> memref<128xi32, #tpu.memory_space<hbm>>
        tpu.wait_dma2 semaphore(%run_scoped3A : memref<!tpu.dma_semaphore, #tpu.memory_space<semaphore_mem>>) src(%dma_wait3A_62 : memref<128xi32, #tpu.memory_space<hbm>>) dst(%arg11 : memref<128xi32, #tpu.memory_space<vmem>>)
        tpu.yield
      }) : () -> ()
      %mul3A_49 = arith.constant 128 : i32
      %mul3A_50 = arith.muli %add3A_48, %mul3A_49 : i32
      "tpu.region"() ({
        %run_scoped3A = tpu.sem_alloc : memref<!tpu.dma_semaphore, #tpu.memory_space<semaphore_mem>>
        %dma_start3A = arith.constant 0 : i32
        %dma_start3A_53 = tpu.memref_slice %arg2[%mul3A_50, %dma_start3A] : memref<80000x128xf32, #tpu.memory_space<hbm>> -> memref<128x128xf32, #tpu.memory_space<hbm>>
        %dma_start3A_54 = arith.constant 0 : i32
        %dma_start3A_55 = tpu.memref_slice %arg2[%mul3A_50, %dma_start3A_54] : memref<80000x128xf32, #tpu.memory_space<hbm>> -> memref<128x128xf32, #tpu.memory_space<hbm>>
        tpu.enqueue_dma source(%dma_start3A_55 : memref<128x128xf32, #tpu.memory_space<hbm>>) target(%arg9 : memref<128x128xf32, #tpu.memory_space<vmem>>) target_semaphore(%run_scoped3A : memref<!tpu.dma_semaphore, #tpu.memory_space<semaphore_mem>>)
        %dma_wait3A = arith.constant 0 : i32
        %dma_wait3A_56 = tpu.memref_slice %arg2[%mul3A_50, %dma_wait3A] : memref<80000x128xf32, #tpu.memory_space<hbm>> -> memref<128x128xf32, #tpu.memory_space<hbm>>
        %dma_wait3A_57 = arith.constant 0 : i32
        %dma_wait3A_58 = tpu.memref_slice %arg2[%mul3A_50, %dma_wait3A_57] : memref<80000x128xf32, #tpu.memory_space<hbm>> -> memref<128x128xf32, #tpu.memory_space<hbm>>
        tpu.wait_dma2 semaphore(%run_scoped3A : memref<!tpu.dma_semaphore, #tpu.memory_space<semaphore_mem>>) src(%dma_wait3A_58 : memref<128x128xf32, #tpu.memory_space<hbm>>) dst(%arg9 : memref<128x128xf32, #tpu.memory_space<vmem>>)
        tpu.yield
      }) : () -> ()
      %mul3A_51 = arith.constant 128 : i32
      %mul3A_52 = arith.muli %add3A_48, %mul3A_51 : i32
      "tpu.region"() ({
        %run_scoped3A = tpu.sem_alloc : memref<!tpu.dma_semaphore, #tpu.memory_space<semaphore_mem>>
        %dma_start3A = arith.constant 0 : i32
        %dma_start3A_53 = tpu.memref_slice %arg3[%mul3A_52, %dma_start3A] : memref<80000x16xf32, #tpu.memory_space<hbm>> -> memref<128x16xf32, #tpu.memory_space<hbm>>
        %dma_start3A_54 = arith.constant 0 : i32
        %dma_start3A_55 = tpu.memref_slice %arg3[%mul3A_52, %dma_start3A_54] : memref<80000x16xf32, #tpu.memory_space<hbm>> -> memref<128x16xf32, #tpu.memory_space<hbm>>
        tpu.enqueue_dma source(%dma_start3A_55 : memref<128x16xf32, #tpu.memory_space<hbm>>) target(%arg10 : memref<128x16xf32, #tpu.memory_space<vmem>>) target_semaphore(%run_scoped3A : memref<!tpu.dma_semaphore, #tpu.memory_space<semaphore_mem>>)
        %dma_wait3A = arith.constant 0 : i32
        %dma_wait3A_56 = tpu.memref_slice %arg3[%mul3A_52, %dma_wait3A] : memref<80000x16xf32, #tpu.memory_space<hbm>> -> memref<128x16xf32, #tpu.memory_space<hbm>>
        %dma_wait3A_57 = arith.constant 0 : i32
        %dma_wait3A_58 = tpu.memref_slice %arg3[%mul3A_52, %dma_wait3A_57] : memref<80000x16xf32, #tpu.memory_space<hbm>> -> memref<128x16xf32, #tpu.memory_space<hbm>>
        tpu.wait_dma2 semaphore(%run_scoped3A : memref<!tpu.dma_semaphore, #tpu.memory_space<semaphore_mem>>) src(%dma_wait3A_58 : memref<128x16xf32, #tpu.memory_space<hbm>>) dst(%arg10 : memref<128x16xf32, #tpu.memory_space<vmem>>)
        tpu.yield
      }) : () -> ()
      "tpu.region"() ({
        %run_scoped3A = tpu.sem_alloc : memref<!tpu.dma_semaphore, #tpu.memory_space<semaphore_mem>>
        %dma_start3A = arith.constant 0 : i32
        %dma_start3A_53 = arith.constant 0 : i32
        %dma_start3A_54 = tpu.memref_slice %arg12[%dma_start3A, %dma_start3A_53] : memref<10000x128xf32, #tpu.memory_space<vmem_shared>> -> memref<10000x128xf32, #tpu.memory_space<vmem_shared>>
        tpu.enqueue_indirect_dma source(%arg9 : memref<128x128xf32, #tpu.memory_space<vmem>>) target(%dma_start3A_54 : memref<10000x128xf32, #tpu.memory_space<vmem_shared>>) offsets(%arg11 : memref<128xi32, #tpu.memory_space<vmem>>) semaphore(%run_scoped3A : memref<!tpu.dma_semaphore, #tpu.memory_space<semaphore_mem>>) {add = true}
        %dma_wait3A = arith.constant 0 : i32
        %dma_wait3A_55 = arith.constant 0 : i32
        %dma_wait3A_56 = tpu.memref_slice %arg12[%dma_wait3A, %dma_wait3A_55] : memref<10000x128xf32, #tpu.memory_space<vmem_shared>> -> memref<10000x128xf32, #tpu.memory_space<vmem_shared>>
        tpu.wait_indirect_dma semaphore(%run_scoped3A : memref<!tpu.dma_semaphore, #tpu.memory_space<semaphore_mem>>) src(%arg9 : memref<128x128xf32, #tpu.memory_space<vmem>>) dst(%dma_wait3A_56 : memref<10000x128xf32, #tpu.memory_space<vmem_shared>>)
        tpu.yield
      }) : () -> ()
      "tpu.region"() ({
        %run_scoped3A = tpu.sem_alloc : memref<!tpu.dma_semaphore, #tpu.memory_space<semaphore_mem>>
        %dma_start3A = arith.constant 0 : i32
        %dma_start3A_53 = arith.constant 0 : i32
        %dma_start3A_54 = tpu.memref_slice %arg13[%dma_start3A, %dma_start3A_53] : memref<10000x16xf32, #tpu.memory_space<vmem_shared>> -> memref<10000x16xf32, #tpu.memory_space<vmem_shared>>
        tpu.enqueue_indirect_dma source(%arg10 : memref<128x16xf32, #tpu.memory_space<vmem>>) target(%dma_start3A_54 : memref<10000x16xf32, #tpu.memory_space<vmem_shared>>) offsets(%arg11 : memref<128xi32, #tpu.memory_space<vmem>>) semaphore(%run_scoped3A : memref<!tpu.dma_semaphore, #tpu.memory_space<semaphore_mem>>) {add = true}
        %dma_wait3A = arith.constant 0 : i32
        %dma_wait3A_55 = arith.constant 0 : i32
        %dma_wait3A_56 = tpu.memref_slice %arg13[%dma_wait3A, %dma_wait3A_55] : memref<10000x16xf32, #tpu.memory_space<vmem_shared>> -> memref<10000x16xf32, #tpu.memory_space<vmem_shared>>
        tpu.wait_indirect_dma semaphore(%run_scoped3A : memref<!tpu.dma_semaphore, #tpu.memory_space<semaphore_mem>>) src(%arg10 : memref<128x16xf32, #tpu.memory_space<vmem>>) dst(%dma_wait3A_56 : memref<10000x16xf32, #tpu.memory_space<vmem_shared>>)
        tpu.yield
      }) : () -> ()
    }
    %while3A_35 = arith.constant 1 : i32
    scf.for %while3A_45 = %while3A_33 to %while3A_29 step %while3A_35  : i32 {
      %mul3A_46 = arith.constant 32 : i32
      %mul3A_47 = arith.muli %while3A_45, %mul3A_46 : i32
      %add3A_48 = arith.addi %add3A, %mul3A_47 : i32
      "tpu.region"() ({
        %run_scoped3A = tpu.sem_alloc : memref<!tpu.dma_semaphore, #tpu.memory_space<semaphore_mem>>
        %dma_start3A = arith.constant 0 : i32
        %dma_start3A_53 = tpu.memref_slice %arg4[%add3A_48, %dma_start3A] : memref<625x128xi32, #tpu.memory_space<hbm>> -> memref<1x128xi32, #tpu.memory_space<hbm>>
        %dma_start3A_54 = tpu.memref_squeeze %dma_start3A_53 : memref<1x128xi32, #tpu.memory_space<hbm>> -> memref<128xi32, #tpu.memory_space<hbm>>
        %dma_start3A_55 = arith.constant 0 : i32
        %dma_start3A_56 = tpu.memref_slice %arg4[%add3A_48, %dma_start3A_55] : memref<625x128xi32, #tpu.memory_space<hbm>> -> memref<1x128xi32, #tpu.memory_space<hbm>>
        %dma_start3A_57 = tpu.memref_squeeze %dma_start3A_56 : memref<1x128xi32, #tpu.memory_space<hbm>> -> memref<128xi32, #tpu.memory_space<hbm>>
        tpu.enqueue_dma source(%dma_start3A_57 : memref<128xi32, #tpu.memory_space<hbm>>) target(%arg11 : memref<128xi32, #tpu.memory_space<vmem>>) target_semaphore(%run_scoped3A : memref<!tpu.dma_semaphore, #tpu.memory_space<semaphore_mem>>)
        %dma_wait3A = arith.constant 0 : i32
        %dma_wait3A_58 = tpu.memref_slice %arg4[%add3A_48, %dma_wait3A] : memref<625x128xi32, #tpu.memory_space<hbm>> -> memref<1x128xi32, #tpu.memory_space<hbm>>
        %dma_wait3A_59 = tpu.memref_squeeze %dma_wait3A_58 : memref<1x128xi32, #tpu.memory_space<hbm>> -> memref<128xi32, #tpu.memory_space<hbm>>
        %dma_wait3A_60 = arith.constant 0 : i32
        %dma_wait3A_61 = tpu.memref_slice %arg4[%add3A_48, %dma_wait3A_60] : memref<625x128xi32, #tpu.memory_space<hbm>> -> memref<1x128xi32, #tpu.memory_space<hbm>>
        %dma_wait3A_62 = tpu.memref_squeeze %dma_wait3A_61 : memref<1x128xi32, #tpu.memory_space<hbm>> -> memref<128xi32, #tpu.memory_space<hbm>>
        tpu.wait_dma2 semaphore(%run_scoped3A : memref<!tpu.dma_semaphore, #tpu.memory_space<semaphore_mem>>) src(%dma_wait3A_62 : memref<128xi32, #tpu.memory_space<hbm>>) dst(%arg11 : memref<128xi32, #tpu.memory_space<vmem>>)
        tpu.yield
      }) : () -> ()
      %mul3A_49 = arith.constant 128 : i32
      %mul3A_50 = arith.muli %add3A_48, %mul3A_49 : i32
      "tpu.region"() ({
        %run_scoped3A = tpu.sem_alloc : memref<!tpu.dma_semaphore, #tpu.memory_space<semaphore_mem>>
        %dma_start3A = arith.constant 0 : i32
        %dma_start3A_53 = tpu.memref_slice %arg2[%mul3A_50, %dma_start3A] : memref<80000x128xf32, #tpu.memory_space<hbm>> -> memref<128x128xf32, #tpu.memory_space<hbm>>
        %dma_start3A_54 = arith.constant 0 : i32
        %dma_start3A_55 = tpu.memref_slice %arg2[%mul3A_50, %dma_start3A_54] : memref<80000x128xf32, #tpu.memory_space<hbm>> -> memref<128x128xf32, #tpu.memory_space<hbm>>
        tpu.enqueue_dma source(%dma_start3A_55 : memref<128x128xf32, #tpu.memory_space<hbm>>) target(%arg9 : memref<128x128xf32, #tpu.memory_space<vmem>>) target_semaphore(%run_scoped3A : memref<!tpu.dma_semaphore, #tpu.memory_space<semaphore_mem>>)
        %dma_wait3A = arith.constant 0 : i32
        %dma_wait3A_56 = tpu.memref_slice %arg2[%mul3A_50, %dma_wait3A] : memref<80000x128xf32, #tpu.memory_space<hbm>> -> memref<128x128xf32, #tpu.memory_space<hbm>>
        %dma_wait3A_57 = arith.constant 0 : i32
        %dma_wait3A_58 = tpu.memref_slice %arg2[%mul3A_50, %dma_wait3A_57] : memref<80000x128xf32, #tpu.memory_space<hbm>> -> memref<128x128xf32, #tpu.memory_space<hbm>>
        tpu.wait_dma2 semaphore(%run_scoped3A : memref<!tpu.dma_semaphore, #tpu.memory_space<semaphore_mem>>) src(%dma_wait3A_58 : memref<128x128xf32, #tpu.memory_space<hbm>>) dst(%arg9 : memref<128x128xf32, #tpu.memory_space<vmem>>)
        tpu.yield
      }) : () -> ()
      %mul3A_51 = arith.constant 128 : i32
      %mul3A_52 = arith.muli %add3A_48, %mul3A_51 : i32
      "tpu.region"() ({
        %run_scoped3A = tpu.sem_alloc : memref<!tpu.dma_semaphore, #tpu.memory_space<semaphore_mem>>
        %dma_start3A = arith.constant 0 : i32
        %dma_start3A_53 = tpu.memref_slice %arg3[%mul3A_52, %dma_start3A] : memref<80000x16xf32, #tpu.memory_space<hbm>> -> memref<128x16xf32, #tpu.memory_space<hbm>>
        %dma_start3A_54 = arith.constant 0 : i32
        %dma_start3A_55 = tpu.memref_slice %arg3[%mul3A_52, %dma_start3A_54] : memref<80000x16xf32, #tpu.memory_space<hbm>> -> memref<128x16xf32, #tpu.memory_space<hbm>>
        tpu.enqueue_dma source(%dma_start3A_55 : memref<128x16xf32, #tpu.memory_space<hbm>>) target(%arg10 : memref<128x16xf32, #tpu.memory_space<vmem>>) target_semaphore(%run_scoped3A : memref<!tpu.dma_semaphore, #tpu.memory_space<semaphore_mem>>)
        %dma_wait3A = arith.constant 0 : i32
        %dma_wait3A_56 = tpu.memref_slice %arg3[%mul3A_52, %dma_wait3A] : memref<80000x16xf32, #tpu.memory_space<hbm>> -> memref<128x16xf32, #tpu.memory_space<hbm>>
        %dma_wait3A_57 = arith.constant 0 : i32
        %dma_wait3A_58 = tpu.memref_slice %arg3[%mul3A_52, %dma_wait3A_57] : memref<80000x16xf32, #tpu.memory_space<hbm>> -> memref<128x16xf32, #tpu.memory_space<hbm>>
        tpu.wait_dma2 semaphore(%run_scoped3A : memref<!tpu.dma_semaphore, #tpu.memory_space<semaphore_mem>>) src(%dma_wait3A_58 : memref<128x16xf32, #tpu.memory_space<hbm>>) dst(%arg10 : memref<128x16xf32, #tpu.memory_space<vmem>>)
        tpu.yield
      }) : () -> ()
      "tpu.region"() ({
        %run_scoped3A = tpu.sem_alloc : memref<!tpu.dma_semaphore, #tpu.memory_space<semaphore_mem>>
        %dma_start3A = arith.constant 0 : i32
        %dma_start3A_53 = arith.constant 0 : i32
        %dma_start3A_54 = tpu.memref_slice %arg12[%dma_start3A, %dma_start3A_53] : memref<10000x128xf32, #tpu.memory_space<vmem_shared>> -> memref<10000x128xf32, #tpu.memory_space<vmem_shared>>
        tpu.enqueue_indirect_dma source(%arg9 : memref<128x128xf32, #tpu.memory_space<vmem>>) target(%dma_start3A_54 : memref<10000x128xf32, #tpu.memory_space<vmem_shared>>) offsets(%arg11 : memref<128xi32, #tpu.memory_space<vmem>>) semaphore(%run_scoped3A : memref<!tpu.dma_semaphore, #tpu.memory_space<semaphore_mem>>) {add = true}
        %dma_wait3A = arith.constant 0 : i32
        %dma_wait3A_55 = arith.constant 0 : i32
        %dma_wait3A_56 = tpu.memref_slice %arg12[%dma_wait3A, %dma_wait3A_55] : memref<10000x128xf32, #tpu.memory_space<vmem_shared>> -> memref<10000x128xf32, #tpu.memory_space<vmem_shared>>
        tpu.wait_indirect_dma semaphore(%run_scoped3A : memref<!tpu.dma_semaphore, #tpu.memory_space<semaphore_mem>>) src(%arg9 : memref<128x128xf32, #tpu.memory_space<vmem>>) dst(%dma_wait3A_56 : memref<10000x128xf32, #tpu.memory_space<vmem_shared>>)
        tpu.yield
      }) : () -> ()
      "tpu.region"() ({
        %run_scoped3A = tpu.sem_alloc : memref<!tpu.dma_semaphore, #tpu.memory_space<semaphore_mem>>
        %dma_start3A = arith.constant 0 : i32
        %dma_start3A_53 = arith.constant 0 : i32
        %dma_start3A_54 = tpu.memref_slice %arg13[%dma_start3A, %dma_start3A_53] : memref<10000x16xf32, #tpu.memory_space<vmem_shared>> -> memref<10000x16xf32, #tpu.memory_space<vmem_shared>>
        tpu.enqueue_indirect_dma source(%arg10 : memref<128x16xf32, #tpu.memory_space<vmem>>) target(%dma_start3A_54 : memref<10000x16xf32, #tpu.memory_space<vmem_shared>>) offsets(%arg11 : memref<128xi32, #tpu.memory_space<vmem>>) semaphore(%run_scoped3A : memref<!tpu.dma_semaphore, #tpu.memory_space<semaphore_mem>>) {add = true}
        %dma_wait3A = arith.constant 0 : i32
        %dma_wait3A_55 = arith.constant 0 : i32
        %dma_wait3A_56 = tpu.memref_slice %arg13[%dma_wait3A, %dma_wait3A_55] : memref<10000x16xf32, #tpu.memory_space<vmem_shared>> -> memref<10000x16xf32, #tpu.memory_space<vmem_shared>>
        tpu.wait_indirect_dma semaphore(%run_scoped3A : memref<!tpu.dma_semaphore, #tpu.memory_space<semaphore_mem>>) src(%arg10 : memref<128x16xf32, #tpu.memory_space<vmem>>) dst(%dma_wait3A_56 : memref<10000x16xf32, #tpu.memory_space<vmem_shared>>)
        tpu.yield
      }) : () -> ()
    }
    %barrier3A_36 = arith.constant 0 : index
    tpu.barrier barrier_id(%barrier3A_36)
    %mul3A_37 = arith.constant 625 : i32
    %mul3A_38 = arith.muli %arg1, %mul3A_37 : i32
    %mul3A_39 = arith.constant 625 : i32
    %mul3A_40 = arith.muli %arg1, %mul3A_39 : i32
    "tpu.region"() ({
      %run_scoped3A = tpu.sem_alloc : memref<!tpu.dma_semaphore, #tpu.memory_space<semaphore_mem>>
      %dma_start3A = arith.constant 0 : i32
      %dma_start3A_45 = tpu.memref_slice %arg7[%arg0, %mul3A_40, %dma_start3A] : memref<2x10000x128xf32, #tpu.memory_space<hbm>> -> memref<1x625x128xf32, #tpu.memory_space<hbm>>
      %dma_start3A_46 = tpu.memref_squeeze %dma_start3A_45 : memref<1x625x128xf32, #tpu.memory_space<hbm>> -> memref<625x128xf32, #tpu.memory_space<hbm>>
      %dma_start3A_47 = arith.constant 0 : i32
      %dma_start3A_48 = tpu.memref_slice %arg12[%mul3A_38, %dma_start3A_47] : memref<10000x128xf32, #tpu.memory_space<vmem_shared>> -> memref<625x128xf32, #tpu.memory_space<vmem_shared>>
      tpu.enqueue_dma source(%dma_start3A_48 : memref<625x128xf32, #tpu.memory_space<vmem_shared>>) target(%dma_start3A_46 : memref<625x128xf32, #tpu.memory_space<hbm>>) target_semaphore(%run_scoped3A : memref<!tpu.dma_semaphore, #tpu.memory_space<semaphore_mem>>)
      %dma_wait3A = arith.constant 0 : i32
      %dma_wait3A_49 = tpu.memref_slice %arg7[%arg0, %mul3A_40, %dma_wait3A] : memref<2x10000x128xf32, #tpu.memory_space<hbm>> -> memref<1x625x128xf32, #tpu.memory_space<hbm>>
      %dma_wait3A_50 = tpu.memref_squeeze %dma_wait3A_49 : memref<1x625x128xf32, #tpu.memory_space<hbm>> -> memref<625x128xf32, #tpu.memory_space<hbm>>
      %dma_wait3A_51 = arith.constant 0 : i32
      %dma_wait3A_52 = tpu.memref_slice %arg12[%mul3A_38, %dma_wait3A_51] : memref<10000x128xf32, #tpu.memory_space<vmem_shared>> -> memref<625x128xf32, #tpu.memory_space<vmem_shared>>
      tpu.wait_dma2 semaphore(%run_scoped3A : memref<!tpu.dma_semaphore, #tpu.memory_space<semaphore_mem>>) src(%dma_wait3A_52 : memref<625x128xf32, #tpu.memory_space<vmem_shared>>) dst(%dma_wait3A_50 : memref<625x128xf32, #tpu.memory_space<hbm>>)
      tpu.yield
    }) : () -> ()
    %mul3A_41 = arith.constant 625 : i32
    %mul3A_42 = arith.muli %arg1, %mul3A_41 : i32
    %mul3A_43 = arith.constant 625 : i32
    %mul3A_44 = arith.muli %arg1, %mul3A_43 : i32
    "tpu.region"() ({
      %run_scoped3A = tpu.sem_alloc : memref<!tpu.dma_semaphore, #tpu.memory_space<semaphore_mem>>
      %dma_start3A = arith.constant 0 : i32
      %dma_start3A_45 = tpu.memref_slice %arg8[%arg0, %mul3A_44, %dma_start3A] : memref<2x10000x16xf32, #tpu.memory_space<hbm>> -> memref<1x625x16xf32, #tpu.memory_space<hbm>>
      %dma_start3A_46 = tpu.memref_squeeze %dma_start3A_45 : memref<1x625x16xf32, #tpu.memory_space<hbm>> -> memref<625x16xf32, #tpu.memory_space<hbm>>
      %dma_start3A_47 = arith.constant 0 : i32
      %dma_start3A_48 = tpu.memref_slice %arg13[%mul3A_42, %dma_start3A_47] : memref<10000x16xf32, #tpu.memory_space<vmem_shared>> -> memref<625x16xf32, #tpu.memory_space<vmem_shared>>
      tpu.enqueue_dma source(%dma_start3A_48 : memref<625x16xf32, #tpu.memory_space<vmem_shared>>) target(%dma_start3A_46 : memref<625x16xf32, #tpu.memory_space<hbm>>) target_semaphore(%run_scoped3A : memref<!tpu.dma_semaphore, #tpu.memory_space<semaphore_mem>>)
      %dma_wait3A = arith.constant 0 : i32
      %dma_wait3A_49 = tpu.memref_slice %arg8[%arg0, %mul3A_44, %dma_wait3A] : memref<2x10000x16xf32, #tpu.memory_space<hbm>> -> memref<1x625x16xf32, #tpu.memory_space<hbm>>
      %dma_wait3A_50 = tpu.memref_squeeze %dma_wait3A_49 : memref<1x625x16xf32, #tpu.memory_space<hbm>> -> memref<625x16xf32, #tpu.memory_space<hbm>>
      %dma_wait3A_51 = arith.constant 0 : i32
      %dma_wait3A_52 = tpu.memref_slice %arg13[%mul3A_42, %dma_wait3A_51] : memref<10000x16xf32, #tpu.memory_space<vmem_shared>> -> memref<625x16xf32, #tpu.memory_space<vmem_shared>>
      tpu.wait_dma2 semaphore(%run_scoped3A : memref<!tpu.dma_semaphore, #tpu.memory_space<semaphore_mem>>) src(%dma_wait3A_52 : memref<625x16xf32, #tpu.memory_space<vmem_shared>>) dst(%dma_wait3A_50 : memref<625x16xf32, #tpu.memory_space<hbm>>)
      tpu.yield
    }) : () -> ()
    return
  }
}

module attributes {stable_mosaic.version = 14 : i64} {
  func.func @_prep_body(%arg0: i32, %arg1: memref<2000x128xf32, #tpu.memory_space<vmem>>, %arg2: memref<128x128xbf16, #tpu.memory_space<vmem>>, %arg3: memref<128x128xbf16, #tpu.memory_space<vmem>>, %arg4: memref<1x128xf32, #tpu.memory_space<vmem>>, %arg5: memref<2000x128xf32, #tpu.memory_space<vmem>>, %arg6: memref<2000x128xf32, #tpu.memory_space<vmem>>) attributes {dimension_semantics = [#tpu.dimension_semantics<arbitrary>], iteration_bounds = array<i64: 5>, scalar_prefetch = 0 : i64, scratch_operands = 0 : i64, tpu.core_type = #tpu.core_type<tc>, window_params = [{transform_indices = @transform_0, window_bounds = array<i64: 2000, 128>}, {pipeline_mode = #tpu.pipeline_mode<synchronous>, transform_indices = @transform_1, window_bounds = array<i64: 128, 128>}, {pipeline_mode = #tpu.pipeline_mode<synchronous>, transform_indices = @transform_2, window_bounds = array<i64: 128, 128>}, {pipeline_mode = #tpu.pipeline_mode<synchronous>, transform_indices = @transform_3, window_bounds = array<i64: 1, 128>}, {transform_indices = @transform_4, window_bounds = array<i64: 2000, 128>}, {transform_indices = @transform_5, window_bounds = array<i64: 2000, 128>}]} {
    %get3A = arith.constant 0 : index
    %get3A_0 = arith.constant 0 : index
    %get3A_1 = vector.load %arg1[%get3A, %get3A_0] : memref<2000x128xf32, #tpu.memory_space<vmem>>, vector<2000x128xf32>
    %convert_element_type3A = arith.truncf %get3A_1 : vector<2000x128xf32> to vector<2000x128xbf16>
    %get3A_2 = arith.constant 0 : index
    %get3A_3 = arith.constant 0 : index
    %get3A_4 = vector.load %arg2[%get3A_2, %get3A_3] : memref<128x128xbf16, #tpu.memory_space<vmem>>, vector<128x128xbf16>
    %dot_general3A = arith.constant dense<0.000000e+00> : vector<2000x128xf32>
    %dot_general3A_5 = tpu.matmul %convert_element_type3A, %get3A_4, %dot_general3A {dimension_numbers = #tpu.dot_dimension_numbers<[1], [0], [0], [1], [0, 0, 1, 1], [], []>, transpose_lhs_hint = false} : vector<2000x128xbf16>, vector<128x128xbf16>, vector<2000x128xf32> -> vector<2000x128xf32>
    %get3A_6 = arith.constant 0 : index
    %get3A_7 = arith.constant 0 : index
    %get3A_8 = vector.load %arg4[%get3A_6, %get3A_7] : memref<1x128xf32, #tpu.memory_space<vmem>>, vector<1x128xf32>
    %add3A = vector.broadcast %get3A_8 : vector<1x128xf32> to vector<2000x128xf32>
    %add3A_9 = arith.addf %dot_general3A_5, %add3A : vector<2000x128xf32>
    %swap3A = arith.constant 0 : index
    %swap3A_10 = arith.constant 0 : index
    %swap3A_11 = vector.load %arg5[%swap3A, %swap3A_10] : memref<2000x128xf32, #tpu.memory_space<vmem>>, vector<2000x128xf32>
    tpu.vector_store %arg5[%swap3A, %swap3A_10], %add3A_9 {strides = array<i32>} : memref<2000x128xf32, #tpu.memory_space<vmem>>, vector<2000x128xf32>,
    %get3A_12 = arith.constant 0 : index
    %get3A_13 = arith.constant 0 : index
    %get3A_14 = vector.load %arg3[%get3A_12, %get3A_13] : memref<128x128xbf16, #tpu.memory_space<vmem>>, vector<128x128xbf16>
    %dot_general3A_15 = arith.constant dense<0.000000e+00> : vector<2000x128xf32>
    %dot_general3A_16 = tpu.matmul %convert_element_type3A, %get3A_14, %dot_general3A_15 {dimension_numbers = #tpu.dot_dimension_numbers<[1], [0], [0], [1], [0, 0, 1, 1], [], []>, transpose_lhs_hint = false} : vector<2000x128xbf16>, vector<128x128xbf16>, vector<2000x128xf32> -> vector<2000x128xf32>
    %swap3A_17 = arith.constant 0 : index
    %swap3A_18 = arith.constant 0 : index
    %swap3A_19 = vector.load %arg6[%swap3A_17, %swap3A_18] : memref<2000x128xf32, #tpu.memory_space<vmem>>, vector<2000x128xf32>
    tpu.vector_store %arg6[%swap3A_17, %swap3A_18], %dot_general3A_16 {strides = array<i32>} : memref<2000x128xf32, #tpu.memory_space<vmem>>, vector<2000x128xf32>,
    return
  }
  func.func @transform_0(%arg0: i32) -> (i32, i32) {
    %c0_i32 = arith.constant 0 : i32
    %c0_i32_0 = arith.constant 0 : i32
    return %arg0, %c0_i32 : i32, i32
  }
  func.func @transform_1(%arg0: i32) -> (i32, i32) {
    %c0_i32 = arith.constant 0 : i32
    %c0_i32_0 = arith.constant 0 : i32
    %c0_i32_1 = arith.constant 0 : i32
    return %c0_i32, %c0_i32_0 : i32, i32
  }
  func.func @transform_2(%arg0: i32) -> (i32, i32) {
    %c0_i32 = arith.constant 0 : i32
    %c0_i32_0 = arith.constant 0 : i32
    %c0_i32_1 = arith.constant 0 : i32
    return %c0_i32, %c0_i32_0 : i32, i32
  }
  func.func @transform_3(%arg0: i32) -> (i32, i32) {
    %c0_i32 = arith.constant 0 : i32
    %c0_i32_0 = arith.constant 0 : i32
    %c0_i32_1 = arith.constant 0 : i32
    return %c0_i32, %c0_i32_0 : i32, i32
  }
  func.func @transform_4(%arg0: i32) -> (i32, i32) {
    %c0_i32 = arith.constant 0 : i32
    %c0_i32_0 = arith.constant 0 : i32
    return %arg0, %c0_i32 : i32, i32
  }
  func.func @transform_5(%arg0: i32) -> (i32, i32) {
    %c0_i32 = arith.constant 0 : i32
    %c0_i32_0 = arith.constant 0 : i32
    return %arg0, %c0_i32 : i32, i32
  }
}

module attributes {stable_mosaic.version = 14 : i64} {
  func.func @_edge_body(%arg0: i32, %arg1: memref<4000x128xf32, #tpu.memory_space<vmem>>, %arg2: memref<4000x128xf32, #tpu.memory_space<vmem>>, %arg3: memref<4000x16xf32, #tpu.memory_space<vmem>>, %arg4: memref<1x128xf32, #tpu.memory_space<vmem>>, %arg5: memref<128x128xbf16, #tpu.memory_space<vmem>>, %arg6: memref<1x128xf32, #tpu.memory_space<vmem>>, %arg7: memref<128x128xbf16, #tpu.memory_space<vmem>>, %arg8: memref<1x128xf32, #tpu.memory_space<vmem>>, %arg9: memref<128x1xf32, #tpu.memory_space<vmem>>, %arg10: memref<4000x128xf32, #tpu.memory_space<vmem>>, %arg11: memref<4000x16xf32, #tpu.memory_space<vmem>>) attributes {dimension_semantics = [#tpu.dimension_semantics<arbitrary>], iteration_bounds = array<i64: 20>, scalar_prefetch = 0 : i64, scratch_operands = 0 : i64, tpu.core_type = #tpu.core_type<tc>, window_params = [{transform_indices = @transform_0, window_bounds = array<i64: 4000, 128>}, {transform_indices = @transform_1, window_bounds = array<i64: 4000, 128>}, {transform_indices = @transform_2, window_bounds = array<i64: 4000, 16>}, {pipeline_mode = #tpu.pipeline_mode<synchronous>, transform_indices = @transform_3, window_bounds = array<i64: 1, 128>}, {pipeline_mode = #tpu.pipeline_mode<synchronous>, transform_indices = @transform_4, window_bounds = array<i64: 128, 128>}, {pipeline_mode = #tpu.pipeline_mode<synchronous>, transform_indices = @transform_5, window_bounds = array<i64: 1, 128>}, {pipeline_mode = #tpu.pipeline_mode<synchronous>, transform_indices = @transform_6, window_bounds = array<i64: 128, 128>}, {pipeline_mode = #tpu.pipeline_mode<synchronous>, transform_indices = @transform_7, window_bounds = array<i64: 1, 128>}, {pipeline_mode = #tpu.pipeline_mode<synchronous>, transform_indices = @transform_8, window_bounds = array<i64: 128, 1>}, {transform_indices = @transform_9, window_bounds = array<i64: 4000, 128>}, {transform_indices = @transform_10, window_bounds = array<i64: 4000, 16>}]} {
    %get3A = arith.constant 0 : index
    %get3A_0 = arith.constant 0 : index
    %get3A_1 = vector.load %arg3[%get3A, %get3A_0] : memref<4000x16xf32, #tpu.memory_space<vmem>>, vector<4000x16xf32>
    %mul3A = arith.mulf %get3A_1, %get3A_1 : vector<4000x16xf32>
    %reduce_sum3A = arith.constant dense<0.000000e+00> : vector<4000xf32>
    %reduce_sum3A_2 = vector.multi_reduction <add>, %mul3A, %reduce_sum3A [1] : vector<4000x16xf32> to vector<4000xf32>
    %broadcast_in_dim3A = vector.shape_cast %reduce_sum3A_2 : vector<4000xf32> to vector<4000x1xf32>
    %get3A_3 = arith.constant 0 : index
    %get3A_4 = arith.constant 0 : index
    %get3A_5 = vector.load %arg1[%get3A_3, %get3A_4] : memref<4000x128xf32, #tpu.memory_space<vmem>>, vector<4000x128xf32>
    %get3A_6 = arith.constant 0 : index
    %get3A_7 = arith.constant 0 : index
    %get3A_8 = vector.load %arg2[%get3A_6, %get3A_7] : memref<4000x128xf32, #tpu.memory_space<vmem>>, vector<4000x128xf32>
    %add3A = arith.addf %get3A_5, %get3A_8 : vector<4000x128xf32>
    %get3A_9 = arith.constant 0 : index
    %get3A_10 = arith.constant 0 : index
    %get3A_11 = vector.load %arg4[%get3A_9, %get3A_10] : memref<1x128xf32, #tpu.memory_space<vmem>>, vector<1x128xf32>
    %mul3A_12 = vector.broadcast %broadcast_in_dim3A : vector<4000x1xf32> to vector<4000x128xf32>
    %mul3A_13 = vector.broadcast %get3A_11 : vector<1x128xf32> to vector<4000x128xf32>
    %mul3A_14 = arith.mulf %mul3A_12, %mul3A_13 : vector<4000x128xf32>
    %add3A_15 = arith.addf %add3A, %mul3A_14 : vector<4000x128xf32>
    %logistic3A = arith.negf %add3A_15 : vector<4000x128xf32>
    %logistic3A_16 = math.exp %logistic3A : vector<4000x128xf32>
    %logistic3A_17 = arith.constant 1.000000e+00 : f32
    %logistic3A_18 = vector.broadcast %logistic3A_17 : f32 to vector<4000x128xf32>
    %logistic3A_19 = arith.addf %logistic3A_18, %logistic3A_16 : vector<4000x128xf32>
    %logistic3A_20 = arith.divf %logistic3A_18, %logistic3A_19 : vector<4000x128xf32>
    %mul3A_21 = arith.mulf %add3A_15, %logistic3A_20 : vector<4000x128xf32>
    %convert_element_type3A = arith.truncf %mul3A_21 : vector<4000x128xf32> to vector<4000x128xbf16>
    %get3A_22 = arith.constant 0 : index
    %get3A_23 = arith.constant 0 : index
    %get3A_24 = vector.load %arg5[%get3A_22, %get3A_23] : memref<128x128xbf16, #tpu.memory_space<vmem>>, vector<128x128xbf16>
    %dot_general3A = arith.constant dense<0.000000e+00> : vector<4000x128xf32>
    %dot_general3A_25 = tpu.matmul %convert_element_type3A, %get3A_24, %dot_general3A {dimension_numbers = #tpu.dot_dimension_numbers<[1], [0], [0], [1], [0, 0, 1, 1], [], []>, transpose_lhs_hint = false} : vector<4000x128xbf16>, vector<128x128xbf16>, vector<4000x128xf32> -> vector<4000x128xf32>
    %get3A_26 = arith.constant 0 : index
    %get3A_27 = arith.constant 0 : index
    %get3A_28 = vector.load %arg6[%get3A_26, %get3A_27] : memref<1x128xf32, #tpu.memory_space<vmem>>, vector<1x128xf32>
    %add3A_29 = vector.broadcast %get3A_28 : vector<1x128xf32> to vector<4000x128xf32>
    %add3A_30 = arith.addf %dot_general3A_25, %add3A_29 : vector<4000x128xf32>
    %logistic3A_31 = arith.negf %add3A_30 : vector<4000x128xf32>
    %logistic3A_32 = math.exp %logistic3A_31 : vector<4000x128xf32>
    %logistic3A_33 = arith.constant 1.000000e+00 : f32
    %logistic3A_34 = vector.broadcast %logistic3A_33 : f32 to vector<4000x128xf32>
    %logistic3A_35 = arith.addf %logistic3A_34, %logistic3A_32 : vector<4000x128xf32>
    %logistic3A_36 = arith.divf %logistic3A_34, %logistic3A_35 : vector<4000x128xf32>
    %mul3A_37 = arith.mulf %add3A_30, %logistic3A_36 : vector<4000x128xf32>
    %convert_element_type3A_38 = arith.truncf %mul3A_37 : vector<4000x128xf32> to vector<4000x128xbf16>
    %get3A_39 = arith.constant 0 : index
    %get3A_40 = arith.constant 0 : index
    %get3A_41 = vector.load %arg7[%get3A_39, %get3A_40] : memref<128x128xbf16, #tpu.memory_space<vmem>>, vector<128x128xbf16>
    %dot_general3A_42 = arith.constant dense<0.000000e+00> : vector<4000x128xf32>
    %dot_general3A_43 = tpu.matmul %convert_element_type3A_38, %get3A_41, %dot_general3A_42 {dimension_numbers = #tpu.dot_dimension_numbers<[1], [0], [0], [1], [0, 0, 1, 1], [], []>, transpose_lhs_hint = false} : vector<4000x128xbf16>, vector<128x128xbf16>, vector<4000x128xf32> -> vector<4000x128xf32>
    %get3A_44 = arith.constant 0 : index
    %get3A_45 = arith.constant 0 : index
    %get3A_46 = vector.load %arg8[%get3A_44, %get3A_45] : memref<1x128xf32, #tpu.memory_space<vmem>>, vector<1x128xf32>
    %add3A_47 = vector.broadcast %get3A_46 : vector<1x128xf32> to vector<4000x128xf32>
    %add3A_48 = arith.addf %dot_general3A_43, %add3A_47 : vector<4000x128xf32>
    %logistic3A_49 = arith.negf %add3A_48 : vector<4000x128xf32>
    %logistic3A_50 = math.exp %logistic3A_49 : vector<4000x128xf32>
    %logistic3A_51 = arith.constant 1.000000e+00 : f32
    %logistic3A_52 = vector.broadcast %logistic3A_51 : f32 to vector<4000x128xf32>
    %logistic3A_53 = arith.addf %logistic3A_52, %logistic3A_50 : vector<4000x128xf32>
    %logistic3A_54 = arith.divf %logistic3A_52, %logistic3A_53 : vector<4000x128xf32>
    %mul3A_55 = arith.mulf %add3A_48, %logistic3A_54 : vector<4000x128xf32>
    %get3A_56 = arith.constant 0 : index
    %get3A_57 = arith.constant 0 : index
    %get3A_58 = vector.load %arg9[%get3A_56, %get3A_57] : memref<128x1xf32, #tpu.memory_space<vmem>>, vector<128x1xf32>
    %dot_general3A_59 = arith.constant dense<0.000000e+00> : vector<4000x1xf32>
    %dot_general3A_60 = tpu.matmul %mul3A_55, %get3A_58, %dot_general3A_59 {dimension_numbers = #tpu.dot_dimension_numbers<[1], [0], [0], [1], [0, 0, 1, 1], [], []>, transpose_lhs_hint = false} : vector<4000x128xf32>, vector<128x1xf32>, vector<4000x1xf32> -> vector<4000x1xf32>
    %mul3A_61 = vector.broadcast %dot_general3A_60 : vector<4000x1xf32> to vector<4000x16xf32>
    %mul3A_62 = arith.mulf %get3A_1, %mul3A_61 : vector<4000x16xf32>
    %jit3A = arith.constant -1.000000e+02 : f32
    %jit3A_63 = arith.constant 1.000000e+02 : f32
    %max3A = vector.broadcast %jit3A : f32 to vector<4000x16xf32>
    %max3A_64 = arith.maximumf %max3A, %mul3A_62 : vector<4000x16xf32>
    %min3A = vector.broadcast %jit3A_63 : f32 to vector<4000x16xf32>
    %min3A_65 = arith.minimumf %min3A, %max3A_64 : vector<4000x16xf32>
    %iota3A = tpu.iota {dimensions = array<i32: 1>} : vector<1x16xi32>
    %eq3A = arith.constant 8 : i32
    %eq3A_66 = vector.broadcast %eq3A : i32 to vector<1x16xi32>
    %eq3A_67 = arith.cmpi eq, %iota3A, %eq3A_66 : vector<1x16xi32>
    %jit3A_68 = arith.constant 1.000000e+00 : f32
    %broadcast_in_dim3A_69 = vector.shape_cast %eq3A_67 : vector<1x16xi1> to vector<1x16xi1>
    %broadcast_in_dim3A_70 = vector.broadcast %broadcast_in_dim3A_69 : vector<1x16xi1> to vector<4000x16xi1>
    %broadcast_in_dim3A_71 = vector.broadcast %jit3A_68 : f32 to vector<4000x16xf32>
    %select_n3A = arith.select %broadcast_in_dim3A_70, %broadcast_in_dim3A_71, %min3A_65 : vector<4000x16xi1>, vector<4000x16xf32>
    %swap3A = arith.constant 0 : index
    %swap3A_72 = arith.constant 0 : index
    %swap3A_73 = vector.load %arg10[%swap3A, %swap3A_72] : memref<4000x128xf32, #tpu.memory_space<vmem>>, vector<4000x128xf32>
    tpu.vector_store %arg10[%swap3A, %swap3A_72], %mul3A_37 {strides = array<i32>} : memref<4000x128xf32, #tpu.memory_space<vmem>>, vector<4000x128xf32>,
    %swap3A_74 = arith.constant 0 : index
    %swap3A_75 = arith.constant 0 : index
    %swap3A_76 = vector.load %arg11[%swap3A_74, %swap3A_75] : memref<4000x16xf32, #tpu.memory_space<vmem>>, vector<4000x16xf32>
    tpu.vector_store %arg11[%swap3A_74, %swap3A_75], %select_n3A {strides = array<i32>} : memref<4000x16xf32, #tpu.memory_space<vmem>>, vector<4000x16xf32>,
    return
  }
  func.func @transform_0(%arg0: i32) -> (i32, i32) {
    %c0_i32 = arith.constant 0 : i32
    %c0_i32_0 = arith.constant 0 : i32
    return %arg0, %c0_i32 : i32, i32
  }
  func.func @transform_1(%arg0: i32) -> (i32, i32) {
    %c0_i32 = arith.constant 0 : i32
    %c0_i32_0 = arith.constant 0 : i32
    return %arg0, %c0_i32 : i32, i32
  }
  func.func @transform_2(%arg0: i32) -> (i32, i32) {
    %c0_i32 = arith.constant 0 : i32
    %c0_i32_0 = arith.constant 0 : i32
    return %arg0, %c0_i32 : i32, i32
  }
  func.func @transform_3(%arg0: i32) -> (i32, i32) {
    %c0_i32 = arith.constant 0 : i32
    %c0_i32_0 = arith.constant 0 : i32
    %c0_i32_1 = arith.constant 0 : i32
    return %c0_i32, %c0_i32_0 : i32, i32
  }
  func.func @transform_4(%arg0: i32) -> (i32, i32) {
    %c0_i32 = arith.constant 0 : i32
    %c0_i32_0 = arith.constant 0 : i32
    %c0_i32_1 = arith.constant 0 : i32
    return %c0_i32, %c0_i32_0 : i32, i32
  }
  func.func @transform_5(%arg0: i32) -> (i32, i32) {
    %c0_i32 = arith.constant 0 : i32
    %c0_i32_0 = arith.constant 0 : i32
    %c0_i32_1 = arith.constant 0 : i32
    return %c0_i32, %c0_i32_0 : i32, i32
  }
  func.func @transform_6(%arg0: i32) -> (i32, i32) {
    %c0_i32 = arith.constant 0 : i32
    %c0_i32_0 = arith.constant 0 : i32
    %c0_i32_1 = arith.constant 0 : i32
    return %c0_i32, %c0_i32_0 : i32, i32
  }
  func.func @transform_7(%arg0: i32) -> (i32, i32) {
    %c0_i32 = arith.constant 0 : i32
    %c0_i32_0 = arith.constant 0 : i32
    %c0_i32_1 = arith.constant 0 : i32
    return %c0_i32, %c0_i32_0 : i32, i32
  }
  func.func @transform_8(%arg0: i32) -> (i32, i32) {
    %c0_i32 = arith.constant 0 : i32
    %c0_i32_0 = arith.constant 0 : i32
    %c0_i32_1 = arith.constant 0 : i32
    return %c0_i32, %c0_i32_0 : i32, i32
  }
  func.func @transform_9(%arg0: i32) -> (i32, i32) {
    %c0_i32 = arith.constant 0 : i32
    %c0_i32_0 = arith.constant 0 : i32
    return %arg0, %c0_i32 : i32, i32
  }
  func.func @transform_10(%arg0: i32) -> (i32, i32) {
    %c0_i32 = arith.constant 0 : i32
    %c0_i32_0 = arith.constant 0 : i32
    return %arg0, %c0_i32 : i32, i32
  }
}

module attributes {stable_mosaic.version = 14 : i64} {
  func.func @_node_body(%arg0: i32, %arg1: memref<2000x128xf32, #tpu.memory_space<vmem>>, %arg2: memref<2000x128xf32, #tpu.memory_space<vmem>>, %arg3: memref<2000x16xf32, #tpu.memory_space<vmem>>, %arg4: memref<2000x16xf32, #tpu.memory_space<vmem>>, %arg5: memref<4x2000x128xf32, #tpu.memory_space<vmem>>, %arg6: memref<4x2000x16xf32, #tpu.memory_space<vmem>>, %arg7: memref<128x128xf32, #tpu.memory_space<vmem>>, %arg8: memref<1x128xf32, #tpu.memory_space<vmem>>, %arg9: memref<128x1xf32, #tpu.memory_space<vmem>>, %arg10: memref<1x1xf32, #tpu.memory_space<vmem>>, %arg11: memref<128x128xf32, #tpu.memory_space<vmem>>, %arg12: memref<128x128xf32, #tpu.memory_space<vmem>>, %arg13: memref<1x128xf32, #tpu.memory_space<vmem>>, %arg14: memref<128x128xf32, #tpu.memory_space<vmem>>, %arg15: memref<1x128xf32, #tpu.memory_space<vmem>>, %arg16: memref<2000x128xf32, #tpu.memory_space<vmem>>, %arg17: memref<2000x128xf32, #tpu.memory_space<vmem>>, %arg18: memref<2000x16xf32, #tpu.memory_space<vmem>>, %arg19: memref<2000x16xf32, #tpu.memory_space<vmem>>, %arg20: memref<1x1xf32, #tpu.memory_space<vmem>>) attributes {dimension_semantics = [#tpu.dimension_semantics<arbitrary>], iteration_bounds = array<i64: 5>, scalar_prefetch = 0 : i64, scratch_operands = 0 : i64, tpu.core_type = #tpu.core_type<tc>, window_params = [{transform_indices = @transform_0, window_bounds = array<i64: 2000, 128>}, {transform_indices = @transform_1, window_bounds = array<i64: 2000, 128>}, {transform_indices = @transform_2, window_bounds = array<i64: 2000, 16>}, {transform_indices = @transform_3, window_bounds = array<i64: 2000, 16>}, {transform_indices = @transform_4, window_bounds = array<i64: 4, 2000, 128>}, {transform_indices = @transform_5, window_bounds = array<i64: 4, 2000, 16>}, {pipeline_mode = #tpu.pipeline_mode<synchronous>, transform_indices = @transform_6, window_bounds = array<i64: 128, 128>}, {pipeline_mode = #tpu.pipeline_mode<synchronous>, transform_indices = @transform_7, window_bounds = array<i64: 1, 128>}, {pipeline_mode = #tpu.pipeline_mode<synchronous>, transform_indices = @transform_8, window_bounds = array<i64: 128, 1>}, {pipeline_mode = #tpu.pipeline_mode<synchronous>, transform_indices = @transform_9, window_bounds = array<i64: 1, 1>}, {pipeline_mode = #tpu.pipeline_mode<synchronous>, transform_indices = @transform_10, window_bounds = array<i64: 128, 128>}, {pipeline_mode = #tpu.pipeline_mode<synchronous>, transform_indices = @transform_11, window_bounds = array<i64: 128, 128>}, {pipeline_mode = #tpu.pipeline_mode<synchronous>, transform_indices = @transform_12, window_bounds = array<i64: 1, 128>}, {pipeline_mode = #tpu.pipeline_mode<synchronous>, transform_indices = @transform_13, window_bounds = array<i64: 128, 128>}, {pipeline_mode = #tpu.pipeline_mode<synchronous>, transform_indices = @transform_14, window_bounds = array<i64: 1, 128>}, {transform_indices = @transform_15, window_bounds = array<i64: 2000, 128>}, {transform_indices = @transform_16, window_bounds = array<i64: 2000, 128>}, {transform_indices = @transform_17, window_bounds = array<i64: 2000, 16>}, {transform_indices = @transform_18, window_bounds = array<i64: 2000, 16>}, {pipeline_mode = #tpu.pipeline_mode<synchronous>, transform_indices = @transform_19, window_bounds = array<i64: 1, 1>}]} {
    %get3A = arith.constant 0 : index
    %get3A_0 = arith.constant 0 : index
    %get3A_1 = arith.constant 0 : index
    %get3A_2 = vector.load %arg5[%get3A, %get3A_0, %get3A_1] : memref<4x2000x128xf32, #tpu.memory_space<vmem>>, vector<4x2000x128xf32>
    %reduce_sum3A = arith.constant dense<0.000000e+00> : vector<2000x128xf32>
    %reduce_sum3A_3 = vector.multi_reduction <add>, %get3A_2, %reduce_sum3A [0] : vector<4x2000x128xf32> to vector<2000x128xf32>
    %get3A_4 = arith.constant 0 : index
    %get3A_5 = arith.constant 0 : index
    %get3A_6 = arith.constant 0 : index
    %get3A_7 = vector.load %arg6[%get3A_4, %get3A_5, %get3A_6] : memref<4x2000x16xf32, #tpu.memory_space<vmem>>, vector<4x2000x16xf32>
    %reduce_sum3A_8 = arith.constant dense<0.000000e+00> : vector<2000x16xf32>
    %reduce_sum3A_9 = vector.multi_reduction <add>, %get3A_7, %reduce_sum3A_8 [0] : vector<4x2000x16xf32> to vector<2000x16xf32>
    %iota3A = tpu.iota {dimensions = array<i32: 1>} : vector<1x16xi32>
    %eq3A = arith.constant 8 : i32
    %eq3A_10 = vector.broadcast %eq3A : i32 to vector<1x16xi32>
    %eq3A_11 = arith.cmpi eq, %iota3A, %eq3A_10 : vector<1x16xi32>
    %jit3A = arith.constant 0.000000e+00 : f32
    %broadcast_in_dim3A = vector.shape_cast %eq3A_11 : vector<1x16xi1> to vector<1x16xi1>
    %broadcast_in_dim3A_12 = vector.broadcast %broadcast_in_dim3A : vector<1x16xi1> to vector<2000x16xi1>
    %broadcast_in_dim3A_13 = vector.broadcast %jit3A : f32 to vector<2000x16xf32>
    %select_n3A = arith.select %broadcast_in_dim3A_12, %reduce_sum3A_9, %broadcast_in_dim3A_13 : vector<2000x16xi1>, vector<2000x16xf32>
    %reduce_sum3A_14 = arith.constant dense<0.000000e+00> : vector<2000xf32>
    %reduce_sum3A_15 = vector.multi_reduction <add>, %select_n3A, %reduce_sum3A_14 [1] : vector<2000x16xf32> to vector<2000xf32>
    %broadcast_in_dim3A_16 = vector.shape_cast %reduce_sum3A_15 : vector<2000xf32> to vector<2000x1xf32>
    %jit3A_17 = arith.constant 1.000000e+00 : f32
    %max3A = vector.broadcast %jit3A_17 : f32 to vector<2000x1xf32>
    %max3A_18 = arith.maximumf %max3A, %broadcast_in_dim3A_16 : vector<2000x1xf32>
    %div3A = vector.broadcast %max3A_18 : vector<2000x1xf32> to vector<2000x16xf32>
    %div3A_19 = arith.divf %reduce_sum3A_9, %div3A : vector<2000x16xf32>
    %lt3A = arith.constant 3 : i32
    %lt3A_20 = vector.broadcast %lt3A : i32 to vector<1x16xi32>
    %lt3A_21 = arith.cmpi slt, %iota3A, %lt3A_20 : vector<1x16xi32>
    %jit3A_22 = arith.constant 0.000000e+00 : f32
    %broadcast_in_dim3A_23 = vector.shape_cast %lt3A_21 : vector<1x16xi1> to vector<1x16xi1>
    %broadcast_in_dim3A_24 = vector.broadcast %broadcast_in_dim3A_23 : vector<1x16xi1> to vector<2000x16xi1>
    %broadcast_in_dim3A_25 = vector.broadcast %jit3A_22 : f32 to vector<2000x16xf32>
    %select_n3A_26 = arith.select %broadcast_in_dim3A_24, %div3A_19, %broadcast_in_dim3A_25 : vector<2000x16xi1>, vector<2000x16xf32>
    %get3A_27 = arith.constant 0 : index
    %get3A_28 = arith.constant 0 : index
    %get3A_29 = vector.load %arg1[%get3A_27, %get3A_28] : memref<2000x128xf32, #tpu.memory_space<vmem>>, vector<2000x128xf32>
    %get3A_30 = arith.constant 0 : index
    %get3A_31 = arith.constant 0 : index
    %get3A_32 = vector.load %arg7[%get3A_30, %get3A_31] : memref<128x128xf32, #tpu.memory_space<vmem>>, vector<128x128xf32>
    %dot_general3A = arith.constant dense<0.000000e+00> : vector<2000x128xf32>
    %dot_general3A_33 = tpu.matmul %get3A_29, %get3A_32, %dot_general3A {dimension_numbers = #tpu.dot_dimension_numbers<[1], [0], [0], [1], [0, 0, 1, 1], [], []>, transpose_lhs_hint = false} : vector<2000x128xf32>, vector<128x128xf32>, vector<2000x128xf32> -> vector<2000x128xf32>
    %get3A_34 = arith.constant 0 : index
    %get3A_35 = arith.constant 0 : index
    %get3A_36 = vector.load %arg8[%get3A_34, %get3A_35] : memref<1x128xf32, #tpu.memory_space<vmem>>, vector<1x128xf32>
    %add3A = vector.broadcast %get3A_36 : vector<1x128xf32> to vector<2000x128xf32>
    %add3A_37 = arith.addf %dot_general3A_33, %add3A : vector<2000x128xf32>
    %logistic3A = arith.negf %add3A_37 : vector<2000x128xf32>
    %logistic3A_38 = math.exp %logistic3A : vector<2000x128xf32>
    %logistic3A_39 = arith.constant 1.000000e+00 : f32
    %logistic3A_40 = vector.broadcast %logistic3A_39 : f32 to vector<2000x128xf32>
    %logistic3A_41 = arith.addf %logistic3A_40, %logistic3A_38 : vector<2000x128xf32>
    %logistic3A_42 = arith.divf %logistic3A_40, %logistic3A_41 : vector<2000x128xf32>
    %mul3A = arith.mulf %add3A_37, %logistic3A_42 : vector<2000x128xf32>
    %get3A_43 = arith.constant 0 : index
    %get3A_44 = arith.constant 0 : index
    %get3A_45 = vector.load %arg9[%get3A_43, %get3A_44] : memref<128x1xf32, #tpu.memory_space<vmem>>, vector<128x1xf32>
    %dot_general3A_46 = arith.constant dense<0.000000e+00> : vector<2000x1xf32>
    %dot_general3A_47 = tpu.matmul %mul3A, %get3A_45, %dot_general3A_46 {dimension_numbers = #tpu.dot_dimension_numbers<[1], [0], [0], [1], [0, 0, 1, 1], [], []>, transpose_lhs_hint = false} : vector<2000x128xf32>, vector<128x1xf32>, vector<2000x1xf32> -> vector<2000x1xf32>
    %get3A_48 = arith.constant 0 : index
    %get3A_49 = arith.constant 0 : index
    %get3A_50 = vector.load %arg10[%get3A_48, %get3A_49] : memref<1x1xf32, #tpu.memory_space<vmem>>, vector<1x1xf32>
    %add3A_51 = vector.broadcast %get3A_50 : vector<1x1xf32> to vector<2000x1xf32>
    %add3A_52 = arith.addf %dot_general3A_47, %add3A_51 : vector<2000x1xf32>
    %get3A_53 = arith.constant 0 : index
    %get3A_54 = arith.constant 0 : index
    %get3A_55 = vector.load %arg11[%get3A_53, %get3A_54] : memref<128x128xf32, #tpu.memory_space<vmem>>, vector<128x128xf32>
    %dot_general3A_56 = arith.constant dense<0.000000e+00> : vector<2000x128xf32>
    %dot_general3A_57 = tpu.matmul %get3A_29, %get3A_55, %dot_general3A_56 {dimension_numbers = #tpu.dot_dimension_numbers<[1], [0], [0], [1], [0, 0, 1, 1], [], []>, transpose_lhs_hint = false} : vector<2000x128xf32>, vector<128x128xf32>, vector<2000x128xf32> -> vector<2000x128xf32>
    %get3A_58 = arith.constant 0 : index
    %get3A_59 = arith.constant 0 : index
    %get3A_60 = vector.load %arg12[%get3A_58, %get3A_59] : memref<128x128xf32, #tpu.memory_space<vmem>>, vector<128x128xf32>
    %dot_general3A_61 = arith.constant dense<0.000000e+00> : vector<2000x128xf32>
    %dot_general3A_62 = tpu.matmul %reduce_sum3A_3, %get3A_60, %dot_general3A_61 {dimension_numbers = #tpu.dot_dimension_numbers<[1], [0], [0], [1], [0, 0, 1, 1], [], []>, transpose_lhs_hint = false} : vector<2000x128xf32>, vector<128x128xf32>, vector<2000x128xf32> -> vector<2000x128xf32>
    %add3A_63 = arith.addf %dot_general3A_57, %dot_general3A_62 : vector<2000x128xf32>
    %get3A_64 = arith.constant 0 : index
    %get3A_65 = arith.constant 0 : index
    %get3A_66 = vector.load %arg13[%get3A_64, %get3A_65] : memref<1x128xf32, #tpu.memory_space<vmem>>, vector<1x128xf32>
    %add3A_67 = vector.broadcast %get3A_66 : vector<1x128xf32> to vector<2000x128xf32>
    %add3A_68 = arith.addf %add3A_63, %add3A_67 : vector<2000x128xf32>
    %logistic3A_69 = arith.negf %add3A_68 : vector<2000x128xf32>
    %logistic3A_70 = math.exp %logistic3A_69 : vector<2000x128xf32>
    %logistic3A_71 = arith.constant 1.000000e+00 : f32
    %logistic3A_72 = vector.broadcast %logistic3A_71 : f32 to vector<2000x128xf32>
    %logistic3A_73 = arith.addf %logistic3A_72, %logistic3A_70 : vector<2000x128xf32>
    %logistic3A_74 = arith.divf %logistic3A_72, %logistic3A_73 : vector<2000x128xf32>
    %mul3A_75 = arith.mulf %add3A_68, %logistic3A_74 : vector<2000x128xf32>
    %get3A_76 = arith.constant 0 : index
    %get3A_77 = arith.constant 0 : index
    %get3A_78 = vector.load %arg14[%get3A_76, %get3A_77] : memref<128x128xf32, #tpu.memory_space<vmem>>, vector<128x128xf32>
    %dot_general3A_79 = arith.constant dense<0.000000e+00> : vector<2000x128xf32>
    %dot_general3A_80 = tpu.matmul %mul3A_75, %get3A_78, %dot_general3A_79 {dimension_numbers = #tpu.dot_dimension_numbers<[1], [0], [0], [1], [0, 0, 1, 1], [], []>, transpose_lhs_hint = false} : vector<2000x128xf32>, vector<128x128xf32>, vector<2000x128xf32> -> vector<2000x128xf32>
    %get3A_81 = arith.constant 0 : index
    %get3A_82 = arith.constant 0 : index
    %get3A_83 = vector.load %arg15[%get3A_81, %get3A_82] : memref<1x128xf32, #tpu.memory_space<vmem>>, vector<1x128xf32>
    %add3A_84 = vector.broadcast %get3A_83 : vector<1x128xf32> to vector<2000x128xf32>
    %add3A_85 = arith.addf %dot_general3A_80, %add3A_84 : vector<2000x128xf32>
    %exp3A = math.exp %add3A_52 : vector<2000x1xf32>
    %get3A_86 = arith.constant 0 : index
    %get3A_87 = arith.constant 0 : index
    %get3A_88 = vector.load %arg3[%get3A_86, %get3A_87] : memref<2000x16xf32, #tpu.memory_space<vmem>>, vector<2000x16xf32>
    %mul3A_89 = vector.broadcast %exp3A : vector<2000x1xf32> to vector<2000x16xf32>
    %mul3A_90 = arith.mulf %mul3A_89, %get3A_88 : vector<2000x16xf32>
    %mul3A_91 = arith.constant 1.000000e-03 : f32
    %mul3A_92 = vector.broadcast %mul3A_91 : f32 to vector<2000x16xf32>
    %mul3A_93 = arith.mulf %select_n3A_26, %mul3A_92 : vector<2000x16xf32>
    %add3A_94 = arith.addf %mul3A_90, %mul3A_93 : vector<2000x16xf32>
    %get3A_95 = arith.constant 0 : index
    %get3A_96 = arith.constant 0 : index
    %get3A_97 = vector.load %arg4[%get3A_95, %get3A_96] : memref<2000x16xf32, #tpu.memory_space<vmem>>, vector<2000x16xf32>
    %mul3A_98 = arith.constant 1.000000e-03 : f32
    %mul3A_99 = vector.broadcast %mul3A_98 : f32 to vector<2000x16xf32>
    %mul3A_100 = arith.mulf %add3A_94, %mul3A_99 : vector<2000x16xf32>
    %add3A_101 = arith.addf %get3A_97, %mul3A_100 : vector<2000x16xf32>
    %swap3A = arith.constant 0 : index
    %swap3A_102 = arith.constant 0 : index
    %swap3A_103 = vector.load %arg19[%swap3A, %swap3A_102] : memref<2000x16xf32, #tpu.memory_space<vmem>>, vector<2000x16xf32>
    tpu.vector_store %arg19[%swap3A, %swap3A_102], %add3A_101 {strides = array<i32>} : memref<2000x16xf32, #tpu.memory_space<vmem>>, vector<2000x16xf32>,
    %swap3A_104 = arith.constant 0 : index
    %swap3A_105 = arith.constant 0 : index
    %swap3A_106 = vector.load %arg18[%swap3A_104, %swap3A_105] : memref<2000x16xf32, #tpu.memory_space<vmem>>, vector<2000x16xf32>
    tpu.vector_store %arg18[%swap3A_104, %swap3A_105], %add3A_94 {strides = array<i32>} : memref<2000x16xf32, #tpu.memory_space<vmem>>, vector<2000x16xf32>,
    %get3A_107 = arith.constant 0 : index
    %get3A_108 = arith.constant 0 : index
    %get3A_109 = vector.load %arg2[%get3A_107, %get3A_108] : memref<2000x128xf32, #tpu.memory_space<vmem>>, vector<2000x128xf32>
    %mul3A_110 = arith.constant 1.000000e-03 : f32
    %mul3A_111 = vector.broadcast %mul3A_110 : f32 to vector<2000x128xf32>
    %mul3A_112 = arith.mulf %add3A_85, %mul3A_111 : vector<2000x128xf32>
    %add3A_113 = arith.addf %get3A_109, %mul3A_112 : vector<2000x128xf32>
    %swap3A_114 = arith.constant 0 : index
    %swap3A_115 = arith.constant 0 : index
    %swap3A_116 = vector.load %arg17[%swap3A_114, %swap3A_115] : memref<2000x128xf32, #tpu.memory_space<vmem>>, vector<2000x128xf32>
    tpu.vector_store %arg17[%swap3A_114, %swap3A_115], %add3A_113 {strides = array<i32>} : memref<2000x128xf32, #tpu.memory_space<vmem>>, vector<2000x128xf32>,
    %mul3A_117 = arith.constant 1.000000e-03 : f32
    %mul3A_118 = vector.broadcast %mul3A_117 : f32 to vector<2000x128xf32>
    %mul3A_119 = arith.mulf %add3A_113, %mul3A_118 : vector<2000x128xf32>
    %add3A_120 = arith.addf %get3A_29, %mul3A_119 : vector<2000x128xf32>
    %swap3A_121 = arith.constant 0 : index
    %swap3A_122 = arith.constant 0 : index
    %swap3A_123 = vector.load %arg16[%swap3A_121, %swap3A_122] : memref<2000x128xf32, #tpu.memory_space<vmem>>, vector<2000x128xf32>
    tpu.vector_store %arg16[%swap3A_121, %swap3A_122], %add3A_120 {strides = array<i32>} : memref<2000x128xf32, #tpu.memory_space<vmem>>, vector<2000x128xf32>,
    %eq3A_124 = arith.constant 0 : i32
    %eq3A_125 = arith.cmpi eq, %arg0, %eq3A_124 : i32
    %convert_element_type3A = arith.extui %eq3A_125 : i1 to i32
    %cond3A = arith.constant 0 : i32
    %cond3A_126 = arith.cmpi ne, %convert_element_type3A, %cond3A : i32
    scf.if %cond3A_126 {
      %broadcast_in_dim3A_140 = arith.constant 0.000000e+00 : f32
      %broadcast_in_dim3A_141 = vector.broadcast %broadcast_in_dim3A_140 : f32 to vector<1x1xf32>
      %swap3A_142 = arith.constant 0 : index
      %swap3A_143 = arith.constant 0 : index
      %swap3A_144 = vector.load %arg20[%swap3A_142, %swap3A_143] : memref<1x1xf32, #tpu.memory_space<vmem>>, vector<1x1xf32>
      tpu.vector_store %arg20[%swap3A_142, %swap3A_143], %broadcast_in_dim3A_141 {strides = array<i32>} : memref<1x1xf32, #tpu.memory_space<vmem>>, vector<1x1xf32>,
    } else {
    }
    %get3A_127 = arith.constant 0 : index
    %get3A_128 = arith.constant 0 : index
    %get3A_129 = vector.load %arg20[%get3A_127, %get3A_128] : memref<1x1xf32, #tpu.memory_space<vmem>>, vector<1x1xf32>
    %reduce_sum3A_130 = vector.shape_cast %add3A_52 : vector<2000x1xf32> to vector<1x2000x1xf32>
    %reduce_sum3A_131 = arith.constant dense<0.000000e+00> : vector<1xf32>
    %reduce_sum3A_132 = vector.multi_reduction <add>, %reduce_sum3A_130, %reduce_sum3A_131 [1, 2] : vector<1x2000x1xf32> to vector<1xf32>
    %reduce_sum3A_133 = vector.shape_cast %reduce_sum3A_132 : vector<1xf32> to vector<1x1x1xf32>
    %reduce_sum3A_134 = vector.extract %reduce_sum3A_133[0, 0, 0] : f32 from vector<1x1x1xf32>
    %add3A_135 = vector.broadcast %reduce_sum3A_134 : f32 to vector<1x1xf32>
    %add3A_136 = arith.addf %get3A_129, %add3A_135 : vector<1x1xf32>
    %swap3A_137 = arith.constant 0 : index
    %swap3A_138 = arith.constant 0 : index
    %swap3A_139 = vector.load %arg20[%swap3A_137, %swap3A_138] : memref<1x1xf32, #tpu.memory_space<vmem>>, vector<1x1xf32>
    tpu.vector_store %arg20[%swap3A_137, %swap3A_138], %add3A_136 {strides = array<i32>} : memref<1x1xf32, #tpu.memory_space<vmem>>, vector<1x1xf32>,
    return
  }
  func.func @transform_0(%arg0: i32) -> (i32, i32) {
    %c0_i32 = arith.constant 0 : i32
    %c0_i32_0 = arith.constant 0 : i32
    return %arg0, %c0_i32 : i32, i32
  }
  func.func @transform_1(%arg0: i32) -> (i32, i32) {
    %c0_i32 = arith.constant 0 : i32
    %c0_i32_0 = arith.constant 0 : i32
    return %arg0, %c0_i32 : i32, i32
  }
  func.func @transform_2(%arg0: i32) -> (i32, i32) {
    %c0_i32 = arith.constant 0 : i32
    %c0_i32_0 = arith.constant 0 : i32
    return %arg0, %c0_i32 : i32, i32
  }
  func.func @transform_3(%arg0: i32) -> (i32, i32) {
    %c0_i32 = arith.constant 0 : i32
    %c0_i32_0 = arith.constant 0 : i32
    return %arg0, %c0_i32 : i32, i32
  }
  func.func @transform_4(%arg0: i32) -> (i32, i32, i32) {
    %c0_i32 = arith.constant 0 : i32
    %c0_i32_0 = arith.constant 0 : i32
    %c0_i32_1 = arith.constant 0 : i32
    return %c0_i32, %arg0, %c0_i32_0 : i32, i32, i32
  }
  func.func @transform_5(%arg0: i32) -> (i32, i32, i32) {
    %c0_i32 = arith.constant 0 : i32
    %c0_i32_0 = arith.constant 0 : i32
    %c0_i32_1 = arith.constant 0 : i32
    return %c0_i32, %arg0, %c0_i32_0 : i32, i32, i32
  }
  func.func @transform_6(%arg0: i32) -> (i32, i32) {
    %c0_i32 = arith.constant 0 : i32
    %c0_i32_0 = arith.constant 0 : i32
    %c0_i32_1 = arith.constant 0 : i32
    return %c0_i32, %c0_i32_0 : i32, i32
  }
  func.func @transform_7(%arg0: i32) -> (i32, i32) {
    %c0_i32 = arith.constant 0 : i32
    %c0_i32_0 = arith.constant 0 : i32
    %c0_i32_1 = arith.constant 0 : i32
    return %c0_i32, %c0_i32_0 : i32, i32
  }
  func.func @transform_8(%arg0: i32) -> (i32, i32) {
    %c0_i32 = arith.constant 0 : i32
    %c0_i32_0 = arith.constant 0 : i32
    %c0_i32_1 = arith.constant 0 : i32
    return %c0_i32, %c0_i32_0 : i32, i32
  }
  func.func @transform_9(%arg0: i32) -> (i32, i32) {
    %c0_i32 = arith.constant 0 : i32
    %c0_i32_0 = arith.constant 0 : i32
    %c0_i32_1 = arith.constant 0 : i32
    return %c0_i32, %c0_i32_0 : i32, i32
  }
  func.func @transform_10(%arg0: i32) -> (i32, i32) {
    %c0_i32 = arith.constant 0 : i32
    %c0_i32_0 = arith.constant 0 : i32
    %c0_i32_1 = arith.constant 0 : i32
    return %c0_i32, %c0_i32_0 : i32, i32
  }
  func.func @transform_11(%arg0: i32) -> (i32, i32) {
    %c0_i32 = arith.constant 0 : i32
    %c0_i32_0 = arith.constant 0 : i32
    %c0_i32_1 = arith.constant 0 : i32
    return %c0_i32, %c0_i32_0 : i32, i32
  }
  func.func @transform_12(%arg0: i32) -> (i32, i32) {
    %c0_i32 = arith.constant 0 : i32
    %c0_i32_0 = arith.constant 0 : i32
    %c0_i32_1 = arith.constant 0 : i32
    return %c0_i32, %c0_i32_0 : i32, i32
  }
  func.func @transform_13(%arg0: i32) -> (i32, i32) {
    %c0_i32 = arith.constant 0 : i32
    %c0_i32_0 = arith.constant 0 : i32
    %c0_i32_1 = arith.constant 0 : i32
    return %c0_i32, %c0_i32_0 : i32, i32
  }
  func.func @transform_14(%arg0: i32) -> (i32, i32) {
    %c0_i32 = arith.constant 0 : i32
    %c0_i32_0 = arith.constant 0 : i32
    %c0_i32_1 = arith.constant 0 : i32
    return %c0_i32, %c0_i32_0 : i32, i32
  }
  func.func @transform_15(%arg0: i32) -> (i32, i32) {
    %c0_i32 = arith.constant 0 : i32
    %c0_i32_0 = arith.constant 0 : i32
    return %arg0, %c0_i32 : i32, i32
  }
  func.func @transform_16(%arg0: i32) -> (i32, i32) {
    %c0_i32 = arith.constant 0 : i32
    %c0_i32_0 = arith.constant 0 : i32
    return %arg0, %c0_i32 : i32, i32
  }
  func.func @transform_17(%arg0: i32) -> (i32, i32) {
    %c0_i32 = arith.constant 0 : i32
    %c0_i32_0 = arith.constant 0 : i32
    return %arg0, %c0_i32 : i32, i32
  }
  func.func @transform_18(%arg0: i32) -> (i32, i32) {
    %c0_i32 = arith.constant 0 : i32
    %c0_i32_0 = arith.constant 0 : i32
    return %arg0, %c0_i32 : i32, i32
  }
  func.func @transform_19(%arg0: i32) -> (i32, i32) {
    %c0_i32 = arith.constant 0 : i32
    %c0_i32_0 = arith.constant 0 : i32
    %c0_i32_1 = arith.constant 0 : i32
    return %c0_i32, %c0_i32_0 : i32, i32
  }
}

module attributes {stable_mosaic.version = 14 : i64} {
  func.func @_node_body(%arg0: i32, %arg1: memref<2000x128xf32, #tpu.memory_space<vmem>>, %arg2: memref<2000x128xf32, #tpu.memory_space<vmem>>, %arg3: memref<2000x16xf32, #tpu.memory_space<vmem>>, %arg4: memref<2000x16xf32, #tpu.memory_space<vmem>>, %arg5: memref<4x2000x128xf32, #tpu.memory_space<vmem>>, %arg6: memref<4x2000x16xf32, #tpu.memory_space<vmem>>, %arg7: memref<128x128xf32, #tpu.memory_space<vmem>>, %arg8: memref<1x128xf32, #tpu.memory_space<vmem>>, %arg9: memref<128x1xf32, #tpu.memory_space<vmem>>, %arg10: memref<1x1xf32, #tpu.memory_space<vmem>>, %arg11: memref<128x128xf32, #tpu.memory_space<vmem>>, %arg12: memref<128x128xf32, #tpu.memory_space<vmem>>, %arg13: memref<1x128xf32, #tpu.memory_space<vmem>>, %arg14: memref<128x128xf32, #tpu.memory_space<vmem>>, %arg15: memref<1x128xf32, #tpu.memory_space<vmem>>, %arg16: memref<2000x128xf32, #tpu.memory_space<vmem>>, %arg17: memref<2000x128xf32, #tpu.memory_space<vmem>>, %arg18: memref<2000x16xf32, #tpu.memory_space<vmem>>, %arg19: memref<2000x16xf32, #tpu.memory_space<vmem>>, %arg20: memref<1x1xf32, #tpu.memory_space<vmem>>) attributes {dimension_semantics = [#tpu.dimension_semantics<arbitrary>], iteration_bounds = array<i64: 5>, scalar_prefetch = 0 : i64, scratch_operands = 0 : i64, tpu.core_type = #tpu.core_type<tc>, window_params = [{transform_indices = @transform_0, window_bounds = array<i64: 2000, 128>}, {transform_indices = @transform_1, window_bounds = array<i64: 2000, 128>}, {transform_indices = @transform_2, window_bounds = array<i64: 2000, 16>}, {transform_indices = @transform_3, window_bounds = array<i64: 2000, 16>}, {transform_indices = @transform_4, window_bounds = array<i64: 4, 2000, 128>}, {transform_indices = @transform_5, window_bounds = array<i64: 4, 2000, 16>}, {pipeline_mode = #tpu.pipeline_mode<synchronous>, transform_indices = @transform_6, window_bounds = array<i64: 128, 128>}, {pipeline_mode = #tpu.pipeline_mode<synchronous>, transform_indices = @transform_7, window_bounds = array<i64: 1, 128>}, {pipeline_mode = #tpu.pipeline_mode<synchronous>, transform_indices = @transform_8, window_bounds = array<i64: 128, 1>}, {pipeline_mode = #tpu.pipeline_mode<synchronous>, transform_indices = @transform_9, window_bounds = array<i64: 1, 1>}, {pipeline_mode = #tpu.pipeline_mode<synchronous>, transform_indices = @transform_10, window_bounds = array<i64: 128, 128>}, {pipeline_mode = #tpu.pipeline_mode<synchronous>, transform_indices = @transform_11, window_bounds = array<i64: 128, 128>}, {pipeline_mode = #tpu.pipeline_mode<synchronous>, transform_indices = @transform_12, window_bounds = array<i64: 1, 128>}, {pipeline_mode = #tpu.pipeline_mode<synchronous>, transform_indices = @transform_13, window_bounds = array<i64: 128, 128>}, {pipeline_mode = #tpu.pipeline_mode<synchronous>, transform_indices = @transform_14, window_bounds = array<i64: 1, 128>}, {transform_indices = @transform_15, window_bounds = array<i64: 2000, 128>}, {transform_indices = @transform_16, window_bounds = array<i64: 2000, 128>}, {transform_indices = @transform_17, window_bounds = array<i64: 2000, 16>}, {transform_indices = @transform_18, window_bounds = array<i64: 2000, 16>}, {pipeline_mode = #tpu.pipeline_mode<synchronous>, transform_indices = @transform_19, window_bounds = array<i64: 1, 1>}]} {
    %get3A = arith.constant 0 : index
    %get3A_0 = arith.constant 0 : index
    %get3A_1 = arith.constant 0 : index
    %get3A_2 = vector.load %arg5[%get3A, %get3A_0, %get3A_1] : memref<4x2000x128xf32, #tpu.memory_space<vmem>>, vector<4x2000x128xf32>
    %reduce_sum3A = arith.constant dense<0.000000e+00> : vector<2000x128xf32>
    %reduce_sum3A_3 = vector.multi_reduction <add>, %get3A_2, %reduce_sum3A [0] : vector<4x2000x128xf32> to vector<2000x128xf32>
    %get3A_4 = arith.constant 0 : index
    %get3A_5 = arith.constant 0 : index
    %get3A_6 = arith.constant 0 : index
    %get3A_7 = vector.load %arg6[%get3A_4, %get3A_5, %get3A_6] : memref<4x2000x16xf32, #tpu.memory_space<vmem>>, vector<4x2000x16xf32>
    %reduce_sum3A_8 = arith.constant dense<0.000000e+00> : vector<2000x16xf32>
    %reduce_sum3A_9 = vector.multi_reduction <add>, %get3A_7, %reduce_sum3A_8 [0] : vector<4x2000x16xf32> to vector<2000x16xf32>
    %iota3A = tpu.iota {dimensions = array<i32: 1>} : vector<1x16xi32>
    %eq3A = arith.constant 8 : i32
    %eq3A_10 = vector.broadcast %eq3A : i32 to vector<1x16xi32>
    %eq3A_11 = arith.cmpi eq, %iota3A, %eq3A_10 : vector<1x16xi32>
    %jit3A = arith.constant 0.000000e+00 : f32
    %broadcast_in_dim3A = vector.shape_cast %eq3A_11 : vector<1x16xi1> to vector<1x16xi1>
    %broadcast_in_dim3A_12 = vector.broadcast %broadcast_in_dim3A : vector<1x16xi1> to vector<2000x16xi1>
    %broadcast_in_dim3A_13 = vector.broadcast %jit3A : f32 to vector<2000x16xf32>
    %select_n3A = arith.select %broadcast_in_dim3A_12, %reduce_sum3A_9, %broadcast_in_dim3A_13 : vector<2000x16xi1>, vector<2000x16xf32>
    %reduce_sum3A_14 = arith.constant dense<0.000000e+00> : vector<2000xf32>
    %reduce_sum3A_15 = vector.multi_reduction <add>, %select_n3A, %reduce_sum3A_14 [1] : vector<2000x16xf32> to vector<2000xf32>
    %broadcast_in_dim3A_16 = vector.shape_cast %reduce_sum3A_15 : vector<2000xf32> to vector<2000x1xf32>
    %jit3A_17 = arith.constant 1.000000e+00 : f32
    %max3A = vector.broadcast %jit3A_17 : f32 to vector<2000x1xf32>
    %max3A_18 = arith.maximumf %max3A, %broadcast_in_dim3A_16 : vector<2000x1xf32>
    %div3A = vector.broadcast %max3A_18 : vector<2000x1xf32> to vector<2000x16xf32>
    %div3A_19 = arith.divf %reduce_sum3A_9, %div3A : vector<2000x16xf32>
    %lt3A = arith.constant 3 : i32
    %lt3A_20 = vector.broadcast %lt3A : i32 to vector<1x16xi32>
    %lt3A_21 = arith.cmpi slt, %iota3A, %lt3A_20 : vector<1x16xi32>
    %jit3A_22 = arith.constant 0.000000e+00 : f32
    %broadcast_in_dim3A_23 = vector.shape_cast %lt3A_21 : vector<1x16xi1> to vector<1x16xi1>
    %broadcast_in_dim3A_24 = vector.broadcast %broadcast_in_dim3A_23 : vector<1x16xi1> to vector<2000x16xi1>
    %broadcast_in_dim3A_25 = vector.broadcast %jit3A_22 : f32 to vector<2000x16xf32>
    %select_n3A_26 = arith.select %broadcast_in_dim3A_24, %div3A_19, %broadcast_in_dim3A_25 : vector<2000x16xi1>, vector<2000x16xf32>
    %get3A_27 = arith.constant 0 : index
    %get3A_28 = arith.constant 0 : index
    %get3A_29 = vector.load %arg1[%get3A_27, %get3A_28] : memref<2000x128xf32, #tpu.memory_space<vmem>>, vector<2000x128xf32>
    %get3A_30 = arith.constant 0 : index
    %get3A_31 = arith.constant 0 : index
    %get3A_32 = vector.load %arg7[%get3A_30, %get3A_31] : memref<128x128xf32, #tpu.memory_space<vmem>>, vector<128x128xf32>
    %dot_general3A = arith.constant dense<0.000000e+00> : vector<2000x128xf32>
    %dot_general3A_33 = tpu.matmul %get3A_29, %get3A_32, %dot_general3A {dimension_numbers = #tpu.dot_dimension_numbers<[1], [0], [0], [1], [0, 0, 1, 1], [], []>, transpose_lhs_hint = false} : vector<2000x128xf32>, vector<128x128xf32>, vector<2000x128xf32> -> vector<2000x128xf32>
    %get3A_34 = arith.constant 0 : index
    %get3A_35 = arith.constant 0 : index
    %get3A_36 = vector.load %arg8[%get3A_34, %get3A_35] : memref<1x128xf32, #tpu.memory_space<vmem>>, vector<1x128xf32>
    %add3A = vector.broadcast %get3A_36 : vector<1x128xf32> to vector<2000x128xf32>
    %add3A_37 = arith.addf %dot_general3A_33, %add3A : vector<2000x128xf32>
    %logistic3A = arith.negf %add3A_37 : vector<2000x128xf32>
    %logistic3A_38 = math.exp %logistic3A : vector<2000x128xf32>
    %logistic3A_39 = arith.constant 1.000000e+00 : f32
    %logistic3A_40 = vector.broadcast %logistic3A_39 : f32 to vector<2000x128xf32>
    %logistic3A_41 = arith.addf %logistic3A_40, %logistic3A_38 : vector<2000x128xf32>
    %logistic3A_42 = arith.divf %logistic3A_40, %logistic3A_41 : vector<2000x128xf32>
    %mul3A = arith.mulf %add3A_37, %logistic3A_42 : vector<2000x128xf32>
    %get3A_43 = arith.constant 0 : index
    %get3A_44 = arith.constant 0 : index
    %get3A_45 = vector.load %arg9[%get3A_43, %get3A_44] : memref<128x1xf32, #tpu.memory_space<vmem>>, vector<128x1xf32>
    %dot_general3A_46 = arith.constant dense<0.000000e+00> : vector<2000x1xf32>
    %dot_general3A_47 = tpu.matmul %mul3A, %get3A_45, %dot_general3A_46 {dimension_numbers = #tpu.dot_dimension_numbers<[1], [0], [0], [1], [0, 0, 1, 1], [], []>, transpose_lhs_hint = false} : vector<2000x128xf32>, vector<128x1xf32>, vector<2000x1xf32> -> vector<2000x1xf32>
    %get3A_48 = arith.constant 0 : index
    %get3A_49 = arith.constant 0 : index
    %get3A_50 = vector.load %arg10[%get3A_48, %get3A_49] : memref<1x1xf32, #tpu.memory_space<vmem>>, vector<1x1xf32>
    %add3A_51 = vector.broadcast %get3A_50 : vector<1x1xf32> to vector<2000x1xf32>
    %add3A_52 = arith.addf %dot_general3A_47, %add3A_51 : vector<2000x1xf32>
    %get3A_53 = arith.constant 0 : index
    %get3A_54 = arith.constant 0 : index
    %get3A_55 = vector.load %arg11[%get3A_53, %get3A_54] : memref<128x128xf32, #tpu.memory_space<vmem>>, vector<128x128xf32>
    %dot_general3A_56 = arith.constant dense<0.000000e+00> : vector<2000x128xf32>
    %dot_general3A_57 = tpu.matmul %get3A_29, %get3A_55, %dot_general3A_56 {dimension_numbers = #tpu.dot_dimension_numbers<[1], [0], [0], [1], [0, 0, 1, 1], [], []>, transpose_lhs_hint = false} : vector<2000x128xf32>, vector<128x128xf32>, vector<2000x128xf32> -> vector<2000x128xf32>
    %get3A_58 = arith.constant 0 : index
    %get3A_59 = arith.constant 0 : index
    %get3A_60 = vector.load %arg12[%get3A_58, %get3A_59] : memref<128x128xf32, #tpu.memory_space<vmem>>, vector<128x128xf32>
    %dot_general3A_61 = arith.constant dense<0.000000e+00> : vector<2000x128xf32>
    %dot_general3A_62 = tpu.matmul %reduce_sum3A_3, %get3A_60, %dot_general3A_61 {dimension_numbers = #tpu.dot_dimension_numbers<[1], [0], [0], [1], [0, 0, 1, 1], [], []>, transpose_lhs_hint = false} : vector<2000x128xf32>, vector<128x128xf32>, vector<2000x128xf32> -> vector<2000x128xf32>
    %add3A_63 = arith.addf %dot_general3A_57, %dot_general3A_62 : vector<2000x128xf32>
    %get3A_64 = arith.constant 0 : index
    %get3A_65 = arith.constant 0 : index
    %get3A_66 = vector.load %arg13[%get3A_64, %get3A_65] : memref<1x128xf32, #tpu.memory_space<vmem>>, vector<1x128xf32>
    %add3A_67 = vector.broadcast %get3A_66 : vector<1x128xf32> to vector<2000x128xf32>
    %add3A_68 = arith.addf %add3A_63, %add3A_67 : vector<2000x128xf32>
    %logistic3A_69 = arith.negf %add3A_68 : vector<2000x128xf32>
    %logistic3A_70 = math.exp %logistic3A_69 : vector<2000x128xf32>
    %logistic3A_71 = arith.constant 1.000000e+00 : f32
    %logistic3A_72 = vector.broadcast %logistic3A_71 : f32 to vector<2000x128xf32>
    %logistic3A_73 = arith.addf %logistic3A_72, %logistic3A_70 : vector<2000x128xf32>
    %logistic3A_74 = arith.divf %logistic3A_72, %logistic3A_73 : vector<2000x128xf32>
    %mul3A_75 = arith.mulf %add3A_68, %logistic3A_74 : vector<2000x128xf32>
    %get3A_76 = arith.constant 0 : index
    %get3A_77 = arith.constant 0 : index
    %get3A_78 = vector.load %arg14[%get3A_76, %get3A_77] : memref<128x128xf32, #tpu.memory_space<vmem>>, vector<128x128xf32>
    %dot_general3A_79 = arith.constant dense<0.000000e+00> : vector<2000x128xf32>
    %dot_general3A_80 = tpu.matmul %mul3A_75, %get3A_78, %dot_general3A_79 {dimension_numbers = #tpu.dot_dimension_numbers<[1], [0], [0], [1], [0, 0, 1, 1], [], []>, transpose_lhs_hint = false} : vector<2000x128xf32>, vector<128x128xf32>, vector<2000x128xf32> -> vector<2000x128xf32>
    %get3A_81 = arith.constant 0 : index
    %get3A_82 = arith.constant 0 : index
    %get3A_83 = vector.load %arg15[%get3A_81, %get3A_82] : memref<1x128xf32, #tpu.memory_space<vmem>>, vector<1x128xf32>
    %add3A_84 = vector.broadcast %get3A_83 : vector<1x128xf32> to vector<2000x128xf32>
    %add3A_85 = arith.addf %dot_general3A_80, %add3A_84 : vector<2000x128xf32>
    %exp3A = math.exp %add3A_52 : vector<2000x1xf32>
    %get3A_86 = arith.constant 0 : index
    %get3A_87 = arith.constant 0 : index
    %get3A_88 = vector.load %arg3[%get3A_86, %get3A_87] : memref<2000x16xf32, #tpu.memory_space<vmem>>, vector<2000x16xf32>
    %mul3A_89 = vector.broadcast %exp3A : vector<2000x1xf32> to vector<2000x16xf32>
    %mul3A_90 = arith.mulf %mul3A_89, %get3A_88 : vector<2000x16xf32>
    %mul3A_91 = arith.constant 1.000000e-03 : f32
    %mul3A_92 = vector.broadcast %mul3A_91 : f32 to vector<2000x16xf32>
    %mul3A_93 = arith.mulf %select_n3A_26, %mul3A_92 : vector<2000x16xf32>
    %add3A_94 = arith.addf %mul3A_90, %mul3A_93 : vector<2000x16xf32>
    %get3A_95 = arith.constant 0 : index
    %get3A_96 = arith.constant 0 : index
    %get3A_97 = vector.load %arg4[%get3A_95, %get3A_96] : memref<2000x16xf32, #tpu.memory_space<vmem>>, vector<2000x16xf32>
    %mul3A_98 = arith.constant 1.000000e-03 : f32
    %mul3A_99 = vector.broadcast %mul3A_98 : f32 to vector<2000x16xf32>
    %mul3A_100 = arith.mulf %add3A_94, %mul3A_99 : vector<2000x16xf32>
    %add3A_101 = arith.addf %get3A_97, %mul3A_100 : vector<2000x16xf32>
    %swap3A = arith.constant 0 : index
    %swap3A_102 = arith.constant 0 : index
    %swap3A_103 = vector.load %arg19[%swap3A, %swap3A_102] : memref<2000x16xf32, #tpu.memory_space<vmem>>, vector<2000x16xf32>
    tpu.vector_store %arg19[%swap3A, %swap3A_102], %add3A_101 {strides = array<i32>} : memref<2000x16xf32, #tpu.memory_space<vmem>>, vector<2000x16xf32>,
    %swap3A_104 = arith.constant 0 : index
    %swap3A_105 = arith.constant 0 : index
    %swap3A_106 = vector.load %arg18[%swap3A_104, %swap3A_105] : memref<2000x16xf32, #tpu.memory_space<vmem>>, vector<2000x16xf32>
    tpu.vector_store %arg18[%swap3A_104, %swap3A_105], %add3A_94 {strides = array<i32>} : memref<2000x16xf32, #tpu.memory_space<vmem>>, vector<2000x16xf32>,
    %get3A_107 = arith.constant 0 : index
    %get3A_108 = arith.constant 0 : index
    %get3A_109 = vector.load %arg2[%get3A_107, %get3A_108] : memref<2000x128xf32, #tpu.memory_space<vmem>>, vector<2000x128xf32>
    %mul3A_110 = arith.constant 1.000000e-03 : f32
    %mul3A_111 = vector.broadcast %mul3A_110 : f32 to vector<2000x128xf32>
    %mul3A_112 = arith.mulf %add3A_85, %mul3A_111 : vector<2000x128xf32>
    %add3A_113 = arith.addf %get3A_109, %mul3A_112 : vector<2000x128xf32>
    %swap3A_114 = arith.constant 0 : index
    %swap3A_115 = arith.constant 0 : index
    %swap3A_116 = vector.load %arg17[%swap3A_114, %swap3A_115] : memref<2000x128xf32, #tpu.memory_space<vmem>>, vector<2000x128xf32>
    tpu.vector_store %arg17[%swap3A_114, %swap3A_115], %add3A_113 {strides = array<i32>} : memref<2000x128xf32, #tpu.memory_space<vmem>>, vector<2000x128xf32>,
    %mul3A_117 = arith.constant 1.000000e-03 : f32
    %mul3A_118 = vector.broadcast %mul3A_117 : f32 to vector<2000x128xf32>
    %mul3A_119 = arith.mulf %add3A_113, %mul3A_118 : vector<2000x128xf32>
    %add3A_120 = arith.addf %get3A_29, %mul3A_119 : vector<2000x128xf32>
    %swap3A_121 = arith.constant 0 : index
    %swap3A_122 = arith.constant 0 : index
    %swap3A_123 = vector.load %arg16[%swap3A_121, %swap3A_122] : memref<2000x128xf32, #tpu.memory_space<vmem>>, vector<2000x128xf32>
    tpu.vector_store %arg16[%swap3A_121, %swap3A_122], %add3A_120 {strides = array<i32>} : memref<2000x128xf32, #tpu.memory_space<vmem>>, vector<2000x128xf32>,
    %eq3A_124 = arith.constant 0 : i32
    %eq3A_125 = arith.cmpi eq, %arg0, %eq3A_124 : i32
    %convert_element_type3A = arith.extui %eq3A_125 : i1 to i32
    %cond3A = arith.constant 0 : i32
    %cond3A_126 = arith.cmpi ne, %convert_element_type3A, %cond3A : i32
    scf.if %cond3A_126 {
      %broadcast_in_dim3A_140 = arith.constant 0.000000e+00 : f32
      %broadcast_in_dim3A_141 = vector.broadcast %broadcast_in_dim3A_140 : f32 to vector<1x1xf32>
      %swap3A_142 = arith.constant 0 : index
      %swap3A_143 = arith.constant 0 : index
      %swap3A_144 = vector.load %arg20[%swap3A_142, %swap3A_143] : memref<1x1xf32, #tpu.memory_space<vmem>>, vector<1x1xf32>
      tpu.vector_store %arg20[%swap3A_142, %swap3A_143], %broadcast_in_dim3A_141 {strides = array<i32>} : memref<1x1xf32, #tpu.memory_space<vmem>>, vector<1x1xf32>,
    } else {
    }
    %get3A_127 = arith.constant 0 : index
    %get3A_128 = arith.constant 0 : index
    %get3A_129 = vector.load %arg20[%get3A_127, %get3A_128] : memref<1x1xf32, #tpu.memory_space<vmem>>, vector<1x1xf32>
    %reduce_sum3A_130 = vector.shape_cast %add3A_52 : vector<2000x1xf32> to vector<1x2000x1xf32>
    %reduce_sum3A_131 = arith.constant dense<0.000000e+00> : vector<1xf32>
    %reduce_sum3A_132 = vector.multi_reduction <add>, %reduce_sum3A_130, %reduce_sum3A_131 [1, 2] : vector<1x2000x1xf32> to vector<1xf32>
    %reduce_sum3A_133 = vector.shape_cast %reduce_sum3A_132 : vector<1xf32> to vector<1x1x1xf32>
    %reduce_sum3A_134 = vector.extract %reduce_sum3A_133[0, 0, 0] : f32 from vector<1x1x1xf32>
    %add3A_135 = vector.broadcast %reduce_sum3A_134 : f32 to vector<1x1xf32>
    %add3A_136 = arith.addf %get3A_129, %add3A_135 : vector<1x1xf32>
    %swap3A_137 = arith.constant 0 : index
    %swap3A_138 = arith.constant 0 : index
    %swap3A_139 = vector.load %arg20[%swap3A_137, %swap3A_138] : memref<1x1xf32, #tpu.memory_space<vmem>>, vector<1x1xf32>
    tpu.vector_store %arg20[%swap3A_137, %swap3A_138], %add3A_136 {strides = array<i32>} : memref<1x1xf32, #tpu.memory_space<vmem>>, vector<1x1xf32>,
    return
  }
  func.func @transform_0(%arg0: i32) -> (i32, i32) {
    %c0_i32 = arith.constant 0 : i32
    %c0_i32_0 = arith.constant 0 : i32
    return %arg0, %c0_i32 : i32, i32
  }
  func.func @transform_1(%arg0: i32) -> (i32, i32) {
    %c0_i32 = arith.constant 0 : i32
    %c0_i32_0 = arith.constant 0 : i32
    return %arg0, %c0_i32 : i32, i32
  }
  func.func @transform_2(%arg0: i32) -> (i32, i32) {
    %c0_i32 = arith.constant 0 : i32
    %c0_i32_0 = arith.constant 0 : i32
    return %arg0, %c0_i32 : i32, i32
  }
  func.func @transform_3(%arg0: i32) -> (i32, i32) {
    %c0_i32 = arith.constant 0 : i32
    %c0_i32_0 = arith.constant 0 : i32
    return %arg0, %c0_i32 : i32, i32
  }
  func.func @transform_4(%arg0: i32) -> (i32, i32, i32) {
    %c0_i32 = arith.constant 0 : i32
    %c0_i32_0 = arith.constant 0 : i32
    %c0_i32_1 = arith.constant 0 : i32
    return %c0_i32, %arg0, %c0_i32_0 : i32, i32, i32
  }
  func.func @transform_5(%arg0: i32) -> (i32, i32, i32) {
    %c0_i32 = arith.constant 0 : i32
    %c0_i32_0 = arith.constant 0 : i32
    %c0_i32_1 = arith.constant 0 : i32
    return %c0_i32, %arg0, %c0_i32_0 : i32, i32, i32
  }
  func.func @transform_6(%arg0: i32) -> (i32, i32) {
    %c0_i32 = arith.constant 0 : i32
    %c0_i32_0 = arith.constant 0 : i32
    %c0_i32_1 = arith.constant 0 : i32
    return %c0_i32, %c0_i32_0 : i32, i32
  }
  func.func @transform_7(%arg0: i32) -> (i32, i32) {
    %c0_i32 = arith.constant 0 : i32
    %c0_i32_0 = arith.constant 0 : i32
    %c0_i32_1 = arith.constant 0 : i32
    return %c0_i32, %c0_i32_0 : i32, i32
  }
  func.func @transform_8(%arg0: i32) -> (i32, i32) {
    %c0_i32 = arith.constant 0 : i32
    %c0_i32_0 = arith.constant 0 : i32
    %c0_i32_1 = arith.constant 0 : i32
    return %c0_i32, %c0_i32_0 : i32, i32
  }
  func.func @transform_9(%arg0: i32) -> (i32, i32) {
    %c0_i32 = arith.constant 0 : i32
    %c0_i32_0 = arith.constant 0 : i32
    %c0_i32_1 = arith.constant 0 : i32
    return %c0_i32, %c0_i32_0 : i32, i32
  }
  func.func @transform_10(%arg0: i32) -> (i32, i32) {
    %c0_i32 = arith.constant 0 : i32
    %c0_i32_0 = arith.constant 0 : i32
    %c0_i32_1 = arith.constant 0 : i32
    return %c0_i32, %c0_i32_0 : i32, i32
  }
  func.func @transform_11(%arg0: i32) -> (i32, i32) {
    %c0_i32 = arith.constant 0 : i32
    %c0_i32_0 = arith.constant 0 : i32
    %c0_i32_1 = arith.constant 0 : i32
    return %c0_i32, %c0_i32_0 : i32, i32
  }
  func.func @transform_12(%arg0: i32) -> (i32, i32) {
    %c0_i32 = arith.constant 0 : i32
    %c0_i32_0 = arith.constant 0 : i32
    %c0_i32_1 = arith.constant 0 : i32
    return %c0_i32, %c0_i32_0 : i32, i32
  }
  func.func @transform_13(%arg0: i32) -> (i32, i32) {
    %c0_i32 = arith.constant 0 : i32
    %c0_i32_0 = arith.constant 0 : i32
    %c0_i32_1 = arith.constant 0 : i32
    return %c0_i32, %c0_i32_0 : i32, i32
  }
  func.func @transform_14(%arg0: i32) -> (i32, i32) {
    %c0_i32 = arith.constant 0 : i32
    %c0_i32_0 = arith.constant 0 : i32
    %c0_i32_1 = arith.constant 0 : i32
    return %c0_i32, %c0_i32_0 : i32, i32
  }
  func.func @transform_15(%arg0: i32) -> (i32, i32) {
    %c0_i32 = arith.constant 0 : i32
    %c0_i32_0 = arith.constant 0 : i32
    return %arg0, %c0_i32 : i32, i32
  }
  func.func @transform_16(%arg0: i32) -> (i32, i32) {
    %c0_i32 = arith.constant 0 : i32
    %c0_i32_0 = arith.constant 0 : i32
    return %arg0, %c0_i32 : i32, i32
  }
  func.func @transform_17(%arg0: i32) -> (i32, i32) {
    %c0_i32 = arith.constant 0 : i32
    %c0_i32_0 = arith.constant 0 : i32
    return %arg0, %c0_i32 : i32, i32
  }
  func.func @transform_18(%arg0: i32) -> (i32, i32) {
    %c0_i32 = arith.constant 0 : i32
    %c0_i32_0 = arith.constant 0 : i32
    return %arg0, %c0_i32 : i32, i32
  }
  func.func @transform_19(%arg0: i32) -> (i32, i32) {
    %c0_i32 = arith.constant 0 : i32
    %c0_i32_0 = arith.constant 0 : i32
    %c0_i32_1 = arith.constant 0 : i32
    return %c0_i32, %c0_i32_0 : i32, i32
  }
}

</mosaic_0001>

<sc_bundles>
// kernel: kernel.18.cloned.1.call-start
scs
__scs_entry_jumppad:
0x0: {  	(pc) =	sbr.rel $0x88, $3  }
0x1: {  	(tag) =	ssettag $0x0;
	lr =	simm.s32 $0x1  }
0x2: {  	[smem:$0x3F8D] =	sst lr;
	_ =	strace $0xD0000000  }
0x3: {  	_ = 	snop  }
0x4: {  	_ = 	snop  }
0x5: {  	_ = 	snop  }
0x6: {  	_ = 	snop  }
0x7: {  	_ = 	snop  }
__scs_overlays_trampoline_lowered:
0x8: {  	[smem:$0x3F9C] =	sst s0  }
0x9: {  	[smem:$0x3F9D] =	sst s1  }
0xa: {  	[smem:$0x3F9E] =	sst s2  }
0xb: {  	[smem:$0x3F9F] =	sst s3  }
0xc: {  	[smem:$0x3FA0] =	sst s4  }
0xd: {  	[smem:$0x3FA1] =	sst s5  }
0xe: {  	[smem:$0x3FA2] =	sst s6  }
0xf: {  	[smem:$0x3FA3] =	sst s7  }
0x10: {  	[smem:$0x3FA4] =	sst s8  }
0x11: {  	[smem:$0x3FA5] =	sst s9;
	s0 =	simm.s32 @!p0 $0x0  }
0x12: {  	s1 =	sld [smem:$0x3F8B];
	s0 =	simm.s32 @p0 $0x1  }
0x13: {  	[smem:$0x3FA6] =	sst s0;
	s0 =	simm.s32 @!p1 $0x0  }
0x14: {  	s2 =	sld [smem:$0x3F8A];
	s0 =	simm.s32 @p1 $0x1  }
0x15: {  	[smem:$0x3FA7] =	sst s0;
	s0 =	simm.s32 @!p2 $0x0  }
0x16: {  	s3 =	sld [smem:$0x3FDB];
	s0 =	simm.s32 @p2 $0x1  }
0x17: {  	s4 =	simm.s32 $0x1BF5;
	[smem:$0x3FA9] =	sst s0  }
0x18: {  	s0 =	sld [smem:$0x3F8C];
	_ =	swait.ge [sflag:s4], $0x0  }
0x19: {  	s7 =	sld [smem:$0x3F8D]  }
0x1a: {  	s8 =	sadd.s32 $0xFFFFE003, lr  }
0x1b: {  	s9 =	sadd.s32 $0xFFFFFEF7, lr;
	s5 =	simm.s32 $0xFFFFFFFF;
	p2 =	slt.u32 s8, $0xFFFFF086  }
0x1c: {  	p1 =	slt.u32 s9, $0xF7A;
	s5 =	simm.s32 @!p2 $0x0  }
0x1d: {  	s5 =	simm.s32 @p1 $0x1;
	p0 =	seq.s32 s7, s2  }
0x1e: {  	s7 =	smul.u32 @!p0 $0xF7A, s2;
	p2 =	seq.s32 @!p0 s5, $0x0  }
0x1f: {  	s9 =	smul.u32 $0xF7A, s1;
	s8 =	simm.s32 @!p0 $0x1BF5;
	p2 =	por !p2, p0  }
0x20: {  	[sflag:s8] =	ssyncset.s32 @!p0 $0xFFFFF086;
	s6 =	sadd.s32 @!p0 s3, s7;
	s7 =	simm.s32 @!p0 $0x108  }
0x21: {  	s3 =	sadd.s32 s3, s9;
	s6 =	sadd.s32 @!p0 $0x88, s6;
	s7 =	simm.s32 @p2 $0x1082  }
0x22: {  	[simem:s7], [sflag:s8] =	dma.local @!p0 [hbm:s6], $0xF7A  }
0x23: {  	s9 =	sor.u32 $0xD0000000, s2;
	s6 =	simm.s32 $0x108;
	_ =	swait.ge @!p0 [sflag:s8], $0x0  }
0x24: {  	s3 =	sadd.s32 $0x88, s3;
	s6 =	simm.s32 @!p1 $0x1082;
	[sflag:s4] =	ssyncset.s32 $0xFFFFF086  }
0x25: {  	[simem:s6], [sflag:s4] =	dma.local [hbm:s3], $0xF7A  }
0x26: {  	[smem:$0x3F8D] =	sst s1;
	(tag) =	ssettag s2;
	_ =	strace s9  }
0x27: {  	s1 =	sld [smem:$0x3F9D]  }
0x28: {  	s2 =	sld [smem:$0x3F9E]  }
0x29: {  	s4 =	sld [smem:$0x3FA0]  }
0x2a: {  	p0 =	seq.s32 s5, $0x0;
	s5 =	sld [smem:$0x3FA1]  }
0x2b: {  	s6 =	sld [smem:$0x3FA2]  }
0x2c: {  	s7 =	sld [smem:$0x3FA3]  }
0x2d: {  	s3 =	simm.s32 $0x108;
	s8 =	sld [smem:$0x3FA4]  }
0x2e: {  	s3 =	simm.s32 @!p0 $0x1082;
	s9 =	sld [smem:$0x3FA5]  }
0x2f: {  	lr =	sadd.s32 s0, s3;
	s0 =	sld [smem:$0x3F9C]  }
0x30: {  	s3 =	sld [smem:$0x3F9F]  }
0x31: {  	[smem:$0x3FA8] =	sst s10  }
0x32: {  	s10 =	sld [smem:$0x3FA6];
	_ =	sdelay $0x3  }
0x33: {  	p0 =	seq.s32 s10, $0x1;
	s10 =	sld [smem:$0x3FA8];
	_ =	sdelay $0x3  }
0x34: {  	[smem:$0x3FA8] =	sst s10  }
0x35: {  	s10 =	sld [smem:$0x3FA7];
	_ =	sdelay $0x3  }
0x36: {  	p1 =	seq.s32 s10, $0x1;
	s10 =	sld [smem:$0x3FA8];
	_ =	sdelay $0x3  }
0x37: {  	[smem:$0x3FA8] =	sst s10  }
0x38: {  	s10 =	sld [smem:$0x3FA9]  }
0x39: {  	_ = 	snop;
	(pc) =	sbr.ind lr, $3  }
0x3a: {  	_ = 	snop  }
0x3b: {  	_ = 	snop  }
0x3c: {  	p2 =	seq.s32 s10, $0x1;
	s10 =	sld [smem:$0x3FA8]  }
0x3d: {  	_ =	shalt  }
0x3e: {  	_ =	shalt  }
0x3f: {  	_ =	shalt  }
0x40: {  	_ =	shalt  }
0x41: {  	_ =	shalt  }
0x42: {  	_ =	shalt  }
0x43: {  	_ =	shalt  }
0x44: {  	_ =	shalt  }
0x45: {  	_ =	shalt  }
0x46: {  	_ =	shalt  }
0x47: {  	_ =	shalt  }
0x48: {  	_ =	shalt  }
0x49: {  	_ =	shalt  }
0x4a: {  	_ =	shalt  }
0x4b: {  	_ =	shalt  }
0x4c: {  	_ =	shalt  }
0x4d: {  	_ =	shalt  }
0x4e: {  	_ =	shalt  }
0x4f: {  	_ =	shalt  }
0x50: {  	_ =	shalt  }
0x51: {  	_ =	shalt  }
0x52: {  	_ =	shalt  }
0x53: {  	_ =	shalt  }
0x54: {  	_ =	shalt  }
0x55: {  	_ =	shalt  }
0x56: {  	_ =	shalt  }
0x57: {  	_ =	shalt  }
0x58: {  	_ =	shalt  }
0x59: {  	_ =	shalt  }
0x5a: {  	_ =	shalt  }
0x5b: {  	_ =	shalt  }
0x5c: {  	_ =	shalt  }
0x5d: {  	_ =	shalt  }
0x5e: {  	_ =	shalt  }
0x5f: {  	_ =	shalt  }
0x60: {  	_ =	shalt  }
0x61: {  	_ =	shalt  }
0x62: {  	_ =	shalt  }
0x63: {  	_ =	shalt  }
0x64: {  	_ =	shalt  }
0x65: {  	_ =	shalt  }
0x66: {  	_ =	shalt  }
0x67: {  	_ =	shalt  }
0x68: {  	_ =	shalt  }
0x69: {  	_ =	shalt  }
0x6a: {  	_ =	shalt  }
0x6b: {  	_ =	shalt  }
0x6c: {  	_ =	shalt  }
0x6d: {  	_ =	shalt  }
0x6e: {  	_ =	shalt  }
0x6f: {  	_ =	shalt  }
0x70: {  	_ =	shalt  }
0x71: {  	_ =	shalt  }
0x72: {  	_ =	shalt  }
0x73: {  	_ =	shalt  }
0x74: {  	_ =	shalt  }
0x75: {  	_ =	shalt  }
0x76: {  	_ =	shalt  }
0x77: {  	_ =	shalt  }
0x78: {  	_ =	shalt  }
0x79: {  	_ =	shalt  }
0x7a: {  	_ =	shalt  }
0x7b: {  	_ =	shalt  }
0x7c: {  	_ =	shalt  }
0x7d: {  	_ =	shalt  }
0x7e: {  	_ =	shalt  }
0x7f: {  	_ =	shalt  }
0x80: {  	_ =	shalt  }
0x81: {  	_ =	shalt  }
0x82: {  	_ =	shalt  }
0x83: {  	_ =	shalt  }
0x84: {  	_ =	shalt  }
0x85: {  	_ =	shalt  }
0x86: {  	_ =	shalt  }
0x87: {  	_ =	shalt  }
.Lfunc_end0:
.L_simem_size_0:
called_computation_lowered:
.L_overlay_start_0:
0x88: {  	s2 =	sld [smem:$0x3FD9]  }
0x89: {  	s3 =	sld [smem:$0x3FFE];
	_ =	sdelay $0x1  }
0x8a: {  	s1 =	srdreg.scid  }
0x8b: {  	s0 =	sand.u32 $0x1, s1  }
0x8c: {  	s15 =	sshll.u32 s0, $0xA;
	s2 =	sadd.s32 s3, s2  }
0x8d: {  	s2 =	sadd.s32 s2, s15  }
0x8e: {  	[smem:$0x3FB4] =	sst s2  }
0x8f: {  	_ = 	snop  }
0x90: {  	s2 =	sld [smem:$0x3FD0];
	_ =	sdelay $0x2  }
0x91: {  	s16 =	simm.s32 $0xB;
	s4 =	simm.s32 $0x10  }
0x92: {  	[smem:s4], [sflag:s16] =	dma.local [hbm:s2], $0x1  }
0x93: {  	_ =	swait.eq [sflag:s16], $0x1  }
0x94: {  	[sflag:s16] =	ssyncset.done $0x0  }
0x95: {  	[sflag:s16] =	ssyncadd.s32 $0xFFFFFFFF  }
0x96: {  	s17 =	sld [smem:$0x11];
	(tm) =	ssettm $0x1  }
0x97: {  	s18 =	sld [smem:$0x3FFB];
	_ =	sdelay $0x3  }
0x98: {  	_ =	strace s18  }
0x99: {  	s2 =	sld [smem:$0x3FFC];
	_ =	sdelay $0x3  }
0x9a: {  	_ =	strace s2  }
0x9b: {  	s2 =	sld [smem:$0x3FFD];
	_ =	sdelay $0x3  }
0x9c: {  	_ =	strace s2  }
0x9d: {  	_ =	strace $0x8FFFFFFF  }
0x9e: {  	s19 =	sld [smem:$0x3FDB];
	_ =	sdelay $0x1  }
0x9f: {  	s20 =	simm.s32 $_scs_section_size  }
0xa0: {  	s5 =	simm.s32 $_size__tile_overlayer_lowered;
	s6 =	simm.s32 $_tile_overlayer_lowered  }
0xa1: {  	s7 =	simm.s32 $0x1BFF;
	s21 =	sshll.u32 s6, $0x1;
	s4 =	sadd.s32 s20, s19  }
0xa2: {  	s22 =	simm.s32 $0x0;
	s5 =	sshll.u32 s5, $0x1;
	s6 =	sadd.s32 s21, s4  }
0xa3: {  	[timem:s22], [sflag:s7] =	dma.local [hbm:s6], s5  }
0xa4: {  	_ =	swait.ge [sflag:s7], s5  }
0xa5: {  	s5 =	ssub.s32 $0x0, s5;
	[sflag:s7] =	ssyncset.done $0x0  }
0xa6: {  	[sflag:s7] =	ssyncadd.s32 s5;
	_ =	sdelay $0x1  }
0xa7: {  	s23 =	simm.s32 $0x1B8B  }
0xa8: {  	_ =	swait.ge [sflag:s23], $0x1  }
0xa9: {  	[sflag:s23] =	ssyncset.done $0x0  }
0xaa: {  	[sflag:s23] =	ssyncadd.s32 $0xFFFFFFFF  }
0xab: {  	s5 =	sld [smem:$0x0]  }
0xac: {  	s6 =	sand.u32 $0xFFFFFFFE, s1  }
0xad: {  	p0 =	sne.s32 s1, s6  }
0xae: {  	s6 =	sshll.u32 @p0 s6, $0xE  }
0xaf: {  	s6 =	sadd.s32 @p0 $0x11B8D, s6;
	s7 =	sshll.u32 @p0 s5, $0x11  }
0xb0: {  	s6 =	sor.u32 @p0 s7, s6  }
0xb1: {  	[sflag:s6] =	ssyncadd.remote.s32 @p0 $0x1;
	_ =	sdelay $0x1  }
0xb2: {  	s6 =	simm.s32 @p0 $0x1B8D  }
0xb3: {  	_ =	swait.eq @p0 [sflag:s6], $0x1  }
0xb4: {  	[sflag:s6] =	ssyncadd.s32 @p0 $0xFFFFFFFF  }
0xb5: {  	s7 =	sshll.u32 @!p0 s1, $0xE  }
0xb6: {  	s7 =	sor.u32 @!p0 $0x4000, s7;
	s6 =	simm.s32 @!p0 $0x1B8D  }
0xb7: {  	s5 =	sshll.u32 @!p0 s5, $0x11;
	s7 =	sadd.s32 @!p0 $0x11B8D, s7;
	_ =	swait.eq @!p0 [sflag:s6], $0x1  }
0xb8: {  	s5 =	sor.u32 @!p0 s5, s7;
	[sflag:s6] =	ssyncadd.s32 @!p0 $0xFFFFFFFF  }
0xb9: {  	s25 =	simm.s32 $0x1B8E;
	s24 =	sld [smem:$0x3FFE];
	[sflag:s5] =	ssyncadd.remote.s32 @!p0 $0x1  }
0xba: {  	s26 =	simm.s32 $execute0_lowered;
	[smem:$0x3FD2] =	sst s25  }
0xbb: {  	s6 =	sshll.u32 s26, $0x1;
	_ =	strace $0x80000049;
	[dreg:$0x1] =	wrdreg $0xFFFFFFFF  }
0xbc: {  	s28 =	simm.s32 $_size_execute0_lowered;
	s4 =	sadd.s32 s4, s6;
	[dreg:$0x0] =	wrdreg $0x0  }
0xbd: {  	s6 =	sshll.u32 s28, $0x1;
	[dreg:$0x2] =	wrdreg s4  }
0xbe: {  	[dreg:$0x3] =	wrdreg s6  }
0xbf: {  	[dreg:$0x4] =	wrdreg $0xC0  }
0xc0: {  	_ =	task [dreg:s22], $0x5FFFF  }
0xc1: {  	[dreg:$0x1] =	wrdreg $0xFFFFFFFF  }
0xc2: {  	[dreg:$0x0] =	wrdreg $0x60  }
0xc3: {  	[dreg:$0x2] =	wrdreg s17  }
0xc4: {  	[dreg:$0x3] =	wrdreg s24  }
0xc5: {  	[dreg:$0x4] =	wrdreg $0x9  }
0xc6: {  	_ =	task.clear_ibuf [dreg:s22], $0x5FFFF;
	_ =	strace $0x90000049  }
0xc7: {  	s29 =	simm.s32 $0x9;
	_ =	strace $0x8000004B  }
0xc8: {  	_ =	swait.ge [sflag:s29], $0x1  }
0xc9: {  	[sflag:s29] =	ssyncadd.s32 $0xFFFFFFFF  }
0xca: {  	_ =	strace $0x9000004B  }
0xcb: {  	_ =	sfence  }
0xcc: {  	s30 =	sld [smem:$0x0];
	_ =	sdelay $0x2  }
0xcd: {  	s31 =	sshll.u32 s1, $0xD;
	s1 =	sshrl.u32 s1, $0x2  }
0xce: {  	s4 =	sand.u32 $0x4000, s31;
	s1 =	sadd.s32 s1, s30  }
0xcf: {  	s0 =	sor.u32 s4, s0;
	s1 =	sshll.u32 s1, $0x11  }
0xd0: {  	s0 =	sor.u32 s1, s0  }
0xd1: {  	s0 =	sadd.s32 $0x8F2B, s0  }
0xd2: {  	[sflag:s0] =	ssyncadd.remote.s32 $0x1  }
0xd3: {  	_ =	sfence.sel $0xFFFF  }
0xd4: {  	[dreg:$0x0] =	wrdreg $0xFFFFFFFF;
	(pc) =	sbr.abs _section_cstart, $3  }
0xd5: {  	[dreg:$0x1] =	wrdreg $0xFFFFFFFF  }
0xd6: {  	_ =	task.clear_ibuf [dreg:s22], $0x2FFFF;
	_ =	strace $0x9FFFFFFF  }
0xd7: {  	(tm) =	ssettm $0x7FFFFFFF  }
tec
execute0_lowered:
.L_overlay_start_1:
0x0: {  	(tag) =	ssettag $0x1  }
0x1: {  	s1 =	rddreg [dreg:$0x0]  }
0x2: {  	s10 =	rddreg [dreg:$0x1]  }
0x3: {  	s0 =	rddreg [dreg:$0x2]  }
0x4: {  	s2 =	simm.s32 $0x0;
	s9 =	srdreg.scid;
	s4 =	stileid.u32  }
0x5: {  	s15 =	simm.s32 $0x80;
	s16 =	simm.s32 $0x100;
	s17 =	simm.s32 $0x4100  }
0x6: {  	s18 =	simm.s32 $0x8100;
	s19 =	simm.s32 $0x8900;
	s20 =	simm.s32 $0x3  }
0x7: {  	s21 =	simm.s32 $0x4;
	s22 =	simm.s32 $0x1;
	s23 =	simm.s32 $0x2  }
0x8: {  	s24 =	simm.s32 $0x0;
	[smem:$0x7FF] =	sst s2;
	s3 =	sadd.s32 $0x17400, s10  }
0x9: {  	s5 =	sadd.s32 $0xD400, s10;
	s6 =	sadd.s32 $0x2D9000, s10;
	s7 =	sadd.s32 $0x2D6800, s10  }
0xa: {  	s8 =	sadd.s32 $0x302A00, s10;
	s11 =	sand.u32 $0x1, s9;
	s12 =	sshll.u32 s4, $0x1  }
0xb: {  	s9 =	sadd.s32 $0x43B200, s10;
	s10 =	sadd.s32 $0x2DB800, s10;
	s13 =	ssub.s32 $0x2, s11  }
0xc: {  	_ =	strace $0x8000004A;
	s11 =	sor.u32 s11, s12;
	s31 =	sshrl.u32 s13, $0x1  }
0xd: {  	s14 =	ssub.s32 $0x290, s11;
	s11 =	sshll.u32 s11, $0x7;
	s13 =	ssub.s32 s13, s31  }
0xe: {  	s12 =	sshrl.u32 s14, $0x5;
	s14 =	simm.s32 $0x5;
	s13 =	smax.u32 s13, $0x1  }
.LBB2_1:
0xf: {  	s25 =	simm.s32 $0x0  }
.LBB2_2:
0x10: {  	s26 =	sshll.u32 s25, $0xC  }
0x11: {  	s26 =	sor.u32 s11, s26  }
0x12: {  	s28 =	sshrl.u32 s26, $0x3  }
0x13: {  	s29 =	sadd.s32 s6, s28  }
0x14: {  	[tilespmem:s2], [sflag:$0x5] =	stream.linear.gather [hbm4b:s29+s2], $0x80, $0x38;
	[tilespmem:$0x9100] =	vst v63  }
0x15: {  	_ =	swait.ge [sflag:s14], $0x80  }
0x16: {  	[sflag:s14] =	ssyncset.done $0x0  }
0x17: {  	s28 =	sadd.s32 s7, s28;
	[sflag:s14] =	ssyncadd.s32 $0xFFFFFF80  }
0x18: {  	[tilespmem:s15], [sflag:$0x5] =	stream.linear.gather [hbm4b:s28+s2], $0x80, $0x38;
	[tilespmem:$0x9100] =	vst v63  }
0x19: {  	_ =	swait.ge [sflag:s14], $0x80  }
0x1a: {  	[sflag:s14] =	ssyncset.done $0x0  }
0x1b: {  	[sflag:s14] =	ssyncadd.s32 $0xFFFFFF80  }
0x1c: {  	[tilespmem:s16], [sflag:$0x1] =	stream.indirect.gather [hbm4b:s1+s15], $0x80, s2, s15, $0xb8;
	[tilespmem:$0x9100] =	vst v63  }
0x1d: {  	_ = 	snop  }
0x1e: {  	[tilespmem:s17], [sflag:$0x2] =	stream.indirect.gather [hbm4b:s3+s15], $0x80, s15, s15, $0xb8;
	[tilespmem:$0x9100] =	vst v63  }
0x1f: {  	_ = 	snop  }
0x20: {  	[tilespmem:s18], [sflag:$0x3] =	stream.indirect.gather [hbm4b:s5+s15], $0x10, s2, s15, $0xb8;
	[tilespmem:$0x9100] =	vst v63  }
0x21: {  	_ = 	snop  }
0x22: {  	[tilespmem:s19], [sflag:$0x4] =	stream.indirect.gather [hbm4b:s5+s15], $0x10, s15, s15, $0xb8;
	[tilespmem:$0x9100] =	vst v63  }
0x23: {  	_ =	swait.ge [sflag:s20], $0x800  }
0x24: {  	[sflag:s20] =	ssyncset.done $0x0  }
0x25: {  	[sflag:s20] =	ssyncadd.s32 $0xFFFFF800  }
0x26: {  	_ =	swait.ge [sflag:s21], $0x800  }
0x27: {  	[sflag:s21] =	ssyncset.done $0x0  }
0x28: {  	s28 =	simm.s32 $0x8120;
	[sflag:s21] =	ssyncadd.s32 $0xFFFFF800  }
0x29: {  	s29 =	simm.s32 $0x8920;
	v0 =	vld [tilespmem:s28+$0xFFFFFFE0]  }
0x2a: {  	v1 =	vld [tilespmem:s29+$0xFFFFFFE0];
	_ =	sdelay $0x4  }
0x2b: {  	v0 =	vsub.f32 v0, v1;
	_ =	sdelay $0x1  }
0x2c: {  	[tilespmem:s28+$0xFFFFFFE0] =	vst v0;
	v0 =	vld [tilespmem:s28+$0xFFFFFFF0]  }
0x2d: {  	v1 =	vld [tilespmem:s29+$0xFFFFFFF0];
	_ =	sdelay $0x4  }
0x2e: {  	v0 =	vsub.f32 v0, v1;
	_ =	sdelay $0x1  }
0x2f: {  	[tilespmem:s28+$0xFFFFFFF0] =	vst v0;
	v0 =	vld [tilespmem:s28+$0x0]  }
0x30: {  	v1 =	vld [tilespmem:s29+$0x0];
	_ =	sdelay $0x4  }
0x31: {  	v0 =	vsub.f32 v0, v1;
	_ =	sdelay $0x1  }
0x32: {  	[tilespmem:s28+$0x0] =	vst v0;
	v0 =	vld [tilespmem:s28+$0x10]  }
0x33: {  	v1 =	vld [tilespmem:s29+$0x10];
	_ =	sdelay $0x4  }
0x34: {  	v0 =	vsub.f32 v0, v1  }
0x35: {  	s30 =	simm.s32 $0x0;
	s31 =	simm.s32 $0x8160  }
.LBB2_3:
0x36: {  	v1 =	vld [tilespmem:s31+$0xFFFFFFE0];
	[tilespmem:s28+$0x10] =	vst v0;
	s29 =	sadd.s32 $0x40, s29;
	s28 =	smov.u32 s31  }
0x37: {  	s30 =	sadd.s32 $0x4, s30;
	v0 =	vld [tilespmem:s29+$0xFFFFFFE0]  }
0x38: {  	p0 =	slt.u32 s30, $0x7C;
	_ =	sdelay $0x3  }
0x39: {  	v0 =	vsub.f32 v1, v0;
	_ =	sdelay $0x1  }
0x3a: {  	[tilespmem:s31+$0xFFFFFFE0] =	vst v0;
	v0 =	vld [tilespmem:s31+$0xFFFFFFF0]  }
0x3b: {  	v1 =	vld [tilespmem:s29+$0xFFFFFFF0];
	_ =	sdelay $0x4  }
0x3c: {  	v0 =	vsub.f32 v0, v1;
	_ =	sdelay $0x1  }
0x3d: {  	[tilespmem:s31+$0xFFFFFFF0] =	vst v0;
	v0 =	vld [tilespmem:s31+$0x0]  }
0x3e: {  	v1 =	vld [tilespmem:s29+$0x0];
	_ =	sdelay $0x4  }
0x3f: {  	v0 =	vsub.f32 v0, v1;
	_ =	sdelay $0x1  }
0x40: {  	[tilespmem:s31+$0x0] =	vst v0;
	v0 =	vld [tilespmem:s31+$0x10]  }
0x41: {  	v1 =	vld [tilespmem:s29+$0x10];
	_ =	sdelay $0x1  }
.Ltmp0:
0x42: {  	(pc) =	sbr.rel @p0 .LBB2_3-.Ltmp0, $3  }
0x43: {  	_ =	sdelay $0x1  }
0x44: {  	v0 =	vsub.f32 v0, v1  }
0x45: {  	s31 =	sadd.s32 $0x40, s31  }
0x46: {  	[tilespmem:s28+$0x10] =	vst v0  }
0x47: {  	_ =	swait.ge [sflag:s22], $0x4000  }
0x48: {  	[sflag:s22] =	ssyncset.done $0x0  }
0x49: {  	[sflag:s22] =	ssyncadd.s32 $0xFFFFC000  }
0x4a: {  	s30 =	sshll.u32 s26, $0x4;
	_ =	swait.ge [sflag:s23], $0x4000  }
0x4b: {  	s28 =	sand.u32 $0x1FFFF800, s30;
	[sflag:s23] =	ssyncset.done $0x0  }
0x4c: {  	s29 =	sadd.s32 s8, s28;
	[sflag:s23] =	ssyncadd.s32 $0xFFFFC000  }
0x4d: {  	[hbm4b:s29+s2] =	stream.linear.scatter [tilespmem:s16], [sflag:$0x5], $0x4000, $0x38;
	[tilespmem:$0x9100] =	vst v63  }
0x4e: {  	_ =	swait.ge [sflag:s14], $0x4000  }
0x4f: {  	[sflag:s14] =	ssyncset.done $0x0  }
0x50: {  	s28 =	sadd.s32 s9, s28;
	[sflag:s14] =	ssyncadd.s32 $0xFFFFC000  }
0x51: {  	[hbm4b:s28+s2] =	stream.linear.scatter [tilespmem:s17], [sflag:$0x5], $0x4000, $0x38;
	[tilespmem:$0x9100] =	vst v63  }
0x52: {  	s31 =	sshll.u32 s26, $0x1;
	s25 =	sadd.s32 $0x1, s25;
	_ =	swait.ge [sflag:s14], $0x4000  }
0x53: {  	s26 =	sand.u32 $0x1FFFFF00, s31;
	p0 =	sne.s32 s25, s12;
	[sflag:s14] =	ssyncset.done $0x0  }
.Ltmp1:
0x54: {  	s26 =	sadd.s32 s10, s26;
	[sflag:s14] =	ssyncadd.s32 $0xFFFFC000;
	(pc) =	sbr.rel @p0 .LBB2_2-.Ltmp1, $4  }
0x55: {  	[hbm4b:s26+s2] =	stream.linear.scatter [tilespmem:s18], [sflag:$0x5], $0x800, $0x38;
	[tilespmem:$0x9100] =	vst v63  }
0x56: {  	_ =	swait.ge [sflag:s14], $0x800  }
0x57: {  	[sflag:s14] =	ssyncset.done $0x0  }
0x58: {  	[sflag:s14] =	ssyncadd.s32 $0xFFFFF800  }
0x59: {  	s24 =	sadd.s32 $0x1, s24  }
0x5a: {  	p0 =	sne.s32 s24, s13  }
.Ltmp2:
0x5b: {  	_ = 	snop;
	(pc) =	sbr.rel @p0 .LBB2_1-.Ltmp2, $1  }
0x5c: {  	_ =	sdelay $0x3  }
0x5d: {  	_ =	sfence.sel $0x180000  }
0x5e: {  	[bflag:$0x0] =	sbarrier.arrive $0xFFFF  }
0x5f: {  	p0 =	sne.s32 s4, $0x0;
	_ =	strace $0x9000004A  }
0x60: {  	s0 =	sadd.s32 @!p0 $0x100000, s0;
	[bflag:$0x2] =	sbarrier.arrive $0xFFFF  }
0x61: {  	[sflag:s0] =	ssyncadd.tile.s32 @!p0 $0x1;
	_ =	shalt  }
.Lfunc_end2:
_tile_overlayer_lowered:
.L_overlay_start_2:
0x62: {  	(tag) =	ssettag $0x2  }
0x63: {  	s0 =	rddreg [dreg:$0x0];
	s2 =	stileid.u32  }
0x64: {  	s1 =	rddreg [dreg:$0x1];
	p0 =	sne.s32 s2, $0x0  }
0x65: {  	s3 =	rddreg [dreg:$0x2];
	[bflag:$0x3] =	sbarrier.arrive $0xFFFF;
	s2 =	simm.s32 @!p0 $0x1C05  }
0x66: {  	[timem:s3], [sflag:s2] =	dma.local @!p0 [hbm:s0], s1  }
0x67: {  	s0 =	simm.s32 @!p0 $0x5  }
0x68: {  	_ =	swait.ge @!p0 [sflag:s0], s1  }
0x69: {  	s1 =	ssub.s32 @!p0 $0x0, s1;
	[sflag:s0] =	ssyncset.done @!p0 $0x0  }
0x6a: {  	[sflag:s0] =	ssyncadd.s32 @!p0 s1  }
0x6b: {  	[bflag:$0x3] =	sbarrier.arrive $0xFFFF  }
0x6c: {  	_ =	shalt  }

// kernel: kernel.21.cloned.1.call-start
scs
__scs_entry_jumppad:
0x0: {  	(pc) =	sbr.rel $0x88, $3  }
0x1: {  	(tag) =	ssettag $0x0;
	lr =	simm.s32 $0x1  }
0x2: {  	[smem:$0x3F8D] =	sst lr;
	_ =	strace $0xD0000000  }
0x3: {  	_ = 	snop  }
0x4: {  	_ = 	snop  }
0x5: {  	_ = 	snop  }
0x6: {  	_ = 	snop  }
0x7: {  	_ = 	snop  }
__scs_overlays_trampoline_lowered:
0x8: {  	[smem:$0x3F9C] =	sst s0  }
0x9: {  	[smem:$0x3F9D] =	sst s1  }
0xa: {  	[smem:$0x3F9E] =	sst s2  }
0xb: {  	[smem:$0x3F9F] =	sst s3  }
0xc: {  	[smem:$0x3FA0] =	sst s4  }
0xd: {  	[smem:$0x3FA1] =	sst s5  }
0xe: {  	[smem:$0x3FA2] =	sst s6  }
0xf: {  	[smem:$0x3FA3] =	sst s7  }
0x10: {  	[smem:$0x3FA4] =	sst s8  }
0x11: {  	[smem:$0x3FA5] =	sst s9;
	s0 =	simm.s32 @!p0 $0x0  }
0x12: {  	s1 =	sld [smem:$0x3F8B];
	s0 =	simm.s32 @p0 $0x1  }
0x13: {  	[smem:$0x3FA6] =	sst s0;
	s0 =	simm.s32 @!p1 $0x0  }
0x14: {  	s2 =	sld [smem:$0x3F8A];
	s0 =	simm.s32 @p1 $0x1  }
0x15: {  	[smem:$0x3FA7] =	sst s0;
	s0 =	simm.s32 @!p2 $0x0  }
0x16: {  	s3 =	sld [smem:$0x3FDB];
	s0 =	simm.s32 @p2 $0x1  }
0x17: {  	s4 =	simm.s32 $0x1BF5;
	[smem:$0x3FA9] =	sst s0  }
0x18: {  	s0 =	sld [smem:$0x3F8C];
	_ =	swait.ge [sflag:s4], $0x0  }
0x19: {  	s7 =	sld [smem:$0x3F8D]  }
0x1a: {  	s8 =	sadd.s32 $0xFFFFE003, lr  }
0x1b: {  	s9 =	sadd.s32 $0xFFFFFEF7, lr;
	s5 =	simm.s32 $0xFFFFFFFF;
	p2 =	slt.u32 s8, $0xFFFFF086  }
0x1c: {  	p1 =	slt.u32 s9, $0xF7A;
	s5 =	simm.s32 @!p2 $0x0  }
0x1d: {  	s5 =	simm.s32 @p1 $0x1;
	p0 =	seq.s32 s7, s2  }
0x1e: {  	s7 =	smul.u32 @!p0 $0xF7A, s2;
	p2 =	seq.s32 @!p0 s5, $0x0  }
0x1f: {  	s9 =	smul.u32 $0xF7A, s1;
	s8 =	simm.s32 @!p0 $0x1BF5;
	p2 =	por !p2, p0  }
0x20: {  	[sflag:s8] =	ssyncset.s32 @!p0 $0xFFFFF086;
	s6 =	sadd.s32 @!p0 s3, s7;
	s7 =	simm.s32 @!p0 $0x108  }
0x21: {  	s3 =	sadd.s32 s3, s9;
	s6 =	sadd.s32 @!p0 $0x88, s6;
	s7 =	simm.s32 @p2 $0x1082  }
0x22: {  	[simem:s7], [sflag:s8] =	dma.local @!p0 [hbm:s6], $0xF7A  }
0x23: {  	s9 =	sor.u32 $0xD0000000, s2;
	s6 =	simm.s32 $0x108;
	_ =	swait.ge @!p0 [sflag:s8], $0x0  }
0x24: {  	s3 =	sadd.s32 $0x88, s3;
	s6 =	simm.s32 @!p1 $0x1082;
	[sflag:s4] =	ssyncset.s32 $0xFFFFF086  }
0x25: {  	[simem:s6], [sflag:s4] =	dma.local [hbm:s3], $0xF7A  }
0x26: {  	[smem:$0x3F8D] =	sst s1;
	(tag) =	ssettag s2;
	_ =	strace s9  }
0x27: {  	s1 =	sld [smem:$0x3F9D]  }
0x28: {  	s2 =	sld [smem:$0x3F9E]  }
0x29: {  	s4 =	sld [smem:$0x3FA0]  }
0x2a: {  	p0 =	seq.s32 s5, $0x0;
	s5 =	sld [smem:$0x3FA1]  }
0x2b: {  	s6 =	sld [smem:$0x3FA2]  }
0x2c: {  	s7 =	sld [smem:$0x3FA3]  }
0x2d: {  	s3 =	simm.s32 $0x108;
	s8 =	sld [smem:$0x3FA4]  }
0x2e: {  	s3 =	simm.s32 @!p0 $0x1082;
	s9 =	sld [smem:$0x3FA5]  }
0x2f: {  	lr =	sadd.s32 s0, s3;
	s0 =	sld [smem:$0x3F9C]  }
0x30: {  	s3 =	sld [smem:$0x3F9F]  }
0x31: {  	[smem:$0x3FA8] =	sst s10  }
0x32: {  	s10 =	sld [smem:$0x3FA6];
	_ =	sdelay $0x3  }
0x33: {  	p0 =	seq.s32 s10, $0x1;
	s10 =	sld [smem:$0x3FA8];
	_ =	sdelay $0x3  }
0x34: {  	[smem:$0x3FA8] =	sst s10  }
0x35: {  	s10 =	sld [smem:$0x3FA7];
	_ =	sdelay $0x3  }
0x36: {  	p1 =	seq.s32 s10, $0x1;
	s10 =	sld [smem:$0x3FA8];
	_ =	sdelay $0x3  }
0x37: {  	[smem:$0x3FA8] =	sst s10  }
0x38: {  	s10 =	sld [smem:$0x3FA9]  }
0x39: {  	_ = 	snop;
	(pc) =	sbr.ind lr, $3  }
0x3a: {  	_ = 	snop  }
0x3b: {  	_ = 	snop  }
0x3c: {  	p2 =	seq.s32 s10, $0x1;
	s10 =	sld [smem:$0x3FA8]  }
0x3d: {  	_ =	shalt  }
0x3e: {  	_ =	shalt  }
0x3f: {  	_ =	shalt  }
0x40: {  	_ =	shalt  }
0x41: {  	_ =	shalt  }
0x42: {  	_ =	shalt  }
0x43: {  	_ =	shalt  }
0x44: {  	_ =	shalt  }
0x45: {  	_ =	shalt  }
0x46: {  	_ =	shalt  }
0x47: {  	_ =	shalt  }
0x48: {  	_ =	shalt  }
0x49: {  	_ =	shalt  }
0x4a: {  	_ =	shalt  }
0x4b: {  	_ =	shalt  }
0x4c: {  	_ =	shalt  }
0x4d: {  	_ =	shalt  }
0x4e: {  	_ =	shalt  }
0x4f: {  	_ =	shalt  }
0x50: {  	_ =	shalt  }
0x51: {  	_ =	shalt  }
0x52: {  	_ =	shalt  }
0x53: {  	_ =	shalt  }
0x54: {  	_ =	shalt  }
0x55: {  	_ =	shalt  }
0x56: {  	_ =	shalt  }
0x57: {  	_ =	shalt  }
0x58: {  	_ =	shalt  }
0x59: {  	_ =	shalt  }
0x5a: {  	_ =	shalt  }
0x5b: {  	_ =	shalt  }
0x5c: {  	_ =	shalt  }
0x5d: {  	_ =	shalt  }
0x5e: {  	_ =	shalt  }
0x5f: {  	_ =	shalt  }
0x60: {  	_ =	shalt  }
0x61: {  	_ =	shalt  }
0x62: {  	_ =	shalt  }
0x63: {  	_ =	shalt  }
0x64: {  	_ =	shalt  }
0x65: {  	_ =	shalt  }
0x66: {  	_ =	shalt  }
0x67: {  	_ =	shalt  }
0x68: {  	_ =	shalt  }
0x69: {  	_ =	shalt  }
0x6a: {  	_ =	shalt  }
0x6b: {  	_ =	shalt  }
0x6c: {  	_ =	shalt  }
0x6d: {  	_ =	shalt  }
0x6e: {  	_ =	shalt  }
0x6f: {  	_ =	shalt  }
0x70: {  	_ =	shalt  }
0x71: {  	_ =	shalt  }
0x72: {  	_ =	shalt  }
0x73: {  	_ =	shalt  }
0x74: {  	_ =	shalt  }
0x75: {  	_ =	shalt  }
0x76: {  	_ =	shalt  }
0x77: {  	_ =	shalt  }
0x78: {  	_ =	shalt  }
0x79: {  	_ =	shalt  }
0x7a: {  	_ =	shalt  }
0x7b: {  	_ =	shalt  }
0x7c: {  	_ =	shalt  }
0x7d: {  	_ =	shalt  }
0x7e: {  	_ =	shalt  }
0x7f: {  	_ =	shalt  }
0x80: {  	_ =	shalt  }
0x81: {  	_ =	shalt  }
0x82: {  	_ =	shalt  }
0x83: {  	_ =	shalt  }
0x84: {  	_ =	shalt  }
0x85: {  	_ =	shalt  }
0x86: {  	_ =	shalt  }
0x87: {  	_ =	shalt  }
.Lfunc_end0:
.L_simem_size_0:
called_computation.1_lowered:
.L_overlay_start_0:
0x88: {  	s2 =	sld [smem:$0x3FD9]  }
0x89: {  	s3 =	sld [smem:$0x3FFE];
	_ =	sdelay $0x1  }
0x8a: {  	s1 =	srdreg.scid  }
0x8b: {  	s0 =	sand.u32 $0x1, s1  }
0x8c: {  	s14 =	sshll.u32 s0, $0xA;
	s2 =	sadd.s32 s3, s2  }
0x8d: {  	s2 =	sadd.s32 s2, s14  }
0x8e: {  	[smem:$0x3FB4] =	sst s2  }
0x8f: {  	_ = 	snop  }
0x90: {  	s2 =	sld [smem:$0x3FD0];
	_ =	sdelay $0x2  }
0x91: {  	s15 =	simm.s32 $0xB;
	s4 =	simm.s32 $0x10  }
0x92: {  	[smem:s4], [sflag:s15] =	dma.local [hbm:s2], $0x1  }
0x93: {  	_ =	swait.eq [sflag:s15], $0x1  }
0x94: {  	[sflag:s15] =	ssyncset.done $0x0  }
0x95: {  	[sflag:s15] =	ssyncadd.s32 $0xFFFFFFFF  }
0x96: {  	s16 =	sld [smem:$0x11];
	(tm) =	ssettm $0x1  }
0x97: {  	s17 =	sld [smem:$0x3FFB];
	_ =	sdelay $0x3  }
0x98: {  	_ =	strace s17  }
0x99: {  	s3 =	sld [smem:$0x3FFC];
	_ =	sdelay $0x3  }
0x9a: {  	_ =	strace s3  }
0x9b: {  	s3 =	sld [smem:$0x3FFD];
	_ =	sdelay $0x3  }
0x9c: {  	_ =	strace s3  }
0x9d: {  	_ =	strace $0x8FFFFFFF  }
0x9e: {  	s18 =	sld [smem:$0x3FDB];
	_ =	sdelay $0x1  }
0x9f: {  	s19 =	simm.s32 $_scs_section_size  }
0xa0: {  	s5 =	simm.s32 $_size__tile_overlayer_lowered;
	s6 =	simm.s32 $_tile_overlayer_lowered  }
0xa1: {  	s22 =	simm.s32 $0x1BFF;
	s21 =	sshll.u32 s6, $0x1;
	s3 =	sadd.s32 s19, s18  }
0xa2: {  	s7 =	simm.s32 $0x0;
	s20 =	sshll.u32 s5, $0x1;
	s5 =	sadd.s32 s21, s3  }
0xa3: {  	[timem:s7], [sflag:s22] =	dma.local [hbm:s5], s20  }
0xa4: {  	_ =	swait.ge [sflag:s22], s20  }
0xa5: {  	s4 =	ssub.s32 $0x0, s20;
	[sflag:s22] =	ssyncset.done $0x0  }
0xa6: {  	[sflag:s22] =	ssyncadd.s32 s4;
	_ =	sdelay $0x1  }
0xa7: {  	s23 =	simm.s32 $0x1B8B  }
0xa8: {  	_ =	swait.ge [sflag:s23], $0x1  }
0xa9: {  	[sflag:s23] =	ssyncset.done $0x0  }
0xaa: {  	s25 =	simm.s32 $0x1B8E;
	s24 =	sld [smem:$0x3FFE];
	[sflag:s23] =	ssyncadd.s32 $0xFFFFFFFF  }
0xab: {  	s26 =	simm.s32 $execute0_lowered;
	[smem:$0x3FD2] =	sst s25  }
0xac: {  	s5 =	sshll.u32 s26, $0x1;
	_ =	strace $0x80000046;
	[dreg:$0x1] =	wrdreg $0xFFFFFFFF  }
0xad: {  	s28 =	simm.s32 $_size_execute0_lowered;
	s3 =	sadd.s32 s3, s5;
	[dreg:$0x0] =	wrdreg $0x0  }
0xae: {  	s5 =	sshll.u32 s28, $0x1;
	[dreg:$0x2] =	wrdreg s3  }
0xaf: {  	[dreg:$0x3] =	wrdreg s5  }
0xb0: {  	[dreg:$0x4] =	wrdreg $0xC0  }
0xb1: {  	_ =	task [dreg:s7], $0x5FFFF  }
0xb2: {  	[dreg:$0x1] =	wrdreg $0xFFFFFFFF  }
0xb3: {  	[dreg:$0x0] =	wrdreg $0x60  }
0xb4: {  	[dreg:$0x2] =	wrdreg s16  }
0xb5: {  	[dreg:$0x3] =	wrdreg s24  }
0xb6: {  	[dreg:$0x4] =	wrdreg $0xA  }
0xb7: {  	_ =	task.clear_ibuf [dreg:s7], $0x5FFFF;
	_ =	strace $0x90000046  }
0xb8: {  	s29 =	simm.s32 $0xA;
	_ =	strace $0x80000048  }
0xb9: {  	_ =	swait.ge [sflag:s29], $0x1  }
0xba: {  	[sflag:s29] =	ssyncadd.s32 $0xFFFFFFFF  }
0xbb: {  	_ =	strace $0x90000048  }
0xbc: {  	_ =	sfence  }
0xbd: {  	s30 =	sld [smem:$0x0];
	_ =	sdelay $0x2  }
0xbe: {  	s31 =	sshll.u32 s1, $0xD;
	s1 =	sshrl.u32 s1, $0x2  }
0xbf: {  	s3 =	sand.u32 $0x4000, s31;
	s1 =	sadd.s32 s1, s30  }
0xc0: {  	s0 =	sor.u32 s3, s0;
	s1 =	sshll.u32 s1, $0x11  }
0xc1: {  	s0 =	sor.u32 s1, s0  }
0xc2: {  	s0 =	sadd.s32 $0x8F2B, s0  }
0xc3: {  	[sflag:s0] =	ssyncadd.remote.s32 $0x1  }
0xc4: {  	_ =	sfence.sel $0xFFFF  }
0xc5: {  	[dreg:$0x0] =	wrdreg $0xFFFFFFFF;
	(pc) =	sbr.abs _section_cstart, $3  }
0xc6: {  	[dreg:$0x1] =	wrdreg $0xFFFFFFFF  }
0xc7: {  	_ =	task.clear_ibuf [dreg:s7], $0x2FFFF;
	_ =	strace $0x9FFFFFFF  }
0xc8: {  	(tm) =	ssettm $0x7FFFFFFF  }
0xc9: {  	_ =	shalt  }
tec
execute0_lowered:
.L_overlay_start_1:
0x0: {  	(tag) =	ssettag $0x1  }
0x1: {  	s1 =	rddreg [dreg:$0x0]  }
0x2: {  	s10 =	rddreg [dreg:$0x1]  }
0x3: {  	s0 =	rddreg [dreg:$0x2]  }
0x4: {  	s2 =	simm.s32 $0x0;
	s9 =	srdreg.scid;
	s4 =	stileid.u32  }
0x5: {  	s15 =	simm.s32 $0x80;
	s16 =	simm.s32 $0x100;
	s17 =	simm.s32 $0x4100  }
0x6: {  	s18 =	simm.s32 $0x8100;
	s19 =	simm.s32 $0x8900;
	s20 =	simm.s32 $0x3  }
0x7: {  	s21 =	simm.s32 $0x4;
	s22 =	simm.s32 $0x1;
	s23 =	simm.s32 $0x2  }
0x8: {  	s24 =	simm.s32 $0x0;
	[smem:$0x7FF] =	sst s2;
	s3 =	sadd.s32 $0x17400, s10  }
0x9: {  	s5 =	sadd.s32 $0xD400, s10;
	s6 =	sadd.s32 $0x12400, s10;
	s7 =	sadd.s32 $0x14C00, s10  }
0xa: {  	s8 =	sadd.s32 $0x65800, s10;
	s11 =	sand.u32 $0x1, s9;
	s12 =	sshll.u32 s4, $0x1  }
0xb: {  	s9 =	sadd.s32 $0x19E000, s10;
	s10 =	sadd.s32 $0x3E600, s10;
	s13 =	ssub.s32 $0x2, s11  }
0xc: {  	_ =	strace $0x80000047;
	s11 =	sor.u32 s11, s12;
	s31 =	sshrl.u32 s13, $0x1  }
0xd: {  	s14 =	ssub.s32 $0x290, s11;
	s11 =	sshll.u32 s11, $0x7;
	s13 =	ssub.s32 s13, s31  }
0xe: {  	s12 =	sshrl.u32 s14, $0x5;
	s14 =	simm.s32 $0x5;
	s13 =	smax.u32 s13, $0x1  }
.LBB2_1:
0xf: {  	s25 =	simm.s32 $0x0  }
.LBB2_2:
0x10: {  	s26 =	sshll.u32 s25, $0xC  }
0x11: {  	s26 =	sor.u32 s11, s26  }
0x12: {  	s28 =	sshrl.u32 s26, $0x3  }
0x13: {  	s29 =	sadd.s32 s6, s28  }
0x14: {  	[tilespmem:s2], [sflag:$0x5] =	stream.linear.gather [hbm4b:s29+s2], $0x80, $0x38;
	[tilespmem:$0x9100] =	vst v63  }
0x15: {  	_ =	swait.ge [sflag:s14], $0x80  }
0x16: {  	[sflag:s14] =	ssyncset.done $0x0  }
0x17: {  	s28 =	sadd.s32 s7, s28;
	[sflag:s14] =	ssyncadd.s32 $0xFFFFFF80  }
0x18: {  	[tilespmem:s15], [sflag:$0x5] =	stream.linear.gather [hbm4b:s28+s2], $0x80, $0x38;
	[tilespmem:$0x9100] =	vst v63  }
0x19: {  	_ =	swait.ge [sflag:s14], $0x80  }
0x1a: {  	[sflag:s14] =	ssyncset.done $0x0  }
0x1b: {  	[sflag:s14] =	ssyncadd.s32 $0xFFFFFF80  }
0x1c: {  	[tilespmem:s16], [sflag:$0x1] =	stream.indirect.gather [hbm4b:s1+s15], $0x80, s2, s15, $0xb8;
	[tilespmem:$0x9100] =	vst v63  }
0x1d: {  	_ = 	snop  }
0x1e: {  	[tilespmem:s17], [sflag:$0x2] =	stream.indirect.gather [hbm4b:s3+s15], $0x80, s15, s15, $0xb8;
	[tilespmem:$0x9100] =	vst v63  }
0x1f: {  	_ = 	snop  }
0x20: {  	[tilespmem:s18], [sflag:$0x3] =	stream.indirect.gather [hbm4b:s5+s15], $0x10, s2, s15, $0xb8;
	[tilespmem:$0x9100] =	vst v63  }
0x21: {  	_ = 	snop  }
0x22: {  	[tilespmem:s19], [sflag:$0x4] =	stream.indirect.gather [hbm4b:s5+s15], $0x10, s15, s15, $0xb8;
	[tilespmem:$0x9100] =	vst v63  }
0x23: {  	_ =	swait.ge [sflag:s20], $0x800  }
0x24: {  	[sflag:s20] =	ssyncset.done $0x0  }
0x25: {  	[sflag:s20] =	ssyncadd.s32 $0xFFFFF800  }
0x26: {  	_ =	swait.ge [sflag:s21], $0x800  }
0x27: {  	[sflag:s21] =	ssyncset.done $0x0  }
0x28: {  	s28 =	simm.s32 $0x8120;
	[sflag:s21] =	ssyncadd.s32 $0xFFFFF800  }
0x29: {  	s29 =	simm.s32 $0x8920;
	v0 =	vld [tilespmem:s28+$0xFFFFFFE0]  }
0x2a: {  	v1 =	vld [tilespmem:s29+$0xFFFFFFE0];
	_ =	sdelay $0x4  }
0x2b: {  	v0 =	vsub.f32 v0, v1;
	_ =	sdelay $0x1  }
0x2c: {  	[tilespmem:s28+$0xFFFFFFE0] =	vst v0;
	v0 =	vld [tilespmem:s28+$0xFFFFFFF0]  }
0x2d: {  	v1 =	vld [tilespmem:s29+$0xFFFFFFF0];
	_ =	sdelay $0x4  }
0x2e: {  	v0 =	vsub.f32 v0, v1;
	_ =	sdelay $0x1  }
0x2f: {  	[tilespmem:s28+$0xFFFFFFF0] =	vst v0;
	v0 =	vld [tilespmem:s28+$0x0]  }
0x30: {  	v1 =	vld [tilespmem:s29+$0x0];
	_ =	sdelay $0x4  }
0x31: {  	v0 =	vsub.f32 v0, v1;
	_ =	sdelay $0x1  }
0x32: {  	[tilespmem:s28+$0x0] =	vst v0;
	v0 =	vld [tilespmem:s28+$0x10]  }
0x33: {  	v1 =	vld [tilespmem:s29+$0x10];
	_ =	sdelay $0x4  }
0x34: {  	v0 =	vsub.f32 v0, v1  }
0x35: {  	s30 =	simm.s32 $0x0;
	s31 =	simm.s32 $0x8160  }
.LBB2_3:
0x36: {  	v1 =	vld [tilespmem:s31+$0xFFFFFFE0];
	[tilespmem:s28+$0x10] =	vst v0;
	s29 =	sadd.s32 $0x40, s29;
	s28 =	smov.u32 s31  }
0x37: {  	s30 =	sadd.s32 $0x4, s30;
	v0 =	vld [tilespmem:s29+$0xFFFFFFE0]  }
0x38: {  	p0 =	slt.u32 s30, $0x7C;
	_ =	sdelay $0x3  }
0x39: {  	v0 =	vsub.f32 v1, v0;
	_ =	sdelay $0x1  }
0x3a: {  	[tilespmem:s31+$0xFFFFFFE0] =	vst v0;
	v0 =	vld [tilespmem:s31+$0xFFFFFFF0]  }
0x3b: {  	v1 =	vld [tilespmem:s29+$0xFFFFFFF0];
	_ =	sdelay $0x4  }
0x3c: {  	v0 =	vsub.f32 v0, v1;
	_ =	sdelay $0x1  }
0x3d: {  	[tilespmem:s31+$0xFFFFFFF0] =	vst v0;
	v0 =	vld [tilespmem:s31+$0x0]  }
0x3e: {  	v1 =	vld [tilespmem:s29+$0x0];
	_ =	sdelay $0x4  }
0x3f: {  	v0 =	vsub.f32 v0, v1;
	_ =	sdelay $0x1  }
0x40: {  	[tilespmem:s31+$0x0] =	vst v0;
	v0 =	vld [tilespmem:s31+$0x10]  }
0x41: {  	v1 =	vld [tilespmem:s29+$0x10];
	_ =	sdelay $0x1  }
.Ltmp0:
0x42: {  	(pc) =	sbr.rel @p0 .LBB2_3-.Ltmp0, $3  }
0x43: {  	_ =	sdelay $0x1  }
0x44: {  	v0 =	vsub.f32 v0, v1  }
0x45: {  	s31 =	sadd.s32 $0x40, s31  }
0x46: {  	[tilespmem:s28+$0x10] =	vst v0  }
0x47: {  	_ =	swait.ge [sflag:s22], $0x4000  }
0x48: {  	[sflag:s22] =	ssyncset.done $0x0  }
0x49: {  	[sflag:s22] =	ssyncadd.s32 $0xFFFFC000  }
0x4a: {  	s30 =	sshll.u32 s26, $0x4;
	_ =	swait.ge [sflag:s23], $0x4000  }
0x4b: {  	s28 =	sand.u32 $0x1FFFF800, s30;
	[sflag:s23] =	ssyncset.done $0x0  }
0x4c: {  	s29 =	sadd.s32 s8, s28;
	[sflag:s23] =	ssyncadd.s32 $0xFFFFC000  }
0x4d: {  	[hbm4b:s29+s2] =	stream.linear.scatter [tilespmem:s16], [sflag:$0x5], $0x4000, $0x38;
	[tilespmem:$0x9100] =	vst v63  }
0x4e: {  	_ =	swait.ge [sflag:s14], $0x4000  }
0x4f: {  	[sflag:s14] =	ssyncset.done $0x0  }
0x50: {  	s28 =	sadd.s32 s9, s28;
	[sflag:s14] =	ssyncadd.s32 $0xFFFFC000  }
0x51: {  	[hbm4b:s28+s2] =	stream.linear.scatter [tilespmem:s17], [sflag:$0x5], $0x4000, $0x38;
	[tilespmem:$0x9100] =	vst v63  }
0x52: {  	s31 =	sshll.u32 s26, $0x1;
	s25 =	sadd.s32 $0x1, s25;
	_ =	swait.ge [sflag:s14], $0x4000  }
0x53: {  	s26 =	sand.u32 $0x1FFFFF00, s31;
	p0 =	sne.s32 s25, s12;
	[sflag:s14] =	ssyncset.done $0x0  }
.Ltmp1:
0x54: {  	s26 =	sadd.s32 s10, s26;
	[sflag:s14] =	ssyncadd.s32 $0xFFFFC000;
	(pc) =	sbr.rel @p0 .LBB2_2-.Ltmp1, $4  }
0x55: {  	[hbm4b:s26+s2] =	stream.linear.scatter [tilespmem:s18], [sflag:$0x5], $0x800, $0x38;
	[tilespmem:$0x9100] =	vst v63  }
0x56: {  	_ =	swait.ge [sflag:s14], $0x800  }
0x57: {  	[sflag:s14] =	ssyncset.done $0x0  }
0x58: {  	[sflag:s14] =	ssyncadd.s32 $0xFFFFF800  }
0x59: {  	s24 =	sadd.s32 $0x1, s24  }
0x5a: {  	p0 =	sne.s32 s24, s13  }
.Ltmp2:
0x5b: {  	_ = 	snop;
	(pc) =	sbr.rel @p0 .LBB2_1-.Ltmp2, $1  }
0x5c: {  	_ =	sdelay $0x3  }
0x5d: {  	_ =	sfence.sel $0x180000  }
0x5e: {  	[bflag:$0x0] =	sbarrier.arrive $0xFFFF  }
0x5f: {  	p0 =	sne.s32 s4, $0x0;
	_ =	strace $0x90000047  }
0x60: {  	s0 =	sadd.s32 @!p0 $0x100000, s0;
	[bflag:$0x2] =	sbarrier.arrive $0xFFFF  }
0x61: {  	[sflag:s0] =	ssyncadd.tile.s32 @!p0 $0x1;
	_ =	shalt  }
.Lfunc_end2:
_tile_overlayer_lowered:
.L_overlay_start_2:
0x62: {  	(tag) =	ssettag $0x2  }
0x63: {  	s0 =	rddreg [dreg:$0x0];
	s2 =	stileid.u32  }
0x64: {  	s1 =	rddreg [dreg:$0x1];
	p0 =	sne.s32 s2, $0x0  }
0x65: {  	s3 =	rddreg [dreg:$0x2];
	[bflag:$0x3] =	sbarrier.arrive $0xFFFF;
	s2 =	simm.s32 @!p0 $0x1C05  }
0x66: {  	[timem:s3], [sflag:s2] =	dma.local @!p0 [hbm:s0], s1  }
0x67: {  	s0 =	simm.s32 @!p0 $0x5  }
0x68: {  	_ =	swait.ge @!p0 [sflag:s0], s1  }
0x69: {  	s1 =	ssub.s32 @!p0 $0x0, s1;
	[sflag:s0] =	ssyncset.done @!p0 $0x0  }
0x6a: {  	[sflag:s0] =	ssyncadd.s32 @!p0 s1  }
0x6b: {  	[bflag:$0x3] =	sbarrier.arrive $0xFFFF  }
0x6c: {  	_ =	shalt  }

// kernel: kernel.24.cloned.1.call-start
scs
__scs_entry_jumppad:
0x0: {  	(pc) =	sbr.rel $0x88, $3  }
0x1: {  	(tag) =	ssettag $0x0;
	lr =	simm.s32 $0x1  }
0x2: {  	[smem:$0x3F8D] =	sst lr;
	_ =	strace $0xD0000000  }
0x3: {  	_ = 	snop  }
0x4: {  	_ = 	snop  }
0x5: {  	_ = 	snop  }
0x6: {  	_ = 	snop  }
0x7: {  	_ = 	snop  }
__scs_overlays_trampoline_lowered:
0x8: {  	[smem:$0x3F9C] =	sst s0  }
0x9: {  	[smem:$0x3F9D] =	sst s1  }
0xa: {  	[smem:$0x3F9E] =	sst s2  }
0xb: {  	[smem:$0x3F9F] =	sst s3  }
0xc: {  	[smem:$0x3FA0] =	sst s4  }
0xd: {  	[smem:$0x3FA1] =	sst s5  }
0xe: {  	[smem:$0x3FA2] =	sst s6  }
0xf: {  	[smem:$0x3FA3] =	sst s7  }
0x10: {  	[smem:$0x3FA4] =	sst s8  }
0x11: {  	[smem:$0x3FA5] =	sst s9;
	s0 =	simm.s32 @!p0 $0x0  }
0x12: {  	s1 =	sld [smem:$0x3F8B];
	s0 =	simm.s32 @p0 $0x1  }
0x13: {  	[smem:$0x3FA6] =	sst s0;
	s0 =	simm.s32 @!p1 $0x0  }
0x14: {  	s2 =	sld [smem:$0x3F8A];
	s0 =	simm.s32 @p1 $0x1  }
0x15: {  	[smem:$0x3FA7] =	sst s0;
	s0 =	simm.s32 @!p2 $0x0  }
0x16: {  	s3 =	sld [smem:$0x3FDB];
	s0 =	simm.s32 @p2 $0x1  }
0x17: {  	s4 =	simm.s32 $0x1BF5;
	[smem:$0x3FA9] =	sst s0  }
0x18: {  	s0 =	sld [smem:$0x3F8C];
	_ =	swait.ge [sflag:s4], $0x0  }
0x19: {  	s7 =	sld [smem:$0x3F8D]  }
0x1a: {  	s8 =	sadd.s32 $0xFFFFE003, lr  }
0x1b: {  	s9 =	sadd.s32 $0xFFFFFEF7, lr;
	s5 =	simm.s32 $0xFFFFFFFF;
	p2 =	slt.u32 s8, $0xFFFFF086  }
0x1c: {  	p1 =	slt.u32 s9, $0xF7A;
	s5 =	simm.s32 @!p2 $0x0  }
0x1d: {  	s5 =	simm.s32 @p1 $0x1;
	p0 =	seq.s32 s7, s2  }
0x1e: {  	s7 =	smul.u32 @!p0 $0xF7A, s2;
	p2 =	seq.s32 @!p0 s5, $0x0  }
0x1f: {  	s9 =	smul.u32 $0xF7A, s1;
	s8 =	simm.s32 @!p0 $0x1BF5;
	p2 =	por !p2, p0  }
0x20: {  	[sflag:s8] =	ssyncset.s32 @!p0 $0xFFFFF086;
	s6 =	sadd.s32 @!p0 s3, s7;
	s7 =	simm.s32 @!p0 $0x108  }
0x21: {  	s3 =	sadd.s32 s3, s9;
	s6 =	sadd.s32 @!p0 $0x88, s6;
	s7 =	simm.s32 @p2 $0x1082  }
0x22: {  	[simem:s7], [sflag:s8] =	dma.local @!p0 [hbm:s6], $0xF7A  }
0x23: {  	s9 =	sor.u32 $0xD0000000, s2;
	s6 =	simm.s32 $0x108;
	_ =	swait.ge @!p0 [sflag:s8], $0x0  }
0x24: {  	s3 =	sadd.s32 $0x88, s3;
	s6 =	simm.s32 @!p1 $0x1082;
	[sflag:s4] =	ssyncset.s32 $0xFFFFF086  }
0x25: {  	[simem:s6], [sflag:s4] =	dma.local [hbm:s3], $0xF7A  }
0x26: {  	[smem:$0x3F8D] =	sst s1;
	(tag) =	ssettag s2;
	_ =	strace s9  }
0x27: {  	s1 =	sld [smem:$0x3F9D]  }
0x28: {  	s2 =	sld [smem:$0x3F9E]  }
0x29: {  	s4 =	sld [smem:$0x3FA0]  }
0x2a: {  	p0 =	seq.s32 s5, $0x0;
	s5 =	sld [smem:$0x3FA1]  }
0x2b: {  	s6 =	sld [smem:$0x3FA2]  }
0x2c: {  	s7 =	sld [smem:$0x3FA3]  }
0x2d: {  	s3 =	simm.s32 $0x108;
	s8 =	sld [smem:$0x3FA4]  }
0x2e: {  	s3 =	simm.s32 @!p0 $0x1082;
	s9 =	sld [smem:$0x3FA5]  }
0x2f: {  	lr =	sadd.s32 s0, s3;
	s0 =	sld [smem:$0x3F9C]  }
0x30: {  	s3 =	sld [smem:$0x3F9F]  }
0x31: {  	[smem:$0x3FA8] =	sst s10  }
0x32: {  	s10 =	sld [smem:$0x3FA6];
	_ =	sdelay $0x3  }
0x33: {  	p0 =	seq.s32 s10, $0x1;
	s10 =	sld [smem:$0x3FA8];
	_ =	sdelay $0x3  }
0x34: {  	[smem:$0x3FA8] =	sst s10  }
0x35: {  	s10 =	sld [smem:$0x3FA7];
	_ =	sdelay $0x3  }
0x36: {  	p1 =	seq.s32 s10, $0x1;
	s10 =	sld [smem:$0x3FA8];
	_ =	sdelay $0x3  }
0x37: {  	[smem:$0x3FA8] =	sst s10  }
0x38: {  	s10 =	sld [smem:$0x3FA9]  }
0x39: {  	_ = 	snop;
	(pc) =	sbr.ind lr, $3  }
0x3a: {  	_ = 	snop  }
0x3b: {  	_ = 	snop  }
0x3c: {  	p2 =	seq.s32 s10, $0x1;
	s10 =	sld [smem:$0x3FA8]  }
0x3d: {  	_ =	shalt  }
0x3e: {  	_ =	shalt  }
0x3f: {  	_ =	shalt  }
0x40: {  	_ =	shalt  }
0x41: {  	_ =	shalt  }
0x42: {  	_ =	shalt  }
0x43: {  	_ =	shalt  }
0x44: {  	_ =	shalt  }
0x45: {  	_ =	shalt  }
0x46: {  	_ =	shalt  }
0x47: {  	_ =	shalt  }
0x48: {  	_ =	shalt  }
0x49: {  	_ =	shalt  }
0x4a: {  	_ =	shalt  }
0x4b: {  	_ =	shalt  }
0x4c: {  	_ =	shalt  }
0x4d: {  	_ =	shalt  }
0x4e: {  	_ =	shalt  }
0x4f: {  	_ =	shalt  }
0x50: {  	_ =	shalt  }
0x51: {  	_ =	shalt  }
0x52: {  	_ =	shalt  }
0x53: {  	_ =	shalt  }
0x54: {  	_ =	shalt  }
0x55: {  	_ =	shalt  }
0x56: {  	_ =	shalt  }
0x57: {  	_ =	shalt  }
0x58: {  	_ =	shalt  }
0x59: {  	_ =	shalt  }
0x5a: {  	_ =	shalt  }
0x5b: {  	_ =	shalt  }
0x5c: {  	_ =	shalt  }
0x5d: {  	_ =	shalt  }
0x5e: {  	_ =	shalt  }
0x5f: {  	_ =	shalt  }
0x60: {  	_ =	shalt  }
0x61: {  	_ =	shalt  }
0x62: {  	_ =	shalt  }
0x63: {  	_ =	shalt  }
0x64: {  	_ =	shalt  }
0x65: {  	_ =	shalt  }
0x66: {  	_ =	shalt  }
0x67: {  	_ =	shalt  }
0x68: {  	_ =	shalt  }
0x69: {  	_ =	shalt  }
0x6a: {  	_ =	shalt  }
0x6b: {  	_ =	shalt  }
0x6c: {  	_ =	shalt  }
0x6d: {  	_ =	shalt  }
0x6e: {  	_ =	shalt  }
0x6f: {  	_ =	shalt  }
0x70: {  	_ =	shalt  }
0x71: {  	_ =	shalt  }
0x72: {  	_ =	shalt  }
0x73: {  	_ =	shalt  }
0x74: {  	_ =	shalt  }
0x75: {  	_ =	shalt  }
0x76: {  	_ =	shalt  }
0x77: {  	_ =	shalt  }
0x78: {  	_ =	shalt  }
0x79: {  	_ =	shalt  }
0x7a: {  	_ =	shalt  }
0x7b: {  	_ =	shalt  }
0x7c: {  	_ =	shalt  }
0x7d: {  	_ =	shalt  }
0x7e: {  	_ =	shalt  }
0x7f: {  	_ =	shalt  }
0x80: {  	_ =	shalt  }
0x81: {  	_ =	shalt  }
0x82: {  	_ =	shalt  }
0x83: {  	_ =	shalt  }
0x84: {  	_ =	shalt  }
0x85: {  	_ =	shalt  }
0x86: {  	_ =	shalt  }
0x87: {  	_ =	shalt  }
.Lfunc_end0:
.L_simem_size_0:
called_computation.2_lowered:
.L_overlay_start_0:
0x88: {  	s2 =	sld [smem:$0x3FD9]  }
0x89: {  	s3 =	sld [smem:$0x3FFE];
	_ =	sdelay $0x1  }
0x8a: {  	s1 =	srdreg.scid  }
0x8b: {  	s0 =	sand.u32 $0x1, s1  }
0x8c: {  	s17 =	sshll.u32 s0, $0xA;
	s2 =	sadd.s32 s3, s2  }
0x8d: {  	s2 =	sadd.s32 s2, s17  }
0x8e: {  	[smem:$0x3FB4] =	sst s2  }
0x8f: {  	_ = 	snop  }
0x90: {  	(tm) =	ssettm $0x1  }
0x91: {  	s18 =	sld [smem:$0x3FFB];
	_ =	sdelay $0x3  }
0x92: {  	_ =	strace s18  }
0x93: {  	s2 =	sld [smem:$0x3FFC];
	_ =	sdelay $0x3  }
0x94: {  	_ =	strace s2  }
0x95: {  	s2 =	sld [smem:$0x3FFD];
	_ =	sdelay $0x3  }
0x96: {  	_ =	strace s2  }
0x97: {  	_ =	strace $0x8FFFFFFF  }
0x98: {  	s19 =	sld [smem:$0x3FDB];
	_ =	sdelay $0x1  }
0x99: {  	s20 =	simm.s32 $_scs_section_size  }
0x9a: {  	s4 =	simm.s32 $_size__tile_overlayer_lowered;
	s5 =	simm.s32 $_tile_overlayer_lowered  }
0x9b: {  	s6 =	simm.s32 $0x1BFF;
	s21 =	sshll.u32 s5, $0x1;
	s3 =	sadd.s32 s20, s19  }
0x9c: {  	s22 =	simm.s32 $0x0;
	s4 =	sshll.u32 s4, $0x1;
	s5 =	sadd.s32 s21, s3  }
0x9d: {  	[timem:s22], [sflag:s6] =	dma.local [hbm:s5], s4  }
0x9e: {  	_ =	swait.ge [sflag:s6], s4  }
0x9f: {  	s4 =	ssub.s32 $0x0, s4;
	[sflag:s6] =	ssyncset.done $0x0  }
0xa0: {  	[sflag:s6] =	ssyncadd.s32 s4;
	_ =	sdelay $0x1  }
0xa1: {  	s23 =	simm.s32 $0x1B8B  }
0xa2: {  	_ =	swait.ge [sflag:s23], $0x1  }
0xa3: {  	[sflag:s23] =	ssyncset.done $0x0  }
0xa4: {  	[sflag:s23] =	ssyncadd.s32 $0xFFFFFFFF  }
0xa5: {  	s4 =	sld [smem:$0x0]  }
0xa6: {  	s5 =	sand.u32 $0xFFFFFFFE, s1  }
0xa7: {  	p0 =	sne.s32 s1, s5  }
0xa8: {  	s5 =	sshll.u32 @p0 s5, $0xE  }
0xa9: {  	s5 =	sadd.s32 @p0 $0x11B8D, s5;
	s6 =	sshll.u32 @p0 s4, $0x11  }
0xaa: {  	s5 =	sor.u32 @p0 s6, s5  }
0xab: {  	[sflag:s5] =	ssyncadd.remote.s32 @p0 $0x1;
	_ =	sdelay $0x1  }
0xac: {  	s5 =	simm.s32 @p0 $0x1B8D  }
0xad: {  	_ =	swait.eq @p0 [sflag:s5], $0x1  }
0xae: {  	[sflag:s5] =	ssyncadd.s32 @p0 $0xFFFFFFFF  }
0xaf: {  	s6 =	sshll.u32 @!p0 s1, $0xE  }
0xb0: {  	s6 =	sor.u32 @!p0 $0x4000, s6;
	s5 =	simm.s32 @!p0 $0x1B8D  }
0xb1: {  	s4 =	sshll.u32 @!p0 s4, $0x11;
	s6 =	sadd.s32 @!p0 $0x11B8D, s6;
	_ =	swait.eq @!p0 [sflag:s5], $0x1  }
0xb2: {  	s4 =	sor.u32 @!p0 s4, s6;
	[sflag:s5] =	ssyncadd.s32 @!p0 $0xFFFFFFFF  }
0xb3: {  	s25 =	simm.s32 $0x1B8E;
	s24 =	sld [smem:$0x3FFE];
	[sflag:s4] =	ssyncadd.remote.s32 @!p0 $0x1  }
0xb4: {  	s26 =	simm.s32 $execute0_lowered;
	[smem:$0x3FD2] =	sst s25  }
0xb5: {  	s5 =	sshll.u32 s26, $0x1;
	_ =	strace $0x8000004F;
	[dreg:$0x1] =	wrdreg $0xFFFFFFFF  }
0xb6: {  	s28 =	simm.s32 $_size_execute0_lowered;
	s3 =	sadd.s32 s3, s5;
	[dreg:$0x0] =	wrdreg $0x0  }
0xb7: {  	s5 =	sshll.u32 s28, $0x1;
	[dreg:$0x2] =	wrdreg s3  }
0xb8: {  	[dreg:$0x3] =	wrdreg s5  }
0xb9: {  	[dreg:$0x4] =	wrdreg $0xC0  }
0xba: {  	_ =	task [dreg:s22], $0x5FFFF  }
0xbb: {  	[dreg:$0x1] =	wrdreg $0xFFFFFFFF  }
0xbc: {  	[dreg:$0x0] =	wrdreg $0x60  }
0xbd: {  	[dreg:$0x2] =	wrdreg s24  }
0xbe: {  	[dreg:$0x3] =	wrdreg $0x48800  }
0xbf: {  	[dreg:$0x4] =	wrdreg $0x181000  }
0xc0: {  	[dreg:$0x5] =	wrdreg $0x9  }
0xc1: {  	_ =	task.clear_ibuf [dreg:s22], $0x6FFFF;
	_ =	strace $0x9000004F  }
0xc2: {  	s29 =	simm.s32 $0x9;
	_ =	strace $0x80000051  }
0xc3: {  	_ =	swait.ge [sflag:s29], $0x1  }
0xc4: {  	[sflag:s29] =	ssyncadd.s32 $0xFFFFFFFF  }
0xc5: {  	_ =	strace $0x90000051  }
0xc6: {  	_ =	sfence  }
0xc7: {  	s30 =	sld [smem:$0x0];
	_ =	sdelay $0x2  }
0xc8: {  	s31 =	sshll.u32 s1, $0xD;
	s1 =	sshrl.u32 s1, $0x2  }
0xc9: {  	s4 =	sand.u32 $0x4000, s31;
	s1 =	sadd.s32 s1, s30  }
0xca: {  	s0 =	sor.u32 s4, s0;
	s1 =	sshll.u32 s1, $0x11  }
0xcb: {  	s0 =	sor.u32 s1, s0  }
0xcc: {  	s0 =	sadd.s32 $0x8F2B, s0  }
0xcd: {  	[sflag:s0] =	ssyncadd.remote.s32 $0x1  }
0xce: {  	_ =	sfence.sel $0xFFFF  }
0xcf: {  	[dreg:$0x0] =	wrdreg $0xFFFFFFFF;
	(pc) =	sbr.abs _section_cstart, $3  }
0xd0: {  	[dreg:$0x1] =	wrdreg $0xFFFFFFFF  }
0xd1: {  	_ =	task.clear_ibuf [dreg:s22], $0x2FFFF;
	_ =	strace $0x9FFFFFFF  }
0xd2: {  	(tm) =	ssettm $0x7FFFFFFF  }
0xd3: {  	_ =	shalt  }
tec
execute0_lowered:
.L_overlay_start_1:
0x0: {  	(tag) =	ssettag $0x1  }
0x1: {  	s10 =	rddreg [dreg:$0x0]  }
0x2: {  	s1 =	rddreg [dreg:$0x1]  }
0x3: {  	s3 =	rddreg [dreg:$0x2]  }
0x4: {  	s0 =	rddreg [dreg:$0x3]  }
0x5: {  	s4 =	simm.s32 $0x0;
	s5 =	srdreg.scid;
	s2 =	stileid.u32  }
0x6: {  	s23 =	simm.s32 $0x80;
	s24 =	simm.s32 $0x0;
	[smem:$0x7FF] =	sst s4  }
0x7: {  	s16 =	sand.u32 $0x1, s5;
	s11 =	smul.u32 $0x13880, s2;
	s5 =	sadd.s32 $0x14FC00, s10  }
0x8: {  	s13 =	smul.u32 $0x2710, s2;
	s6 =	sadd.s32 $0x288400, s10;
	s7 =	sadd.s32 $0x2D9000, s10  }
0x9: {  	s8 =	sadd.s32 $0x59BC00, s10;
	s9 =	sadd.s32 $0x59E400, s10;
	s25 =	sshll.u32 s2, $0x1  }
0xa: {  	s26 =	sshll.u32 s2, $0x6;
	s31 =	sshll.u32 s2, $0xC;
	s21 =	sshll.u32 s2, $0x9  }
0xb: {  	s29 =	sshll.u32 s2, $0x8;
	_ =	strace $0x80000050;
	s12 =	smul.u32 $0x138800, s16  }
0xc: {  	s14 =	smul.u32 $0x27100, s16;
	s15 =	ssub.s32 $0x2, s16;
	s28 =	sor.u32 s25, s16  }
0xd: {  	s30 =	sshll.u32 s16, $0x7;
	s19 =	sshll.u32 s16, $0xB;
	s22 =	sshll.u32 s16, $0x8  }
0xe: {  	s17 =	sshrl.u32 s15, $0x1;
	s18 =	sadd.s32 s11, s1;
	s20 =	sadd.s32 s13, s3  }
0xf: {  	s16 =	sor.u32 s19, s31;
	s19 =	simm.s32 $0x1;
	s12 =	sadd.s32 s11, s12  }
0x10: {  	s14 =	sadd.s32 s13, s14;
	s15 =	ssub.s32 s15, s17;
	s17 =	sor.u32 s22, s21  }
0x11: {  	s18 =	sshrl.u32 s18, $0x3;
	s20 =	sshrl.u32 s20, $0x3;
	s21 =	simm.s32 $0x4800  }
0x12: {  	s22 =	simm.s32 $0x4000;
	s12 =	sshrl.u32 s12, $0x3;
	s14 =	sshrl.u32 s14, $0x3  }
0x13: {  	s13 =	smax.u32 s15, $0x1;
	s12 =	sadd.s32 s12, s10;
	s14 =	sadd.s32 s14, s10  }
0x14: {  	s11 =	sadd.s32 $0x17400, s12;
	s12 =	sadd.s32 $0x2AF600, s14;
	s14 =	ssub.s32 $0x290, s28  }
0x15: {  	s15 =	sor.u32 s30, s29;
	s10 =	sor.u32 $0x1C01, s26;
	s14 =	sshrl.u32 s14, $0x5  }
.LBB2_1:
0x16: {  	[spmem:s18], [sflag:s10] =	dma.local [hbm:s8], $0x2710  }
0x17: {  	_ =	swait.ge [sflag:s19], $0x2710  }
0x18: {  	[sflag:s19] =	ssyncset.done $0x0  }
0x19: {  	p1 =	sne.s32 s14, $0x1;
	[sflag:s19] =	ssyncadd.s32 $0xFFFFD8F0  }
0x1a: {  	[spmem:s20], [sflag:s10] =	dma.local [hbm:s9], $0x4E2  }
.Ltmp0:
0x1b: {  	_ =	swait.ge [sflag:s19], $0x4E2;
	(pc) =	sbr.rel @!p1 .LBB2_2-.Ltmp0, $4  }
0x1c: {  	[sflag:s19] =	ssyncset.done $0x0  }
0x1d: {  	[sflag:s19] =	ssyncadd.s32 $0xFFFFFB1E  }
0x1e: {  	[bflag:$0x0] =	sbarrier.arrive $0xFFFF  }
0x1f: {  	s25 =	sadd.s32 $0xFFFFFFFF, s14;
	s30 =	sshrl.u32 s15, $0x3;
	p0 =	por $0x0, $0x0  }
0x20: {  	s26 =	sadd.s32 s7, s30  }
0x21: {  	[tilespmem:s21], [sflag:$0x1] =	stream.linear.gather [hbm4b:s26+s4], $0x80, $0x38;
	[tilespmem:$0x1A810] =	vst v63  }
0x22: {  	_ =	swait.ge [sflag:s19], $0x80  }
0x23: {  	s31 =	sand.u32 $0x1FFFF800, s16;
	[sflag:s19] =	ssyncset.done $0x0  }
0x24: {  	s26 =	sadd.s32 s5, s31;
	[sflag:s19] =	ssyncadd.s32 $0xFFFFFF80  }
0x25: {  	[tilespmem:s4], [sflag:$0x1] =	stream.linear.gather [hbm4b:s26+s4], $0x4000, $0x38;
	[tilespmem:$0x1A810] =	vst v63  }
0x26: {  	_ =	swait.ge [sflag:s19], $0x4000  }
0x27: {  	s31 =	sand.u32 $0x1FFFFF00, s17;
	[sflag:s19] =	ssyncset.done $0x0  }
0x28: {  	s26 =	sadd.s32 s6, s31;
	[sflag:s19] =	ssyncadd.s32 $0xFFFFC000  }
0x29: {  	[tilespmem:s22], [sflag:$0x1] =	stream.linear.gather [hbm4b:s26+s4], $0x800, $0x38;
	[tilespmem:$0x1A810] =	vst v63  }
0x2a: {  	_ =	swait.ge [sflag:s19], $0x800  }
0x2b: {  	[sflag:s19] =	ssyncset.done $0x0  }
0x2c: {  	[sflag:s19] =	ssyncadd.s32 $0xFFFFF800  }
0x2d: {  	[spmem:s1] =	stream.indirect.scatter.add.f32 [tilespmem:s4], [sflag:$0x1], $0x80, s21, s23, $0xb8;
	[tilespmem:$0x1A810] =	vst v63  }
0x2e: {  	p1 =	sne.s32 s25, $0x1;
	_ =	swait.ge [sflag:s19], $0x4000  }
.Ltmp1:
0x2f: {  	[sflag:s19] =	ssyncset.done $0x0;
	(pc) =	sbr.rel @!p1 .LBB2_4-.Ltmp1, $4  }
0x30: {  	s28 =	sadd.s32 $0x1000, s15;
	s29 =	sadd.s32 $0xFFFFFFFF, s25;
	[sflag:s19] =	ssyncadd.s32 $0xFFFFC000  }
0x31: {  	[spmem:s3] =	stream.indirect.scatter.add.f32 [tilespmem:s22], [sflag:$0x1], $0x10, s21, s23, $0xb8;
	[tilespmem:$0x1A810] =	vst v63  }
0x32: {  	s25 =	sadd.s32 $0x2000, s17;
	p0 =	por $0x1, $0x1;
	_ =	swait.ge [sflag:s19], $0x800  }
0x33: {  	s30 =	sshrl.u32 s28, $0x3;
	s26 =	smov.u32 s16;
	[sflag:s19] =	ssyncset.done $0x0  }
.LBB2_5:
0x34: {  	s30 =	sadd.s32 s7, s30;
	[sflag:s19] =	ssyncadd.s32 $0xFFFFF800;
	s26 =	sadd.s32 $0x10000, s26  }
0x35: {  	[tilespmem:s21], [sflag:$0x1] =	stream.linear.gather [hbm4b:s30+s4], $0x80, $0x38;
	[tilespmem:$0x1A810] =	vst v63  }
0x36: {  	p1 =	sne.s32 s29, $0x1;
	s29 =	sadd.s32 $0xFFFFFFFF, s29;
	_ =	swait.ge [sflag:s19], $0x80  }
0x37: {  	s30 =	sand.u32 $0x1FFFF800, s26;
	[sflag:s19] =	ssyncset.done $0x0  }
0x38: {  	s30 =	sadd.s32 s5, s30;
	[sflag:s19] =	ssyncadd.s32 $0xFFFFFF80  }
0x39: {  	[tilespmem:s4], [sflag:$0x1] =	stream.linear.gather [hbm4b:s30+s4], $0x4000, $0x38;
	[tilespmem:$0x1A810] =	vst v63  }
0x3a: {  	_ =	swait.ge [sflag:s19], $0x4000  }
0x3b: {  	s30 =	sand.u32 $0x1FFFFF00, s25;
	[sflag:s19] =	ssyncset.done $0x0  }
0x3c: {  	s30 =	sadd.s32 s6, s30;
	[sflag:s19] =	ssyncadd.s32 $0xFFFFC000  }
0x3d: {  	[tilespmem:s22], [sflag:$0x1] =	stream.linear.gather [hbm4b:s30+s4], $0x800, $0x38;
	[tilespmem:$0x1A810] =	vst v63  }
0x3e: {  	_ =	swait.ge [sflag:s19], $0x800  }
0x3f: {  	[sflag:s19] =	ssyncset.done $0x0  }
0x40: {  	[sflag:s19] =	ssyncadd.s32 $0xFFFFF800  }
0x41: {  	[spmem:s1] =	stream.indirect.scatter.add.f32 [tilespmem:s4], [sflag:$0x1], $0x80, s21, s23, $0xb8;
	[tilespmem:$0x1A810] =	vst v63  }
0x42: {  	_ =	swait.ge [sflag:s19], $0x4000  }
.Ltmp2:
0x43: {  	[sflag:s19] =	ssyncset.done $0x0;
	(pc) =	sbr.rel @p1 .LBB2_5-.Ltmp2, $4  }
0x44: {  	[sflag:s19] =	ssyncadd.s32 $0xFFFFC000  }
0x45: {  	[spmem:s3] =	stream.indirect.scatter.add.f32 [tilespmem:s22], [sflag:$0x1], $0x10, s21, s23, $0xb8;
	[tilespmem:$0x1A810] =	vst v63  }
0x46: {  	s28 =	sadd.s32 $0x1000, s28;
	_ =	swait.ge [sflag:s19], $0x800  }
0x47: {  	s25 =	sadd.s32 $0x2000, s25;
	s30 =	sshrl.u32 s28, $0x3;
	[sflag:s19] =	ssyncset.done $0x0  }
.LBB2_6:
0x48: {  	s28 =	sadd.s32 s7, s30;
	[sflag:s19] =	ssyncadd.s32 @p0 $0xFFFFF800  }
0x49: {  	[tilespmem:s21], [sflag:$0x1] =	stream.linear.gather [hbm4b:s28+s4], $0x80, $0x38;
	[tilespmem:$0x1A810] =	vst v63  }
0x4a: {  	s26 =	sadd.s32 @p0 $0x10000, s26;
	s28 =	smov.u32 s16  }
0x4b: {  	_ =	swait.ge [sflag:s19], $0x80;
	s28 =	smov.u32 @p0 s26  }
0x4c: {  	[sflag:s19] =	ssyncset.done $0x0;
	s26 =	sand.u32 $0x1FFFF800, s28  }
0x4d: {  	[sflag:s19] =	ssyncadd.s32 $0xFFFFFF80;
	s26 =	sadd.s32 s5, s26  }
0x4e: {  	[tilespmem:s4], [sflag:$0x1] =	stream.linear.gather [hbm4b:s26+s4], $0x4000, $0x38;
	[tilespmem:$0x1A810] =	vst v63  }
0x4f: {  	_ =	swait.ge [sflag:s19], $0x4000  }
0x50: {  	s25 =	sand.u32 $0x1FFFFF00, s25;
	[sflag:s19] =	ssyncset.done $0x0  }
0x51: {  	s25 =	sadd.s32 s6, s25;
	[sflag:s19] =	ssyncadd.s32 $0xFFFFC000  }
0x52: {  	[tilespmem:s22], [sflag:$0x1] =	stream.linear.gather [hbm4b:s25+s4], $0x800, $0x38;
	[tilespmem:$0x1A810] =	vst v63  }
0x53: {  	_ =	swait.ge [sflag:s19], $0x800  }
0x54: {  	[sflag:s19] =	ssyncset.done $0x0  }
0x55: {  	[sflag:s19] =	ssyncadd.s32 $0xFFFFF800  }
0x56: {  	[spmem:s1] =	stream.indirect.scatter.add.f32 [tilespmem:s4], [sflag:$0x1], $0x80, s21, s23, $0xb8;
	[tilespmem:$0x1A810] =	vst v63  }
0x57: {  	_ =	swait.ge [sflag:s19], $0x4000  }
0x58: {  	[sflag:s19] =	ssyncset.done $0x0  }
0x59: {  	[sflag:s19] =	ssyncadd.s32 $0xFFFFC000  }
0x5a: {  	[spmem:s3] =	stream.indirect.scatter.add.f32 [tilespmem:s22], [sflag:$0x1], $0x10, s21, s23, $0xb8;
	[tilespmem:$0x1A810] =	vst v63  }
0x5b: {  	_ =	swait.ge [sflag:s19], $0x800  }
0x5c: {  	[sflag:s19] =	ssyncset.done $0x0  }
0x5d: {  	[sflag:s19] =	ssyncadd.s32 $0xFFFFF800  }
0x5e: {  	[bflag:$0x0] =	sbarrier.arrive $0xFFFF  }
0x5f: {  	[hbm:s11], [sflag:s10] =	dma.local [spmem:s18], $0x2710  }
0x60: {  	_ =	swait.ge [sflag:s19], $0x2710  }
0x61: {  	s24 =	sadd.s32 $0x1, s24;
	[sflag:s19] =	ssyncset.done $0x0  }
0x62: {  	p0 =	sne.s32 s24, s13;
	[sflag:s19] =	ssyncadd.s32 $0xFFFFD8F0  }
0x63: {  	[hbm:s12], [sflag:s10] =	dma.local [spmem:s20], $0x4E2  }
.Ltmp3:
0x64: {  	_ = 	snop;
	(pc) =	sbr.rel @p0 .LBB2_1-.Ltmp3, $4  }
.Ltmp4:
0x65: {  	_ = 	snop;
	(pc) =	sbr.rel @!p0 .LBB2_7-.Ltmp4, $4  }
0x66: {  	_ =	swait.ge [sflag:s19], $0x4E2  }
0x67: {  	[sflag:s19] =	ssyncset.done $0x0  }
0x68: {  	[sflag:s19] =	ssyncadd.s32 $0xFFFFFB1E  }
0x69: {  	_ = 	snop  }
.LBB2_2:
.Ltmp5:
0x6a: {  	(pc) =	sbr.rel .LBB2_6-.Ltmp5, $2  }
0x6b: {  	_ =	sdelay $0x2  }
0x6c: {  	s26 =	smov.u32 s16;
	s25 =	smov.u32 s17  }
.LBB2_4:
.Ltmp6:
0x6d: {  	(pc) =	sbr.rel .LBB2_6-.Ltmp6, $2  }
0x6e: {  	_ =	sdelay $0x2  }
0x6f: {  	s26 =	smov.u32 s16  }
.LBB2_7:
0x70: {  	_ =	sfence.sel $0x180000  }
0x71: {  	[bflag:$0x0] =	sbarrier.arrive $0xFFFF  }
0x72: {  	p0 =	sne.s32 s2, $0x0;
	_ =	strace $0x90000050  }
0x73: {  	s0 =	sadd.s32 @!p0 $0x100000, s0;
	[bflag:$0x2] =	sbarrier.arrive $0xFFFF  }
0x74: {  	[sflag:s0] =	ssyncadd.tile.s32 @!p0 $0x1;
	_ =	shalt  }
.Lfunc_end2:
_tile_overlayer_lowered:
.L_overlay_start_2:
0x75: {  	(tag) =	ssettag $0x2  }
0x76: {  	s0 =	rddreg [dreg:$0x0];
	s2 =	stileid.u32  }
0x77: {  	s1 =	rddreg [dreg:$0x1];
	p0 =	sne.s32 s2, $0x0  }
0x78: {  	s3 =	rddreg [dreg:$0x2];
	[bflag:$0x3] =	sbarrier.arrive $0xFFFF;
	s2 =	simm.s32 @!p0 $0x1C01  }
0x79: {  	[timem:s3], [sflag:s2] =	dma.local @!p0 [hbm:s0], s1  }
0x7a: {  	s0 =	simm.s32 @!p0 $0x1  }
0x7b: {  	_ =	swait.ge @!p0 [sflag:s0], s1  }
0x7c: {  	s1 =	ssub.s32 @!p0 $0x0, s1;
	[sflag:s0] =	ssyncset.done @!p0 $0x0  }
0x7d: {  	[sflag:s0] =	ssyncadd.s32 @!p0 s1  }
0x7e: {  	[bflag:$0x3] =	sbarrier.arrive $0xFFFF  }
0x7f: {  	_ =	shalt  }

// kernel: kernel.27.cloned.1.call-start
scs
__scs_entry_jumppad:
0x0: {  	(pc) =	sbr.rel $0x88, $3  }
0x1: {  	(tag) =	ssettag $0x0;
	lr =	simm.s32 $0x1  }
0x2: {  	[smem:$0x3F8D] =	sst lr;
	_ =	strace $0xD0000000  }
0x3: {  	_ = 	snop  }
0x4: {  	_ = 	snop  }
0x5: {  	_ = 	snop  }
0x6: {  	_ = 	snop  }
0x7: {  	_ = 	snop  }
__scs_overlays_trampoline_lowered:
0x8: {  	[smem:$0x3F9C] =	sst s0  }
0x9: {  	[smem:$0x3F9D] =	sst s1  }
0xa: {  	[smem:$0x3F9E] =	sst s2  }
0xb: {  	[smem:$0x3F9F] =	sst s3  }
0xc: {  	[smem:$0x3FA0] =	sst s4  }
0xd: {  	[smem:$0x3FA1] =	sst s5  }
0xe: {  	[smem:$0x3FA2] =	sst s6  }
0xf: {  	[smem:$0x3FA3] =	sst s7  }
0x10: {  	[smem:$0x3FA4] =	sst s8  }
0x11: {  	[smem:$0x3FA5] =	sst s9;
	s0 =	simm.s32 @!p0 $0x0  }
0x12: {  	s1 =	sld [smem:$0x3F8B];
	s0 =	simm.s32 @p0 $0x1  }
0x13: {  	[smem:$0x3FA6] =	sst s0;
	s0 =	simm.s32 @!p1 $0x0  }
0x14: {  	s2 =	sld [smem:$0x3F8A];
	s0 =	simm.s32 @p1 $0x1  }
0x15: {  	[smem:$0x3FA7] =	sst s0;
	s0 =	simm.s32 @!p2 $0x0  }
0x16: {  	s3 =	sld [smem:$0x3FDB];
	s0 =	simm.s32 @p2 $0x1  }
0x17: {  	s4 =	simm.s32 $0x1BF5;
	[smem:$0x3FA9] =	sst s0  }
0x18: {  	s0 =	sld [smem:$0x3F8C];
	_ =	swait.ge [sflag:s4], $0x0  }
0x19: {  	s7 =	sld [smem:$0x3F8D]  }
0x1a: {  	s8 =	sadd.s32 $0xFFFFE003, lr  }
0x1b: {  	s9 =	sadd.s32 $0xFFFFFEF7, lr;
	s5 =	simm.s32 $0xFFFFFFFF;
	p2 =	slt.u32 s8, $0xFFFFF086  }
0x1c: {  	p1 =	slt.u32 s9, $0xF7A;
	s5 =	simm.s32 @!p2 $0x0  }
0x1d: {  	s5 =	simm.s32 @p1 $0x1;
	p0 =	seq.s32 s7, s2  }
0x1e: {  	s7 =	smul.u32 @!p0 $0xF7A, s2;
	p2 =	seq.s32 @!p0 s5, $0x0  }
0x1f: {  	s9 =	smul.u32 $0xF7A, s1;
	s8 =	simm.s32 @!p0 $0x1BF5;
	p2 =	por !p2, p0  }
0x20: {  	[sflag:s8] =	ssyncset.s32 @!p0 $0xFFFFF086;
	s6 =	sadd.s32 @!p0 s3, s7;
	s7 =	simm.s32 @!p0 $0x108  }
0x21: {  	s3 =	sadd.s32 s3, s9;
	s6 =	sadd.s32 @!p0 $0x88, s6;
	s7 =	simm.s32 @p2 $0x1082  }
0x22: {  	[simem:s7], [sflag:s8] =	dma.local @!p0 [hbm:s6], $0xF7A  }
0x23: {  	s9 =	sor.u32 $0xD0000000, s2;
	s6 =	simm.s32 $0x108;
	_ =	swait.ge @!p0 [sflag:s8], $0x0  }
0x24: {  	s3 =	sadd.s32 $0x88, s3;
	s6 =	simm.s32 @!p1 $0x1082;
	[sflag:s4] =	ssyncset.s32 $0xFFFFF086  }
0x25: {  	[simem:s6], [sflag:s4] =	dma.local [hbm:s3], $0xF7A  }
0x26: {  	[smem:$0x3F8D] =	sst s1;
	(tag) =	ssettag s2;
	_ =	strace s9  }
0x27: {  	s1 =	sld [smem:$0x3F9D]  }
0x28: {  	s2 =	sld [smem:$0x3F9E]  }
0x29: {  	s4 =	sld [smem:$0x3FA0]  }
0x2a: {  	p0 =	seq.s32 s5, $0x0;
	s5 =	sld [smem:$0x3FA1]  }
0x2b: {  	s6 =	sld [smem:$0x3FA2]  }
0x2c: {  	s7 =	sld [smem:$0x3FA3]  }
0x2d: {  	s3 =	simm.s32 $0x108;
	s8 =	sld [smem:$0x3FA4]  }
0x2e: {  	s3 =	simm.s32 @!p0 $0x1082;
	s9 =	sld [smem:$0x3FA5]  }
0x2f: {  	lr =	sadd.s32 s0, s3;
	s0 =	sld [smem:$0x3F9C]  }
0x30: {  	s3 =	sld [smem:$0x3F9F]  }
0x31: {  	[smem:$0x3FA8] =	sst s10  }
0x32: {  	s10 =	sld [smem:$0x3FA6];
	_ =	sdelay $0x3  }
0x33: {  	p0 =	seq.s32 s10, $0x1;
	s10 =	sld [smem:$0x3FA8];
	_ =	sdelay $0x3  }
0x34: {  	[smem:$0x3FA8] =	sst s10  }
0x35: {  	s10 =	sld [smem:$0x3FA7];
	_ =	sdelay $0x3  }
0x36: {  	p1 =	seq.s32 s10, $0x1;
	s10 =	sld [smem:$0x3FA8];
	_ =	sdelay $0x3  }
0x37: {  	[smem:$0x3FA8] =	sst s10  }
0x38: {  	s10 =	sld [smem:$0x3FA9]  }
0x39: {  	_ = 	snop;
	(pc) =	sbr.ind lr, $3  }
0x3a: {  	_ = 	snop  }
0x3b: {  	_ = 	snop  }
0x3c: {  	p2 =	seq.s32 s10, $0x1;
	s10 =	sld [smem:$0x3FA8]  }
0x3d: {  	_ =	shalt  }
0x3e: {  	_ =	shalt  }
0x3f: {  	_ =	shalt  }
0x40: {  	_ =	shalt  }
0x41: {  	_ =	shalt  }
0x42: {  	_ =	shalt  }
0x43: {  	_ =	shalt  }
0x44: {  	_ =	shalt  }
0x45: {  	_ =	shalt  }
0x46: {  	_ =	shalt  }
0x47: {  	_ =	shalt  }
0x48: {  	_ =	shalt  }
0x49: {  	_ =	shalt  }
0x4a: {  	_ =	shalt  }
0x4b: {  	_ =	shalt  }
0x4c: {  	_ =	shalt  }
0x4d: {  	_ =	shalt  }
0x4e: {  	_ =	shalt  }
0x4f: {  	_ =	shalt  }
0x50: {  	_ =	shalt  }
0x51: {  	_ =	shalt  }
0x52: {  	_ =	shalt  }
0x53: {  	_ =	shalt  }
0x54: {  	_ =	shalt  }
0x55: {  	_ =	shalt  }
0x56: {  	_ =	shalt  }
0x57: {  	_ =	shalt  }
0x58: {  	_ =	shalt  }
0x59: {  	_ =	shalt  }
0x5a: {  	_ =	shalt  }
0x5b: {  	_ =	shalt  }
0x5c: {  	_ =	shalt  }
0x5d: {  	_ =	shalt  }
0x5e: {  	_ =	shalt  }
0x5f: {  	_ =	shalt  }
0x60: {  	_ =	shalt  }
0x61: {  	_ =	shalt  }
0x62: {  	_ =	shalt  }
0x63: {  	_ =	shalt  }
0x64: {  	_ =	shalt  }
0x65: {  	_ =	shalt  }
0x66: {  	_ =	shalt  }
0x67: {  	_ =	shalt  }
0x68: {  	_ =	shalt  }
0x69: {  	_ =	shalt  }
0x6a: {  	_ =	shalt  }
0x6b: {  	_ =	shalt  }
0x6c: {  	_ =	shalt  }
0x6d: {  	_ =	shalt  }
0x6e: {  	_ =	shalt  }
0x6f: {  	_ =	shalt  }
0x70: {  	_ =	shalt  }
0x71: {  	_ =	shalt  }
0x72: {  	_ =	shalt  }
0x73: {  	_ =	shalt  }
0x74: {  	_ =	shalt  }
0x75: {  	_ =	shalt  }
0x76: {  	_ =	shalt  }
0x77: {  	_ =	shalt  }
0x78: {  	_ =	shalt  }
0x79: {  	_ =	shalt  }
0x7a: {  	_ =	shalt  }
0x7b: {  	_ =	shalt  }
0x7c: {  	_ =	shalt  }
0x7d: {  	_ =	shalt  }
0x7e: {  	_ =	shalt  }
0x7f: {  	_ =	shalt  }
0x80: {  	_ =	shalt  }
0x81: {  	_ =	shalt  }
0x82: {  	_ =	shalt  }
0x83: {  	_ =	shalt  }
0x84: {  	_ =	shalt  }
0x85: {  	_ =	shalt  }
0x86: {  	_ =	shalt  }
0x87: {  	_ =	shalt  }
.Lfunc_end0:
.L_simem_size_0:
called_computation.3_lowered:
.L_overlay_start_0:
0x88: {  	s2 =	sld [smem:$0x3FD9]  }
0x89: {  	s3 =	sld [smem:$0x3FFE];
	_ =	sdelay $0x1  }
0x8a: {  	s1 =	srdreg.scid  }
0x8b: {  	s0 =	sand.u32 $0x1, s1  }
0x8c: {  	s17 =	sshll.u32 s0, $0xA;
	s2 =	sadd.s32 s3, s2  }
0x8d: {  	s2 =	sadd.s32 s2, s17  }
0x8e: {  	[smem:$0x3FB4] =	sst s2  }
0x8f: {  	_ = 	snop  }
0x90: {  	(tm) =	ssettm $0x1  }
0x91: {  	s18 =	sld [smem:$0x3FFB];
	_ =	sdelay $0x3  }
0x92: {  	_ =	strace s18  }
0x93: {  	s2 =	sld [smem:$0x3FFC];
	_ =	sdelay $0x3  }
0x94: {  	_ =	strace s2  }
0x95: {  	s2 =	sld [smem:$0x3FFD];
	_ =	sdelay $0x3  }
0x96: {  	_ =	strace s2  }
0x97: {  	_ =	strace $0x8FFFFFFF  }
0x98: {  	s19 =	sld [smem:$0x3FDB];
	_ =	sdelay $0x1  }
0x99: {  	s20 =	simm.s32 $_scs_section_size  }
0x9a: {  	s4 =	simm.s32 $_size__tile_overlayer_lowered;
	s5 =	simm.s32 $_tile_overlayer_lowered  }
0x9b: {  	s6 =	simm.s32 $0x1BFF;
	s21 =	sshll.u32 s5, $0x1;
	s3 =	sadd.s32 s20, s19  }
0x9c: {  	s22 =	simm.s32 $0x0;
	s4 =	sshll.u32 s4, $0x1;
	s5 =	sadd.s32 s21, s3  }
0x9d: {  	[timem:s22], [sflag:s6] =	dma.local [hbm:s5], s4  }
0x9e: {  	_ =	swait.ge [sflag:s6], s4  }
0x9f: {  	s4 =	ssub.s32 $0x0, s4;
	[sflag:s6] =	ssyncset.done $0x0  }
0xa0: {  	[sflag:s6] =	ssyncadd.s32 s4;
	_ =	sdelay $0x1  }
0xa1: {  	s23 =	simm.s32 $0x1B8B  }
0xa2: {  	_ =	swait.ge [sflag:s23], $0x1  }
0xa3: {  	[sflag:s23] =	ssyncset.done $0x0  }
0xa4: {  	[sflag:s23] =	ssyncadd.s32 $0xFFFFFFFF  }
0xa5: {  	s4 =	sld [smem:$0x0]  }
0xa6: {  	s5 =	sand.u32 $0xFFFFFFFE, s1  }
0xa7: {  	p0 =	sne.s32 s1, s5  }
0xa8: {  	s5 =	sshll.u32 @p0 s5, $0xE  }
0xa9: {  	s5 =	sadd.s32 @p0 $0x11B8D, s5;
	s6 =	sshll.u32 @p0 s4, $0x11  }
0xaa: {  	s5 =	sor.u32 @p0 s6, s5  }
0xab: {  	[sflag:s5] =	ssyncadd.remote.s32 @p0 $0x1;
	_ =	sdelay $0x1  }
0xac: {  	s5 =	simm.s32 @p0 $0x1B8D  }
0xad: {  	_ =	swait.eq @p0 [sflag:s5], $0x1  }
0xae: {  	[sflag:s5] =	ssyncadd.s32 @p0 $0xFFFFFFFF  }
0xaf: {  	s6 =	sshll.u32 @!p0 s1, $0xE  }
0xb0: {  	s6 =	sor.u32 @!p0 $0x4000, s6;
	s5 =	simm.s32 @!p0 $0x1B8D  }
0xb1: {  	s4 =	sshll.u32 @!p0 s4, $0x11;
	s6 =	sadd.s32 @!p0 $0x11B8D, s6;
	_ =	swait.eq @!p0 [sflag:s5], $0x1  }
0xb2: {  	s4 =	sor.u32 @!p0 s4, s6;
	[sflag:s5] =	ssyncadd.s32 @!p0 $0xFFFFFFFF  }
0xb3: {  	s25 =	simm.s32 $0x1B8E;
	s24 =	sld [smem:$0x3FFE];
	[sflag:s4] =	ssyncadd.remote.s32 @!p0 $0x1  }
0xb4: {  	s26 =	simm.s32 $execute0_lowered;
	[smem:$0x3FD2] =	sst s25  }
0xb5: {  	s5 =	sshll.u32 s26, $0x1;
	_ =	strace $0x8000004C;
	[dreg:$0x1] =	wrdreg $0xFFFFFFFF  }
0xb6: {  	s28 =	simm.s32 $_size_execute0_lowered;
	s3 =	sadd.s32 s3, s5;
	[dreg:$0x0] =	wrdreg $0x0  }
0xb7: {  	s5 =	sshll.u32 s28, $0x1;
	[dreg:$0x2] =	wrdreg s3  }
0xb8: {  	[dreg:$0x3] =	wrdreg s5  }
0xb9: {  	[dreg:$0x4] =	wrdreg $0xC0  }
0xba: {  	_ =	task [dreg:s22], $0x5FFFF  }
0xbb: {  	[dreg:$0x1] =	wrdreg $0xFFFFFFFF  }
0xbc: {  	[dreg:$0x0] =	wrdreg $0x60  }
0xbd: {  	[dreg:$0x2] =	wrdreg s24  }
0xbe: {  	[dreg:$0x3] =	wrdreg $0x48800  }
0xbf: {  	[dreg:$0x4] =	wrdreg $0x181000  }
0xc0: {  	[dreg:$0x5] =	wrdreg $0xA  }
0xc1: {  	_ =	task.clear_ibuf [dreg:s22], $0x6FFFF;
	_ =	strace $0x9000004C  }
0xc2: {  	s29 =	simm.s32 $0xA;
	_ =	strace $0x8000004E  }
0xc3: {  	_ =	swait.ge [sflag:s29], $0x1  }
0xc4: {  	[sflag:s29] =	ssyncadd.s32 $0xFFFFFFFF  }
0xc5: {  	_ =	strace $0x9000004E  }
0xc6: {  	_ =	sfence  }
0xc7: {  	s30 =	sld [smem:$0x0];
	_ =	sdelay $0x2  }
0xc8: {  	s31 =	sshll.u32 s1, $0xD;
	s1 =	sshrl.u32 s1, $0x2  }
0xc9: {  	s4 =	sand.u32 $0x4000, s31;
	s1 =	sadd.s32 s1, s30  }
0xca: {  	s0 =	sor.u32 s4, s0;
	s1 =	sshll.u32 s1, $0x11  }
0xcb: {  	s0 =	sor.u32 s1, s0  }
0xcc: {  	s0 =	sadd.s32 $0x8F2B, s0  }
0xcd: {  	[sflag:s0] =	ssyncadd.remote.s32 $0x1  }
0xce: {  	_ =	sfence.sel $0xFFFF  }
0xcf: {  	[dreg:$0x0] =	wrdreg $0xFFFFFFFF;
	(pc) =	sbr.abs _section_cstart, $3  }
0xd0: {  	[dreg:$0x1] =	wrdreg $0xFFFFFFFF  }
0xd1: {  	_ =	task.clear_ibuf [dreg:s22], $0x2FFFF;
	_ =	strace $0x9FFFFFFF  }
0xd2: {  	(tm) =	ssettm $0x7FFFFFFF  }
0xd3: {  	_ =	shalt  }
tec
execute0_lowered:
.L_overlay_start_1:
0x0: {  	(tag) =	ssettag $0x1  }
0x1: {  	s10 =	rddreg [dreg:$0x0]  }
0x2: {  	s1 =	rddreg [dreg:$0x1]  }
0x3: {  	s3 =	rddreg [dreg:$0x2]  }
0x4: {  	s0 =	rddreg [dreg:$0x3]  }
0x5: {  	s4 =	simm.s32 $0x0;
	s5 =	srdreg.scid;
	s2 =	stileid.u32  }
0x6: {  	s23 =	simm.s32 $0x80;
	s24 =	simm.s32 $0x0;
	[smem:$0x7FF] =	sst s4  }
0x7: {  	s16 =	sand.u32 $0x1, s5;
	s11 =	smul.u32 $0x13880, s2;
	s5 =	sadd.s32 $0x7E5A00, s10  }
0x8: {  	s13 =	smul.u32 $0x2710, s2;
	s6 =	sadd.s32 $0x574A00, s10;
	s7 =	sadd.s32 $0x12400, s10  }
0x9: {  	s8 =	sadd.s32 $0x59BC00, s10;
	s9 =	sadd.s32 $0x59E400, s10;
	s25 =	sshll.u32 s2, $0x1  }
0xa: {  	s26 =	sshll.u32 s2, $0x6;
	s31 =	sshll.u32 s2, $0xC;
	s21 =	sshll.u32 s2, $0x9  }
0xb: {  	s29 =	sshll.u32 s2, $0x8;
	_ =	strace $0x8000004D;
	s12 =	smul.u32 $0x138800, s16  }
0xc: {  	s14 =	smul.u32 $0x27100, s16;
	s15 =	ssub.s32 $0x2, s16;
	s28 =	sor.u32 s25, s16  }
0xd: {  	s30 =	sshll.u32 s16, $0x7;
	s19 =	sshll.u32 s16, $0xB;
	s22 =	sshll.u32 s16, $0x8  }
0xe: {  	s17 =	sshrl.u32 s15, $0x1;
	s18 =	sadd.s32 s11, s1;
	s20 =	sadd.s32 s13, s3  }
0xf: {  	s16 =	sor.u32 s19, s31;
	s19 =	simm.s32 $0x1;
	s12 =	sadd.s32 s11, s12  }
0x10: {  	s14 =	sadd.s32 s13, s14;
	s15 =	ssub.s32 s15, s17;
	s17 =	sor.u32 s22, s21  }
0x11: {  	s18 =	sshrl.u32 s18, $0x3;
	s20 =	sshrl.u32 s20, $0x3;
	s12 =	sshrl.u32 s12, $0x3  }
0x12: {  	s21 =	simm.s32 $0x4800;
	s14 =	sshrl.u32 s14, $0x3;
	s12 =	sadd.s32 s12, s10  }
0x13: {  	s22 =	simm.s32 $0x4000;
	s14 =	sadd.s32 s14, s10;
	s11 =	sadd.s32 $0x5A8800, s12  }
0x14: {  	s13 =	smax.u32 s15, $0x1;
	s12 =	sadd.s32 $0x59EA00, s14;
	s14 =	ssub.s32 $0x290, s28  }
0x15: {  	s15 =	sor.u32 s30, s29;
	s10 =	sor.u32 $0x1C01, s26;
	s14 =	sshrl.u32 s14, $0x5  }
.LBB2_1:
0x16: {  	[spmem:s18], [sflag:s10] =	dma.local [hbm:s8], $0x2710  }
0x17: {  	_ =	swait.ge [sflag:s19], $0x2710  }
0x18: {  	[sflag:s19] =	ssyncset.done $0x0  }
0x19: {  	p1 =	sne.s32 s14, $0x1;
	[sflag:s19] =	ssyncadd.s32 $0xFFFFD8F0  }
0x1a: {  	[spmem:s20], [sflag:s10] =	dma.local [hbm:s9], $0x4E2  }
.Ltmp0:
0x1b: {  	_ =	swait.ge [sflag:s19], $0x4E2;
	(pc) =	sbr.rel @!p1 .LBB2_2-.Ltmp0, $4  }
0x1c: {  	[sflag:s19] =	ssyncset.done $0x0  }
0x1d: {  	[sflag:s19] =	ssyncadd.s32 $0xFFFFFB1E  }
0x1e: {  	[bflag:$0x0] =	sbarrier.arrive $0xFFFF  }
0x1f: {  	s25 =	sadd.s32 $0xFFFFFFFF, s14;
	s30 =	sshrl.u32 s15, $0x3;
	p0 =	por $0x0, $0x0  }
0x20: {  	s26 =	sadd.s32 s7, s30  }
0x21: {  	[tilespmem:s21], [sflag:$0x1] =	stream.linear.gather [hbm4b:s26+s4], $0x80, $0x38;
	[tilespmem:$0x1A810] =	vst v63  }
0x22: {  	_ =	swait.ge [sflag:s19], $0x80  }
0x23: {  	s31 =	sand.u32 $0x1FFFF800, s16;
	[sflag:s19] =	ssyncset.done $0x0  }
0x24: {  	s26 =	sadd.s32 s5, s31;
	[sflag:s19] =	ssyncadd.s32 $0xFFFFFF80  }
0x25: {  	[tilespmem:s4], [sflag:$0x1] =	stream.linear.gather [hbm4b:s26+s4], $0x4000, $0x38;
	[tilespmem:$0x1A810] =	vst v63  }
0x26: {  	_ =	swait.ge [sflag:s19], $0x4000  }
0x27: {  	s31 =	sand.u32 $0x1FFFFF00, s17;
	[sflag:s19] =	ssyncset.done $0x0  }
0x28: {  	s26 =	sadd.s32 s6, s31;
	[sflag:s19] =	ssyncadd.s32 $0xFFFFC000  }
0x29: {  	[tilespmem:s22], [sflag:$0x1] =	stream.linear.gather [hbm4b:s26+s4], $0x800, $0x38;
	[tilespmem:$0x1A810] =	vst v63  }
0x2a: {  	_ =	swait.ge [sflag:s19], $0x800  }
0x2b: {  	[sflag:s19] =	ssyncset.done $0x0  }
0x2c: {  	[sflag:s19] =	ssyncadd.s32 $0xFFFFF800  }
0x2d: {  	[spmem:s1] =	stream.indirect.scatter.add.f32 [tilespmem:s4], [sflag:$0x1], $0x80, s21, s23, $0xb8;
	[tilespmem:$0x1A810] =	vst v63  }
0x2e: {  	p1 =	sne.s32 s25, $0x1;
	_ =	swait.ge [sflag:s19], $0x4000  }
.Ltmp1:
0x2f: {  	[sflag:s19] =	ssyncset.done $0x0;
	(pc) =	sbr.rel @!p1 .LBB2_4-.Ltmp1, $4  }
0x30: {  	s28 =	sadd.s32 $0x1000, s15;
	s29 =	sadd.s32 $0xFFFFFFFF, s25;
	[sflag:s19] =	ssyncadd.s32 $0xFFFFC000  }
0x31: {  	[spmem:s3] =	stream.indirect.scatter.add.f32 [tilespmem:s22], [sflag:$0x1], $0x10, s21, s23, $0xb8;
	[tilespmem:$0x1A810] =	vst v63  }
0x32: {  	s25 =	sadd.s32 $0x2000, s17;
	p0 =	por $0x1, $0x1;
	_ =	swait.ge [sflag:s19], $0x800  }
0x33: {  	s30 =	sshrl.u32 s28, $0x3;
	s26 =	smov.u32 s16;
	[sflag:s19] =	ssyncset.done $0x0  }
.LBB2_5:
0x34: {  	s30 =	sadd.s32 s7, s30;
	[sflag:s19] =	ssyncadd.s32 $0xFFFFF800;
	s26 =	sadd.s32 $0x10000, s26  }
0x35: {  	[tilespmem:s21], [sflag:$0x1] =	stream.linear.gather [hbm4b:s30+s4], $0x80, $0x38;
	[tilespmem:$0x1A810] =	vst v63  }
0x36: {  	p1 =	sne.s32 s29, $0x1;
	s29 =	sadd.s32 $0xFFFFFFFF, s29;
	_ =	swait.ge [sflag:s19], $0x80  }
0x37: {  	s30 =	sand.u32 $0x1FFFF800, s26;
	[sflag:s19] =	ssyncset.done $0x0  }
0x38: {  	s30 =	sadd.s32 s5, s30;
	[sflag:s19] =	ssyncadd.s32 $0xFFFFFF80  }
0x39: {  	[tilespmem:s4], [sflag:$0x1] =	stream.linear.gather [hbm4b:s30+s4], $0x4000, $0x38;
	[tilespmem:$0x1A810] =	vst v63  }
0x3a: {  	_ =	swait.ge [sflag:s19], $0x4000  }
0x3b: {  	s30 =	sand.u32 $0x1FFFFF00, s25;
	[sflag:s19] =	ssyncset.done $0x0  }
0x3c: {  	s30 =	sadd.s32 s6, s30;
	[sflag:s19] =	ssyncadd.s32 $0xFFFFC000  }
0x3d: {  	[tilespmem:s22], [sflag:$0x1] =	stream.linear.gather [hbm4b:s30+s4], $0x800, $0x38;
	[tilespmem:$0x1A810] =	vst v63  }
0x3e: {  	_ =	swait.ge [sflag:s19], $0x800  }
0x3f: {  	[sflag:s19] =	ssyncset.done $0x0  }
0x40: {  	[sflag:s19] =	ssyncadd.s32 $0xFFFFF800  }
0x41: {  	[spmem:s1] =	stream.indirect.scatter.add.f32 [tilespmem:s4], [sflag:$0x1], $0x80, s21, s23, $0xb8;
	[tilespmem:$0x1A810] =	vst v63  }
0x42: {  	_ =	swait.ge [sflag:s19], $0x4000  }
.Ltmp2:
0x43: {  	[sflag:s19] =	ssyncset.done $0x0;
	(pc) =	sbr.rel @p1 .LBB2_5-.Ltmp2, $4  }
0x44: {  	[sflag:s19] =	ssyncadd.s32 $0xFFFFC000  }
0x45: {  	[spmem:s3] =	stream.indirect.scatter.add.f32 [tilespmem:s22], [sflag:$0x1], $0x10, s21, s23, $0xb8;
	[tilespmem:$0x1A810] =	vst v63  }
0x46: {  	s28 =	sadd.s32 $0x1000, s28;
	_ =	swait.ge [sflag:s19], $0x800  }
0x47: {  	s25 =	sadd.s32 $0x2000, s25;
	s30 =	sshrl.u32 s28, $0x3;
	[sflag:s19] =	ssyncset.done $0x0  }
.LBB2_6:
0x48: {  	s28 =	sadd.s32 s7, s30;
	[sflag:s19] =	ssyncadd.s32 @p0 $0xFFFFF800  }
0x49: {  	[tilespmem:s21], [sflag:$0x1] =	stream.linear.gather [hbm4b:s28+s4], $0x80, $0x38;
	[tilespmem:$0x1A810] =	vst v63  }
0x4a: {  	s26 =	sadd.s32 @p0 $0x10000, s26;
	s28 =	smov.u32 s16  }
0x4b: {  	_ =	swait.ge [sflag:s19], $0x80;
	s28 =	smov.u32 @p0 s26  }
0x4c: {  	[sflag:s19] =	ssyncset.done $0x0;
	s26 =	sand.u32 $0x1FFFF800, s28  }
0x4d: {  	[sflag:s19] =	ssyncadd.s32 $0xFFFFFF80;
	s26 =	sadd.s32 s5, s26  }
0x4e: {  	[tilespmem:s4], [sflag:$0x1] =	stream.linear.gather [hbm4b:s26+s4], $0x4000, $0x38;
	[tilespmem:$0x1A810] =	vst v63  }
0x4f: {  	_ =	swait.ge [sflag:s19], $0x4000  }
0x50: {  	s25 =	sand.u32 $0x1FFFFF00, s25;
	[sflag:s19] =	ssyncset.done $0x0  }
0x51: {  	s25 =	sadd.s32 s6, s25;
	[sflag:s19] =	ssyncadd.s32 $0xFFFFC000  }
0x52: {  	[tilespmem:s22], [sflag:$0x1] =	stream.linear.gather [hbm4b:s25+s4], $0x800, $0x38;
	[tilespmem:$0x1A810] =	vst v63  }
0x53: {  	_ =	swait.ge [sflag:s19], $0x800  }
0x54: {  	[sflag:s19] =	ssyncset.done $0x0  }
0x55: {  	[sflag:s19] =	ssyncadd.s32 $0xFFFFF800  }
0x56: {  	[spmem:s1] =	stream.indirect.scatter.add.f32 [tilespmem:s4], [sflag:$0x1], $0x80, s21, s23, $0xb8;
	[tilespmem:$0x1A810] =	vst v63  }
0x57: {  	_ =	swait.ge [sflag:s19], $0x4000  }
0x58: {  	[sflag:s19] =	ssyncset.done $0x0  }
0x59: {  	[sflag:s19] =	ssyncadd.s32 $0xFFFFC000  }
0x5a: {  	[spmem:s3] =	stream.indirect.scatter.add.f32 [tilespmem:s22], [sflag:$0x1], $0x10, s21, s23, $0xb8;
	[tilespmem:$0x1A810] =	vst v63  }
0x5b: {  	_ =	swait.ge [sflag:s19], $0x800  }
0x5c: {  	[sflag:s19] =	ssyncset.done $0x0  }
0x5d: {  	[sflag:s19] =	ssyncadd.s32 $0xFFFFF800  }
0x5e: {  	[bflag:$0x0] =	sbarrier.arrive $0xFFFF  }
0x5f: {  	[hbm:s11], [sflag:s10] =	dma.local [spmem:s18], $0x2710  }
0x60: {  	_ =	swait.ge [sflag:s19], $0x2710  }
0x61: {  	s24 =	sadd.s32 $0x1, s24;
	[sflag:s19] =	ssyncset.done $0x0  }
0x62: {  	p0 =	sne.s32 s24, s13;
	[sflag:s19] =	ssyncadd.s32 $0xFFFFD8F0  }
0x63: {  	[hbm:s12], [sflag:s10] =	dma.local [spmem:s20], $0x4E2  }
.Ltmp3:
0x64: {  	_ = 	snop;
	(pc) =	sbr.rel @p0 .LBB2_1-.Ltmp3, $4  }
.Ltmp4:
0x65: {  	_ = 	snop;
	(pc) =	sbr.rel @!p0 .LBB2_7-.Ltmp4, $4  }
0x66: {  	_ =	swait.ge [sflag:s19], $0x4E2  }
0x67: {  	[sflag:s19] =	ssyncset.done $0x0  }
0x68: {  	[sflag:s19] =	ssyncadd.s32 $0xFFFFFB1E  }
0x69: {  	_ = 	snop  }
.LBB2_2:
.Ltmp5:
0x6a: {  	(pc) =	sbr.rel .LBB2_6-.Ltmp5, $2  }
0x6b: {  	_ =	sdelay $0x2  }
0x6c: {  	s26 =	smov.u32 s16;
	s25 =	smov.u32 s17  }
.LBB2_4:
.Ltmp6:
0x6d: {  	(pc) =	sbr.rel .LBB2_6-.Ltmp6, $2  }
0x6e: {  	_ =	sdelay $0x2  }
0x6f: {  	s26 =	smov.u32 s16  }
.LBB2_7:
0x70: {  	_ =	sfence.sel $0x180000  }
0x71: {  	[bflag:$0x0] =	sbarrier.arrive $0xFFFF  }
0x72: {  	p0 =	sne.s32 s2, $0x0;
	_ =	strace $0x9000004D  }
0x73: {  	s0 =	sadd.s32 @!p0 $0x100000, s0;
	[bflag:$0x2] =	sbarrier.arrive $0xFFFF  }
0x74: {  	[sflag:s0] =	ssyncadd.tile.s32 @!p0 $0x1;
	_ =	shalt  }
.Lfunc_end2:
_tile_overlayer_lowered:
.L_overlay_start_2:
0x75: {  	(tag) =	ssettag $0x2  }
0x76: {  	s0 =	rddreg [dreg:$0x0];
	s2 =	stileid.u32  }
0x77: {  	s1 =	rddreg [dreg:$0x1];
	p0 =	sne.s32 s2, $0x0  }
0x78: {  	s3 =	rddreg [dreg:$0x2];
	[bflag:$0x3] =	sbarrier.arrive $0xFFFF;
	s2 =	simm.s32 @!p0 $0x1C01  }
0x79: {  	[timem:s3], [sflag:s2] =	dma.local @!p0 [hbm:s0], s1  }
0x7a: {  	s0 =	simm.s32 @!p0 $0x1  }
0x7b: {  	_ =	swait.ge @!p0 [sflag:s0], s1  }
0x7c: {  	s1 =	ssub.s32 @!p0 $0x0, s1;
	[sflag:s0] =	ssyncset.done @!p0 $0x0  }
0x7d: {  	[sflag:s0] =	ssyncadd.s32 @!p0 s1  }
0x7e: {  	[bflag:$0x3] =	sbarrier.arrive $0xFFFF  }
0x7f: {  	_ =	shalt  }

// kernel: kernel.30.cloned.1.call-start
scs
__scs_entry_jumppad:
0x0: {  	(pc) =	sbr.rel $0x88, $3  }
0x1: {  	(tag) =	ssettag $0x0;
	lr =	simm.s32 $0x1  }
0x2: {  	[smem:$0x3F8D] =	sst lr;
	_ =	strace $0xD0000000  }
0x3: {  	_ = 	snop  }
0x4: {  	_ = 	snop  }
0x5: {  	_ = 	snop  }
0x6: {  	_ = 	snop  }
0x7: {  	_ = 	snop  }
__scs_overlays_trampoline_lowered:
0x8: {  	[smem:$0x3F9C] =	sst s0  }
0x9: {  	[smem:$0x3F9D] =	sst s1  }
0xa: {  	[smem:$0x3F9E] =	sst s2  }
0xb: {  	[smem:$0x3F9F] =	sst s3  }
0xc: {  	[smem:$0x3FA0] =	sst s4  }
0xd: {  	[smem:$0x3FA1] =	sst s5  }
0xe: {  	[smem:$0x3FA2] =	sst s6  }
0xf: {  	[smem:$0x3FA3] =	sst s7  }
0x10: {  	[smem:$0x3FA4] =	sst s8  }
0x11: {  	[smem:$0x3FA5] =	sst s9;
	s0 =	simm.s32 @!p0 $0x0  }
0x12: {  	s1 =	sld [smem:$0x3F8B];
	s0 =	simm.s32 @p0 $0x1  }
0x13: {  	[smem:$0x3FA6] =	sst s0;
	s0 =	simm.s32 @!p1 $0x0  }
0x14: {  	s2 =	sld [smem:$0x3F8A];
	s0 =	simm.s32 @p1 $0x1  }
0x15: {  	[smem:$0x3FA7] =	sst s0;
	s0 =	simm.s32 @!p2 $0x0  }
0x16: {  	s3 =	sld [smem:$0x3FDB];
	s0 =	simm.s32 @p2 $0x1  }
0x17: {  	s4 =	simm.s32 $0x1BF5;
	[smem:$0x3FA9] =	sst s0  }
0x18: {  	s0 =	sld [smem:$0x3F8C];
	_ =	swait.ge [sflag:s4], $0x0  }
0x19: {  	s7 =	sld [smem:$0x3F8D]  }
0x1a: {  	s8 =	sadd.s32 $0xFFFFE003, lr  }
0x1b: {  	s9 =	sadd.s32 $0xFFFFFEF7, lr;
	s5 =	simm.s32 $0xFFFFFFFF;
	p2 =	slt.u32 s8, $0xFFFFF086  }
0x1c: {  	p1 =	slt.u32 s9, $0xF7A;
	s5 =	simm.s32 @!p2 $0x0  }
0x1d: {  	s5 =	simm.s32 @p1 $0x1;
	p0 =	seq.s32 s7, s2  }
0x1e: {  	s7 =	smul.u32 @!p0 $0xF7A, s2;
	p2 =	seq.s32 @!p0 s5, $0x0  }
0x1f: {  	s9 =	smul.u32 $0xF7A, s1;
	s8 =	simm.s32 @!p0 $0x1BF5;
	p2 =	por !p2, p0  }
0x20: {  	[sflag:s8] =	ssyncset.s32 @!p0 $0xFFFFF086;
	s6 =	sadd.s32 @!p0 s3, s7;
	s7 =	simm.s32 @!p0 $0x108  }
0x21: {  	s3 =	sadd.s32 s3, s9;
	s6 =	sadd.s32 @!p0 $0x88, s6;
	s7 =	simm.s32 @p2 $0x1082  }
0x22: {  	[simem:s7], [sflag:s8] =	dma.local @!p0 [hbm:s6], $0xF7A  }
0x23: {  	s9 =	sor.u32 $0xD0000000, s2;
	s6 =	simm.s32 $0x108;
	_ =	swait.ge @!p0 [sflag:s8], $0x0  }
0x24: {  	s3 =	sadd.s32 $0x88, s3;
	s6 =	simm.s32 @!p1 $0x1082;
	[sflag:s4] =	ssyncset.s32 $0xFFFFF086  }
0x25: {  	[simem:s6], [sflag:s4] =	dma.local [hbm:s3], $0xF7A  }
0x26: {  	[smem:$0x3F8D] =	sst s1;
	(tag) =	ssettag s2;
	_ =	strace s9  }
0x27: {  	s1 =	sld [smem:$0x3F9D]  }
0x28: {  	s2 =	sld [smem:$0x3F9E]  }
0x29: {  	s4 =	sld [smem:$0x3FA0]  }
0x2a: {  	p0 =	seq.s32 s5, $0x0;
	s5 =	sld [smem:$0x3FA1]  }
0x2b: {  	s6 =	sld [smem:$0x3FA2]  }
0x2c: {  	s7 =	sld [smem:$0x3FA3]  }
0x2d: {  	s3 =	simm.s32 $0x108;
	s8 =	sld [smem:$0x3FA4]  }
0x2e: {  	s3 =	simm.s32 @!p0 $0x1082;
	s9 =	sld [smem:$0x3FA5]  }
0x2f: {  	lr =	sadd.s32 s0, s3;
	s0 =	sld [smem:$0x3F9C]  }
0x30: {  	s3 =	sld [smem:$0x3F9F]  }
0x31: {  	[smem:$0x3FA8] =	sst s10  }
0x32: {  	s10 =	sld [smem:$0x3FA6];
	_ =	sdelay $0x3  }
0x33: {  	p0 =	seq.s32 s10, $0x1;
	s10 =	sld [smem:$0x3FA8];
	_ =	sdelay $0x3  }
0x34: {  	[smem:$0x3FA8] =	sst s10  }
0x35: {  	s10 =	sld [smem:$0x3FA7];
	_ =	sdelay $0x3  }
0x36: {  	p1 =	seq.s32 s10, $0x1;
	s10 =	sld [smem:$0x3FA8];
	_ =	sdelay $0x3  }
0x37: {  	[smem:$0x3FA8] =	sst s10  }
0x38: {  	s10 =	sld [smem:$0x3FA9]  }
0x39: {  	_ = 	snop;
	(pc) =	sbr.ind lr, $3  }
0x3a: {  	_ = 	snop  }
0x3b: {  	_ = 	snop  }
0x3c: {  	p2 =	seq.s32 s10, $0x1;
	s10 =	sld [smem:$0x3FA8]  }
0x3d: {  	_ =	shalt  }
0x3e: {  	_ =	shalt  }
0x3f: {  	_ =	shalt  }
0x40: {  	_ =	shalt  }
0x41: {  	_ =	shalt  }
0x42: {  	_ =	shalt  }
0x43: {  	_ =	shalt  }
0x44: {  	_ =	shalt  }
0x45: {  	_ =	shalt  }
0x46: {  	_ =	shalt  }
0x47: {  	_ =	shalt  }
0x48: {  	_ =	shalt  }
0x49: {  	_ =	shalt  }
0x4a: {  	_ =	shalt  }
0x4b: {  	_ =	shalt  }
0x4c: {  	_ =	shalt  }
0x4d: {  	_ =	shalt  }
0x4e: {  	_ =	shalt  }
0x4f: {  	_ =	shalt  }
0x50: {  	_ =	shalt  }
0x51: {  	_ =	shalt  }
0x52: {  	_ =	shalt  }
0x53: {  	_ =	shalt  }
0x54: {  	_ =	shalt  }
0x55: {  	_ =	shalt  }
0x56: {  	_ =	shalt  }
0x57: {  	_ =	shalt  }
0x58: {  	_ =	shalt  }
0x59: {  	_ =	shalt  }
0x5a: {  	_ =	shalt  }
0x5b: {  	_ =	shalt  }
0x5c: {  	_ =	shalt  }
0x5d: {  	_ =	shalt  }
0x5e: {  	_ =	shalt  }
0x5f: {  	_ =	shalt  }
0x60: {  	_ =	shalt  }
0x61: {  	_ =	shalt  }
0x62: {  	_ =	shalt  }
0x63: {  	_ =	shalt  }
0x64: {  	_ =	shalt  }
0x65: {  	_ =	shalt  }
0x66: {  	_ =	shalt  }
0x67: {  	_ =	shalt  }
0x68: {  	_ =	shalt  }
0x69: {  	_ =	shalt  }
0x6a: {  	_ =	shalt  }
0x6b: {  	_ =	shalt  }
0x6c: {  	_ =	shalt  }
0x6d: {  	_ =	shalt  }
0x6e: {  	_ =	shalt  }
0x6f: {  	_ =	shalt  }
0x70: {  	_ =	shalt  }
0x71: {  	_ =	shalt  }
0x72: {  	_ =	shalt  }
0x73: {  	_ =	shalt  }
0x74: {  	_ =	shalt  }
0x75: {  	_ =	shalt  }
0x76: {  	_ =	shalt  }
0x77: {  	_ =	shalt  }
0x78: {  	_ =	shalt  }
0x79: {  	_ =	shalt  }
0x7a: {  	_ =	shalt  }
0x7b: {  	_ =	shalt  }
0x7c: {  	_ =	shalt  }
0x7d: {  	_ =	shalt  }
0x7e: {  	_ =	shalt  }
0x7f: {  	_ =	shalt  }
0x80: {  	_ =	shalt  }
0x81: {  	_ =	shalt  }
0x82: {  	_ =	shalt  }
0x83: {  	_ =	shalt  }
0x84: {  	_ =	shalt  }
0x85: {  	_ =	shalt  }
0x86: {  	_ =	shalt  }
0x87: {  	_ =	shalt  }
.Lfunc_end0:
.L_simem_size_0:
called_computation.4_lowered:
.L_overlay_start_0:
0x88: {  	s2 =	sld [smem:$0x3FD9]  }
0x89: {  	s3 =	sld [smem:$0x3FFE];
	_ =	sdelay $0x1  }
0x8a: {  	s1 =	srdreg.scid  }
0x8b: {  	s0 =	sand.u32 $0x1, s1  }
0x8c: {  	s17 =	sshll.u32 s0, $0xA;
	s2 =	sadd.s32 s3, s2  }
0x8d: {  	s2 =	sadd.s32 s2, s17  }
0x8e: {  	[smem:$0x3FB4] =	sst s2  }
0x8f: {  	_ = 	snop  }
0x90: {  	(tm) =	ssettm $0x1  }
0x91: {  	s18 =	sld [smem:$0x3FFB];
	_ =	sdelay $0x3  }
0x92: {  	_ =	strace s18  }
0x93: {  	s2 =	sld [smem:$0x3FFC];
	_ =	sdelay $0x3  }
0x94: {  	_ =	strace s2  }
0x95: {  	s2 =	sld [smem:$0x3FFD];
	_ =	sdelay $0x3  }
0x96: {  	_ =	strace s2  }
0x97: {  	_ =	strace $0x8FFFFFFF  }
0x98: {  	s19 =	sld [smem:$0x3FDB];
	_ =	sdelay $0x1  }
0x99: {  	s20 =	simm.s32 $_scs_section_size  }
0x9a: {  	s4 =	simm.s32 $_size__tile_overlayer_lowered;
	s5 =	simm.s32 $_tile_overlayer_lowered  }
0x9b: {  	s6 =	simm.s32 $0x1BFF;
	s21 =	sshll.u32 s5, $0x1;
	s3 =	sadd.s32 s20, s19  }
0x9c: {  	s22 =	simm.s32 $0x0;
	s4 =	sshll.u32 s4, $0x1;
	s5 =	sadd.s32 s21, s3  }
0x9d: {  	[timem:s22], [sflag:s6] =	dma.local [hbm:s5], s4  }
0x9e: {  	_ =	swait.ge [sflag:s6], s4  }
0x9f: {  	s4 =	ssub.s32 $0x0, s4;
	[sflag:s6] =	ssyncset.done $0x0  }
0xa0: {  	[sflag:s6] =	ssyncadd.s32 s4;
	_ =	sdelay $0x1  }
0xa1: {  	s23 =	simm.s32 $0x1B8B  }
0xa2: {  	_ =	swait.ge [sflag:s23], $0x1  }
0xa3: {  	[sflag:s23] =	ssyncset.done $0x0  }
0xa4: {  	[sflag:s23] =	ssyncadd.s32 $0xFFFFFFFF  }
0xa5: {  	s4 =	sld [smem:$0x0]  }
0xa6: {  	s5 =	sand.u32 $0xFFFFFFFE, s1  }
0xa7: {  	p0 =	sne.s32 s1, s5  }
0xa8: {  	s5 =	sshll.u32 @p0 s5, $0xE  }
0xa9: {  	s5 =	sadd.s32 @p0 $0x11B8D, s5;
	s6 =	sshll.u32 @p0 s4, $0x11  }
0xaa: {  	s5 =	sor.u32 @p0 s6, s5  }
0xab: {  	[sflag:s5] =	ssyncadd.remote.s32 @p0 $0x1;
	_ =	sdelay $0x1  }
0xac: {  	s5 =	simm.s32 @p0 $0x1B8D  }
0xad: {  	_ =	swait.eq @p0 [sflag:s5], $0x1  }
0xae: {  	[sflag:s5] =	ssyncadd.s32 @p0 $0xFFFFFFFF  }
0xaf: {  	s6 =	sshll.u32 @!p0 s1, $0xE  }
0xb0: {  	s6 =	sor.u32 @!p0 $0x4000, s6;
	s5 =	simm.s32 @!p0 $0x1B8D  }
0xb1: {  	s4 =	sshll.u32 @!p0 s4, $0x11;
	s6 =	sadd.s32 @!p0 $0x11B8D, s6;
	_ =	swait.eq @!p0 [sflag:s5], $0x1  }
0xb2: {  	s4 =	sor.u32 @!p0 s4, s6;
	[sflag:s5] =	ssyncadd.s32 @!p0 $0xFFFFFFFF  }
0xb3: {  	s25 =	simm.s32 $0x1B8E;
	s24 =	sld [smem:$0x3FFE];
	[sflag:s4] =	ssyncadd.remote.s32 @!p0 $0x1  }
0xb4: {  	s26 =	simm.s32 $execute0_lowered;
	[smem:$0x3FD2] =	sst s25  }
0xb5: {  	s5 =	sshll.u32 s26, $0x1;
	_ =	strace $0x80000055;
	[dreg:$0x1] =	wrdreg $0xFFFFFFFF  }
0xb6: {  	s28 =	simm.s32 $_size_execute0_lowered;
	s3 =	sadd.s32 s3, s5;
	[dreg:$0x0] =	wrdreg $0x0  }
0xb7: {  	s5 =	sshll.u32 s28, $0x1;
	[dreg:$0x2] =	wrdreg s3  }
0xb8: {  	[dreg:$0x3] =	wrdreg s5  }
0xb9: {  	[dreg:$0x4] =	wrdreg $0xC0  }
0xba: {  	_ =	task [dreg:s22], $0x5FFFF  }
0xbb: {  	[dreg:$0x1] =	wrdreg $0xFFFFFFFF  }
0xbc: {  	[dreg:$0x0] =	wrdreg $0x60  }
0xbd: {  	[dreg:$0x2] =	wrdreg s24  }
0xbe: {  	[dreg:$0x3] =	wrdreg $0x9  }
0xbf: {  	_ =	task.clear_ibuf [dreg:s22], $0x4FFFF;
	_ =	strace $0x90000055  }
0xc0: {  	s29 =	simm.s32 $0x9;
	_ =	strace $0x80000057  }
0xc1: {  	_ =	swait.ge [sflag:s29], $0x1  }
0xc2: {  	[sflag:s29] =	ssyncadd.s32 $0xFFFFFFFF  }
0xc3: {  	_ =	strace $0x90000057  }
0xc4: {  	_ =	sfence  }
0xc5: {  	s30 =	sld [smem:$0x0];
	_ =	sdelay $0x2  }
0xc6: {  	s31 =	sshll.u32 s1, $0xD;
	s1 =	sshrl.u32 s1, $0x2  }
0xc7: {  	s4 =	sand.u32 $0x4000, s31;
	s1 =	sadd.s32 s1, s30  }
0xc8: {  	s0 =	sor.u32 s4, s0;
	s1 =	sshll.u32 s1, $0x11  }
0xc9: {  	s0 =	sor.u32 s1, s0  }
0xca: {  	s0 =	sadd.s32 $0x8F2B, s0  }
0xcb: {  	[sflag:s0] =	ssyncadd.remote.s32 $0x1  }
0xcc: {  	_ =	sfence.sel $0xFFFF  }
0xcd: {  	[dreg:$0x0] =	wrdreg $0xFFFFFFFF;
	(pc) =	sbr.abs _section_cstart, $3  }
0xce: {  	[dreg:$0x1] =	wrdreg $0xFFFFFFFF  }
0xcf: {  	_ =	task.clear_ibuf [dreg:s22], $0x2FFFF;
	_ =	strace $0x9FFFFFFF  }
0xd0: {  	(tm) =	ssettm $0x7FFFFFFF  }
0xd1: {  	_ =	shalt  }
tec
execute0_lowered:
.L_overlay_start_1:
0x0: {  	(tag) =	ssettag $0x1  }
0x1: {  	s10 =	rddreg [dreg:$0x0]  }
0x2: {  	s0 =	rddreg [dreg:$0x1];
	s1 =	simm.s32 $0x0  }
0x3: {  	s9 =	srdreg.scid;
	s4 =	stileid.u32;
	s15 =	simm.s32 $0x80  }
0x4: {  	s16 =	simm.s32 $0x100;
	s17 =	simm.s32 $0x4100;
	s18 =	simm.s32 $0x8100  }
0x5: {  	s19 =	simm.s32 $0x8900;
	s20 =	simm.s32 $0x3;
	s21 =	simm.s32 $0x4  }
0x6: {  	s22 =	simm.s32 $0x1;
	s23 =	simm.s32 $0x2;
	s2 =	sadd.s32 $0x307A00, s10  }
0x7: {  	s24 =	simm.s32 $0x0;
	s3 =	sadd.s32 $0x32EC00, s10;
	s5 =	sadd.s32 $0x302A00, s10  }
0x8: {  	[smem:$0x7FF] =	sst s1;
	s6 =	sadd.s32 $0x2D9000, s10;
	s7 =	sadd.s32 $0x2D6800, s10  }
0x9: {  	s8 =	sadd.s32 $0x14FC00, s10;
	s11 =	sand.u32 $0x1, s9;
	s12 =	sshll.u32 s4, $0x1  }
0xa: {  	s9 =	sadd.s32 $0x59EA00, s10;
	s10 =	sadd.s32 $0x4B5800, s10;
	s13 =	ssub.s32 $0x2, s11  }
0xb: {  	_ =	strace $0x80000056;
	s11 =	sor.u32 s11, s12;
	s31 =	sshrl.u32 s13, $0x1  }
0xc: {  	s14 =	ssub.s32 $0x290, s11;
	s11 =	sshll.u32 s11, $0x7;
	s13 =	ssub.s32 s13, s31  }
0xd: {  	s12 =	sshrl.u32 s14, $0x5;
	s14 =	simm.s32 $0x5;
	s13 =	smax.u32 s13, $0x1  }
.LBB2_1:
0xe: {  	s25 =	simm.s32 $0x0  }
.LBB2_2:
0xf: {  	s26 =	sshll.u32 s25, $0xC  }
0x10: {  	s26 =	sor.u32 s11, s26  }
0x11: {  	s28 =	sshrl.u32 s26, $0x3  }
0x12: {  	s29 =	sadd.s32 s6, s28  }
0x13: {  	[tilespmem:s1], [sflag:$0x5] =	stream.linear.gather [hbm4b:s29+s1], $0x80, $0x38;
	[tilespmem:$0x9100] =	vst v63  }
0x14: {  	_ =	swait.ge [sflag:s14], $0x80  }
0x15: {  	[sflag:s14] =	ssyncset.done $0x0  }
0x16: {  	s28 =	sadd.s32 s7, s28;
	[sflag:s14] =	ssyncadd.s32 $0xFFFFFF80  }
0x17: {  	[tilespmem:s15], [sflag:$0x5] =	stream.linear.gather [hbm4b:s28+s1], $0x80, $0x38;
	[tilespmem:$0x9100] =	vst v63  }
0x18: {  	_ =	swait.ge [sflag:s14], $0x80  }
0x19: {  	[sflag:s14] =	ssyncset.done $0x0  }
0x1a: {  	[sflag:s14] =	ssyncadd.s32 $0xFFFFFF80  }
0x1b: {  	[tilespmem:s16], [sflag:$0x1] =	stream.indirect.gather [hbm4b:s2+s15], $0x80, s1, s15, $0xb8;
	[tilespmem:$0x9100] =	vst v63  }
0x1c: {  	_ = 	snop  }
0x1d: {  	[tilespmem:s17], [sflag:$0x2] =	stream.indirect.gather [hbm4b:s3+s15], $0x80, s15, s15, $0xb8;
	[tilespmem:$0x9100] =	vst v63  }
0x1e: {  	_ = 	snop  }
0x1f: {  	[tilespmem:s18], [sflag:$0x3] =	stream.indirect.gather [hbm4b:s5+s15], $0x10, s1, s15, $0xb8;
	[tilespmem:$0x9100] =	vst v63  }
0x20: {  	_ = 	snop  }
0x21: {  	[tilespmem:s19], [sflag:$0x4] =	stream.indirect.gather [hbm4b:s5+s15], $0x10, s15, s15, $0xb8;
	[tilespmem:$0x9100] =	vst v63  }
0x22: {  	_ =	swait.ge [sflag:s20], $0x800  }
0x23: {  	[sflag:s20] =	ssyncset.done $0x0  }
0x24: {  	[sflag:s20] =	ssyncadd.s32 $0xFFFFF800  }
0x25: {  	_ =	swait.ge [sflag:s21], $0x800  }
0x26: {  	[sflag:s21] =	ssyncset.done $0x0  }
0x27: {  	s28 =	simm.s32 $0x8120;
	[sflag:s21] =	ssyncadd.s32 $0xFFFFF800  }
0x28: {  	s29 =	simm.s32 $0x8920;
	v0 =	vld [tilespmem:s28+$0xFFFFFFE0]  }
0x29: {  	v1 =	vld [tilespmem:s29+$0xFFFFFFE0];
	_ =	sdelay $0x4  }
0x2a: {  	v0 =	vsub.f32 v0, v1;
	_ =	sdelay $0x1  }
0x2b: {  	[tilespmem:s28+$0xFFFFFFE0] =	vst v0;
	v0 =	vld [tilespmem:s28+$0xFFFFFFF0]  }
0x2c: {  	v1 =	vld [tilespmem:s29+$0xFFFFFFF0];
	_ =	sdelay $0x4  }
0x2d: {  	v0 =	vsub.f32 v0, v1;
	_ =	sdelay $0x1  }
0x2e: {  	[tilespmem:s28+$0xFFFFFFF0] =	vst v0;
	v0 =	vld [tilespmem:s28+$0x0]  }
0x2f: {  	v1 =	vld [tilespmem:s29+$0x0];
	_ =	sdelay $0x4  }
0x30: {  	v0 =	vsub.f32 v0, v1;
	_ =	sdelay $0x1  }
0x31: {  	[tilespmem:s28+$0x0] =	vst v0;
	v0 =	vld [tilespmem:s28+$0x10]  }
0x32: {  	v1 =	vld [tilespmem:s29+$0x10];
	_ =	sdelay $0x4  }
0x33: {  	v0 =	vsub.f32 v0, v1  }
0x34: {  	s30 =	simm.s32 $0x0;
	s31 =	simm.s32 $0x8160  }
.LBB2_3:
0x35: {  	v1 =	vld [tilespmem:s31+$0xFFFFFFE0];
	[tilespmem:s28+$0x10] =	vst v0;
	s29 =	sadd.s32 $0x40, s29;
	s28 =	smov.u32 s31  }
0x36: {  	s30 =	sadd.s32 $0x4, s30;
	v0 =	vld [tilespmem:s29+$0xFFFFFFE0]  }
0x37: {  	p0 =	slt.u32 s30, $0x7C;
	_ =	sdelay $0x3  }
0x38: {  	v0 =	vsub.f32 v1, v0;
	_ =	sdelay $0x1  }
0x39: {  	[tilespmem:s31+$0xFFFFFFE0] =	vst v0;
	v0 =	vld [tilespmem:s31+$0xFFFFFFF0]  }
0x3a: {  	v1 =	vld [tilespmem:s29+$0xFFFFFFF0];
	_ =	sdelay $0x4  }
0x3b: {  	v0 =	vsub.f32 v0, v1;
	_ =	sdelay $0x1  }
0x3c: {  	[tilespmem:s31+$0xFFFFFFF0] =	vst v0;
	v0 =	vld [tilespmem:s31+$0x0]  }
0x3d: {  	v1 =	vld [tilespmem:s29+$0x0];
	_ =	sdelay $0x4  }
0x3e: {  	v0 =	vsub.f32 v0, v1;
	_ =	sdelay $0x1  }
0x3f: {  	[tilespmem:s31+$0x0] =	vst v0;
	v0 =	vld [tilespmem:s31+$0x10]  }
0x40: {  	v1 =	vld [tilespmem:s29+$0x10];
	_ =	sdelay $0x1  }
.Ltmp0:
0x41: {  	(pc) =	sbr.rel @p0 .LBB2_3-.Ltmp0, $3  }
0x42: {  	_ =	sdelay $0x1  }
0x43: {  	v0 =	vsub.f32 v0, v1  }
0x44: {  	s31 =	sadd.s32 $0x40, s31  }
0x45: {  	[tilespmem:s28+$0x10] =	vst v0  }
0x46: {  	_ =	swait.ge [sflag:s22], $0x4000  }
0x47: {  	[sflag:s22] =	ssyncset.done $0x0  }
0x48: {  	[sflag:s22] =	ssyncadd.s32 $0xFFFFC000  }
0x49: {  	s30 =	sshll.u32 s26, $0x4;
	_ =	swait.ge [sflag:s23], $0x4000  }
0x4a: {  	s28 =	sand.u32 $0x1FFFF800, s30;
	[sflag:s23] =	ssyncset.done $0x0  }
0x4b: {  	s29 =	sadd.s32 s8, s28;
	[sflag:s23] =	ssyncadd.s32 $0xFFFFC000  }
0x4c: {  	[hbm4b:s29+s1] =	stream.linear.scatter [tilespmem:s16], [sflag:$0x5], $0x4000, $0x38;
	[tilespmem:$0x9100] =	vst v63  }
0x4d: {  	_ =	swait.ge [sflag:s14], $0x4000  }
0x4e: {  	[sflag:s14] =	ssyncset.done $0x0  }
0x4f: {  	s28 =	sadd.s32 s9, s28;
	[sflag:s14] =	ssyncadd.s32 $0xFFFFC000  }
0x50: {  	[hbm4b:s28+s1] =	stream.linear.scatter [tilespmem:s17], [sflag:$0x5], $0x4000, $0x38;
	[tilespmem:$0x9100] =	vst v63  }
0x51: {  	s31 =	sshll.u32 s26, $0x1;
	s25 =	sadd.s32 $0x1, s25;
	_ =	swait.ge [sflag:s14], $0x4000  }
0x52: {  	s26 =	sand.u32 $0x1FFFFF00, s31;
	p0 =	sne.s32 s25, s12;
	[sflag:s14] =	ssyncset.done $0x0  }
.Ltmp1:
0x53: {  	s26 =	sadd.s32 s10, s26;
	[sflag:s14] =	ssyncadd.s32 $0xFFFFC000;
	(pc) =	sbr.rel @p0 .LBB2_2-.Ltmp1, $4  }
0x54: {  	[hbm4b:s26+s1] =	stream.linear.scatter [tilespmem:s18], [sflag:$0x5], $0x800, $0x38;
	[tilespmem:$0x9100] =	vst v63  }
0x55: {  	_ =	swait.ge [sflag:s14], $0x800  }
0x56: {  	[sflag:s14] =	ssyncset.done $0x0  }
0x57: {  	[sflag:s14] =	ssyncadd.s32 $0xFFFFF800  }
0x58: {  	s24 =	sadd.s32 $0x1, s24  }
0x59: {  	p0 =	sne.s32 s24, s13  }
.Ltmp2:
0x5a: {  	_ = 	snop;
	(pc) =	sbr.rel @p0 .LBB2_1-.Ltmp2, $1  }
0x5b: {  	_ =	sdelay $0x3  }
0x5c: {  	_ =	sfence.sel $0x180000  }
0x5d: {  	[bflag:$0x0] =	sbarrier.arrive $0xFFFF  }
0x5e: {  	p0 =	sne.s32 s4, $0x0;
	_ =	strace $0x90000056  }
0x5f: {  	s0 =	sadd.s32 @!p0 $0x100000, s0;
	[bflag:$0x2] =	sbarrier.arrive $0xFFFF  }
0x60: {  	[sflag:s0] =	ssyncadd.tile.s32 @!p0 $0x1;
	_ =	shalt  }
.Lfunc_end2:
_tile_overlayer_lowered:
.L_overlay_start_2:
0x61: {  	(tag) =	ssettag $0x2  }
0x62: {  	s0 =	rddreg [dreg:$0x0];
	s2 =	stileid.u32  }
0x63: {  	s1 =	rddreg [dreg:$0x1];
	p0 =	sne.s32 s2, $0x0  }
0x64: {  	s3 =	rddreg [dreg:$0x2];
	[bflag:$0x3] =	sbarrier.arrive $0xFFFF;
	s2 =	simm.s32 @!p0 $0x1C05  }
0x65: {  	[timem:s3], [sflag:s2] =	dma.local @!p0 [hbm:s0], s1  }
0x66: {  	s0 =	simm.s32 @!p0 $0x5  }
0x67: {  	_ =	swait.ge @!p0 [sflag:s0], s1  }
0x68: {  	s1 =	ssub.s32 @!p0 $0x0, s1;
	[sflag:s0] =	ssyncset.done @!p0 $0x0  }
0x69: {  	[sflag:s0] =	ssyncadd.s32 @!p0 s1  }
0x6a: {  	[bflag:$0x3] =	sbarrier.arrive $0xFFFF  }
0x6b: {  	_ =	shalt  }

// kernel: kernel.33.cloned.1.call-start
scs
__scs_entry_jumppad:
0x0: {  	(pc) =	sbr.rel $0x88, $3  }
0x1: {  	(tag) =	ssettag $0x0;
	lr =	simm.s32 $0x1  }
0x2: {  	[smem:$0x3F8D] =	sst lr;
	_ =	strace $0xD0000000  }
0x3: {  	_ = 	snop  }
0x4: {  	_ = 	snop  }
0x5: {  	_ = 	snop  }
0x6: {  	_ = 	snop  }
0x7: {  	_ = 	snop  }
__scs_overlays_trampoline_lowered:
0x8: {  	[smem:$0x3F9C] =	sst s0  }
0x9: {  	[smem:$0x3F9D] =	sst s1  }
0xa: {  	[smem:$0x3F9E] =	sst s2  }
0xb: {  	[smem:$0x3F9F] =	sst s3  }
0xc: {  	[smem:$0x3FA0] =	sst s4  }
0xd: {  	[smem:$0x3FA1] =	sst s5  }
0xe: {  	[smem:$0x3FA2] =	sst s6  }
0xf: {  	[smem:$0x3FA3] =	sst s7  }
0x10: {  	[smem:$0x3FA4] =	sst s8  }
0x11: {  	[smem:$0x3FA5] =	sst s9;
	s0 =	simm.s32 @!p0 $0x0  }
0x12: {  	s1 =	sld [smem:$0x3F8B];
	s0 =	simm.s32 @p0 $0x1  }
0x13: {  	[smem:$0x3FA6] =	sst s0;
	s0 =	simm.s32 @!p1 $0x0  }
0x14: {  	s2 =	sld [smem:$0x3F8A];
	s0 =	simm.s32 @p1 $0x1  }
0x15: {  	[smem:$0x3FA7] =	sst s0;
	s0 =	simm.s32 @!p2 $0x0  }
0x16: {  	s3 =	sld [smem:$0x3FDB];
	s0 =	simm.s32 @p2 $0x1  }
0x17: {  	s4 =	simm.s32 $0x1BF5;
	[smem:$0x3FA9] =	sst s0  }
0x18: {  	s0 =	sld [smem:$0x3F8C];
	_ =	swait.ge [sflag:s4], $0x0  }
0x19: {  	s7 =	sld [smem:$0x3F8D]  }
0x1a: {  	s8 =	sadd.s32 $0xFFFFE003, lr  }
0x1b: {  	s9 =	sadd.s32 $0xFFFFFEF7, lr;
	s5 =	simm.s32 $0xFFFFFFFF;
	p2 =	slt.u32 s8, $0xFFFFF086  }
0x1c: {  	p1 =	slt.u32 s9, $0xF7A;
	s5 =	simm.s32 @!p2 $0x0  }
0x1d: {  	s5 =	simm.s32 @p1 $0x1;
	p0 =	seq.s32 s7, s2  }
0x1e: {  	s7 =	smul.u32 @!p0 $0xF7A, s2;
	p2 =	seq.s32 @!p0 s5, $0x0  }
0x1f: {  	s9 =	smul.u32 $0xF7A, s1;
	s8 =	simm.s32 @!p0 $0x1BF5;
	p2 =	por !p2, p0  }
0x20: {  	[sflag:s8] =	ssyncset.s32 @!p0 $0xFFFFF086;
	s6 =	sadd.s32 @!p0 s3, s7;
	s7 =	simm.s32 @!p0 $0x108  }
0x21: {  	s3 =	sadd.s32 s3, s9;
	s6 =	sadd.s32 @!p0 $0x88, s6;
	s7 =	simm.s32 @p2 $0x1082  }
0x22: {  	[simem:s7], [sflag:s8] =	dma.local @!p0 [hbm:s6], $0xF7A  }
0x23: {  	s9 =	sor.u32 $0xD0000000, s2;
	s6 =	simm.s32 $0x108;
	_ =	swait.ge @!p0 [sflag:s8], $0x0  }
0x24: {  	s3 =	sadd.s32 $0x88, s3;
	s6 =	simm.s32 @!p1 $0x1082;
	[sflag:s4] =	ssyncset.s32 $0xFFFFF086  }
0x25: {  	[simem:s6], [sflag:s4] =	dma.local [hbm:s3], $0xF7A  }
0x26: {  	[smem:$0x3F8D] =	sst s1;
	(tag) =	ssettag s2;
	_ =	strace s9  }
0x27: {  	s1 =	sld [smem:$0x3F9D]  }
0x28: {  	s2 =	sld [smem:$0x3F9E]  }
0x29: {  	s4 =	sld [smem:$0x3FA0]  }
0x2a: {  	p0 =	seq.s32 s5, $0x0;
	s5 =	sld [smem:$0x3FA1]  }
0x2b: {  	s6 =	sld [smem:$0x3FA2]  }
0x2c: {  	s7 =	sld [smem:$0x3FA3]  }
0x2d: {  	s3 =	simm.s32 $0x108;
	s8 =	sld [smem:$0x3FA4]  }
0x2e: {  	s3 =	simm.s32 @!p0 $0x1082;
	s9 =	sld [smem:$0x3FA5]  }
0x2f: {  	lr =	sadd.s32 s0, s3;
	s0 =	sld [smem:$0x3F9C]  }
0x30: {  	s3 =	sld [smem:$0x3F9F]  }
0x31: {  	[smem:$0x3FA8] =	sst s10  }
0x32: {  	s10 =	sld [smem:$0x3FA6];
	_ =	sdelay $0x3  }
0x33: {  	p0 =	seq.s32 s10, $0x1;
	s10 =	sld [smem:$0x3FA8];
	_ =	sdelay $0x3  }
0x34: {  	[smem:$0x3FA8] =	sst s10  }
0x35: {  	s10 =	sld [smem:$0x3FA7];
	_ =	sdelay $0x3  }
0x36: {  	p1 =	seq.s32 s10, $0x1;
	s10 =	sld [smem:$0x3FA8];
	_ =	sdelay $0x3  }
0x37: {  	[smem:$0x3FA8] =	sst s10  }
0x38: {  	s10 =	sld [smem:$0x3FA9]  }
0x39: {  	_ = 	snop;
	(pc) =	sbr.ind lr, $3  }
0x3a: {  	_ = 	snop  }
0x3b: {  	_ = 	snop  }
0x3c: {  	p2 =	seq.s32 s10, $0x1;
	s10 =	sld [smem:$0x3FA8]  }
0x3d: {  	_ =	shalt  }
0x3e: {  	_ =	shalt  }
0x3f: {  	_ =	shalt  }
0x40: {  	_ =	shalt  }
0x41: {  	_ =	shalt  }
0x42: {  	_ =	shalt  }
0x43: {  	_ =	shalt  }
0x44: {  	_ =	shalt  }
0x45: {  	_ =	shalt  }
0x46: {  	_ =	shalt  }
0x47: {  	_ =	shalt  }
0x48: {  	_ =	shalt  }
0x49: {  	_ =	shalt  }
0x4a: {  	_ =	shalt  }
0x4b: {  	_ =	shalt  }
0x4c: {  	_ =	shalt  }
0x4d: {  	_ =	shalt  }
0x4e: {  	_ =	shalt  }
0x4f: {  	_ =	shalt  }
0x50: {  	_ =	shalt  }
0x51: {  	_ =	shalt  }
0x52: {  	_ =	shalt  }
0x53: {  	_ =	shalt  }
0x54: {  	_ =	shalt  }
0x55: {  	_ =	shalt  }
0x56: {  	_ =	shalt  }
0x57: {  	_ =	shalt  }
0x58: {  	_ =	shalt  }
0x59: {  	_ =	shalt  }
0x5a: {  	_ =	shalt  }
0x5b: {  	_ =	shalt  }
0x5c: {  	_ =	shalt  }
0x5d: {  	_ =	shalt  }
0x5e: {  	_ =	shalt  }
0x5f: {  	_ =	shalt  }
0x60: {  	_ =	shalt  }
0x61: {  	_ =	shalt  }
0x62: {  	_ =	shalt  }
0x63: {  	_ =	shalt  }
0x64: {  	_ =	shalt  }
0x65: {  	_ =	shalt  }
0x66: {  	_ =	shalt  }
0x67: {  	_ =	shalt  }
0x68: {  	_ =	shalt  }
0x69: {  	_ =	shalt  }
0x6a: {  	_ =	shalt  }
0x6b: {  	_ =	shalt  }
0x6c: {  	_ =	shalt  }
0x6d: {  	_ =	shalt  }
0x6e: {  	_ =	shalt  }
0x6f: {  	_ =	shalt  }
0x70: {  	_ =	shalt  }
0x71: {  	_ =	shalt  }
0x72: {  	_ =	shalt  }
0x73: {  	_ =	shalt  }
0x74: {  	_ =	shalt  }
0x75: {  	_ =	shalt  }
0x76: {  	_ =	shalt  }
0x77: {  	_ =	shalt  }
0x78: {  	_ =	shalt  }
0x79: {  	_ =	shalt  }
0x7a: {  	_ =	shalt  }
0x7b: {  	_ =	shalt  }
0x7c: {  	_ =	shalt  }
0x7d: {  	_ =	shalt  }
0x7e: {  	_ =	shalt  }
0x7f: {  	_ =	shalt  }
0x80: {  	_ =	shalt  }
0x81: {  	_ =	shalt  }
0x82: {  	_ =	shalt  }
0x83: {  	_ =	shalt  }
0x84: {  	_ =	shalt  }
0x85: {  	_ =	shalt  }
0x86: {  	_ =	shalt  }
0x87: {  	_ =	shalt  }
.Lfunc_end0:
.L_simem_size_0:
called_computation.5_lowered:
.L_overlay_start_0:
0x88: {  	s2 =	sld [smem:$0x3FD9]  }
0x89: {  	s3 =	sld [smem:$0x3FFE];
	_ =	sdelay $0x1  }
0x8a: {  	s1 =	srdreg.scid  }
0x8b: {  	s0 =	sand.u32 $0x1, s1  }
0x8c: {  	s16 =	sshll.u32 s0, $0xA;
	s2 =	sadd.s32 s3, s2  }
0x8d: {  	s2 =	sadd.s32 s2, s16  }
0x8e: {  	[smem:$0x3FB4] =	sst s2  }
0x8f: {  	_ = 	snop  }
0x90: {  	(tm) =	ssettm $0x1  }
0x91: {  	s17 =	sld [smem:$0x3FFB];
	_ =	sdelay $0x3  }
0x92: {  	_ =	strace s17  }
0x93: {  	s2 =	sld [smem:$0x3FFC];
	_ =	sdelay $0x3  }
0x94: {  	_ =	strace s2  }
0x95: {  	s2 =	sld [smem:$0x3FFD];
	_ =	sdelay $0x3  }
0x96: {  	_ =	strace s2  }
0x97: {  	_ =	strace $0x8FFFFFFF  }
0x98: {  	s18 =	sld [smem:$0x3FDB];
	_ =	sdelay $0x1  }
0x99: {  	s19 =	simm.s32 $_scs_section_size  }
0x9a: {  	s4 =	simm.s32 $_size__tile_overlayer_lowered;
	s5 =	simm.s32 $_tile_overlayer_lowered  }
0x9b: {  	s22 =	simm.s32 $0x1BFF;
	s21 =	sshll.u32 s5, $0x1;
	s2 =	sadd.s32 s19, s18  }
0x9c: {  	s6 =	simm.s32 $0x0;
	s20 =	sshll.u32 s4, $0x1;
	s4 =	sadd.s32 s21, s2  }
0x9d: {  	[timem:s6], [sflag:s22] =	dma.local [hbm:s4], s20  }
0x9e: {  	_ =	swait.ge [sflag:s22], s20  }
0x9f: {  	s3 =	ssub.s32 $0x0, s20;
	[sflag:s22] =	ssyncset.done $0x0  }
0xa0: {  	[sflag:s22] =	ssyncadd.s32 s3;
	_ =	sdelay $0x1  }
0xa1: {  	s23 =	simm.s32 $0x1B8B  }
0xa2: {  	_ =	swait.ge [sflag:s23], $0x1  }
0xa3: {  	[sflag:s23] =	ssyncset.done $0x0  }
0xa4: {  	s25 =	simm.s32 $0x1B8E;
	s24 =	sld [smem:$0x3FFE];
	[sflag:s23] =	ssyncadd.s32 $0xFFFFFFFF  }
0xa5: {  	s26 =	simm.s32 $execute0_lowered;
	[smem:$0x3FD2] =	sst s25  }
0xa6: {  	s4 =	sshll.u32 s26, $0x1;
	_ =	strace $0x80000052;
	[dreg:$0x1] =	wrdreg $0xFFFFFFFF  }
0xa7: {  	s28 =	simm.s32 $_size_execute0_lowered;
	s2 =	sadd.s32 s2, s4;
	[dreg:$0x0] =	wrdreg $0x0  }
0xa8: {  	s4 =	sshll.u32 s28, $0x1;
	[dreg:$0x2] =	wrdreg s2  }
0xa9: {  	[dreg:$0x3] =	wrdreg s4  }
0xaa: {  	[dreg:$0x4] =	wrdreg $0xC0  }
0xab: {  	_ =	task [dreg:s6], $0x5FFFF  }
0xac: {  	[dreg:$0x1] =	wrdreg $0xFFFFFFFF  }
0xad: {  	[dreg:$0x0] =	wrdreg $0x60  }
0xae: {  	[dreg:$0x2] =	wrdreg s24  }
0xaf: {  	[dreg:$0x3] =	wrdreg $0xA  }
0xb0: {  	_ =	task.clear_ibuf [dreg:s6], $0x4FFFF;
	_ =	strace $0x90000052  }
0xb1: {  	s29 =	simm.s32 $0xA;
	_ =	strace $0x80000054  }
0xb2: {  	_ =	swait.ge [sflag:s29], $0x1  }
0xb3: {  	[sflag:s29] =	ssyncadd.s32 $0xFFFFFFFF  }
0xb4: {  	_ =	strace $0x90000054  }
0xb5: {  	_ =	sfence  }
0xb6: {  	s30 =	sld [smem:$0x0];
	_ =	sdelay $0x2  }
0xb7: {  	s31 =	sshll.u32 s1, $0xD;
	s1 =	sshrl.u32 s1, $0x2  }
0xb8: {  	s3 =	sand.u32 $0x4000, s31;
	s1 =	sadd.s32 s1, s30  }
0xb9: {  	s0 =	sor.u32 s3, s0;
	s1 =	sshll.u32 s1, $0x11  }
0xba: {  	s0 =	sor.u32 s1, s0  }
0xbb: {  	s0 =	sadd.s32 $0x8F2B, s0  }
0xbc: {  	[sflag:s0] =	ssyncadd.remote.s32 $0x1  }
0xbd: {  	_ =	sfence.sel $0xFFFF  }
0xbe: {  	[dreg:$0x0] =	wrdreg $0xFFFFFFFF;
	(pc) =	sbr.abs _section_cstart, $3  }
0xbf: {  	[dreg:$0x1] =	wrdreg $0xFFFFFFFF  }
0xc0: {  	_ =	task.clear_ibuf [dreg:s6], $0x2FFFF;
	_ =	strace $0x9FFFFFFF  }
0xc1: {  	(tm) =	ssettm $0x7FFFFFFF  }
tec
execute0_lowered:
.L_overlay_start_1:
0x0: {  	(tag) =	ssettag $0x1  }
0x1: {  	s10 =	rddreg [dreg:$0x0]  }
0x2: {  	s0 =	rddreg [dreg:$0x1];
	s1 =	simm.s32 $0x0  }
0x3: {  	s9 =	srdreg.scid;
	s4 =	stileid.u32;
	s15 =	simm.s32 $0x80  }
0x4: {  	s16 =	simm.s32 $0x100;
	s17 =	simm.s32 $0x4100;
	s18 =	simm.s32 $0x8100  }
0x5: {  	s19 =	simm.s32 $0x8900;
	s20 =	simm.s32 $0x3;
	s21 =	simm.s32 $0x4  }
0x6: {  	s22 =	simm.s32 $0x1;
	s23 =	simm.s32 $0x2;
	[smem:$0x7FF] =	sst s1  }
0x7: {  	s24 =	simm.s32 $0x0;
	s2 =	sadd.s32 $0x307A00, s10;
	s3 =	sadd.s32 $0x32EC00, s10  }
0x8: {  	s5 =	sadd.s32 $0x302A00, s10;
	s6 =	sadd.s32 $0x12400, s10;
	s7 =	sadd.s32 $0x14C00, s10  }
0x9: {  	s8 =	sadd.s32 $0x37D000, s10;
	s11 =	sand.u32 $0x1, s9;
	s12 =	sshll.u32 s4, $0x1  }
0xa: {  	s9 =	sadd.s32 $0x17400, s10;
	s10 =	sadd.s32 $0x355E00, s10;
	s13 =	ssub.s32 $0x2, s11  }
0xb: {  	_ =	strace $0x80000053;
	s11 =	sor.u32 s11, s12;
	s31 =	sshrl.u32 s13, $0x1  }
0xc: {  	s14 =	ssub.s32 $0x290, s11;
	s11 =	sshll.u32 s11, $0x7;
	s13 =	ssub.s32 s13, s31  }
0xd: {  	s12 =	sshrl.u32 s14, $0x5;
	s14 =	simm.s32 $0x5;
	s13 =	smax.u32 s13, $0x1  }
.LBB2_1:
0xe: {  	s25 =	simm.s32 $0x0  }
.LBB2_2:
0xf: {  	s26 =	sshll.u32 s25, $0xC  }
0x10: {  	s26 =	sor.u32 s11, s26  }
0x11: {  	s28 =	sshrl.u32 s26, $0x3  }
0x12: {  	s29 =	sadd.s32 s6, s28  }
0x13: {  	[tilespmem:s1], [sflag:$0x5] =	stream.linear.gather [hbm4b:s29+s1], $0x80, $0x38;
	[tilespmem:$0x9100] =	vst v63  }
0x14: {  	_ =	swait.ge [sflag:s14], $0x80  }
0x15: {  	[sflag:s14] =	ssyncset.done $0x0  }
0x16: {  	s28 =	sadd.s32 s7, s28;
	[sflag:s14] =	ssyncadd.s32 $0xFFFFFF80  }
0x17: {  	[tilespmem:s15], [sflag:$0x5] =	stream.linear.gather [hbm4b:s28+s1], $0x80, $0x38;
	[tilespmem:$0x9100] =	vst v63  }
0x18: {  	_ =	swait.ge [sflag:s14], $0x80  }
0x19: {  	[sflag:s14] =	ssyncset.done $0x0  }
0x1a: {  	[sflag:s14] =	ssyncadd.s32 $0xFFFFFF80  }
0x1b: {  	[tilespmem:s16], [sflag:$0x1] =	stream.indirect.gather [hbm4b:s2+s15], $0x80, s1, s15, $0xb8;
	[tilespmem:$0x9100] =	vst v63  }
0x1c: {  	_ = 	snop  }
0x1d: {  	[tilespmem:s17], [sflag:$0x2] =	stream.indirect.gather [hbm4b:s3+s15], $0x80, s15, s15, $0xb8;
	[tilespmem:$0x9100] =	vst v63  }
0x1e: {  	_ = 	snop  }
0x1f: {  	[tilespmem:s18], [sflag:$0x3] =	stream.indirect.gather [hbm4b:s5+s15], $0x10, s1, s15, $0xb8;
	[tilespmem:$0x9100] =	vst v63  }
0x20: {  	_ = 	snop  }
0x21: {  	[tilespmem:s19], [sflag:$0x4] =	stream.indirect.gather [hbm4b:s5+s15], $0x10, s15, s15, $0xb8;
	[tilespmem:$0x9100] =	vst v63  }
0x22: {  	_ =	swait.ge [sflag:s20], $0x800  }
0x23: {  	[sflag:s20] =	ssyncset.done $0x0  }
0x24: {  	[sflag:s20] =	ssyncadd.s32 $0xFFFFF800  }
0x25: {  	_ =	swait.ge [sflag:s21], $0x800  }
0x26: {  	[sflag:s21] =	ssyncset.done $0x0  }
0x27: {  	s28 =	simm.s32 $0x8120;
	[sflag:s21] =	ssyncadd.s32 $0xFFFFF800  }
0x28: {  	s29 =	simm.s32 $0x8920;
	v0 =	vld [tilespmem:s28+$0xFFFFFFE0]  }
0x29: {  	v1 =	vld [tilespmem:s29+$0xFFFFFFE0];
	_ =	sdelay $0x4  }
0x2a: {  	v0 =	vsub.f32 v0, v1;
	_ =	sdelay $0x1  }
0x2b: {  	[tilespmem:s28+$0xFFFFFFE0] =	vst v0;
	v0 =	vld [tilespmem:s28+$0xFFFFFFF0]  }
0x2c: {  	v1 =	vld [tilespmem:s29+$0xFFFFFFF0];
	_ =	sdelay $0x4  }
0x2d: {  	v0 =	vsub.f32 v0, v1;
	_ =	sdelay $0x1  }
0x2e: {  	[tilespmem:s28+$0xFFFFFFF0] =	vst v0;
	v0 =	vld [tilespmem:s28+$0x0]  }
0x2f: {  	v1 =	vld [tilespmem:s29+$0x0];
	_ =	sdelay $0x4  }
0x30: {  	v0 =	vsub.f32 v0, v1;
	_ =	sdelay $0x1  }
0x31: {  	[tilespmem:s28+$0x0] =	vst v0;
	v0 =	vld [tilespmem:s28+$0x10]  }
0x32: {  	v1 =	vld [tilespmem:s29+$0x10];
	_ =	sdelay $0x4  }
0x33: {  	v0 =	vsub.f32 v0, v1  }
0x34: {  	s30 =	simm.s32 $0x0;
	s31 =	simm.s32 $0x8160  }
.LBB2_3:
0x35: {  	v1 =	vld [tilespmem:s31+$0xFFFFFFE0];
	[tilespmem:s28+$0x10] =	vst v0;
	s29 =	sadd.s32 $0x40, s29;
	s28 =	smov.u32 s31  }
0x36: {  	s30 =	sadd.s32 $0x4, s30;
	v0 =	vld [tilespmem:s29+$0xFFFFFFE0]  }
0x37: {  	p0 =	slt.u32 s30, $0x7C;
	_ =	sdelay $0x3  }
0x38: {  	v0 =	vsub.f32 v1, v0;
	_ =	sdelay $0x1  }
0x39: {  	[tilespmem:s31+$0xFFFFFFE0] =	vst v0;
	v0 =	vld [tilespmem:s31+$0xFFFFFFF0]  }
0x3a: {  	v1 =	vld [tilespmem:s29+$0xFFFFFFF0];
	_ =	sdelay $0x4  }
0x3b: {  	v0 =	vsub.f32 v0, v1;
	_ =	sdelay $0x1  }
0x3c: {  	[tilespmem:s31+$0xFFFFFFF0] =	vst v0;
	v0 =	vld [tilespmem:s31+$0x0]  }
0x3d: {  	v1 =	vld [tilespmem:s29+$0x0];
	_ =	sdelay $0x4  }
0x3e: {  	v0 =	vsub.f32 v0, v1;
	_ =	sdelay $0x1  }
0x3f: {  	[tilespmem:s31+$0x0] =	vst v0;
	v0 =	vld [tilespmem:s31+$0x10]  }
0x40: {  	v1 =	vld [tilespmem:s29+$0x10];
	_ =	sdelay $0x1  }
.Ltmp0:
0x41: {  	(pc) =	sbr.rel @p0 .LBB2_3-.Ltmp0, $3  }
0x42: {  	_ =	sdelay $0x1  }
0x43: {  	v0 =	vsub.f32 v0, v1  }
0x44: {  	s31 =	sadd.s32 $0x40, s31  }
0x45: {  	[tilespmem:s28+$0x10] =	vst v0  }
0x46: {  	_ =	swait.ge [sflag:s22], $0x4000  }
0x47: {  	[sflag:s22] =	ssyncset.done $0x0  }
0x48: {  	[sflag:s22] =	ssyncadd.s32 $0xFFFFC000  }
0x49: {  	s30 =	sshll.u32 s26, $0x4;
	_ =	swait.ge [sflag:s23], $0x4000  }
0x4a: {  	s28 =	sand.u32 $0x1FFFF800, s30;
	[sflag:s23] =	ssyncset.done $0x0  }
0x4b: {  	s29 =	sadd.s32 s8, s28;
	[sflag:s23] =	ssyncadd.s32 $0xFFFFC000  }
0x4c: {  	[hbm4b:s29+s1] =	stream.linear.scatter [tilespmem:s16], [sflag:$0x5], $0x4000, $0x38;
	[tilespmem:$0x9100] =	vst v63  }
0x4d: {  	_ =	swait.ge [sflag:s14], $0x4000  }
0x4e: {  	[sflag:s14] =	ssyncset.done $0x0  }
0x4f: {  	s28 =	sadd.s32 s9, s28;
	[sflag:s14] =	ssyncadd.s32 $0xFFFFC000  }
0x50: {  	[hbm4b:s28+s1] =	stream.linear.scatter [tilespmem:s17], [sflag:$0x5], $0x4000, $0x38;
	[tilespmem:$0x9100] =	vst v63  }
0x51: {  	s31 =	sshll.u32 s26, $0x1;
	s25 =	sadd.s32 $0x1, s25;
	_ =	swait.ge [sflag:s14], $0x4000  }
0x52: {  	s26 =	sand.u32 $0x1FFFFF00, s31;
	p0 =	sne.s32 s25, s12;
	[sflag:s14] =	ssyncset.done $0x0  }
.Ltmp1:
0x53: {  	s26 =	sadd.s32 s10, s26;
	[sflag:s14] =	ssyncadd.s32 $0xFFFFC000;
	(pc) =	sbr.rel @p0 .LBB2_2-.Ltmp1, $4  }
0x54: {  	[hbm4b:s26+s1] =	stream.linear.scatter [tilespmem:s18], [sflag:$0x5], $0x800, $0x38;
	[tilespmem:$0x9100] =	vst v63  }
0x55: {  	_ =	swait.ge [sflag:s14], $0x800  }
0x56: {  	[sflag:s14] =	ssyncset.done $0x0  }
0x57: {  	[sflag:s14] =	ssyncadd.s32 $0xFFFFF800  }
0x58: {  	s24 =	sadd.s32 $0x1, s24  }
0x59: {  	p0 =	sne.s32 s24, s13  }
.Ltmp2:
0x5a: {  	_ = 	snop;
	(pc) =	sbr.rel @p0 .LBB2_1-.Ltmp2, $1  }
0x5b: {  	_ =	sdelay $0x3  }
0x5c: {  	_ =	sfence.sel $0x180000  }
0x5d: {  	[bflag:$0x0] =	sbarrier.arrive $0xFFFF  }
0x5e: {  	p0 =	sne.s32 s4, $0x0;
	_ =	strace $0x90000053  }
0x5f: {  	s0 =	sadd.s32 @!p0 $0x100000, s0;
	[bflag:$0x2] =	sbarrier.arrive $0xFFFF  }
0x60: {  	[sflag:s0] =	ssyncadd.tile.s32 @!p0 $0x1;
	_ =	shalt  }
.Lfunc_end2:
_tile_overlayer_lowered:
.L_overlay_start_2:
0x61: {  	(tag) =	ssettag $0x2  }
0x62: {  	s0 =	rddreg [dreg:$0x0];
	s2 =	stileid.u32  }
0x63: {  	s1 =	rddreg [dreg:$0x1];
	p0 =	sne.s32 s2, $0x0  }
0x64: {  	s3 =	rddreg [dreg:$0x2];
	[bflag:$0x3] =	sbarrier.arrive $0xFFFF;
	s2 =	simm.s32 @!p0 $0x1C05  }
0x65: {  	[timem:s3], [sflag:s2] =	dma.local @!p0 [hbm:s0], s1  }
0x66: {  	s0 =	simm.s32 @!p0 $0x5  }
0x67: {  	_ =	swait.ge @!p0 [sflag:s0], s1  }
0x68: {  	s1 =	ssub.s32 @!p0 $0x0, s1;
	[sflag:s0] =	ssyncset.done @!p0 $0x0  }
0x69: {  	[sflag:s0] =	ssyncadd.s32 @!p0 s1  }
0x6a: {  	[bflag:$0x3] =	sbarrier.arrive $0xFFFF  }
0x6b: {  	_ =	shalt  }

// kernel: kernel.36.cloned.1.call-start
scs
__scs_entry_jumppad:
0x0: {  	(pc) =	sbr.rel $0x88, $3  }
0x1: {  	(tag) =	ssettag $0x0;
	lr =	simm.s32 $0x1  }
0x2: {  	[smem:$0x3F8D] =	sst lr;
	_ =	strace $0xD0000000  }
0x3: {  	_ = 	snop  }
0x4: {  	_ = 	snop  }
0x5: {  	_ = 	snop  }
0x6: {  	_ = 	snop  }
0x7: {  	_ = 	snop  }
__scs_overlays_trampoline_lowered:
0x8: {  	[smem:$0x3F9C] =	sst s0  }
0x9: {  	[smem:$0x3F9D] =	sst s1  }
0xa: {  	[smem:$0x3F9E] =	sst s2  }
0xb: {  	[smem:$0x3F9F] =	sst s3  }
0xc: {  	[smem:$0x3FA0] =	sst s4  }
0xd: {  	[smem:$0x3FA1] =	sst s5  }
0xe: {  	[smem:$0x3FA2] =	sst s6  }
0xf: {  	[smem:$0x3FA3] =	sst s7  }
0x10: {  	[smem:$0x3FA4] =	sst s8  }
0x11: {  	[smem:$0x3FA5] =	sst s9;
	s0 =	simm.s32 @!p0 $0x0  }
0x12: {  	s1 =	sld [smem:$0x3F8B];
	s0 =	simm.s32 @p0 $0x1  }
0x13: {  	[smem:$0x3FA6] =	sst s0;
	s0 =	simm.s32 @!p1 $0x0  }
0x14: {  	s2 =	sld [smem:$0x3F8A];
	s0 =	simm.s32 @p1 $0x1  }
0x15: {  	[smem:$0x3FA7] =	sst s0;
	s0 =	simm.s32 @!p2 $0x0  }
0x16: {  	s3 =	sld [smem:$0x3FDB];
	s0 =	simm.s32 @p2 $0x1  }
0x17: {  	s4 =	simm.s32 $0x1BF5;
	[smem:$0x3FA9] =	sst s0  }
0x18: {  	s0 =	sld [smem:$0x3F8C];
	_ =	swait.ge [sflag:s4], $0x0  }
0x19: {  	s7 =	sld [smem:$0x3F8D]  }
0x1a: {  	s8 =	sadd.s32 $0xFFFFE003, lr  }
0x1b: {  	s9 =	sadd.s32 $0xFFFFFEF7, lr;
	s5 =	simm.s32 $0xFFFFFFFF;
	p2 =	slt.u32 s8, $0xFFFFF086  }
0x1c: {  	p1 =	slt.u32 s9, $0xF7A;
	s5 =	simm.s32 @!p2 $0x0  }
0x1d: {  	s5 =	simm.s32 @p1 $0x1;
	p0 =	seq.s32 s7, s2  }
0x1e: {  	s7 =	smul.u32 @!p0 $0xF7A, s2;
	p2 =	seq.s32 @!p0 s5, $0x0  }
0x1f: {  	s9 =	smul.u32 $0xF7A, s1;
	s8 =	simm.s32 @!p0 $0x1BF5;
	p2 =	por !p2, p0  }
0x20: {  	[sflag:s8] =	ssyncset.s32 @!p0 $0xFFFFF086;
	s6 =	sadd.s32 @!p0 s3, s7;
	s7 =	simm.s32 @!p0 $0x108  }
0x21: {  	s3 =	sadd.s32 s3, s9;
	s6 =	sadd.s32 @!p0 $0x88, s6;
	s7 =	simm.s32 @p2 $0x1082  }
0x22: {  	[simem:s7], [sflag:s8] =	dma.local @!p0 [hbm:s6], $0xF7A  }
0x23: {  	s9 =	sor.u32 $0xD0000000, s2;
	s6 =	simm.s32 $0x108;
	_ =	swait.ge @!p0 [sflag:s8], $0x0  }
0x24: {  	s3 =	sadd.s32 $0x88, s3;
	s6 =	simm.s32 @!p1 $0x1082;
	[sflag:s4] =	ssyncset.s32 $0xFFFFF086  }
0x25: {  	[simem:s6], [sflag:s4] =	dma.local [hbm:s3], $0xF7A  }
0x26: {  	[smem:$0x3F8D] =	sst s1;
	(tag) =	ssettag s2;
	_ =	strace s9  }
0x27: {  	s1 =	sld [smem:$0x3F9D]  }
0x28: {  	s2 =	sld [smem:$0x3F9E]  }
0x29: {  	s4 =	sld [smem:$0x3FA0]  }
0x2a: {  	p0 =	seq.s32 s5, $0x0;
	s5 =	sld [smem:$0x3FA1]  }
0x2b: {  	s6 =	sld [smem:$0x3FA2]  }
0x2c: {  	s7 =	sld [smem:$0x3FA3]  }
0x2d: {  	s3 =	simm.s32 $0x108;
	s8 =	sld [smem:$0x3FA4]  }
0x2e: {  	s3 =	simm.s32 @!p0 $0x1082;
	s9 =	sld [smem:$0x3FA5]  }
0x2f: {  	lr =	sadd.s32 s0, s3;
	s0 =	sld [smem:$0x3F9C]  }
0x30: {  	s3 =	sld [smem:$0x3F9F]  }
0x31: {  	[smem:$0x3FA8] =	sst s10  }
0x32: {  	s10 =	sld [smem:$0x3FA6];
	_ =	sdelay $0x3  }
0x33: {  	p0 =	seq.s32 s10, $0x1;
	s10 =	sld [smem:$0x3FA8];
	_ =	sdelay $0x3  }
0x34: {  	[smem:$0x3FA8] =	sst s10  }
0x35: {  	s10 =	sld [smem:$0x3FA7];
	_ =	sdelay $0x3  }
0x36: {  	p1 =	seq.s32 s10, $0x1;
	s10 =	sld [smem:$0x3FA8];
	_ =	sdelay $0x3  }
0x37: {  	[smem:$0x3FA8] =	sst s10  }
0x38: {  	s10 =	sld [smem:$0x3FA9]  }
0x39: {  	_ = 	snop;
	(pc) =	sbr.ind lr, $3  }
0x3a: {  	_ = 	snop  }
0x3b: {  	_ = 	snop  }
0x3c: {  	p2 =	seq.s32 s10, $0x1;
	s10 =	sld [smem:$0x3FA8]  }
0x3d: {  	_ =	shalt  }
0x3e: {  	_ =	shalt  }
0x3f: {  	_ =	shalt  }
0x40: {  	_ =	shalt  }
0x41: {  	_ =	shalt  }
0x42: {  	_ =	shalt  }
0x43: {  	_ =	shalt  }
0x44: {  	_ =	shalt  }
0x45: {  	_ =	shalt  }
0x46: {  	_ =	shalt  }
0x47: {  	_ =	shalt  }
0x48: {  	_ =	shalt  }
0x49: {  	_ =	shalt  }
0x4a: {  	_ =	shalt  }
0x4b: {  	_ =	shalt  }
0x4c: {  	_ =	shalt  }
0x4d: {  	_ =	shalt  }
0x4e: {  	_ =	shalt  }
0x4f: {  	_ =	shalt  }
0x50: {  	_ =	shalt  }
0x51: {  	_ =	shalt  }
0x52: {  	_ =	shalt  }
0x53: {  	_ =	shalt  }
0x54: {  	_ =	shalt  }
0x55: {  	_ =	shalt  }
0x56: {  	_ =	shalt  }
0x57: {  	_ =	shalt  }
0x58: {  	_ =	shalt  }
0x59: {  	_ =	shalt  }
0x5a: {  	_ =	shalt  }
0x5b: {  	_ =	shalt  }
0x5c: {  	_ =	shalt  }
0x5d: {  	_ =	shalt  }
0x5e: {  	_ =	shalt  }
0x5f: {  	_ =	shalt  }
0x60: {  	_ =	shalt  }
0x61: {  	_ =	shalt  }
0x62: {  	_ =	shalt  }
0x63: {  	_ =	shalt  }
0x64: {  	_ =	shalt  }
0x65: {  	_ =	shalt  }
0x66: {  	_ =	shalt  }
0x67: {  	_ =	shalt  }
0x68: {  	_ =	shalt  }
0x69: {  	_ =	shalt  }
0x6a: {  	_ =	shalt  }
0x6b: {  	_ =	shalt  }
0x6c: {  	_ =	shalt  }
0x6d: {  	_ =	shalt  }
0x6e: {  	_ =	shalt  }
0x6f: {  	_ =	shalt  }
0x70: {  	_ =	shalt  }
0x71: {  	_ =	shalt  }
0x72: {  	_ =	shalt  }
0x73: {  	_ =	shalt  }
0x74: {  	_ =	shalt  }
0x75: {  	_ =	shalt  }
0x76: {  	_ =	shalt  }
0x77: {  	_ =	shalt  }
0x78: {  	_ =	shalt  }
0x79: {  	_ =	shalt  }
0x7a: {  	_ =	shalt  }
0x7b: {  	_ =	shalt  }
0x7c: {  	_ =	shalt  }
0x7d: {  	_ =	shalt  }
0x7e: {  	_ =	shalt  }
0x7f: {  	_ =	shalt  }
0x80: {  	_ =	shalt  }
0x81: {  	_ =	shalt  }
0x82: {  	_ =	shalt  }
0x83: {  	_ =	shalt  }
0x84: {  	_ =	shalt  }
0x85: {  	_ =	shalt  }
0x86: {  	_ =	shalt  }
0x87: {  	_ =	shalt  }
.Lfunc_end0:
.L_simem_size_0:
called_computation.6_lowered:
.L_overlay_start_0:
0x88: {  	s2 =	sld [smem:$0x3FD9]  }
0x89: {  	s3 =	sld [smem:$0x3FFE];
	_ =	sdelay $0x1  }
0x8a: {  	s1 =	srdreg.scid  }
0x8b: {  	s0 =	sand.u32 $0x1, s1  }
0x8c: {  	s17 =	sshll.u32 s0, $0xA;
	s2 =	sadd.s32 s3, s2  }
0x8d: {  	s2 =	sadd.s32 s2, s17  }
0x8e: {  	[smem:$0x3FB4] =	sst s2  }
0x8f: {  	_ = 	snop  }
0x90: {  	(tm) =	ssettm $0x1  }
0x91: {  	s18 =	sld [smem:$0x3FFB];
	_ =	sdelay $0x3  }
0x92: {  	_ =	strace s18  }
0x93: {  	s2 =	sld [smem:$0x3FFC];
	_ =	sdelay $0x3  }
0x94: {  	_ =	strace s2  }
0x95: {  	s2 =	sld [smem:$0x3FFD];
	_ =	sdelay $0x3  }
0x96: {  	_ =	strace s2  }
0x97: {  	_ =	strace $0x8FFFFFFF  }
0x98: {  	s19 =	sld [smem:$0x3FDB];
	_ =	sdelay $0x1  }
0x99: {  	s20 =	simm.s32 $_scs_section_size  }
0x9a: {  	s4 =	simm.s32 $_size__tile_overlayer_lowered;
	s5 =	simm.s32 $_tile_overlayer_lowered  }
0x9b: {  	s6 =	simm.s32 $0x1BFF;
	s21 =	sshll.u32 s5, $0x1;
	s3 =	sadd.s32 s20, s19  }
0x9c: {  	s22 =	simm.s32 $0x0;
	s4 =	sshll.u32 s4, $0x1;
	s5 =	sadd.s32 s21, s3  }
0x9d: {  	[timem:s22], [sflag:s6] =	dma.local [hbm:s5], s4  }
0x9e: {  	_ =	swait.ge [sflag:s6], s4  }
0x9f: {  	s4 =	ssub.s32 $0x0, s4;
	[sflag:s6] =	ssyncset.done $0x0  }
0xa0: {  	[sflag:s6] =	ssyncadd.s32 s4;
	_ =	sdelay $0x1  }
0xa1: {  	s23 =	simm.s32 $0x1B8B  }
0xa2: {  	_ =	swait.ge [sflag:s23], $0x1  }
0xa3: {  	[sflag:s23] =	ssyncset.done $0x0  }
0xa4: {  	[sflag:s23] =	ssyncadd.s32 $0xFFFFFFFF  }
0xa5: {  	s4 =	sld [smem:$0x0]  }
0xa6: {  	s5 =	sand.u32 $0xFFFFFFFE, s1  }
0xa7: {  	p0 =	sne.s32 s1, s5  }
0xa8: {  	s5 =	sshll.u32 @p0 s5, $0xE  }
0xa9: {  	s5 =	sadd.s32 @p0 $0x11B8D, s5;
	s6 =	sshll.u32 @p0 s4, $0x11  }
0xaa: {  	s5 =	sor.u32 @p0 s6, s5  }
0xab: {  	[sflag:s5] =	ssyncadd.remote.s32 @p0 $0x1;
	_ =	sdelay $0x1  }
0xac: {  	s5 =	simm.s32 @p0 $0x1B8D  }
0xad: {  	_ =	swait.eq @p0 [sflag:s5], $0x1  }
0xae: {  	[sflag:s5] =	ssyncadd.s32 @p0 $0xFFFFFFFF  }
0xaf: {  	s6 =	sshll.u32 @!p0 s1, $0xE  }
0xb0: {  	s6 =	sor.u32 @!p0 $0x4000, s6;
	s5 =	simm.s32 @!p0 $0x1B8D  }
0xb1: {  	s4 =	sshll.u32 @!p0 s4, $0x11;
	s6 =	sadd.s32 @!p0 $0x11B8D, s6;
	_ =	swait.eq @!p0 [sflag:s5], $0x1  }
0xb2: {  	s4 =	sor.u32 @!p0 s4, s6;
	[sflag:s5] =	ssyncadd.s32 @!p0 $0xFFFFFFFF  }
0xb3: {  	s25 =	simm.s32 $0x1B8E;
	s24 =	sld [smem:$0x3FFE];
	[sflag:s4] =	ssyncadd.remote.s32 @!p0 $0x1  }
0xb4: {  	s26 =	simm.s32 $execute0_lowered;
	[smem:$0x3FD2] =	sst s25  }
0xb5: {  	s5 =	sshll.u32 s26, $0x1;
	_ =	strace $0x8000005B;
	[dreg:$0x1] =	wrdreg $0xFFFFFFFF  }
0xb6: {  	s28 =	simm.s32 $_size_execute0_lowered;
	s3 =	sadd.s32 s3, s5;
	[dreg:$0x0] =	wrdreg $0x0  }
0xb7: {  	s5 =	sshll.u32 s28, $0x1;
	[dreg:$0x2] =	wrdreg s3  }
0xb8: {  	[dreg:$0x3] =	wrdreg s5  }
0xb9: {  	[dreg:$0x4] =	wrdreg $0xC0  }
0xba: {  	_ =	task [dreg:s22], $0x5FFFF  }
0xbb: {  	[dreg:$0x1] =	wrdreg $0xFFFFFFFF  }
0xbc: {  	[dreg:$0x0] =	wrdreg $0x60  }
0xbd: {  	[dreg:$0x2] =	wrdreg s24  }
0xbe: {  	[dreg:$0x3] =	wrdreg $0x48800  }
0xbf: {  	[dreg:$0x4] =	wrdreg $0x181000  }
0xc0: {  	[dreg:$0x5] =	wrdreg $0x9  }
0xc1: {  	_ =	task.clear_ibuf [dreg:s22], $0x6FFFF;
	_ =	strace $0x9000005B  }
0xc2: {  	s29 =	simm.s32 $0x9;
	_ =	strace $0x8000005D  }
0xc3: {  	_ =	swait.ge [sflag:s29], $0x1  }
0xc4: {  	[sflag:s29] =	ssyncadd.s32 $0xFFFFFFFF  }
0xc5: {  	_ =	strace $0x9000005D  }
0xc6: {  	_ =	sfence  }
0xc7: {  	s30 =	sld [smem:$0x0];
	_ =	sdelay $0x2  }
0xc8: {  	s31 =	sshll.u32 s1, $0xD;
	s1 =	sshrl.u32 s1, $0x2  }
0xc9: {  	s4 =	sand.u32 $0x4000, s31;
	s1 =	sadd.s32 s1, s30  }
0xca: {  	s0 =	sor.u32 s4, s0;
	s1 =	sshll.u32 s1, $0x11  }
0xcb: {  	s0 =	sor.u32 s1, s0  }
0xcc: {  	s0 =	sadd.s32 $0x8F2B, s0  }
0xcd: {  	[sflag:s0] =	ssyncadd.remote.s32 $0x1  }
0xce: {  	_ =	sfence.sel $0xFFFF  }
0xcf: {  	[dreg:$0x0] =	wrdreg $0xFFFFFFFF;
	(pc) =	sbr.abs _section_cstart, $3  }
0xd0: {  	[dreg:$0x1] =	wrdreg $0xFFFFFFFF  }
0xd1: {  	_ =	task.clear_ibuf [dreg:s22], $0x2FFFF;
	_ =	strace $0x9FFFFFFF  }
0xd2: {  	(tm) =	ssettm $0x7FFFFFFF  }
0xd3: {  	_ =	shalt  }
tec
execute0_lowered:
.L_overlay_start_1:
0x0: {  	(tag) =	ssettag $0x1  }
0x1: {  	s10 =	rddreg [dreg:$0x0]  }
0x2: {  	s1 =	rddreg [dreg:$0x1]  }
0x3: {  	s3 =	rddreg [dreg:$0x2]  }
0x4: {  	s0 =	rddreg [dreg:$0x3]  }
0x5: {  	s4 =	simm.s32 $0x0;
	s5 =	srdreg.scid;
	s2 =	stileid.u32  }
0x6: {  	s23 =	simm.s32 $0x80;
	s24 =	simm.s32 $0x0;
	[smem:$0x7FF] =	sst s4  }
0x7: {  	s16 =	sand.u32 $0x1, s5;
	s11 =	smul.u32 $0x13880, s2;
	s5 =	sadd.s32 $0x6D7200, s10  }
0x8: {  	s13 =	smul.u32 $0x2710, s2;
	s6 =	sadd.s32 $0x52AC00, s10;
	s7 =	sadd.s32 $0x2D9000, s10  }
0x9: {  	s8 =	sadd.s32 $0x59BC00, s10;
	s9 =	sadd.s32 $0x59E400, s10;
	s25 =	sshll.u32 s2, $0x1  }
0xa: {  	s26 =	sshll.u32 s2, $0x6;
	s31 =	sshll.u32 s2, $0xC;
	s21 =	sshll.u32 s2, $0x9  }
0xb: {  	s29 =	sshll.u32 s2, $0x8;
	_ =	strace $0x8000005C;
	s12 =	smul.u32 $0x138800, s16  }
0xc: {  	s14 =	smul.u32 $0x27100, s16;
	s15 =	ssub.s32 $0x2, s16;
	s28 =	sor.u32 s25, s16  }
0xd: {  	s30 =	sshll.u32 s16, $0x7;
	s19 =	sshll.u32 s16, $0xB;
	s22 =	sshll.u32 s16, $0x8  }
0xe: {  	s17 =	sshrl.u32 s15, $0x1;
	s18 =	sadd.s32 s11, s1;
	s20 =	sadd.s32 s13, s3  }
0xf: {  	s16 =	sor.u32 s19, s31;
	s19 =	simm.s32 $0x1;
	s12 =	sadd.s32 s11, s12  }
0x10: {  	s14 =	sadd.s32 s13, s14;
	s15 =	ssub.s32 s15, s17;
	s17 =	sor.u32 s22, s21  }
0x11: {  	s18 =	sshrl.u32 s18, $0x3;
	s20 =	sshrl.u32 s20, $0x3;
	s12 =	sshrl.u32 s12, $0x3  }
0x12: {  	s21 =	simm.s32 $0x4800;
	s14 =	sshrl.u32 s14, $0x3;
	s12 =	sadd.s32 s12, s10  }
0x13: {  	s22 =	simm.s32 $0x4000;
	s14 =	sadd.s32 s14, s10;
	s11 =	sadd.s32 $0x59EA00, s12  }
0x14: {  	s13 =	smax.u32 s15, $0x1;
	s12 =	sadd.s32 $0x2B9400, s14;
	s14 =	ssub.s32 $0x290, s28  }
0x15: {  	s15 =	sor.u32 s30, s29;
	s10 =	sor.u32 $0x1C01, s26;
	s14 =	sshrl.u32 s14, $0x5  }
.LBB2_1:
0x16: {  	[spmem:s18], [sflag:s10] =	dma.local [hbm:s8], $0x2710  }
0x17: {  	_ =	swait.ge [sflag:s19], $0x2710  }
0x18: {  	[sflag:s19] =	ssyncset.done $0x0  }
0x19: {  	p1 =	sne.s32 s14, $0x1;
	[sflag:s19] =	ssyncadd.s32 $0xFFFFD8F0  }
0x1a: {  	[spmem:s20], [sflag:s10] =	dma.local [hbm:s9], $0x4E2  }
.Ltmp0:
0x1b: {  	_ =	swait.ge [sflag:s19], $0x4E2;
	(pc) =	sbr.rel @!p1 .LBB2_2-.Ltmp0, $4  }
0x1c: {  	[sflag:s19] =	ssyncset.done $0x0  }
0x1d: {  	[sflag:s19] =	ssyncadd.s32 $0xFFFFFB1E  }
0x1e: {  	[bflag:$0x0] =	sbarrier.arrive $0xFFFF  }
0x1f: {  	s25 =	sadd.s32 $0xFFFFFFFF, s14;
	s30 =	sshrl.u32 s15, $0x3;
	p0 =	por $0x0, $0x0  }
0x20: {  	s26 =	sadd.s32 s7, s30  }
0x21: {  	[tilespmem:s21], [sflag:$0x1] =	stream.linear.gather [hbm4b:s26+s4], $0x80, $0x38;
	[tilespmem:$0x1A810] =	vst v63  }
0x22: {  	_ =	swait.ge [sflag:s19], $0x80  }
0x23: {  	s31 =	sand.u32 $0x1FFFF800, s16;
	[sflag:s19] =	ssyncset.done $0x0  }
0x24: {  	s26 =	sadd.s32 s5, s31;
	[sflag:s19] =	ssyncadd.s32 $0xFFFFFF80  }
0x25: {  	[tilespmem:s4], [sflag:$0x1] =	stream.linear.gather [hbm4b:s26+s4], $0x4000, $0x38;
	[tilespmem:$0x1A810] =	vst v63  }
0x26: {  	_ =	swait.ge [sflag:s19], $0x4000  }
0x27: {  	s31 =	sand.u32 $0x1FFFFF00, s17;
	[sflag:s19] =	ssyncset.done $0x0  }
0x28: {  	s26 =	sadd.s32 s6, s31;
	[sflag:s19] =	ssyncadd.s32 $0xFFFFC000  }
0x29: {  	[tilespmem:s22], [sflag:$0x1] =	stream.linear.gather [hbm4b:s26+s4], $0x800, $0x38;
	[tilespmem:$0x1A810] =	vst v63  }
0x2a: {  	_ =	swait.ge [sflag:s19], $0x800  }
0x2b: {  	[sflag:s19] =	ssyncset.done $0x0  }
0x2c: {  	[sflag:s19] =	ssyncadd.s32 $0xFFFFF800  }
0x2d: {  	[spmem:s1] =	stream.indirect.scatter.add.f32 [tilespmem:s4], [sflag:$0x1], $0x80, s21, s23, $0xb8;
	[tilespmem:$0x1A810] =	vst v63  }
0x2e: {  	p1 =	sne.s32 s25, $0x1;
	_ =	swait.ge [sflag:s19], $0x4000  }
.Ltmp1:
0x2f: {  	[sflag:s19] =	ssyncset.done $0x0;
	(pc) =	sbr.rel @!p1 .LBB2_4-.Ltmp1, $4  }
0x30: {  	s28 =	sadd.s32 $0x1000, s15;
	s29 =	sadd.s32 $0xFFFFFFFF, s25;
	[sflag:s19] =	ssyncadd.s32 $0xFFFFC000  }
0x31: {  	[spmem:s3] =	stream.indirect.scatter.add.f32 [tilespmem:s22], [sflag:$0x1], $0x10, s21, s23, $0xb8;
	[tilespmem:$0x1A810] =	vst v63  }
0x32: {  	s25 =	sadd.s32 $0x2000, s17;
	p0 =	por $0x1, $0x1;
	_ =	swait.ge [sflag:s19], $0x800  }
0x33: {  	s30 =	sshrl.u32 s28, $0x3;
	s26 =	smov.u32 s16;
	[sflag:s19] =	ssyncset.done $0x0  }
.LBB2_5:
0x34: {  	s30 =	sadd.s32 s7, s30;
	[sflag:s19] =	ssyncadd.s32 $0xFFFFF800;
	s26 =	sadd.s32 $0x10000, s26  }
0x35: {  	[tilespmem:s21], [sflag:$0x1] =	stream.linear.gather [hbm4b:s30+s4], $0x80, $0x38;
	[tilespmem:$0x1A810] =	vst v63  }
0x36: {  	p1 =	sne.s32 s29, $0x1;
	s29 =	sadd.s32 $0xFFFFFFFF, s29;
	_ =	swait.ge [sflag:s19], $0x80  }
0x37: {  	s30 =	sand.u32 $0x1FFFF800, s26;
	[sflag:s19] =	ssyncset.done $0x0  }
0x38: {  	s30 =	sadd.s32 s5, s30;
	[sflag:s19] =	ssyncadd.s32 $0xFFFFFF80  }
0x39: {  	[tilespmem:s4], [sflag:$0x1] =	stream.linear.gather [hbm4b:s30+s4], $0x4000, $0x38;
	[tilespmem:$0x1A810] =	vst v63  }
0x3a: {  	_ =	swait.ge [sflag:s19], $0x4000  }
0x3b: {  	s30 =	sand.u32 $0x1FFFFF00, s25;
	[sflag:s19] =	ssyncset.done $0x0  }
0x3c: {  	s30 =	sadd.s32 s6, s30;
	[sflag:s19] =	ssyncadd.s32 $0xFFFFC000  }
0x3d: {  	[tilespmem:s22], [sflag:$0x1] =	stream.linear.gather [hbm4b:s30+s4], $0x800, $0x38;
	[tilespmem:$0x1A810] =	vst v63  }
0x3e: {  	_ =	swait.ge [sflag:s19], $0x800  }
0x3f: {  	[sflag:s19] =	ssyncset.done $0x0  }
0x40: {  	[sflag:s19] =	ssyncadd.s32 $0xFFFFF800  }
0x41: {  	[spmem:s1] =	stream.indirect.scatter.add.f32 [tilespmem:s4], [sflag:$0x1], $0x80, s21, s23, $0xb8;
	[tilespmem:$0x1A810] =	vst v63  }
0x42: {  	_ =	swait.ge [sflag:s19], $0x4000  }
.Ltmp2:
0x43: {  	[sflag:s19] =	ssyncset.done $0x0;
	(pc) =	sbr.rel @p1 .LBB2_5-.Ltmp2, $4  }
0x44: {  	[sflag:s19] =	ssyncadd.s32 $0xFFFFC000  }
0x45: {  	[spmem:s3] =	stream.indirect.scatter.add.f32 [tilespmem:s22], [sflag:$0x1], $0x10, s21, s23, $0xb8;
	[tilespmem:$0x1A810] =	vst v63  }
0x46: {  	s28 =	sadd.s32 $0x1000, s28;
	_ =	swait.ge [sflag:s19], $0x800  }
0x47: {  	s25 =	sadd.s32 $0x2000, s25;
	s30 =	sshrl.u32 s28, $0x3;
	[sflag:s19] =	ssyncset.done $0x0  }
.LBB2_6:
0x48: {  	s28 =	sadd.s32 s7, s30;
	[sflag:s19] =	ssyncadd.s32 @p0 $0xFFFFF800  }
0x49: {  	[tilespmem:s21], [sflag:$0x1] =	stream.linear.gather [hbm4b:s28+s4], $0x80, $0x38;
	[tilespmem:$0x1A810] =	vst v63  }
0x4a: {  	s26 =	sadd.s32 @p0 $0x10000, s26;
	s28 =	smov.u32 s16  }
0x4b: {  	_ =	swait.ge [sflag:s19], $0x80;
	s28 =	smov.u32 @p0 s26  }
0x4c: {  	[sflag:s19] =	ssyncset.done $0x0;
	s26 =	sand.u32 $0x1FFFF800, s28  }
0x4d: {  	[sflag:s19] =	ssyncadd.s32 $0xFFFFFF80;
	s26 =	sadd.s32 s5, s26  }
0x4e: {  	[tilespmem:s4], [sflag:$0x1] =	stream.linear.gather [hbm4b:s26+s4], $0x4000, $0x38;
	[tilespmem:$0x1A810] =	vst v63  }
0x4f: {  	_ =	swait.ge [sflag:s19], $0x4000  }
0x50: {  	s25 =	sand.u32 $0x1FFFFF00, s25;
	[sflag:s19] =	ssyncset.done $0x0  }
0x51: {  	s25 =	sadd.s32 s6, s25;
	[sflag:s19] =	ssyncadd.s32 $0xFFFFC000  }
0x52: {  	[tilespmem:s22], [sflag:$0x1] =	stream.linear.gather [hbm4b:s25+s4], $0x800, $0x38;
	[tilespmem:$0x1A810] =	vst v63  }
0x53: {  	_ =	swait.ge [sflag:s19], $0x800  }
0x54: {  	[sflag:s19] =	ssyncset.done $0x0  }
0x55: {  	[sflag:s19] =	ssyncadd.s32 $0xFFFFF800  }
0x56: {  	[spmem:s1] =	stream.indirect.scatter.add.f32 [tilespmem:s4], [sflag:$0x1], $0x80, s21, s23, $0xb8;
	[tilespmem:$0x1A810] =	vst v63  }
0x57: {  	_ =	swait.ge [sflag:s19], $0x4000  }
0x58: {  	[sflag:s19] =	ssyncset.done $0x0  }
0x59: {  	[sflag:s19] =	ssyncadd.s32 $0xFFFFC000  }
0x5a: {  	[spmem:s3] =	stream.indirect.scatter.add.f32 [tilespmem:s22], [sflag:$0x1], $0x10, s21, s23, $0xb8;
	[tilespmem:$0x1A810] =	vst v63  }
0x5b: {  	_ =	swait.ge [sflag:s19], $0x800  }
0x5c: {  	[sflag:s19] =	ssyncset.done $0x0  }
0x5d: {  	[sflag:s19] =	ssyncadd.s32 $0xFFFFF800  }
0x5e: {  	[bflag:$0x0] =	sbarrier.arrive $0xFFFF  }
0x5f: {  	[hbm:s11], [sflag:s10] =	dma.local [spmem:s18], $0x2710  }
0x60: {  	_ =	swait.ge [sflag:s19], $0x2710  }
0x61: {  	s24 =	sadd.s32 $0x1, s24;
	[sflag:s19] =	ssyncset.done $0x0  }
0x62: {  	p0 =	sne.s32 s24, s13;
	[sflag:s19] =	ssyncadd.s32 $0xFFFFD8F0  }
0x63: {  	[hbm:s12], [sflag:s10] =	dma.local [spmem:s20], $0x4E2  }
.Ltmp3:
0x64: {  	_ = 	snop;
	(pc) =	sbr.rel @p0 .LBB2_1-.Ltmp3, $4  }
.Ltmp4:
0x65: {  	_ = 	snop;
	(pc) =	sbr.rel @!p0 .LBB2_7-.Ltmp4, $4  }
0x66: {  	_ =	swait.ge [sflag:s19], $0x4E2  }
0x67: {  	[sflag:s19] =	ssyncset.done $0x0  }
0x68: {  	[sflag:s19] =	ssyncadd.s32 $0xFFFFFB1E  }
0x69: {  	_ = 	snop  }
.LBB2_2:
.Ltmp5:
0x6a: {  	(pc) =	sbr.rel .LBB2_6-.Ltmp5, $2  }
0x6b: {  	_ =	sdelay $0x2  }
0x6c: {  	s26 =	smov.u32 s16;
	s25 =	smov.u32 s17  }
.LBB2_4:
.Ltmp6:
0x6d: {  	(pc) =	sbr.rel .LBB2_6-.Ltmp6, $2  }
0x6e: {  	_ =	sdelay $0x2  }
0x6f: {  	s26 =	smov.u32 s16  }
.LBB2_7:
0x70: {  	_ =	sfence.sel $0x180000  }
0x71: {  	[bflag:$0x0] =	sbarrier.arrive $0xFFFF  }
0x72: {  	p0 =	sne.s32 s2, $0x0;
	_ =	strace $0x9000005C  }
0x73: {  	s0 =	sadd.s32 @!p0 $0x100000, s0;
	[bflag:$0x2] =	sbarrier.arrive $0xFFFF  }
0x74: {  	[sflag:s0] =	ssyncadd.tile.s32 @!p0 $0x1;
	_ =	shalt  }
.Lfunc_end2:
_tile_overlayer_lowered:
.L_overlay_start_2:
0x75: {  	(tag) =	ssettag $0x2  }
0x76: {  	s0 =	rddreg [dreg:$0x0];
	s2 =	stileid.u32  }
0x77: {  	s1 =	rddreg [dreg:$0x1];
	p0 =	sne.s32 s2, $0x0  }
0x78: {  	s3 =	rddreg [dreg:$0x2];
	[bflag:$0x3] =	sbarrier.arrive $0xFFFF;
	s2 =	simm.s32 @!p0 $0x1C01  }
0x79: {  	[timem:s3], [sflag:s2] =	dma.local @!p0 [hbm:s0], s1  }
0x7a: {  	s0 =	simm.s32 @!p0 $0x1  }
0x7b: {  	_ =	swait.ge @!p0 [sflag:s0], s1  }
0x7c: {  	s1 =	ssub.s32 @!p0 $0x0, s1;
	[sflag:s0] =	ssyncset.done @!p0 $0x0  }
0x7d: {  	[sflag:s0] =	ssyncadd.s32 @!p0 s1  }
0x7e: {  	[bflag:$0x3] =	sbarrier.arrive $0xFFFF  }
0x7f: {  	_ =	shalt  }

// kernel: kernel.39.cloned.1.call-start
scs
__scs_entry_jumppad:
0x0: {  	(pc) =	sbr.rel $0x88, $3  }
0x1: {  	(tag) =	ssettag $0x0;
	lr =	simm.s32 $0x1  }
0x2: {  	[smem:$0x3F8D] =	sst lr;
	_ =	strace $0xD0000000  }
0x3: {  	_ = 	snop  }
0x4: {  	_ = 	snop  }
0x5: {  	_ = 	snop  }
0x6: {  	_ = 	snop  }
0x7: {  	_ = 	snop  }
__scs_overlays_trampoline_lowered:
0x8: {  	[smem:$0x3F9C] =	sst s0  }
0x9: {  	[smem:$0x3F9D] =	sst s1  }
0xa: {  	[smem:$0x3F9E] =	sst s2  }
0xb: {  	[smem:$0x3F9F] =	sst s3  }
0xc: {  	[smem:$0x3FA0] =	sst s4  }
0xd: {  	[smem:$0x3FA1] =	sst s5  }
0xe: {  	[smem:$0x3FA2] =	sst s6  }
0xf: {  	[smem:$0x3FA3] =	sst s7  }
0x10: {  	[smem:$0x3FA4] =	sst s8  }
0x11: {  	[smem:$0x3FA5] =	sst s9;
	s0 =	simm.s32 @!p0 $0x0  }
0x12: {  	s1 =	sld [smem:$0x3F8B];
	s0 =	simm.s32 @p0 $0x1  }
0x13: {  	[smem:$0x3FA6] =	sst s0;
	s0 =	simm.s32 @!p1 $0x0  }
0x14: {  	s2 =	sld [smem:$0x3F8A];
	s0 =	simm.s32 @p1 $0x1  }
0x15: {  	[smem:$0x3FA7] =	sst s0;
	s0 =	simm.s32 @!p2 $0x0  }
0x16: {  	s3 =	sld [smem:$0x3FDB];
	s0 =	simm.s32 @p2 $0x1  }
0x17: {  	s4 =	simm.s32 $0x1BF5;
	[smem:$0x3FA9] =	sst s0  }
0x18: {  	s0 =	sld [smem:$0x3F8C];
	_ =	swait.ge [sflag:s4], $0x0  }
0x19: {  	s7 =	sld [smem:$0x3F8D]  }
0x1a: {  	s8 =	sadd.s32 $0xFFFFE003, lr  }
0x1b: {  	s9 =	sadd.s32 $0xFFFFFEF7, lr;
	s5 =	simm.s32 $0xFFFFFFFF;
	p2 =	slt.u32 s8, $0xFFFFF086  }
0x1c: {  	p1 =	slt.u32 s9, $0xF7A;
	s5 =	simm.s32 @!p2 $0x0  }
0x1d: {  	s5 =	simm.s32 @p1 $0x1;
	p0 =	seq.s32 s7, s2  }
0x1e: {  	s7 =	smul.u32 @!p0 $0xF7A, s2;
	p2 =	seq.s32 @!p0 s5, $0x0  }
0x1f: {  	s9 =	smul.u32 $0xF7A, s1;
	s8 =	simm.s32 @!p0 $0x1BF5;
	p2 =	por !p2, p0  }
0x20: {  	[sflag:s8] =	ssyncset.s32 @!p0 $0xFFFFF086;
	s6 =	sadd.s32 @!p0 s3, s7;
	s7 =	simm.s32 @!p0 $0x108  }
0x21: {  	s3 =	sadd.s32 s3, s9;
	s6 =	sadd.s32 @!p0 $0x88, s6;
	s7 =	simm.s32 @p2 $0x1082  }
0x22: {  	[simem:s7], [sflag:s8] =	dma.local @!p0 [hbm:s6], $0xF7A  }
0x23: {  	s9 =	sor.u32 $0xD0000000, s2;
	s6 =	simm.s32 $0x108;
	_ =	swait.ge @!p0 [sflag:s8], $0x0  }
0x24: {  	s3 =	sadd.s32 $0x88, s3;
	s6 =	simm.s32 @!p1 $0x1082;
	[sflag:s4] =	ssyncset.s32 $0xFFFFF086  }
0x25: {  	[simem:s6], [sflag:s4] =	dma.local [hbm:s3], $0xF7A  }
0x26: {  	[smem:$0x3F8D] =	sst s1;
	(tag) =	ssettag s2;
	_ =	strace s9  }
0x27: {  	s1 =	sld [smem:$0x3F9D]  }
0x28: {  	s2 =	sld [smem:$0x3F9E]  }
0x29: {  	s4 =	sld [smem:$0x3FA0]  }
0x2a: {  	p0 =	seq.s32 s5, $0x0;
	s5 =	sld [smem:$0x3FA1]  }
0x2b: {  	s6 =	sld [smem:$0x3FA2]  }
0x2c: {  	s7 =	sld [smem:$0x3FA3]  }
0x2d: {  	s3 =	simm.s32 $0x108;
	s8 =	sld [smem:$0x3FA4]  }
0x2e: {  	s3 =	simm.s32 @!p0 $0x1082;
	s9 =	sld [smem:$0x3FA5]  }
0x2f: {  	lr =	sadd.s32 s0, s3;
	s0 =	sld [smem:$0x3F9C]  }
0x30: {  	s3 =	sld [smem:$0x3F9F]  }
0x31: {  	[smem:$0x3FA8] =	sst s10  }
0x32: {  	s10 =	sld [smem:$0x3FA6];
	_ =	sdelay $0x3  }
0x33: {  	p0 =	seq.s32 s10, $0x1;
	s10 =	sld [smem:$0x3FA8];
	_ =	sdelay $0x3  }
0x34: {  	[smem:$0x3FA8] =	sst s10  }
0x35: {  	s10 =	sld [smem:$0x3FA7];
	_ =	sdelay $0x3  }
0x36: {  	p1 =	seq.s32 s10, $0x1;
	s10 =	sld [smem:$0x3FA8];
	_ =	sdelay $0x3  }
0x37: {  	[smem:$0x3FA8] =	sst s10  }
0x38: {  	s10 =	sld [smem:$0x3FA9]  }
0x39: {  	_ = 	snop;
	(pc) =	sbr.ind lr, $3  }
0x3a: {  	_ = 	snop  }
0x3b: {  	_ = 	snop  }
0x3c: {  	p2 =	seq.s32 s10, $0x1;
	s10 =	sld [smem:$0x3FA8]  }
0x3d: {  	_ =	shalt  }
0x3e: {  	_ =	shalt  }
0x3f: {  	_ =	shalt  }
0x40: {  	_ =	shalt  }
0x41: {  	_ =	shalt  }
0x42: {  	_ =	shalt  }
0x43: {  	_ =	shalt  }
0x44: {  	_ =	shalt  }
0x45: {  	_ =	shalt  }
0x46: {  	_ =	shalt  }
0x47: {  	_ =	shalt  }
0x48: {  	_ =	shalt  }
0x49: {  	_ =	shalt  }
0x4a: {  	_ =	shalt  }
0x4b: {  	_ =	shalt  }
0x4c: {  	_ =	shalt  }
0x4d: {  	_ =	shalt  }
0x4e: {  	_ =	shalt  }
0x4f: {  	_ =	shalt  }
0x50: {  	_ =	shalt  }
0x51: {  	_ =	shalt  }
0x52: {  	_ =	shalt  }
0x53: {  	_ =	shalt  }
0x54: {  	_ =	shalt  }
0x55: {  	_ =	shalt  }
0x56: {  	_ =	shalt  }
0x57: {  	_ =	shalt  }
0x58: {  	_ =	shalt  }
0x59: {  	_ =	shalt  }
0x5a: {  	_ =	shalt  }
0x5b: {  	_ =	shalt  }
0x5c: {  	_ =	shalt  }
0x5d: {  	_ =	shalt  }
0x5e: {  	_ =	shalt  }
0x5f: {  	_ =	shalt  }
0x60: {  	_ =	shalt  }
0x61: {  	_ =	shalt  }
0x62: {  	_ =	shalt  }
0x63: {  	_ =	shalt  }
0x64: {  	_ =	shalt  }
0x65: {  	_ =	shalt  }
0x66: {  	_ =	shalt  }
0x67: {  	_ =	shalt  }
0x68: {  	_ =	shalt  }
0x69: {  	_ =	shalt  }
0x6a: {  	_ =	shalt  }
0x6b: {  	_ =	shalt  }
0x6c: {  	_ =	shalt  }
0x6d: {  	_ =	shalt  }
0x6e: {  	_ =	shalt  }
0x6f: {  	_ =	shalt  }
0x70: {  	_ =	shalt  }
0x71: {  	_ =	shalt  }
0x72: {  	_ =	shalt  }
0x73: {  	_ =	shalt  }
0x74: {  	_ =	shalt  }
0x75: {  	_ =	shalt  }
0x76: {  	_ =	shalt  }
0x77: {  	_ =	shalt  }
0x78: {  	_ =	shalt  }
0x79: {  	_ =	shalt  }
0x7a: {  	_ =	shalt  }
0x7b: {  	_ =	shalt  }
0x7c: {  	_ =	shalt  }
0x7d: {  	_ =	shalt  }
0x7e: {  	_ =	shalt  }
0x7f: {  	_ =	shalt  }
0x80: {  	_ =	shalt  }
0x81: {  	_ =	shalt  }
0x82: {  	_ =	shalt  }
0x83: {  	_ =	shalt  }
0x84: {  	_ =	shalt  }
0x85: {  	_ =	shalt  }
0x86: {  	_ =	shalt  }
0x87: {  	_ =	shalt  }
.Lfunc_end0:
.L_simem_size_0:
called_computation.7_lowered:
.L_overlay_start_0:
0x88: {  	s2 =	sld [smem:$0x3FD9]  }
0x89: {  	s3 =	sld [smem:$0x3FFE];
	_ =	sdelay $0x1  }
0x8a: {  	s1 =	srdreg.scid  }
0x8b: {  	s0 =	sand.u32 $0x1, s1  }
0x8c: {  	s17 =	sshll.u32 s0, $0xA;
	s2 =	sadd.s32 s3, s2  }
0x8d: {  	s2 =	sadd.s32 s2, s17  }
0x8e: {  	[smem:$0x3FB4] =	sst s2  }
0x8f: {  	_ = 	snop  }
0x90: {  	(tm) =	ssettm $0x1  }
0x91: {  	s18 =	sld [smem:$0x3FFB];
	_ =	sdelay $0x3  }
0x92: {  	_ =	strace s18  }
0x93: {  	s2 =	sld [smem:$0x3FFC];
	_ =	sdelay $0x3  }
0x94: {  	_ =	strace s2  }
0x95: {  	s2 =	sld [smem:$0x3FFD];
	_ =	sdelay $0x3  }
0x96: {  	_ =	strace s2  }
0x97: {  	_ =	strace $0x8FFFFFFF  }
0x98: {  	s19 =	sld [smem:$0x3FDB];
	_ =	sdelay $0x1  }
0x99: {  	s20 =	simm.s32 $_scs_section_size  }
0x9a: {  	s4 =	simm.s32 $_size__tile_overlayer_lowered;
	s5 =	simm.s32 $_tile_overlayer_lowered  }
0x9b: {  	s6 =	simm.s32 $0x1BFF;
	s21 =	sshll.u32 s5, $0x1;
	s3 =	sadd.s32 s20, s19  }
0x9c: {  	s22 =	simm.s32 $0x0;
	s4 =	sshll.u32 s4, $0x1;
	s5 =	sadd.s32 s21, s3  }
0x9d: {  	[timem:s22], [sflag:s6] =	dma.local [hbm:s5], s4  }
0x9e: {  	_ =	swait.ge [sflag:s6], s4  }
0x9f: {  	s4 =	ssub.s32 $0x0, s4;
	[sflag:s6] =	ssyncset.done $0x0  }
0xa0: {  	[sflag:s6] =	ssyncadd.s32 s4;
	_ =	sdelay $0x1  }
0xa1: {  	s23 =	simm.s32 $0x1B8B  }
0xa2: {  	_ =	swait.ge [sflag:s23], $0x1  }
0xa3: {  	[sflag:s23] =	ssyncset.done $0x0  }
0xa4: {  	[sflag:s23] =	ssyncadd.s32 $0xFFFFFFFF  }
0xa5: {  	s4 =	sld [smem:$0x0]  }
0xa6: {  	s5 =	sand.u32 $0xFFFFFFFE, s1  }
0xa7: {  	p0 =	sne.s32 s1, s5  }
0xa8: {  	s5 =	sshll.u32 @p0 s5, $0xE  }
0xa9: {  	s5 =	sadd.s32 @p0 $0x11B8D, s5;
	s6 =	sshll.u32 @p0 s4, $0x11  }
0xaa: {  	s5 =	sor.u32 @p0 s6, s5  }
0xab: {  	[sflag:s5] =	ssyncadd.remote.s32 @p0 $0x1;
	_ =	sdelay $0x1  }
0xac: {  	s5 =	simm.s32 @p0 $0x1B8D  }
0xad: {  	_ =	swait.eq @p0 [sflag:s5], $0x1  }
0xae: {  	[sflag:s5] =	ssyncadd.s32 @p0 $0xFFFFFFFF  }
0xaf: {  	s6 =	sshll.u32 @!p0 s1, $0xE  }
0xb0: {  	s6 =	sor.u32 @!p0 $0x4000, s6;
	s5 =	simm.s32 @!p0 $0x1B8D  }
0xb1: {  	s4 =	sshll.u32 @!p0 s4, $0x11;
	s6 =	sadd.s32 @!p0 $0x11B8D, s6;
	_ =	swait.eq @!p0 [sflag:s5], $0x1  }
0xb2: {  	s4 =	sor.u32 @!p0 s4, s6;
	[sflag:s5] =	ssyncadd.s32 @!p0 $0xFFFFFFFF  }
0xb3: {  	s25 =	simm.s32 $0x1B8E;
	s24 =	sld [smem:$0x3FFE];
	[sflag:s4] =	ssyncadd.remote.s32 @!p0 $0x1  }
0xb4: {  	s26 =	simm.s32 $execute0_lowered;
	[smem:$0x3FD2] =	sst s25  }
0xb5: {  	s5 =	sshll.u32 s26, $0x1;
	_ =	strace $0x80000058;
	[dreg:$0x1] =	wrdreg $0xFFFFFFFF  }
0xb6: {  	s28 =	simm.s32 $_size_execute0_lowered;
	s3 =	sadd.s32 s3, s5;
	[dreg:$0x0] =	wrdreg $0x0  }
0xb7: {  	s5 =	sshll.u32 s28, $0x1;
	[dreg:$0x2] =	wrdreg s3  }
0xb8: {  	[dreg:$0x3] =	wrdreg s5  }
0xb9: {  	[dreg:$0x4] =	wrdreg $0xC0  }
0xba: {  	_ =	task [dreg:s22], $0x5FFFF  }
0xbb: {  	[dreg:$0x1] =	wrdreg $0xFFFFFFFF  }
0xbc: {  	[dreg:$0x0] =	wrdreg $0x60  }
0xbd: {  	[dreg:$0x2] =	wrdreg s24  }
0xbe: {  	[dreg:$0x3] =	wrdreg $0x48800  }
0xbf: {  	[dreg:$0x4] =	wrdreg $0x181000  }
0xc0: {  	[dreg:$0x5] =	wrdreg $0xA  }
0xc1: {  	_ =	task.clear_ibuf [dreg:s22], $0x6FFFF;
	_ =	strace $0x90000058  }
0xc2: {  	s29 =	simm.s32 $0xA;
	_ =	strace $0x8000005A  }
0xc3: {  	_ =	swait.ge [sflag:s29], $0x1  }
0xc4: {  	[sflag:s29] =	ssyncadd.s32 $0xFFFFFFFF  }
0xc5: {  	_ =	strace $0x9000005A  }
0xc6: {  	_ =	sfence  }
0xc7: {  	s30 =	sld [smem:$0x0];
	_ =	sdelay $0x2  }
0xc8: {  	s31 =	sshll.u32 s1, $0xD;
	s1 =	sshrl.u32 s1, $0x2  }
0xc9: {  	s4 =	sand.u32 $0x4000, s31;
	s1 =	sadd.s32 s1, s30  }
0xca: {  	s0 =	sor.u32 s4, s0;
	s1 =	sshll.u32 s1, $0x11  }
0xcb: {  	s0 =	sor.u32 s1, s0  }
0xcc: {  	s0 =	sadd.s32 $0x8F2B, s0  }
0xcd: {  	[sflag:s0] =	ssyncadd.remote.s32 $0x1  }
0xce: {  	_ =	sfence.sel $0xFFFF  }
0xcf: {  	[dreg:$0x0] =	wrdreg $0xFFFFFFFF;
	(pc) =	sbr.abs _section_cstart, $3  }
0xd0: {  	[dreg:$0x1] =	wrdreg $0xFFFFFFFF  }
0xd1: {  	_ =	task.clear_ibuf [dreg:s22], $0x2FFFF;
	_ =	strace $0x9FFFFFFF  }
0xd2: {  	(tm) =	ssettm $0x7FFFFFFF  }
0xd3: {  	_ =	shalt  }
tec
execute0_lowered:
.L_overlay_start_1:
0x0: {  	(tag) =	ssettag $0x1  }
0x1: {  	s10 =	rddreg [dreg:$0x0]  }
0x2: {  	s1 =	rddreg [dreg:$0x1]  }
0x3: {  	s3 =	rddreg [dreg:$0x2]  }
0x4: {  	s0 =	rddreg [dreg:$0x3]  }
0x5: {  	s4 =	simm.s32 $0x0;
	s5 =	srdreg.scid;
	s2 =	stileid.u32  }
0x6: {  	s23 =	simm.s32 $0x80;
	s24 =	simm.s32 $0x0;
	[smem:$0x7FF] =	sst s4  }
0x7: {  	s16 =	sand.u32 $0x1, s5;
	s11 =	smul.u32 $0x13880, s2;
	s5 =	sadd.s32 $0x948200, s10  }
0x8: {  	s13 =	smul.u32 $0x2710, s2;
	s6 =	sadd.s32 $0x288400, s10;
	s7 =	sadd.s32 $0x12400, s10  }
0x9: {  	s8 =	sadd.s32 $0x59BC00, s10;
	s9 =	sadd.s32 $0x59E400, s10;
	s25 =	sshll.u32 s2, $0x1  }
0xa: {  	s26 =	sshll.u32 s2, $0x6;
	s31 =	sshll.u32 s2, $0xC;
	s21 =	sshll.u32 s2, $0x9  }
0xb: {  	s29 =	sshll.u32 s2, $0x8;
	_ =	strace $0x80000059;
	s12 =	smul.u32 $0x138800, s16  }
0xc: {  	s14 =	smul.u32 $0x27100, s16;
	s15 =	ssub.s32 $0x2, s16;
	s28 =	sor.u32 s25, s16  }
0xd: {  	s30 =	sshll.u32 s16, $0x7;
	s19 =	sshll.u32 s16, $0xB;
	s22 =	sshll.u32 s16, $0x8  }
0xe: {  	s17 =	sshrl.u32 s15, $0x1;
	s18 =	sadd.s32 s11, s1;
	s20 =	sadd.s32 s13, s3  }
0xf: {  	s16 =	sor.u32 s19, s31;
	s19 =	simm.s32 $0x1;
	s12 =	sadd.s32 s11, s12  }
0x10: {  	s14 =	sadd.s32 s13, s14;
	s15 =	ssub.s32 s15, s17;
	s17 =	sor.u32 s22, s21  }
0x11: {  	s18 =	sshrl.u32 s18, $0x3;
	s20 =	sshrl.u32 s20, $0x3;
	s12 =	sshrl.u32 s12, $0x3  }
0x12: {  	s21 =	simm.s32 $0x4800;
	s14 =	sshrl.u32 s14, $0x3;
	s12 =	sadd.s32 s12, s10  }
0x13: {  	s22 =	simm.s32 $0x4000;
	s14 =	sadd.s32 s14, s10;
	s11 =	sadd.s32 $0x4DCA00, s12  }
0x14: {  	s13 =	smax.u32 s15, $0x1;
	s12 =	sadd.s32 $0x2AF600, s14;
	s14 =	ssub.s32 $0x290, s28  }
0x15: {  	s15 =	sor.u32 s30, s29;
	s10 =	sor.u32 $0x1C01, s26;
	s14 =	sshrl.u32 s14, $0x5  }
.LBB2_1:
0x16: {  	[spmem:s18], [sflag:s10] =	dma.local [hbm:s8], $0x2710  }
0x17: {  	_ =	swait.ge [sflag:s19], $0x2710  }
0x18: {  	[sflag:s19] =	ssyncset.done $0x0  }
0x19: {  	p1 =	sne.s32 s14, $0x1;
	[sflag:s19] =	ssyncadd.s32 $0xFFFFD8F0  }
0x1a: {  	[spmem:s20], [sflag:s10] =	dma.local [hbm:s9], $0x4E2  }
.Ltmp0:
0x1b: {  	_ =	swait.ge [sflag:s19], $0x4E2;
	(pc) =	sbr.rel @!p1 .LBB2_2-.Ltmp0, $4  }
0x1c: {  	[sflag:s19] =	ssyncset.done $0x0  }
0x1d: {  	[sflag:s19] =	ssyncadd.s32 $0xFFFFFB1E  }
0x1e: {  	[bflag:$0x0] =	sbarrier.arrive $0xFFFF  }
0x1f: {  	s25 =	sadd.s32 $0xFFFFFFFF, s14;
	s30 =	sshrl.u32 s15, $0x3;
	p0 =	por $0x0, $0x0  }
0x20: {  	s26 =	sadd.s32 s7, s30  }
0x21: {  	[tilespmem:s21], [sflag:$0x1] =	stream.linear.gather [hbm4b:s26+s4], $0x80, $0x38;
	[tilespmem:$0x1A810] =	vst v63  }
0x22: {  	_ =	swait.ge [sflag:s19], $0x80  }
0x23: {  	s31 =	sand.u32 $0x1FFFF800, s16;
	[sflag:s19] =	ssyncset.done $0x0  }
0x24: {  	s26 =	sadd.s32 s5, s31;
	[sflag:s19] =	ssyncadd.s32 $0xFFFFFF80  }
0x25: {  	[tilespmem:s4], [sflag:$0x1] =	stream.linear.gather [hbm4b:s26+s4], $0x4000, $0x38;
	[tilespmem:$0x1A810] =	vst v63  }
0x26: {  	_ =	swait.ge [sflag:s19], $0x4000  }
0x27: {  	s31 =	sand.u32 $0x1FFFFF00, s17;
	[sflag:s19] =	ssyncset.done $0x0  }
0x28: {  	s26 =	sadd.s32 s6, s31;
	[sflag:s19] =	ssyncadd.s32 $0xFFFFC000  }
0x29: {  	[tilespmem:s22], [sflag:$0x1] =	stream.linear.gather [hbm4b:s26+s4], $0x800, $0x38;
	[tilespmem:$0x1A810] =	vst v63  }
0x2a: {  	_ =	swait.ge [sflag:s19], $0x800  }
0x2b: {  	[sflag:s19] =	ssyncset.done $0x0  }
0x2c: {  	[sflag:s19] =	ssyncadd.s32 $0xFFFFF800  }
0x2d: {  	[spmem:s1] =	stream.indirect.scatter.add.f32 [tilespmem:s4], [sflag:$0x1], $0x80, s21, s23, $0xb8;
	[tilespmem:$0x1A810] =	vst v63  }
0x2e: {  	p1 =	sne.s32 s25, $0x1;
	_ =	swait.ge [sflag:s19], $0x4000  }
.Ltmp1:
0x2f: {  	[sflag:s19] =	ssyncset.done $0x0;
	(pc) =	sbr.rel @!p1 .LBB2_4-.Ltmp1, $4  }
0x30: {  	s28 =	sadd.s32 $0x1000, s15;
	s29 =	sadd.s32 $0xFFFFFFFF, s25;
	[sflag:s19] =	ssyncadd.s32 $0xFFFFC000  }
0x31: {  	[spmem:s3] =	stream.indirect.scatter.add.f32 [tilespmem:s22], [sflag:$0x1], $0x10, s21, s23, $0xb8;
	[tilespmem:$0x1A810] =	vst v63  }
0x32: {  	s25 =	sadd.s32 $0x2000, s17;
	p0 =	por $0x1, $0x1;
	_ =	swait.ge [sflag:s19], $0x800  }
0x33: {  	s30 =	sshrl.u32 s28, $0x3;
	s26 =	smov.u32 s16;
	[sflag:s19] =	ssyncset.done $0x0  }
.LBB2_5:
0x34: {  	s30 =	sadd.s32 s7, s30;
	[sflag:s19] =	ssyncadd.s32 $0xFFFFF800;
	s26 =	sadd.s32 $0x10000, s26  }
0x35: {  	[tilespmem:s21], [sflag:$0x1] =	stream.linear.gather [hbm4b:s30+s4], $0x80, $0x38;
	[tilespmem:$0x1A810] =	vst v63  }
0x36: {  	p1 =	sne.s32 s29, $0x1;
	s29 =	sadd.s32 $0xFFFFFFFF, s29;
	_ =	swait.ge [sflag:s19], $0x80  }
0x37: {  	s30 =	sand.u32 $0x1FFFF800, s26;
	[sflag:s19] =	ssyncset.done $0x0  }
0x38: {  	s30 =	sadd.s32 s5, s30;
	[sflag:s19] =	ssyncadd.s32 $0xFFFFFF80  }
0x39: {  	[tilespmem:s4], [sflag:$0x1] =	stream.linear.gather [hbm4b:s30+s4], $0x4000, $0x38;
	[tilespmem:$0x1A810] =	vst v63  }
0x3a: {  	_ =	swait.ge [sflag:s19], $0x4000  }
0x3b: {  	s30 =	sand.u32 $0x1FFFFF00, s25;
	[sflag:s19] =	ssyncset.done $0x0  }
0x3c: {  	s30 =	sadd.s32 s6, s30;
	[sflag:s19] =	ssyncadd.s32 $0xFFFFC000  }
0x3d: {  	[tilespmem:s22], [sflag:$0x1] =	stream.linear.gather [hbm4b:s30+s4], $0x800, $0x38;
	[tilespmem:$0x1A810] =	vst v63  }
0x3e: {  	_ =	swait.ge [sflag:s19], $0x800  }
0x3f: {  	[sflag:s19] =	ssyncset.done $0x0  }
0x40: {  	[sflag:s19] =	ssyncadd.s32 $0xFFFFF800  }
0x41: {  	[spmem:s1] =	stream.indirect.scatter.add.f32 [tilespmem:s4], [sflag:$0x1], $0x80, s21, s23, $0xb8;
	[tilespmem:$0x1A810] =	vst v63  }
0x42: {  	_ =	swait.ge [sflag:s19], $0x4000  }
.Ltmp2:
0x43: {  	[sflag:s19] =	ssyncset.done $0x0;
	(pc) =	sbr.rel @p1 .LBB2_5-.Ltmp2, $4  }
0x44: {  	[sflag:s19] =	ssyncadd.s32 $0xFFFFC000  }
0x45: {  	[spmem:s3] =	stream.indirect.scatter.add.f32 [tilespmem:s22], [sflag:$0x1], $0x10, s21, s23, $0xb8;
	[tilespmem:$0x1A810] =	vst v63  }
0x46: {  	s28 =	sadd.s32 $0x1000, s28;
	_ =	swait.ge [sflag:s19], $0x800  }
0x47: {  	s25 =	sadd.s32 $0x2000, s25;
	s30 =	sshrl.u32 s28, $0x3;
	[sflag:s19] =	ssyncset.done $0x0  }
.LBB2_6:
0x48: {  	s28 =	sadd.s32 s7, s30;
	[sflag:s19] =	ssyncadd.s32 @p0 $0xFFFFF800  }
0x49: {  	[tilespmem:s21], [sflag:$0x1] =	stream.linear.gather [hbm4b:s28+s4], $0x80, $0x38;
	[tilespmem:$0x1A810] =	vst v63  }
0x4a: {  	s26 =	sadd.s32 @p0 $0x10000, s26;
	s28 =	smov.u32 s16  }
0x4b: {  	_ =	swait.ge [sflag:s19], $0x80;
	s28 =	smov.u32 @p0 s26  }
0x4c: {  	[sflag:s19] =	ssyncset.done $0x0;
	s26 =	sand.u32 $0x1FFFF800, s28  }
0x4d: {  	[sflag:s19] =	ssyncadd.s32 $0xFFFFFF80;
	s26 =	sadd.s32 s5, s26  }
0x4e: {  	[tilespmem:s4], [sflag:$0x1] =	stream.linear.gather [hbm4b:s26+s4], $0x4000, $0x38;
	[tilespmem:$0x1A810] =	vst v63  }
0x4f: {  	_ =	swait.ge [sflag:s19], $0x4000  }
0x50: {  	s25 =	sand.u32 $0x1FFFFF00, s25;
	[sflag:s19] =	ssyncset.done $0x0  }
0x51: {  	s25 =	sadd.s32 s6, s25;
	[sflag:s19] =	ssyncadd.s32 $0xFFFFC000  }
0x52: {  	[tilespmem:s22], [sflag:$0x1] =	stream.linear.gather [hbm4b:s25+s4], $0x800, $0x38;
	[tilespmem:$0x1A810] =	vst v63  }
0x53: {  	_ =	swait.ge [sflag:s19], $0x800  }
0x54: {  	[sflag:s19] =	ssyncset.done $0x0  }
0x55: {  	[sflag:s19] =	ssyncadd.s32 $0xFFFFF800  }
0x56: {  	[spmem:s1] =	stream.indirect.scatter.add.f32 [tilespmem:s4], [sflag:$0x1], $0x80, s21, s23, $0xb8;
	[tilespmem:$0x1A810] =	vst v63  }
0x57: {  	_ =	swait.ge [sflag:s19], $0x4000  }
0x58: {  	[sflag:s19] =	ssyncset.done $0x0  }
0x59: {  	[sflag:s19] =	ssyncadd.s32 $0xFFFFC000  }
0x5a: {  	[spmem:s3] =	stream.indirect.scatter.add.f32 [tilespmem:s22], [sflag:$0x1], $0x10, s21, s23, $0xb8;
	[tilespmem:$0x1A810] =	vst v63  }
0x5b: {  	_ =	swait.ge [sflag:s19], $0x800  }
0x5c: {  	[sflag:s19] =	ssyncset.done $0x0  }
0x5d: {  	[sflag:s19] =	ssyncadd.s32 $0xFFFFF800  }
0x5e: {  	[bflag:$0x0] =	sbarrier.arrive $0xFFFF  }
0x5f: {  	[hbm:s11], [sflag:s10] =	dma.local [spmem:s18], $0x2710  }
0x60: {  	_ =	swait.ge [sflag:s19], $0x2710  }
0x61: {  	s24 =	sadd.s32 $0x1, s24;
	[sflag:s19] =	ssyncset.done $0x0  }
0x62: {  	p0 =	sne.s32 s24, s13;
	[sflag:s19] =	ssyncadd.s32 $0xFFFFD8F0  }
0x63: {  	[hbm:s12], [sflag:s10] =	dma.local [spmem:s20], $0x4E2  }
.Ltmp3:
0x64: {  	_ = 	snop;
	(pc) =	sbr.rel @p0 .LBB2_1-.Ltmp3, $4  }
.Ltmp4:
0x65: {  	_ = 	snop;
	(pc) =	sbr.rel @!p0 .LBB2_7-.Ltmp4, $4  }
0x66: {  	_ =	swait.ge [sflag:s19], $0x4E2  }
0x67: {  	[sflag:s19] =	ssyncset.done $0x0  }
0x68: {  	[sflag:s19] =	ssyncadd.s32 $0xFFFFFB1E  }
0x69: {  	_ = 	snop  }
.LBB2_2:
.Ltmp5:
0x6a: {  	(pc) =	sbr.rel .LBB2_6-.Ltmp5, $2  }
0x6b: {  	_ =	sdelay $0x2  }
0x6c: {  	s26 =	smov.u32 s16;
	s25 =	smov.u32 s17  }
.LBB2_4:
.Ltmp6:
0x6d: {  	(pc) =	sbr.rel .LBB2_6-.Ltmp6, $2  }
0x6e: {  	_ =	sdelay $0x2  }
0x6f: {  	s26 =	smov.u32 s16  }
.LBB2_7:
0x70: {  	_ =	sfence.sel $0x180000  }
0x71: {  	[bflag:$0x0] =	sbarrier.arrive $0xFFFF  }
0x72: {  	p0 =	sne.s32 s2, $0x0;
	_ =	strace $0x90000059  }
0x73: {  	s0 =	sadd.s32 @!p0 $0x100000, s0;
	[bflag:$0x2] =	sbarrier.arrive $0xFFFF  }
0x74: {  	[sflag:s0] =	ssyncadd.tile.s32 @!p0 $0x1;
	_ =	shalt  }
.Lfunc_end2:
_tile_overlayer_lowered:
.L_overlay_start_2:
0x75: {  	(tag) =	ssettag $0x2  }
0x76: {  	s0 =	rddreg [dreg:$0x0];
	s2 =	stileid.u32  }
0x77: {  	s1 =	rddreg [dreg:$0x1];
	p0 =	sne.s32 s2, $0x0  }
0x78: {  	s3 =	rddreg [dreg:$0x2];
	[bflag:$0x3] =	sbarrier.arrive $0xFFFF;
	s2 =	simm.s32 @!p0 $0x1C01  }
0x79: {  	[timem:s3], [sflag:s2] =	dma.local @!p0 [hbm:s0], s1  }
0x7a: {  	s0 =	simm.s32 @!p0 $0x1  }
0x7b: {  	_ =	swait.ge @!p0 [sflag:s0], s1  }
0x7c: {  	s1 =	ssub.s32 @!p0 $0x0, s1;
	[sflag:s0] =	ssyncset.done @!p0 $0x0  }
0x7d: {  	[sflag:s0] =	ssyncadd.s32 @!p0 s1  }
0x7e: {  	[bflag:$0x3] =	sbarrier.arrive $0xFFFF  }
0x7f: {  	_ =	shalt  }

</sc_bundles>
